<compile_context>
chip_gen: v7x
topology: tpu7x:2x2x1
jax: 0.10.2.dev20260603
libtpu: 0.0.44.dev20260713+nightly
codegen_flags: <defaults>
</compile_context>

<pallas_src>
import functools

import jax
import jax.numpy as jnp
from jax import lax
from jax.experimental import pallas as pl
from jax.experimental.pallas import tpu as pltpu
from jax.experimental.pallas import tpu_sc as plsc

N = 10000
E = 320000
D = 128
G = 64
EPS = 1e-5

NC = 2
NS = 16
NW = NC * NS
EPW = E // NW
B = 80
T = EPW // B
ZR = 632
ZT = N - 15 * ZR

R = 400
NBLK = N // R



def _zero_my_rows(zeros_hbm, acc, sid):
    start = pl.multiple_of(sid * ZR, 8)

    @pl.when(sid < NS - 1)
    def _():
        pltpu.sync_copy(zeros_hbm, acc.at[pl.ds(start, ZR)])

    @pl.when(sid == NS - 1)
    def _():
        pltpu.sync_copy(zeros_hbm.at[pl.ds(0, ZT)], acc.at[pl.ds(start, ZT)])


def _flush_my_rows(acc, out_hbm, cid, sid):
    start = pl.multiple_of(sid * ZR, 8)
    row0 = pl.multiple_of(cid * N + sid * ZR, 8)

    @pl.when(sid < NS - 1)
    def _():
        pltpu.sync_copy(acc.at[pl.ds(start, ZR)], out_hbm.at[pl.ds(row0, ZR)])

    @pl.when(sid == NS - 1)
    def _():
        pltpu.sync_copy(acc.at[pl.ds(start, ZT)], out_hbm.at[pl.ds(row0, ZT)])


def _sc_degree_kernel():
    mesh = plsc.VectorSubcoreMesh(core_axis_name="c", subcore_axis_name="s")

    @functools.partial(
        pl.kernel,
        out_type=jax.ShapeDtypeStruct((2 * N, D), jnp.float32),
        mesh=mesh,
        scratch_types=[
            pltpu.VMEM((T, B), jnp.int32),
            pltpu.VMEM((B, D), jnp.float32),
            pltpu.VMEM_SHARED((N, D), jnp.float32),
            pltpu.SemaphoreType.DMA,
            pltpu.SemaphoreType.DMA,
        ],
    )
    def body(dst3_hbm, ones_hbm, zeros_hbm, out_hbm, dst_all, ones_v, acc,
             s0, s1):
        cid = lax.axis_index("c")
        sid = lax.axis_index("s")
        wid = cid * NS + sid
        _zero_my_rows(zeros_hbm, acc, sid)
        pltpu.sync_copy(dst3_hbm.at[wid], dst_all)
        pltpu.sync_copy(ones_hbm, ones_v)
        plsc.subcore_barrier()

        def s_issue(t, sem):
            pltpu.async_copy(ones_v, acc.at[dst_all.at[t]], sem, add=True)

        def s_wait(t, sem):
            pltpu.make_async_copy(ones_v, acc.at[dst_all.at[t]], sem).wait()

        s_issue(0, s0)
        s_issue(1, s1)

        def step(k, carry):
            t0, t1 = 2 * k, 2 * k + 1
            s_wait(t0, s0)

            @pl.when(t0 + 2 < T)
            def _():
                s_issue(t0 + 2, s0)

            s_wait(t1, s1)

            @pl.when(t1 + 2 < T)
            def _():
                s_issue(t1 + 2, s1)

            return carry

        lax.fori_loop(0, (T - 1) // 2, step, 0)
        s_wait(T - 1, s0)
        plsc.subcore_barrier()
        _flush_my_rows(acc, out_hbm, cid, sid)

    return body


def _sc_message_kernel():
    mesh = plsc.VectorSubcoreMesh(core_axis_name="c", subcore_axis_name="s")

    @functools.partial(
        pl.kernel,
        out_type=jax.ShapeDtypeStruct((2 * N, D), jnp.float32),
        mesh=mesh,
        scratch_types=[
            pltpu.VMEM((EPW,), jnp.int32),
            pltpu.VMEM((T, B), jnp.int32),
            pltpu.VMEM((B, D), jnp.float32),
            pltpu.VMEM((B, D), jnp.float32),
            pltpu.SemaphoreType.DMA,
            pltpu.SemaphoreType.DMA,
            pltpu.SemaphoreType.DMA,
            pltpu.SemaphoreType.DMA,
            pltpu.VMEM_SHARED((N, D), jnp.float32),
        ],
    )
    def body(y_hbm, src_hbm, dst3_hbm, zeros_hbm, out_hbm,
             src_all, dst_all, r0, r1, g0, g1, s0, s1, acc):
        cid = lax.axis_index("c")
        sid = lax.axis_index("s")
        wid = cid * NS + sid
        _zero_my_rows(zeros_hbm, acc, sid)
        pltpu.sync_copy(src_hbm.at[pl.ds(pl.multiple_of(wid * EPW, 8), EPW)],
                        src_all)
        pltpu.sync_copy(dst3_hbm.at[wid], dst_all)
        plsc.subcore_barrier()

        def src_slice(t):
            return src_all.at[pl.ds(pl.multiple_of(t * B, 8), B)]

        def g_issue(t, rbuf, sem):
            pltpu.async_copy(y_hbm.at[src_slice(t)], rbuf, sem)

        def g_wait(t, rbuf, sem):
            pltpu.make_async_copy(y_hbm.at[src_slice(t)], rbuf, sem).wait()

        def s_issue(t, rbuf, sem):
            pltpu.async_copy(rbuf, acc.at[dst_all.at[t]], sem, add=True)

        def s_wait(t, rbuf, sem):
            pltpu.make_async_copy(rbuf, acc.at[dst_all.at[t]], sem).wait()

        g_issue(0, r0, g0)
        g_issue(1, r1, g1)

        def step(k, carry):
            t0, t1 = 2 * k, 2 * k + 1
            g_wait(t0, r0, g0)
            s_issue(t0, r0, s0)
            g_wait(t1, r1, g1)
            s_issue(t1, r1, s1)
            s_wait(t0, r0, s0)

            @pl.when(t0 + 2 < T)
            def _():
                g_issue(t0 + 2, r0, g0)

            s_wait(t1, r1, s1)

            @pl.when(t1 + 2 < T)
            def _():
                g_issue(t1 + 2, r1, g1)

            return carry

        lax.fori_loop(0, (T - 1) // 2, step, 0)
        g_wait(T - 1, r0, g0)
        s_issue(T - 1, r0, s0)
        s_wait(T - 1, r0, s0)
        plsc.subcore_barrier()
        _flush_my_rows(acc, out_hbm, cid, sid)

    return body


def _sc_degree(dst2, ones2, zerosD):
    return _sc_degree_kernel()(dst2, ones2, zerosD)


def _sc_message(y, src, dst2, zerosD):
    return _sc_message_kernel()(y, src, dst2, zerosD)



_HI = lax.Precision.HIGHEST


def _mm1_body(x_ref, w_ref, d0_ref, d1_ref, y_ref, dinv_ref):
    deg = d0_ref[:, 0:1] + d1_ref[:, 0:1] + 1.0
    dinv = lax.rsqrt(deg)
    dinv_ref[...] = dinv
    y_ref[...] = lax.dot_general(
        x_ref[...], w_ref[...], (((1,), (0,)), ((), ())),
        precision=_HI, preferred_element_type=jnp.float32) * dinv


def _tc_mm1(x, W, degp):
    return pl.pallas_call(
        _mm1_body,
        grid=(NBLK,),
        in_specs=[
            pl.BlockSpec((R, D), lambda i: (i, 0)),
            pl.BlockSpec((D, D), lambda i: (0, 0)),
            pl.BlockSpec((R, D), lambda i: (i, 0)),
            pl.BlockSpec((R, D), lambda i: (i + NBLK, 0)),
        ],
        out_specs=[
            pl.BlockSpec((R, D), lambda i: (i, 0)),
            pl.BlockSpec((R, 1), lambda i: (i, 0)),
        ],
        out_shape=[
            jax.ShapeDtypeStruct((N, D), jnp.float32),
            jax.ShapeDtypeStruct((N, 1), jnp.float32),
        ],
    )(x, W, degp, degp)


def _combine_body(p0_ref, p1_ref, y_ref, dinv_ref, b_ref, pre_ref, st_ref):
    i = pl.program_id(0)
    pre = (p0_ref[...] + p1_ref[...] + y_ref[...]) * dinv_ref[...] + b_ref[...]
    pre_ref[...] = pre
    s1 = jnp.sum(pre, axis=0, keepdims=True)
    s2 = jnp.sum(pre * pre, axis=0, keepdims=True)
    rows = lax.broadcasted_iota(jnp.int32, (8, D), 0)
    contrib = jnp.where(rows == 0, s1, 0.0) + jnp.where(rows == 1, s2, 0.0)

    @pl.when(i == 0)
    def _():
        st_ref[...] = jnp.zeros((8, D), jnp.float32)

    st_ref[...] += contrib


def _tc_combine(msgp, y, dinv, b):
    return pl.pallas_call(
        _combine_body,
        grid=(NBLK,),
        in_specs=[
            pl.BlockSpec((R, D), lambda i: (i, 0)),
            pl.BlockSpec((R, D), lambda i: (i + NBLK, 0)),
            pl.BlockSpec((R, D), lambda i: (i, 0)),
            pl.BlockSpec((R, 1), lambda i: (i, 0)),
            pl.BlockSpec((1, D), lambda i: (0, 0)),
        ],
        out_specs=[
            pl.BlockSpec((R, D), lambda i: (i, 0)),
            pl.BlockSpec((8, D), lambda i: (0, 0)),
        ],
        out_shape=[
            jax.ShapeDtypeStruct((N, D), jnp.float32),
            jax.ShapeDtypeStruct((8, D), jnp.float32),
        ],
    )(msgp, msgp, y, dinv, b)


def _mm23_body(pre_ref, st_ref, g_ref, be_ref, dinv_ref, w_ref, y_ref):
    st = st_ref[...]
    mean = st[0:1, :] * (1.0 / N)
    var = st[1:2, :] * (1.0 / N) - mean * mean
    scale = g_ref[...] * lax.rsqrt(var + EPS)
    h = (pre_ref[...] - mean) * scale + be_ref[...]
    h = jnp.maximum(h, 0.0)
    y_ref[...] = lax.dot_general(
        h, w_ref[...], (((1,), (0,)), ((), ())),
        precision=_HI, preferred_element_type=jnp.float32) * dinv_ref[...]


def _tc_mm23(pre, st, g, be, dinv, W):
    return pl.pallas_call(
        _mm23_body,
        grid=(NBLK,),
        in_specs=[
            pl.BlockSpec((R, D), lambda i: (i, 0)),
            pl.BlockSpec((8, D), lambda i: (0, 0)),
            pl.BlockSpec((1, D), lambda i: (0, 0)),
            pl.BlockSpec((1, D), lambda i: (0, 0)),
            pl.BlockSpec((R, 1), lambda i: (i, 0)),
            pl.BlockSpec((D, D), lambda i: (0, 0)),
        ],
        out_specs=pl.BlockSpec((R, D), lambda i: (i, 0)),
        out_shape=jax.ShapeDtypeStruct((N, D), jnp.float32),
    )(pre, st, g, be, dinv, W)


def _pool_body(pre_ref, st_ref, g_ref, be_ref, batch_ref, out_ref,
               ssum_ref, scnt_ref, smax_ref):
    i = pl.program_id(0)
    st = st_ref[...]
    mean = st[0:1, :] * (1.0 / N)
    var = st[1:2, :] * (1.0 / N) - mean * mean
    scale = g_ref[...] * lax.rsqrt(var + EPS)
    hn = (pre_ref[...] - mean) * scale + be_ref[...]

    bcol = batch_ref[0]
    seg = lax.broadcasted_iota(jnp.int32, (R, G), 1)
    oh = (bcol == seg).astype(jnp.float32)

    @pl.when(i == 0)
    def _():
        ssum_ref[...] = jnp.zeros((G, D), jnp.float32)
        scnt_ref[...] = jnp.zeros((G, 1), jnp.float32)
        smax_ref[...] = jnp.full((G, D), -jnp.inf, jnp.float32)

    ssum_ref[...] += lax.dot_general(
        oh, hn, (((0,), (0,)), ((), ())),
        precision=_HI, preferred_element_type=jnp.float32)
    scnt_ref[...] += lax.dot_general(
        oh, jnp.ones((R, 1), jnp.float32), (((0,), (0,)), ((), ())),
        precision=_HI, preferred_element_type=jnp.float32)

    bmin = jnp.min(bcol)
    bmax = jnp.max(bcol)
    for g in range(G):
        @pl.when((bmin <= g) & (g <= bmax))
        def _():
            m = jnp.max(jnp.where(bcol == g, hn, -jnp.inf), axis=0,
                        keepdims=True)
            smax_ref[g:g + 1, :] = jnp.maximum(smax_ref[g:g + 1, :], m)

    @pl.when(i == NBLK - 1)
    def _():
        mx = smax_ref[...]
        mx = jnp.where(jnp.isfinite(mx), mx, 0.0)
        out_ref[...] = ssum_ref[...] / jnp.maximum(scnt_ref[...], 1.0) + mx


def _tc_pool(pre, st, g, be, batch3d):
    return pl.pallas_call(
        _pool_body,
        grid=(NBLK,),
        in_specs=[
            pl.BlockSpec((R, D), lambda i: (i, 0)),
            pl.BlockSpec((8, D), lambda i: (0, 0)),
            pl.BlockSpec((1, D), lambda i: (0, 0)),
            pl.BlockSpec((1, D), lambda i: (0, 0)),
            pl.BlockSpec((1, R, 1), lambda i: (i, 0, 0)),
        ],
        out_specs=pl.BlockSpec((G, D), lambda i: (0, 0)),
        out_shape=jax.ShapeDtypeStruct((G, D), jnp.float32),
        scratch_shapes=[
            pltpu.VMEM((G, D), jnp.float32),
            pltpu.VMEM((G, 1), jnp.float32),
            pltpu.VMEM((G, D), jnp.float32),
        ],
    )(pre, st, g, be, batch3d)



def kernel(x, edge_index, batch, W1, b1, g1, be1, W2, b2, g2, be2,
           W3, b3, g3, be3):
    src = edge_index[0]
    dst2 = edge_index[1].reshape(NW, T, B)
    batch3d = batch.reshape(NBLK, R, 1)
    ones2 = jnp.ones((B, D), jnp.float32)
    zerosD = jnp.zeros((ZR, D), jnp.float32)
    b1r, g1r, be1r = b1.reshape(1, D), g1.reshape(1, D), be1.reshape(1, D)
    b2r, g2r, be2r = b2.reshape(1, D), g2.reshape(1, D), be2.reshape(1, D)
    b3r, g3r, be3r = b3.reshape(1, D), g3.reshape(1, D), be3.reshape(1, D)

    degp = _sc_degree(dst2, ones2, zerosD)
    y1, dinv = _tc_mm1(x, W1, degp)
    m1 = _sc_message(y1, src, dst2, zerosD)
    pre1, st1 = _tc_combine(m1, y1, dinv, b1r)
    y2 = _tc_mm23(pre1, st1, g1r, be1r, dinv, W2)
    m2 = _sc_message(y2, src, dst2, zerosD)
    pre2, st2 = _tc_combine(m2, y2, dinv, b2r)
    y3 = _tc_mm23(pre2, st2, g2r, be2r, dinv, W3)
    m3 = _sc_message(y3, src, dst2, zerosD)
    pre3, st3 = _tc_combine(m3, y3, dinv, b3r)
    return _tc_pool(pre3, st3, g3r, be3r, batch3d)

# --- scband reference (transcript-rebuilt; emitter-appended) ---
"""Pipeline reference for scband-gcnfeature-extractor-29884382445799 (READ-ONLY COPY).

The authoritative reference and input builder live on the scoring server;
editing this copy changes nothing except your own understanding.
"""

import jax, jax.numpy as jnp
import numpy as np

N = 10000
E = 320000
D = 128
G = 64
EPS = 1e-5


def _gcn_layer(x, src, dst, W, b):
    # PyG GCNConv: add self-loops, symmetric normalization D^-1/2 A_hat D^-1/2 X W + b
    xw = x @ W
    deg = jnp.zeros((N,), dtype=x.dtype).at[dst].add(1.0) + 1.0  # +1 for self loop
    dinv = 1.0 / jnp.sqrt(deg)
    norm = dinv[src] * dinv[dst]
    msg = xw[src] * norm[:, None]
    out = jnp.zeros_like(xw).at[dst].add(msg)
    # self-loop contribution: norm for edge (i,i) is dinv[i]^2
    out = out + xw * (dinv * dinv)[:, None]
    return out + b


def _bn(x, gamma, beta):
    # training-mode BatchNorm1d over node dimension (deterministic batch stats)
    mean = jnp.mean(x, axis=0)
    var = jnp.var(x, axis=0)
    return gamma * (x - mean) / jnp.sqrt(var + EPS) + beta


def _pool(x, batch):
    s = jax.ops.segment_sum(x, batch, num_segments=G)
    cnt = jax.ops.segment_sum(jnp.ones((x.shape[0],), dtype=x.dtype), batch, num_segments=G)
    mean = s / jnp.clip(cnt, 1.0)[:, None]
    mx = jax.ops.segment_max(x, batch, num_segments=G)
    mx = jnp.where(jnp.isfinite(mx), mx, 0.0)
    return mean + mx


def setup_inputs(seed: int = 0):
    key = jax.random.key(seed)
    ks = jax.random.split(key, 16)
    scale = 1.0 / np.sqrt(D)
    inp = {
        'x': jax.random.normal(ks[0], (N, D), dtype=jnp.float32),
        'edge_index': jax.random.randint(ks[1], (2, E), 0, N, dtype=jnp.int32),
        'batch': jnp.sort(jax.random.randint(ks[2], (N,), 0, G, dtype=jnp.int32)),
        'W1': jax.random.normal(ks[3], (D, D), dtype=jnp.float32) * scale,
        'b1': jnp.zeros((D,), dtype=jnp.float32),
        'g1': jnp.ones((D,), dtype=jnp.float32),
        'be1': jnp.zeros((D,), dtype=jnp.float32),
        'W2': jax.random.normal(ks[4], (D, D), dtype=jnp.float32) * scale,
        'b2': jnp.zeros((D,), dtype=jnp.float32),
        'g2': jnp.ones((D,), dtype=jnp.float32),
        'be2': jnp.zeros((D,), dtype=jnp.float32),
        'W3': jax.random.normal(ks[5], (D, D), dtype=jnp.float32) * scale,
        'b3': jnp.zeros((D,), dtype=jnp.float32),
        'g3': jnp.ones((D,), dtype=jnp.float32),
        'be3': jnp.zeros((D,), dtype=jnp.float32),
    }
    return inp


def reference(x, edge_index, batch, W1, b1, g1, be1, W2, b2, g2, be2, W3, b3, g3, be3):
    src, dst = edge_index[0], edge_index[1]
    h = _gcn_layer(x, src, dst, W1, b1)
    h = _bn(h, g1, be1)
    h = jax.nn.relu(h)  # dropout: eval-mode identity
    h = _gcn_layer(h, src, dst, W2, b2)
    h = _bn(h, g2, be2)
    h = jax.nn.relu(h)
    h = _gcn_layer(h, src, dst, W3, b3)
    h = _bn(h, g3, be3)
    return _pool(h, batch)

if __name__ == "__main__":
    import jax
    _d = setup_inputs()
    print(jax.jit(kernel)(*tuple(_d.values())))

</pallas_src>

<mosaic_0001>
#map = affine_map<(d0, d1) -> (0, 0)>
#map1 = affine_map<(d0, d1) -> (0)>
#map2 = affine_map<(d0, d1) -> (0, 0, 0)>
module attributes {stable_mosaic.version = 14 : i64} {
  func.func @body(%arg0: i32, %arg1: i32, %arg2: memref<10000x128xf32, #tpu.memory_space<hbm>>, %arg3: memref<320000xi32, #tpu.memory_space<hbm>>, %arg4: memref<32x125x80xi32, #tpu.memory_space<hbm>>, %arg5: memref<632x128xf32, #tpu.memory_space<hbm>>, %arg6: memref<20000x128xf32, #tpu.memory_space<hbm>>, %arg7: memref<10000xi32, #tpu.memory_space<vmem>>, %arg8: memref<125x80xi32, #tpu.memory_space<vmem>>, %arg9: memref<80x128xf32, #tpu.memory_space<vmem>>, %arg10: memref<80x128xf32, #tpu.memory_space<vmem>>, %arg11: memref<!tpu.dma_semaphore, #tpu.memory_space<semaphore_mem>>, %arg12: memref<!tpu.dma_semaphore, #tpu.memory_space<semaphore_mem>>, %arg13: memref<!tpu.dma_semaphore, #tpu.memory_space<semaphore_mem>>, %arg14: memref<!tpu.dma_semaphore, #tpu.memory_space<semaphore_mem>>, %arg15: memref<10000x128xf32, #tpu.memory_space<vmem_shared>>) attributes {dimension_semantics = [#tpu.dimension_semantics<core_parallel>, #tpu.dimension_semantics<subcore_parallel>], iteration_bounds = array<i64: 2, 16>, scalar_prefetch = 0 : i64, scratch_operands = 9 : i64, tpu.core_type = #tpu.core_type<sc_vector_subcore>, window_params = [{transform_indices = #map}, {transform_indices = #map1}, {transform_indices = #map2}, {transform_indices = #map}, {transform_indices = #map}]} {
    %mul3A = arith.constant 16 : i32
    %mul3A_0 = arith.muli %arg0, %mul3A : i32
    %add3A = arith.addi %mul3A_0, %arg1 : i32
    %mul3A_1 = arith.constant 632 : i32
    %mul3A_2 = arith.muli %arg1, %mul3A_1 : i32
    %multiple_of3A = tpu.assume_multiple %mul3A_2, 8 : i32
    %lt3A = arith.constant 15 : i32
    %lt3A_3 = arith.cmpi slt, %arg1, %lt3A : i32
    %convert_element_type3A = arith.extui %lt3A_3 : i1 to i32
    %cond3A = arith.constant 0 : i32
    %cond3A_4 = arith.cmpi ne, %convert_element_type3A, %cond3A : i32
    scf.if %cond3A_4 {
      "tpu.region"() ({
        %run_scoped3A = tpu.sem_alloc : memref<!tpu.dma_semaphore, #tpu.memory_space<semaphore_mem>>
        %dma_start3A_67 = arith.constant 0 : i32
        %dma_start3A_68 = tpu.memref_slice %arg15[%multiple_of3A, %dma_start3A_67] : memref<10000x128xf32, #tpu.memory_space<vmem_shared>> -> memref<632x128xf32, #tpu.memory_space<vmem_shared>>
        tpu.enqueue_dma source(%arg5 : memref<632x128xf32, #tpu.memory_space<hbm>>) target(%dma_start3A_68 : memref<632x128xf32, #tpu.memory_space<vmem_shared>>) target_semaphore(%run_scoped3A : memref<!tpu.dma_semaphore, #tpu.memory_space<semaphore_mem>>)
        %dma_wait3A_69 = arith.constant 0 : i32
        %dma_wait3A_70 = tpu.memref_slice %arg15[%multiple_of3A, %dma_wait3A_69] : memref<10000x128xf32, #tpu.memory_space<vmem_shared>> -> memref<632x128xf32, #tpu.memory_space<vmem_shared>>
        tpu.wait_dma2 semaphore(%run_scoped3A : memref<!tpu.dma_semaphore, #tpu.memory_space<semaphore_mem>>) src(%arg5 : memref<632x128xf32, #tpu.memory_space<hbm>>) dst(%dma_wait3A_70 : memref<632x128xf32, #tpu.memory_space<vmem_shared>>)
        tpu.yield
      }) : () -> ()
    } else {
    }
    %eq3A = arith.constant 15 : i32
    %eq3A_5 = arith.cmpi eq, %arg1, %eq3A : i32
    %convert_element_type3A_6 = arith.extui %eq3A_5 : i1 to i32
    %cond3A_7 = arith.constant 0 : i32
    %cond3A_8 = arith.cmpi ne, %convert_element_type3A_6, %cond3A_7 : i32
    scf.if %cond3A_8 {
      "tpu.region"() ({
        %run_scoped3A = tpu.sem_alloc : memref<!tpu.dma_semaphore, #tpu.memory_space<semaphore_mem>>
        %dma_start3A_67 = arith.constant 0 : i32
        %dma_start3A_68 = tpu.memref_slice %arg15[%multiple_of3A, %dma_start3A_67] : memref<10000x128xf32, #tpu.memory_space<vmem_shared>> -> memref<520x128xf32, #tpu.memory_space<vmem_shared>>
        %dma_start3A_69 = arith.constant 0 : i32
        %dma_start3A_70 = arith.constant 0 : i32
        %dma_start3A_71 = tpu.memref_slice %arg5[%dma_start3A_69, %dma_start3A_70] : memref<632x128xf32, #tpu.memory_space<hbm>> -> memref<520x128xf32, #tpu.memory_space<hbm>>
        tpu.enqueue_dma source(%dma_start3A_71 : memref<520x128xf32, #tpu.memory_space<hbm>>) target(%dma_start3A_68 : memref<520x128xf32, #tpu.memory_space<vmem_shared>>) target_semaphore(%run_scoped3A : memref<!tpu.dma_semaphore, #tpu.memory_space<semaphore_mem>>)
        %dma_wait3A_72 = arith.constant 0 : i32
        %dma_wait3A_73 = tpu.memref_slice %arg15[%multiple_of3A, %dma_wait3A_72] : memref<10000x128xf32, #tpu.memory_space<vmem_shared>> -> memref<520x128xf32, #tpu.memory_space<vmem_shared>>
        %dma_wait3A_74 = arith.constant 0 : i32
        %dma_wait3A_75 = arith.constant 0 : i32
        %dma_wait3A_76 = tpu.memref_slice %arg5[%dma_wait3A_74, %dma_wait3A_75] : memref<632x128xf32, #tpu.memory_space<hbm>> -> memref<520x128xf32, #tpu.memory_space<hbm>>
        tpu.wait_dma2 semaphore(%run_scoped3A : memref<!tpu.dma_semaphore, #tpu.memory_space<semaphore_mem>>) src(%dma_wait3A_76 : memref<520x128xf32, #tpu.memory_space<hbm>>) dst(%dma_wait3A_73 : memref<520x128xf32, #tpu.memory_space<vmem_shared>>)
        tpu.yield
      }) : () -> ()
    } else {
    }
    %mul3A_9 = arith.constant 10000 : i32
    %mul3A_10 = arith.muli %add3A, %mul3A_9 : i32
    %multiple_of3A_11 = tpu.assume_multiple %mul3A_10, 8 : i32
    "tpu.region"() ({
      %run_scoped3A = tpu.sem_alloc : memref<!tpu.dma_semaphore, #tpu.memory_space<semaphore_mem>>
      %dma_start3A_67 = tpu.memref_slice %arg3[%multiple_of3A_11] : memref<320000xi32, #tpu.memory_space<hbm>> -> memref<10000xi32, #tpu.memory_space<hbm>>
      %dma_start3A_68 = tpu.memref_slice %arg3[%multiple_of3A_11] : memref<320000xi32, #tpu.memory_space<hbm>> -> memref<10000xi32, #tpu.memory_space<hbm>>
      tpu.enqueue_dma source(%dma_start3A_68 : memref<10000xi32, #tpu.memory_space<hbm>>) target(%arg7 : memref<10000xi32, #tpu.memory_space<vmem>>) target_semaphore(%run_scoped3A : memref<!tpu.dma_semaphore, #tpu.memory_space<semaphore_mem>>)
      %dma_wait3A_69 = tpu.memref_slice %arg3[%multiple_of3A_11] : memref<320000xi32, #tpu.memory_space<hbm>> -> memref<10000xi32, #tpu.memory_space<hbm>>
      %dma_wait3A_70 = tpu.memref_slice %arg3[%multiple_of3A_11] : memref<320000xi32, #tpu.memory_space<hbm>> -> memref<10000xi32, #tpu.memory_space<hbm>>
      tpu.wait_dma2 semaphore(%run_scoped3A : memref<!tpu.dma_semaphore, #tpu.memory_space<semaphore_mem>>) src(%dma_wait3A_70 : memref<10000xi32, #tpu.memory_space<hbm>>) dst(%arg7 : memref<10000xi32, #tpu.memory_space<vmem>>)
      tpu.yield
    }) : () -> ()
    "tpu.region"() ({
      %run_scoped3A = tpu.sem_alloc : memref<!tpu.dma_semaphore, #tpu.memory_space<semaphore_mem>>
      %dma_start3A_67 = arith.constant 0 : i32
      %dma_start3A_68 = arith.constant 0 : i32
      %dma_start3A_69 = tpu.memref_slice %arg4[%add3A, %dma_start3A_67, %dma_start3A_68] : memref<32x125x80xi32, #tpu.memory_space<hbm>> -> memref<1x125x80xi32, #tpu.memory_space<hbm>>
      %dma_start3A_70 = tpu.memref_squeeze %dma_start3A_69 : memref<1x125x80xi32, #tpu.memory_space<hbm>> -> memref<125x80xi32, #tpu.memory_space<hbm>>
      %dma_start3A_71 = arith.constant 0 : i32
      %dma_start3A_72 = arith.constant 0 : i32
      %dma_start3A_73 = tpu.memref_slice %arg4[%add3A, %dma_start3A_71, %dma_start3A_72] : memref<32x125x80xi32, #tpu.memory_space<hbm>> -> memref<1x125x80xi32, #tpu.memory_space<hbm>>
      %dma_start3A_74 = tpu.memref_squeeze %dma_start3A_73 : memref<1x125x80xi32, #tpu.memory_space<hbm>> -> memref<125x80xi32, #tpu.memory_space<hbm>>
      tpu.enqueue_dma source(%dma_start3A_74 : memref<125x80xi32, #tpu.memory_space<hbm>>) target(%arg8 : memref<125x80xi32, #tpu.memory_space<vmem>>) target_semaphore(%run_scoped3A : memref<!tpu.dma_semaphore, #tpu.memory_space<semaphore_mem>>)
      %dma_wait3A_75 = arith.constant 0 : i32
      %dma_wait3A_76 = arith.constant 0 : i32
      %dma_wait3A_77 = tpu.memref_slice %arg4[%add3A, %dma_wait3A_75, %dma_wait3A_76] : memref<32x125x80xi32, #tpu.memory_space<hbm>> -> memref<1x125x80xi32, #tpu.memory_space<hbm>>
      %dma_wait3A_78 = tpu.memref_squeeze %dma_wait3A_77 : memref<1x125x80xi32, #tpu.memory_space<hbm>> -> memref<125x80xi32, #tpu.memory_space<hbm>>
      %dma_wait3A_79 = arith.constant 0 : i32
      %dma_wait3A_80 = arith.constant 0 : i32
      %dma_wait3A_81 = tpu.memref_slice %arg4[%add3A, %dma_wait3A_79, %dma_wait3A_80] : memref<32x125x80xi32, #tpu.memory_space<hbm>> -> memref<1x125x80xi32, #tpu.memory_space<hbm>>
      %dma_wait3A_82 = tpu.memref_squeeze %dma_wait3A_81 : memref<1x125x80xi32, #tpu.memory_space<hbm>> -> memref<125x80xi32, #tpu.memory_space<hbm>>
      tpu.wait_dma2 semaphore(%run_scoped3A : memref<!tpu.dma_semaphore, #tpu.memory_space<semaphore_mem>>) src(%dma_wait3A_82 : memref<125x80xi32, #tpu.memory_space<hbm>>) dst(%arg8 : memref<125x80xi32, #tpu.memory_space<vmem>>)
      tpu.yield
    }) : () -> ()
    %barrier3A = arith.constant 0 : index
    tpu.barrier barrier_id(%barrier3A)
    %multiple_of3A_12 = arith.constant 0 : i32
    %multiple_of3A_13 = tpu.assume_multiple %multiple_of3A_12, 8 : i32
    %dma_start3A = tpu.memref_slice %arg7[%multiple_of3A_13] : memref<10000xi32, #tpu.memory_space<vmem>> -> memref<80xi32, #tpu.memory_space<vmem>>
    %dma_start3A_14 = arith.constant 0 : i32
    %dma_start3A_15 = arith.constant 0 : i32
    %dma_start3A_16 = tpu.memref_slice %arg2[%dma_start3A_14, %dma_start3A_15] : memref<10000x128xf32, #tpu.memory_space<hbm>> -> memref<10000x128xf32, #tpu.memory_space<hbm>>
    tpu.enqueue_indirect_dma source(%dma_start3A_16 : memref<10000x128xf32, #tpu.memory_space<hbm>>) target(%arg9 : memref<80x128xf32, #tpu.memory_space<vmem>>) offsets(%dma_start3A : memref<80xi32, #tpu.memory_space<vmem>>) semaphore(%arg11 : memref<!tpu.dma_semaphore, #tpu.memory_space<semaphore_mem>>)
    %multiple_of3A_17 = arith.constant 80 : i32
    %multiple_of3A_18 = tpu.assume_multiple %multiple_of3A_17, 8 : i32
    %dma_start3A_19 = tpu.memref_slice %arg7[%multiple_of3A_18] : memref<10000xi32, #tpu.memory_space<vmem>> -> memref<80xi32, #tpu.memory_space<vmem>>
    %dma_start3A_20 = arith.constant 0 : i32
    %dma_start3A_21 = arith.constant 0 : i32
    %dma_start3A_22 = tpu.memref_slice %arg2[%dma_start3A_20, %dma_start3A_21] : memref<10000x128xf32, #tpu.memory_space<hbm>> -> memref<10000x128xf32, #tpu.memory_space<hbm>>
    tpu.enqueue_indirect_dma source(%dma_start3A_22 : memref<10000x128xf32, #tpu.memory_space<hbm>>) target(%arg10 : memref<80x128xf32, #tpu.memory_space<vmem>>) offsets(%dma_start3A_19 : memref<80xi32, #tpu.memory_space<vmem>>) semaphore(%arg12 : memref<!tpu.dma_semaphore, #tpu.memory_space<semaphore_mem>>)
    %scan3A = arith.constant 0 : i32
    %scan3A_23 = arith.constant 0 : i32
    %scan3A_24 = arith.constant 62 : i32
    %scan3A_25 = arith.addi %scan3A_23, %scan3A_24 : i32
    %scan3A_26 = arith.constant 1 : i32
    scf.for %scan3A_67 = %scan3A_23 to %scan3A_25 step %scan3A_26  : i32 {
      %mul3A_68 = arith.constant 2 : i32
      %mul3A_69 = arith.muli %mul3A_68, %scan3A_67 : i32
      %mul3A_70 = arith.constant 2 : i32
      %mul3A_71 = arith.muli %mul3A_70, %scan3A_67 : i32
      %add3A_72 = arith.constant 1 : i32
      %add3A_73 = arith.addi %mul3A_71, %add3A_72 : i32
      %mul3A_74 = arith.constant 80 : i32
      %mul3A_75 = arith.muli %mul3A_69, %mul3A_74 : i32
      %multiple_of3A_76 = tpu.assume_multiple %mul3A_75, 8 : i32
      %dma_wait3A_77 = tpu.memref_slice %arg7[%multiple_of3A_76] : memref<10000xi32, #tpu.memory_space<vmem>> -> memref<80xi32, #tpu.memory_space<vmem>>
      %dma_wait3A_78 = arith.constant 0 : i32
      %dma_wait3A_79 = arith.constant 0 : i32
      %dma_wait3A_80 = tpu.memref_slice %arg2[%dma_wait3A_78, %dma_wait3A_79] : memref<10000x128xf32, #tpu.memory_space<hbm>> -> memref<10000x128xf32, #tpu.memory_space<hbm>>
      tpu.wait_indirect_dma semaphore(%arg11 : memref<!tpu.dma_semaphore, #tpu.memory_space<semaphore_mem>>) src(%dma_wait3A_80 : memref<10000x128xf32, #tpu.memory_space<hbm>>) dst(%arg9 : memref<80x128xf32, #tpu.memory_space<vmem>>)
      %dma_start3A_81 = arith.constant 0 : i32
      %dma_start3A_82 = tpu.memref_slice %arg8[%mul3A_69, %dma_start3A_81] : memref<125x80xi32, #tpu.memory_space<vmem>> -> memref<1x80xi32, #tpu.memory_space<vmem>>
      %dma_start3A_83 = tpu.memref_squeeze %dma_start3A_82 : memref<1x80xi32, #tpu.memory_space<vmem>> -> memref<80xi32, #tpu.memory_space<vmem>>
      %dma_start3A_84 = arith.constant 0 : i32
      %dma_start3A_85 = arith.constant 0 : i32
      %dma_start3A_86 = tpu.memref_slice %arg15[%dma_start3A_84, %dma_start3A_85] : memref<10000x128xf32, #tpu.memory_space<vmem_shared>> -> memref<10000x128xf32, #tpu.memory_space<vmem_shared>>
      tpu.enqueue_indirect_dma source(%arg9 : memref<80x128xf32, #tpu.memory_space<vmem>>) target(%dma_start3A_86 : memref<10000x128xf32, #tpu.memory_space<vmem_shared>>) offsets(%dma_start3A_83 : memref<80xi32, #tpu.memory_space<vmem>>) semaphore(%arg13 : memref<!tpu.dma_semaphore, #tpu.memory_space<semaphore_mem>>) {add = true}
      %mul3A_87 = arith.constant 80 : i32
      %mul3A_88 = arith.muli %add3A_73, %mul3A_87 : i32
      %multiple_of3A_89 = tpu.assume_multiple %mul3A_88, 8 : i32
      %dma_wait3A_90 = tpu.memref_slice %arg7[%multiple_of3A_89] : memref<10000xi32, #tpu.memory_space<vmem>> -> memref<80xi32, #tpu.memory_space<vmem>>
      %dma_wait3A_91 = arith.constant 0 : i32
      %dma_wait3A_92 = arith.constant 0 : i32
      %dma_wait3A_93 = tpu.memref_slice %arg2[%dma_wait3A_91, %dma_wait3A_92] : memref<10000x128xf32, #tpu.memory_space<hbm>> -> memref<10000x128xf32, #tpu.memory_space<hbm>>
      tpu.wait_indirect_dma semaphore(%arg12 : memref<!tpu.dma_semaphore, #tpu.memory_space<semaphore_mem>>) src(%dma_wait3A_93 : memref<10000x128xf32, #tpu.memory_space<hbm>>) dst(%arg10 : memref<80x128xf32, #tpu.memory_space<vmem>>)
      %dma_start3A_94 = arith.constant 0 : i32
      %dma_start3A_95 = tpu.memref_slice %arg8[%add3A_73, %dma_start3A_94] : memref<125x80xi32, #tpu.memory_space<vmem>> -> memref<1x80xi32, #tpu.memory_space<vmem>>
      %dma_start3A_96 = tpu.memref_squeeze %dma_start3A_95 : memref<1x80xi32, #tpu.memory_space<vmem>> -> memref<80xi32, #tpu.memory_space<vmem>>
      %dma_start3A_97 = arith.constant 0 : i32
      %dma_start3A_98 = arith.constant 0 : i32
      %dma_start3A_99 = tpu.memref_slice %arg15[%dma_start3A_97, %dma_start3A_98] : memref<10000x128xf32, #tpu.memory_space<vmem_shared>> -> memref<10000x128xf32, #tpu.memory_space<vmem_shared>>
      tpu.enqueue_indirect_dma source(%arg10 : memref<80x128xf32, #tpu.memory_space<vmem>>) target(%dma_start3A_99 : memref<10000x128xf32, #tpu.memory_space<vmem_shared>>) offsets(%dma_start3A_96 : memref<80xi32, #tpu.memory_space<vmem>>) semaphore(%arg14 : memref<!tpu.dma_semaphore, #tpu.memory_space<semaphore_mem>>) {add = true}
      %dma_wait3A_100 = arith.constant 0 : i32
      %dma_wait3A_101 = tpu.memref_slice %arg8[%mul3A_69, %dma_wait3A_100] : memref<125x80xi32, #tpu.memory_space<vmem>> -> memref<1x80xi32, #tpu.memory_space<vmem>>
      %dma_wait3A_102 = tpu.memref_squeeze %dma_wait3A_101 : memref<1x80xi32, #tpu.memory_space<vmem>> -> memref<80xi32, #tpu.memory_space<vmem>>
      %dma_wait3A_103 = arith.constant 0 : i32
      %dma_wait3A_104 = arith.constant 0 : i32
      %dma_wait3A_105 = tpu.memref_slice %arg15[%dma_wait3A_103, %dma_wait3A_104] : memref<10000x128xf32, #tpu.memory_space<vmem_shared>> -> memref<10000x128xf32, #tpu.memory_space<vmem_shared>>
      tpu.wait_indirect_dma semaphore(%arg13 : memref<!tpu.dma_semaphore, #tpu.memory_space<semaphore_mem>>) src(%arg9 : memref<80x128xf32, #tpu.memory_space<vmem>>) dst(%dma_wait3A_105 : memref<10000x128xf32, #tpu.memory_space<vmem_shared>>)
      %add3A_106 = arith.constant 2 : i32
      %add3A_107 = arith.addi %mul3A_69, %add3A_106 : i32
      %lt3A_108 = arith.constant 125 : i32
      %lt3A_109 = arith.cmpi slt, %add3A_107, %lt3A_108 : i32
      %convert_element_type3A_110 = arith.extui %lt3A_109 : i1 to i32
      %cond3A_111 = arith.constant 0 : i32
      %cond3A_112 = arith.cmpi ne, %convert_element_type3A_110, %cond3A_111 : i32
      scf.if %cond3A_112 {
        %add3A_126 = arith.constant 2 : i32
        %add3A_127 = arith.addi %mul3A_69, %add3A_126 : i32
        %mul3A_128 = arith.constant 80 : i32
        %mul3A_129 = arith.muli %add3A_127, %mul3A_128 : i32
        %multiple_of3A_130 = tpu.assume_multiple %mul3A_129, 8 : i32
        %dma_start3A_131 = tpu.memref_slice %arg7[%multiple_of3A_130] : memref<10000xi32, #tpu.memory_space<vmem>> -> memref<80xi32, #tpu.memory_space<vmem>>
        %dma_start3A_132 = arith.constant 0 : i32
        %dma_start3A_133 = arith.constant 0 : i32
        %dma_start3A_134 = tpu.memref_slice %arg2[%dma_start3A_132, %dma_start3A_133] : memref<10000x128xf32, #tpu.memory_space<hbm>> -> memref<10000x128xf32, #tpu.memory_space<hbm>>
        tpu.enqueue_indirect_dma source(%dma_start3A_134 : memref<10000x128xf32, #tpu.memory_space<hbm>>) target(%arg9 : memref<80x128xf32, #tpu.memory_space<vmem>>) offsets(%dma_start3A_131 : memref<80xi32, #tpu.memory_space<vmem>>) semaphore(%arg11 : memref<!tpu.dma_semaphore, #tpu.memory_space<semaphore_mem>>)
      } else {
      }
      %dma_wait3A_113 = arith.constant 0 : i32
      %dma_wait3A_114 = tpu.memref_slice %arg8[%add3A_73, %dma_wait3A_113] : memref<125x80xi32, #tpu.memory_space<vmem>> -> memref<1x80xi32, #tpu.memory_space<vmem>>
      %dma_wait3A_115 = tpu.memref_squeeze %dma_wait3A_114 : memref<1x80xi32, #tpu.memory_space<vmem>> -> memref<80xi32, #tpu.memory_space<vmem>>
      %dma_wait3A_116 = arith.constant 0 : i32
      %dma_wait3A_117 = arith.constant 0 : i32
      %dma_wait3A_118 = tpu.memref_slice %arg15[%dma_wait3A_116, %dma_wait3A_117] : memref<10000x128xf32, #tpu.memory_space<vmem_shared>> -> memref<10000x128xf32, #tpu.memory_space<vmem_shared>>
      tpu.wait_indirect_dma semaphore(%arg14 : memref<!tpu.dma_semaphore, #tpu.memory_space<semaphore_mem>>) src(%arg10 : memref<80x128xf32, #tpu.memory_space<vmem>>) dst(%dma_wait3A_118 : memref<10000x128xf32, #tpu.memory_space<vmem_shared>>)
      %add3A_119 = arith.constant 2 : i32
      %add3A_120 = arith.addi %add3A_73, %add3A_119 : i32
      %lt3A_121 = arith.constant 125 : i32
      %lt3A_122 = arith.cmpi slt, %add3A_120, %lt3A_121 : i32
      %convert_element_type3A_123 = arith.extui %lt3A_122 : i1 to i32
      %cond3A_124 = arith.constant 0 : i32
      %cond3A_125 = arith.cmpi ne, %convert_element_type3A_123, %cond3A_124 : i32
      scf.if %cond3A_125 {
        %add3A_126 = arith.constant 2 : i32
        %add3A_127 = arith.addi %add3A_73, %add3A_126 : i32
        %mul3A_128 = arith.constant 80 : i32
        %mul3A_129 = arith.muli %add3A_127, %mul3A_128 : i32
        %multiple_of3A_130 = tpu.assume_multiple %mul3A_129, 8 : i32
        %dma_start3A_131 = tpu.memref_slice %arg7[%multiple_of3A_130] : memref<10000xi32, #tpu.memory_space<vmem>> -> memref<80xi32, #tpu.memory_space<vmem>>
        %dma_start3A_132 = arith.constant 0 : i32
        %dma_start3A_133 = arith.constant 0 : i32
        %dma_start3A_134 = tpu.memref_slice %arg2[%dma_start3A_132, %dma_start3A_133] : memref<10000x128xf32, #tpu.memory_space<hbm>> -> memref<10000x128xf32, #tpu.memory_space<hbm>>
        tpu.enqueue_indirect_dma source(%dma_start3A_134 : memref<10000x128xf32, #tpu.memory_space<hbm>>) target(%arg10 : memref<80x128xf32, #tpu.memory_space<vmem>>) offsets(%dma_start3A_131 : memref<80xi32, #tpu.memory_space<vmem>>) semaphore(%arg12 : memref<!tpu.dma_semaphore, #tpu.memory_space<semaphore_mem>>)
      } else {
      }
    }
    %scan3A_27 = arith.constant 62 : i32
    %multiple_of3A_28 = arith.constant 9920 : i32
    %multiple_of3A_29 = tpu.assume_multiple %multiple_of3A_28, 8 : i32
    %dma_wait3A = tpu.memref_slice %arg7[%multiple_of3A_29] : memref<10000xi32, #tpu.memory_space<vmem>> -> memref<80xi32, #tpu.memory_space<vmem>>
    %dma_wait3A_30 = arith.constant 0 : i32
    %dma_wait3A_31 = arith.constant 0 : i32
    %dma_wait3A_32 = tpu.memref_slice %arg2[%dma_wait3A_30, %dma_wait3A_31] : memref<10000x128xf32, #tpu.memory_space<hbm>> -> memref<10000x128xf32, #tpu.memory_space<hbm>>
    tpu.wait_indirect_dma semaphore(%arg11 : memref<!tpu.dma_semaphore, #tpu.memory_space<semaphore_mem>>) src(%dma_wait3A_32 : memref<10000x128xf32, #tpu.memory_space<hbm>>) dst(%arg9 : memref<80x128xf32, #tpu.memory_space<vmem>>)
    %dma_start3A_33 = arith.constant 124 : i32
    %dma_start3A_34 = arith.constant 0 : i32
    %dma_start3A_35 = tpu.memref_slice %arg8[%dma_start3A_33, %dma_start3A_34] : memref<125x80xi32, #tpu.memory_space<vmem>> -> memref<1x80xi32, #tpu.memory_space<vmem>>
    %dma_start3A_36 = tpu.memref_squeeze %dma_start3A_35 : memref<1x80xi32, #tpu.memory_space<vmem>> -> memref<80xi32, #tpu.memory_space<vmem>>
    %dma_start3A_37 = arith.constant 0 : i32
    %dma_start3A_38 = arith.constant 0 : i32
    %dma_start3A_39 = tpu.memref_slice %arg15[%dma_start3A_37, %dma_start3A_38] : memref<10000x128xf32, #tpu.memory_space<vmem_shared>> -> memref<10000x128xf32, #tpu.memory_space<vmem_shared>>
    tpu.enqueue_indirect_dma source(%arg9 : memref<80x128xf32, #tpu.memory_space<vmem>>) target(%dma_start3A_39 : memref<10000x128xf32, #tpu.memory_space<vmem_shared>>) offsets(%dma_start3A_36 : memref<80xi32, #tpu.memory_space<vmem>>) semaphore(%arg13 : memref<!tpu.dma_semaphore, #tpu.memory_space<semaphore_mem>>) {add = true}
    %dma_wait3A_40 = arith.constant 124 : i32
    %dma_wait3A_41 = arith.constant 0 : i32
    %dma_wait3A_42 = tpu.memref_slice %arg8[%dma_wait3A_40, %dma_wait3A_41] : memref<125x80xi32, #tpu.memory_space<vmem>> -> memref<1x80xi32, #tpu.memory_space<vmem>>
    %dma_wait3A_43 = tpu.memref_squeeze %dma_wait3A_42 : memref<1x80xi32, #tpu.memory_space<vmem>> -> memref<80xi32, #tpu.memory_space<vmem>>
    %dma_wait3A_44 = arith.constant 0 : i32
    %dma_wait3A_45 = arith.constant 0 : i32
    %dma_wait3A_46 = tpu.memref_slice %arg15[%dma_wait3A_44, %dma_wait3A_45] : memref<10000x128xf32, #tpu.memory_space<vmem_shared>> -> memref<10000x128xf32, #tpu.memory_space<vmem_shared>>
    tpu.wait_indirect_dma semaphore(%arg13 : memref<!tpu.dma_semaphore, #tpu.memory_space<semaphore_mem>>) src(%arg9 : memref<80x128xf32, #tpu.memory_space<vmem>>) dst(%dma_wait3A_46 : memref<10000x128xf32, #tpu.memory_space<vmem_shared>>)
    %barrier3A_47 = arith.constant 0 : index
    tpu.barrier barrier_id(%barrier3A_47)
    %mul3A_48 = arith.constant 632 : i32
    %mul3A_49 = arith.muli %arg1, %mul3A_48 : i32
    %multiple_of3A_50 = tpu.assume_multiple %mul3A_49, 8 : i32
    %mul3A_51 = arith.constant 10000 : i32
    %mul3A_52 = arith.muli %arg0, %mul3A_51 : i32
    %mul3A_53 = arith.constant 632 : i32
    %mul3A_54 = arith.muli %arg1, %mul3A_53 : i32
    %add3A_55 = arith.addi %mul3A_52, %mul3A_54 : i32
    %multiple_of3A_56 = tpu.assume_multiple %add3A_55, 8 : i32
    %lt3A_57 = arith.constant 15 : i32
    %lt3A_58 = arith.cmpi slt, %arg1, %lt3A_57 : i32
    %convert_element_type3A_59 = arith.extui %lt3A_58 : i1 to i32
    %cond3A_60 = arith.constant 0 : i32
    %cond3A_61 = arith.cmpi ne, %convert_element_type3A_59, %cond3A_60 : i32
    scf.if %cond3A_61 {
      "tpu.region"() ({
        %run_scoped3A = tpu.sem_alloc : memref<!tpu.dma_semaphore, #tpu.memory_space<semaphore_mem>>
        %dma_start3A_67 = arith.constant 0 : i32
        %dma_start3A_68 = tpu.memref_slice %arg6[%multiple_of3A_56, %dma_start3A_67] : memref<20000x128xf32, #tpu.memory_space<hbm>> -> memref<632x128xf32, #tpu.memory_space<hbm>>
        %dma_start3A_69 = arith.constant 0 : i32
        %dma_start3A_70 = tpu.memref_slice %arg15[%multiple_of3A_50, %dma_start3A_69] : memref<10000x128xf32, #tpu.memory_space<vmem_shared>> -> memref<632x128xf32, #tpu.memory_space<vmem_shared>>
        tpu.enqueue_dma source(%dma_start3A_70 : memref<632x128xf32, #tpu.memory_space<vmem_shared>>) target(%dma_start3A_68 : memref<632x128xf32, #tpu.memory_space<hbm>>) target_semaphore(%run_scoped3A : memref<!tpu.dma_semaphore, #tpu.memory_space<semaphore_mem>>)
        %dma_wait3A_71 = arith.constant 0 : i32
        %dma_wait3A_72 = tpu.memref_slice %arg6[%multiple_of3A_56, %dma_wait3A_71] : memref<20000x128xf32, #tpu.memory_space<hbm>> -> memref<632x128xf32, #tpu.memory_space<hbm>>
        %dma_wait3A_73 = arith.constant 0 : i32
        %dma_wait3A_74 = tpu.memref_slice %arg15[%multiple_of3A_50, %dma_wait3A_73] : memref<10000x128xf32, #tpu.memory_space<vmem_shared>> -> memref<632x128xf32, #tpu.memory_space<vmem_shared>>
        tpu.wait_dma2 semaphore(%run_scoped3A : memref<!tpu.dma_semaphore, #tpu.memory_space<semaphore_mem>>) src(%dma_wait3A_74 : memref<632x128xf32, #tpu.memory_space<vmem_shared>>) dst(%dma_wait3A_72 : memref<632x128xf32, #tpu.memory_space<hbm>>)
        tpu.yield
      }) : () -> ()
    } else {
    }
    %eq3A_62 = arith.constant 15 : i32
    %eq3A_63 = arith.cmpi eq, %arg1, %eq3A_62 : i32
    %convert_element_type3A_64 = arith.extui %eq3A_63 : i1 to i32
    %cond3A_65 = arith.constant 0 : i32
    %cond3A_66 = arith.cmpi ne, %convert_element_type3A_64, %cond3A_65 : i32
    scf.if %cond3A_66 {
      "tpu.region"() ({
        %run_scoped3A = tpu.sem_alloc : memref<!tpu.dma_semaphore, #tpu.memory_space<semaphore_mem>>
        %dma_start3A_67 = arith.constant 0 : i32
        %dma_start3A_68 = tpu.memref_slice %arg6[%multiple_of3A_56, %dma_start3A_67] : memref<20000x128xf32, #tpu.memory_space<hbm>> -> memref<520x128xf32, #tpu.memory_space<hbm>>
        %dma_start3A_69 = arith.constant 0 : i32
        %dma_start3A_70 = tpu.memref_slice %arg15[%multiple_of3A_50, %dma_start3A_69] : memref<10000x128xf32, #tpu.memory_space<vmem_shared>> -> memref<520x128xf32, #tpu.memory_space<vmem_shared>>
        tpu.enqueue_dma source(%dma_start3A_70 : memref<520x128xf32, #tpu.memory_space<vmem_shared>>) target(%dma_start3A_68 : memref<520x128xf32, #tpu.memory_space<hbm>>) target_semaphore(%run_scoped3A : memref<!tpu.dma_semaphore, #tpu.memory_space<semaphore_mem>>)
        %dma_wait3A_71 = arith.constant 0 : i32
        %dma_wait3A_72 = tpu.memref_slice %arg6[%multiple_of3A_56, %dma_wait3A_71] : memref<20000x128xf32, #tpu.memory_space<hbm>> -> memref<520x128xf32, #tpu.memory_space<hbm>>
        %dma_wait3A_73 = arith.constant 0 : i32
        %dma_wait3A_74 = tpu.memref_slice %arg15[%multiple_of3A_50, %dma_wait3A_73] : memref<10000x128xf32, #tpu.memory_space<vmem_shared>> -> memref<520x128xf32, #tpu.memory_space<vmem_shared>>
        tpu.wait_dma2 semaphore(%run_scoped3A : memref<!tpu.dma_semaphore, #tpu.memory_space<semaphore_mem>>) src(%dma_wait3A_74 : memref<520x128xf32, #tpu.memory_space<vmem_shared>>) dst(%dma_wait3A_72 : memref<520x128xf32, #tpu.memory_space<hbm>>)
        tpu.yield
      }) : () -> ()
    } else {
    }
    return
  }
}

#map = affine_map<(d0, d1) -> (0, 0)>
#map1 = affine_map<(d0, d1) -> (0)>
#map2 = affine_map<(d0, d1) -> (0, 0, 0)>
module attributes {stable_mosaic.version = 14 : i64} {
  func.func @body(%arg0: i32, %arg1: i32, %arg2: memref<10000x128xf32, #tpu.memory_space<hbm>>, %arg3: memref<320000xi32, #tpu.memory_space<hbm>>, %arg4: memref<32x125x80xi32, #tpu.memory_space<hbm>>, %arg5: memref<632x128xf32, #tpu.memory_space<hbm>>, %arg6: memref<20000x128xf32, #tpu.memory_space<hbm>>, %arg7: memref<10000xi32, #tpu.memory_space<vmem>>, %arg8: memref<125x80xi32, #tpu.memory_space<vmem>>, %arg9: memref<80x128xf32, #tpu.memory_space<vmem>>, %arg10: memref<80x128xf32, #tpu.memory_space<vmem>>, %arg11: memref<!tpu.dma_semaphore, #tpu.memory_space<semaphore_mem>>, %arg12: memref<!tpu.dma_semaphore, #tpu.memory_space<semaphore_mem>>, %arg13: memref<!tpu.dma_semaphore, #tpu.memory_space<semaphore_mem>>, %arg14: memref<!tpu.dma_semaphore, #tpu.memory_space<semaphore_mem>>, %arg15: memref<10000x128xf32, #tpu.memory_space<vmem_shared>>) attributes {dimension_semantics = [#tpu.dimension_semantics<core_parallel>, #tpu.dimension_semantics<subcore_parallel>], iteration_bounds = array<i64: 2, 16>, scalar_prefetch = 0 : i64, scratch_operands = 9 : i64, tpu.core_type = #tpu.core_type<sc_vector_subcore>, window_params = [{transform_indices = #map}, {transform_indices = #map1}, {transform_indices = #map2}, {transform_indices = #map}, {transform_indices = #map}]} {
    %mul3A = arith.constant 16 : i32
    %mul3A_0 = arith.muli %arg0, %mul3A : i32
    %add3A = arith.addi %mul3A_0, %arg1 : i32
    %mul3A_1 = arith.constant 632 : i32
    %mul3A_2 = arith.muli %arg1, %mul3A_1 : i32
    %multiple_of3A = tpu.assume_multiple %mul3A_2, 8 : i32
    %lt3A = arith.constant 15 : i32
    %lt3A_3 = arith.cmpi slt, %arg1, %lt3A : i32
    %convert_element_type3A = arith.extui %lt3A_3 : i1 to i32
    %cond3A = arith.constant 0 : i32
    %cond3A_4 = arith.cmpi ne, %convert_element_type3A, %cond3A : i32
    scf.if %cond3A_4 {
      "tpu.region"() ({
        %run_scoped3A = tpu.sem_alloc : memref<!tpu.dma_semaphore, #tpu.memory_space<semaphore_mem>>
        %dma_start3A_67 = arith.constant 0 : i32
        %dma_start3A_68 = tpu.memref_slice %arg15[%multiple_of3A, %dma_start3A_67] : memref<10000x128xf32, #tpu.memory_space<vmem_shared>> -> memref<632x128xf32, #tpu.memory_space<vmem_shared>>
        tpu.enqueue_dma source(%arg5 : memref<632x128xf32, #tpu.memory_space<hbm>>) target(%dma_start3A_68 : memref<632x128xf32, #tpu.memory_space<vmem_shared>>) target_semaphore(%run_scoped3A : memref<!tpu.dma_semaphore, #tpu.memory_space<semaphore_mem>>)
        %dma_wait3A_69 = arith.constant 0 : i32
        %dma_wait3A_70 = tpu.memref_slice %arg15[%multiple_of3A, %dma_wait3A_69] : memref<10000x128xf32, #tpu.memory_space<vmem_shared>> -> memref<632x128xf32, #tpu.memory_space<vmem_shared>>
        tpu.wait_dma2 semaphore(%run_scoped3A : memref<!tpu.dma_semaphore, #tpu.memory_space<semaphore_mem>>) src(%arg5 : memref<632x128xf32, #tpu.memory_space<hbm>>) dst(%dma_wait3A_70 : memref<632x128xf32, #tpu.memory_space<vmem_shared>>)
        tpu.yield
      }) : () -> ()
    } else {
    }
    %eq3A = arith.constant 15 : i32
    %eq3A_5 = arith.cmpi eq, %arg1, %eq3A : i32
    %convert_element_type3A_6 = arith.extui %eq3A_5 : i1 to i32
    %cond3A_7 = arith.constant 0 : i32
    %cond3A_8 = arith.cmpi ne, %convert_element_type3A_6, %cond3A_7 : i32
    scf.if %cond3A_8 {
      "tpu.region"() ({
        %run_scoped3A = tpu.sem_alloc : memref<!tpu.dma_semaphore, #tpu.memory_space<semaphore_mem>>
        %dma_start3A_67 = arith.constant 0 : i32
        %dma_start3A_68 = tpu.memref_slice %arg15[%multiple_of3A, %dma_start3A_67] : memref<10000x128xf32, #tpu.memory_space<vmem_shared>> -> memref<520x128xf32, #tpu.memory_space<vmem_shared>>
        %dma_start3A_69 = arith.constant 0 : i32
        %dma_start3A_70 = arith.constant 0 : i32
        %dma_start3A_71 = tpu.memref_slice %arg5[%dma_start3A_69, %dma_start3A_70] : memref<632x128xf32, #tpu.memory_space<hbm>> -> memref<520x128xf32, #tpu.memory_space<hbm>>
        tpu.enqueue_dma source(%dma_start3A_71 : memref<520x128xf32, #tpu.memory_space<hbm>>) target(%dma_start3A_68 : memref<520x128xf32, #tpu.memory_space<vmem_shared>>) target_semaphore(%run_scoped3A : memref<!tpu.dma_semaphore, #tpu.memory_space<semaphore_mem>>)
        %dma_wait3A_72 = arith.constant 0 : i32
        %dma_wait3A_73 = tpu.memref_slice %arg15[%multiple_of3A, %dma_wait3A_72] : memref<10000x128xf32, #tpu.memory_space<vmem_shared>> -> memref<520x128xf32, #tpu.memory_space<vmem_shared>>
        %dma_wait3A_74 = arith.constant 0 : i32
        %dma_wait3A_75 = arith.constant 0 : i32
        %dma_wait3A_76 = tpu.memref_slice %arg5[%dma_wait3A_74, %dma_wait3A_75] : memref<632x128xf32, #tpu.memory_space<hbm>> -> memref<520x128xf32, #tpu.memory_space<hbm>>
        tpu.wait_dma2 semaphore(%run_scoped3A : memref<!tpu.dma_semaphore, #tpu.memory_space<semaphore_mem>>) src(%dma_wait3A_76 : memref<520x128xf32, #tpu.memory_space<hbm>>) dst(%dma_wait3A_73 : memref<520x128xf32, #tpu.memory_space<vmem_shared>>)
        tpu.yield
      }) : () -> ()
    } else {
    }
    %mul3A_9 = arith.constant 10000 : i32
    %mul3A_10 = arith.muli %add3A, %mul3A_9 : i32
    %multiple_of3A_11 = tpu.assume_multiple %mul3A_10, 8 : i32
    "tpu.region"() ({
      %run_scoped3A = tpu.sem_alloc : memref<!tpu.dma_semaphore, #tpu.memory_space<semaphore_mem>>
      %dma_start3A_67 = tpu.memref_slice %arg3[%multiple_of3A_11] : memref<320000xi32, #tpu.memory_space<hbm>> -> memref<10000xi32, #tpu.memory_space<hbm>>
      %dma_start3A_68 = tpu.memref_slice %arg3[%multiple_of3A_11] : memref<320000xi32, #tpu.memory_space<hbm>> -> memref<10000xi32, #tpu.memory_space<hbm>>
      tpu.enqueue_dma source(%dma_start3A_68 : memref<10000xi32, #tpu.memory_space<hbm>>) target(%arg7 : memref<10000xi32, #tpu.memory_space<vmem>>) target_semaphore(%run_scoped3A : memref<!tpu.dma_semaphore, #tpu.memory_space<semaphore_mem>>)
      %dma_wait3A_69 = tpu.memref_slice %arg3[%multiple_of3A_11] : memref<320000xi32, #tpu.memory_space<hbm>> -> memref<10000xi32, #tpu.memory_space<hbm>>
      %dma_wait3A_70 = tpu.memref_slice %arg3[%multiple_of3A_11] : memref<320000xi32, #tpu.memory_space<hbm>> -> memref<10000xi32, #tpu.memory_space<hbm>>
      tpu.wait_dma2 semaphore(%run_scoped3A : memref<!tpu.dma_semaphore, #tpu.memory_space<semaphore_mem>>) src(%dma_wait3A_70 : memref<10000xi32, #tpu.memory_space<hbm>>) dst(%arg7 : memref<10000xi32, #tpu.memory_space<vmem>>)
      tpu.yield
    }) : () -> ()
    "tpu.region"() ({
      %run_scoped3A = tpu.sem_alloc : memref<!tpu.dma_semaphore, #tpu.memory_space<semaphore_mem>>
      %dma_start3A_67 = arith.constant 0 : i32
      %dma_start3A_68 = arith.constant 0 : i32
      %dma_start3A_69 = tpu.memref_slice %arg4[%add3A, %dma_start3A_67, %dma_start3A_68] : memref<32x125x80xi32, #tpu.memory_space<hbm>> -> memref<1x125x80xi32, #tpu.memory_space<hbm>>
      %dma_start3A_70 = tpu.memref_squeeze %dma_start3A_69 : memref<1x125x80xi32, #tpu.memory_space<hbm>> -> memref<125x80xi32, #tpu.memory_space<hbm>>
      %dma_start3A_71 = arith.constant 0 : i32
      %dma_start3A_72 = arith.constant 0 : i32
      %dma_start3A_73 = tpu.memref_slice %arg4[%add3A, %dma_start3A_71, %dma_start3A_72] : memref<32x125x80xi32, #tpu.memory_space<hbm>> -> memref<1x125x80xi32, #tpu.memory_space<hbm>>
      %dma_start3A_74 = tpu.memref_squeeze %dma_start3A_73 : memref<1x125x80xi32, #tpu.memory_space<hbm>> -> memref<125x80xi32, #tpu.memory_space<hbm>>
      tpu.enqueue_dma source(%dma_start3A_74 : memref<125x80xi32, #tpu.memory_space<hbm>>) target(%arg8 : memref<125x80xi32, #tpu.memory_space<vmem>>) target_semaphore(%run_scoped3A : memref<!tpu.dma_semaphore, #tpu.memory_space<semaphore_mem>>)
      %dma_wait3A_75 = arith.constant 0 : i32
      %dma_wait3A_76 = arith.constant 0 : i32
      %dma_wait3A_77 = tpu.memref_slice %arg4[%add3A, %dma_wait3A_75, %dma_wait3A_76] : memref<32x125x80xi32, #tpu.memory_space<hbm>> -> memref<1x125x80xi32, #tpu.memory_space<hbm>>
      %dma_wait3A_78 = tpu.memref_squeeze %dma_wait3A_77 : memref<1x125x80xi32, #tpu.memory_space<hbm>> -> memref<125x80xi32, #tpu.memory_space<hbm>>
      %dma_wait3A_79 = arith.constant 0 : i32
      %dma_wait3A_80 = arith.constant 0 : i32
      %dma_wait3A_81 = tpu.memref_slice %arg4[%add3A, %dma_wait3A_79, %dma_wait3A_80] : memref<32x125x80xi32, #tpu.memory_space<hbm>> -> memref<1x125x80xi32, #tpu.memory_space<hbm>>
      %dma_wait3A_82 = tpu.memref_squeeze %dma_wait3A_81 : memref<1x125x80xi32, #tpu.memory_space<hbm>> -> memref<125x80xi32, #tpu.memory_space<hbm>>
      tpu.wait_dma2 semaphore(%run_scoped3A : memref<!tpu.dma_semaphore, #tpu.memory_space<semaphore_mem>>) src(%dma_wait3A_82 : memref<125x80xi32, #tpu.memory_space<hbm>>) dst(%arg8 : memref<125x80xi32, #tpu.memory_space<vmem>>)
      tpu.yield
    }) : () -> ()
    %barrier3A = arith.constant 0 : index
    tpu.barrier barrier_id(%barrier3A)
    %multiple_of3A_12 = arith.constant 0 : i32
    %multiple_of3A_13 = tpu.assume_multiple %multiple_of3A_12, 8 : i32
    %dma_start3A = tpu.memref_slice %arg7[%multiple_of3A_13] : memref<10000xi32, #tpu.memory_space<vmem>> -> memref<80xi32, #tpu.memory_space<vmem>>
    %dma_start3A_14 = arith.constant 0 : i32
    %dma_start3A_15 = arith.constant 0 : i32
    %dma_start3A_16 = tpu.memref_slice %arg2[%dma_start3A_14, %dma_start3A_15] : memref<10000x128xf32, #tpu.memory_space<hbm>> -> memref<10000x128xf32, #tpu.memory_space<hbm>>
    tpu.enqueue_indirect_dma source(%dma_start3A_16 : memref<10000x128xf32, #tpu.memory_space<hbm>>) target(%arg9 : memref<80x128xf32, #tpu.memory_space<vmem>>) offsets(%dma_start3A : memref<80xi32, #tpu.memory_space<vmem>>) semaphore(%arg11 : memref<!tpu.dma_semaphore, #tpu.memory_space<semaphore_mem>>)
    %multiple_of3A_17 = arith.constant 80 : i32
    %multiple_of3A_18 = tpu.assume_multiple %multiple_of3A_17, 8 : i32
    %dma_start3A_19 = tpu.memref_slice %arg7[%multiple_of3A_18] : memref<10000xi32, #tpu.memory_space<vmem>> -> memref<80xi32, #tpu.memory_space<vmem>>
    %dma_start3A_20 = arith.constant 0 : i32
    %dma_start3A_21 = arith.constant 0 : i32
    %dma_start3A_22 = tpu.memref_slice %arg2[%dma_start3A_20, %dma_start3A_21] : memref<10000x128xf32, #tpu.memory_space<hbm>> -> memref<10000x128xf32, #tpu.memory_space<hbm>>
    tpu.enqueue_indirect_dma source(%dma_start3A_22 : memref<10000x128xf32, #tpu.memory_space<hbm>>) target(%arg10 : memref<80x128xf32, #tpu.memory_space<vmem>>) offsets(%dma_start3A_19 : memref<80xi32, #tpu.memory_space<vmem>>) semaphore(%arg12 : memref<!tpu.dma_semaphore, #tpu.memory_space<semaphore_mem>>)
    %scan3A = arith.constant 0 : i32
    %scan3A_23 = arith.constant 0 : i32
    %scan3A_24 = arith.constant 62 : i32
    %scan3A_25 = arith.addi %scan3A_23, %scan3A_24 : i32
    %scan3A_26 = arith.constant 1 : i32
    scf.for %scan3A_67 = %scan3A_23 to %scan3A_25 step %scan3A_26  : i32 {
      %mul3A_68 = arith.constant 2 : i32
      %mul3A_69 = arith.muli %mul3A_68, %scan3A_67 : i32
      %mul3A_70 = arith.constant 2 : i32
      %mul3A_71 = arith.muli %mul3A_70, %scan3A_67 : i32
      %add3A_72 = arith.constant 1 : i32
      %add3A_73 = arith.addi %mul3A_71, %add3A_72 : i32
      %mul3A_74 = arith.constant 80 : i32
      %mul3A_75 = arith.muli %mul3A_69, %mul3A_74 : i32
      %multiple_of3A_76 = tpu.assume_multiple %mul3A_75, 8 : i32
      %dma_wait3A_77 = tpu.memref_slice %arg7[%multiple_of3A_76] : memref<10000xi32, #tpu.memory_space<vmem>> -> memref<80xi32, #tpu.memory_space<vmem>>
      %dma_wait3A_78 = arith.constant 0 : i32
      %dma_wait3A_79 = arith.constant 0 : i32
      %dma_wait3A_80 = tpu.memref_slice %arg2[%dma_wait3A_78, %dma_wait3A_79] : memref<10000x128xf32, #tpu.memory_space<hbm>> -> memref<10000x128xf32, #tpu.memory_space<hbm>>
      tpu.wait_indirect_dma semaphore(%arg11 : memref<!tpu.dma_semaphore, #tpu.memory_space<semaphore_mem>>) src(%dma_wait3A_80 : memref<10000x128xf32, #tpu.memory_space<hbm>>) dst(%arg9 : memref<80x128xf32, #tpu.memory_space<vmem>>)
      %dma_start3A_81 = arith.constant 0 : i32
      %dma_start3A_82 = tpu.memref_slice %arg8[%mul3A_69, %dma_start3A_81] : memref<125x80xi32, #tpu.memory_space<vmem>> -> memref<1x80xi32, #tpu.memory_space<vmem>>
      %dma_start3A_83 = tpu.memref_squeeze %dma_start3A_82 : memref<1x80xi32, #tpu.memory_space<vmem>> -> memref<80xi32, #tpu.memory_space<vmem>>
      %dma_start3A_84 = arith.constant 0 : i32
      %dma_start3A_85 = arith.constant 0 : i32
      %dma_start3A_86 = tpu.memref_slice %arg15[%dma_start3A_84, %dma_start3A_85] : memref<10000x128xf32, #tpu.memory_space<vmem_shared>> -> memref<10000x128xf32, #tpu.memory_space<vmem_shared>>
      tpu.enqueue_indirect_dma source(%arg9 : memref<80x128xf32, #tpu.memory_space<vmem>>) target(%dma_start3A_86 : memref<10000x128xf32, #tpu.memory_space<vmem_shared>>) offsets(%dma_start3A_83 : memref<80xi32, #tpu.memory_space<vmem>>) semaphore(%arg13 : memref<!tpu.dma_semaphore, #tpu.memory_space<semaphore_mem>>) {add = true}
      %mul3A_87 = arith.constant 80 : i32
      %mul3A_88 = arith.muli %add3A_73, %mul3A_87 : i32
      %multiple_of3A_89 = tpu.assume_multiple %mul3A_88, 8 : i32
      %dma_wait3A_90 = tpu.memref_slice %arg7[%multiple_of3A_89] : memref<10000xi32, #tpu.memory_space<vmem>> -> memref<80xi32, #tpu.memory_space<vmem>>
      %dma_wait3A_91 = arith.constant 0 : i32
      %dma_wait3A_92 = arith.constant 0 : i32
      %dma_wait3A_93 = tpu.memref_slice %arg2[%dma_wait3A_91, %dma_wait3A_92] : memref<10000x128xf32, #tpu.memory_space<hbm>> -> memref<10000x128xf32, #tpu.memory_space<hbm>>
      tpu.wait_indirect_dma semaphore(%arg12 : memref<!tpu.dma_semaphore, #tpu.memory_space<semaphore_mem>>) src(%dma_wait3A_93 : memref<10000x128xf32, #tpu.memory_space<hbm>>) dst(%arg10 : memref<80x128xf32, #tpu.memory_space<vmem>>)
      %dma_start3A_94 = arith.constant 0 : i32
      %dma_start3A_95 = tpu.memref_slice %arg8[%add3A_73, %dma_start3A_94] : memref<125x80xi32, #tpu.memory_space<vmem>> -> memref<1x80xi32, #tpu.memory_space<vmem>>
      %dma_start3A_96 = tpu.memref_squeeze %dma_start3A_95 : memref<1x80xi32, #tpu.memory_space<vmem>> -> memref<80xi32, #tpu.memory_space<vmem>>
      %dma_start3A_97 = arith.constant 0 : i32
      %dma_start3A_98 = arith.constant 0 : i32
      %dma_start3A_99 = tpu.memref_slice %arg15[%dma_start3A_97, %dma_start3A_98] : memref<10000x128xf32, #tpu.memory_space<vmem_shared>> -> memref<10000x128xf32, #tpu.memory_space<vmem_shared>>
      tpu.enqueue_indirect_dma source(%arg10 : memref<80x128xf32, #tpu.memory_space<vmem>>) target(%dma_start3A_99 : memref<10000x128xf32, #tpu.memory_space<vmem_shared>>) offsets(%dma_start3A_96 : memref<80xi32, #tpu.memory_space<vmem>>) semaphore(%arg14 : memref<!tpu.dma_semaphore, #tpu.memory_space<semaphore_mem>>) {add = true}
      %dma_wait3A_100 = arith.constant 0 : i32
      %dma_wait3A_101 = tpu.memref_slice %arg8[%mul3A_69, %dma_wait3A_100] : memref<125x80xi32, #tpu.memory_space<vmem>> -> memref<1x80xi32, #tpu.memory_space<vmem>>
      %dma_wait3A_102 = tpu.memref_squeeze %dma_wait3A_101 : memref<1x80xi32, #tpu.memory_space<vmem>> -> memref<80xi32, #tpu.memory_space<vmem>>
      %dma_wait3A_103 = arith.constant 0 : i32
      %dma_wait3A_104 = arith.constant 0 : i32
      %dma_wait3A_105 = tpu.memref_slice %arg15[%dma_wait3A_103, %dma_wait3A_104] : memref<10000x128xf32, #tpu.memory_space<vmem_shared>> -> memref<10000x128xf32, #tpu.memory_space<vmem_shared>>
      tpu.wait_indirect_dma semaphore(%arg13 : memref<!tpu.dma_semaphore, #tpu.memory_space<semaphore_mem>>) src(%arg9 : memref<80x128xf32, #tpu.memory_space<vmem>>) dst(%dma_wait3A_105 : memref<10000x128xf32, #tpu.memory_space<vmem_shared>>)
      %add3A_106 = arith.constant 2 : i32
      %add3A_107 = arith.addi %mul3A_69, %add3A_106 : i32
      %lt3A_108 = arith.constant 125 : i32
      %lt3A_109 = arith.cmpi slt, %add3A_107, %lt3A_108 : i32
      %convert_element_type3A_110 = arith.extui %lt3A_109 : i1 to i32
      %cond3A_111 = arith.constant 0 : i32
      %cond3A_112 = arith.cmpi ne, %convert_element_type3A_110, %cond3A_111 : i32
      scf.if %cond3A_112 {
        %add3A_126 = arith.constant 2 : i32
        %add3A_127 = arith.addi %mul3A_69, %add3A_126 : i32
        %mul3A_128 = arith.constant 80 : i32
        %mul3A_129 = arith.muli %add3A_127, %mul3A_128 : i32
        %multiple_of3A_130 = tpu.assume_multiple %mul3A_129, 8 : i32
        %dma_start3A_131 = tpu.memref_slice %arg7[%multiple_of3A_130] : memref<10000xi32, #tpu.memory_space<vmem>> -> memref<80xi32, #tpu.memory_space<vmem>>
        %dma_start3A_132 = arith.constant 0 : i32
        %dma_start3A_133 = arith.constant 0 : i32
        %dma_start3A_134 = tpu.memref_slice %arg2[%dma_start3A_132, %dma_start3A_133] : memref<10000x128xf32, #tpu.memory_space<hbm>> -> memref<10000x128xf32, #tpu.memory_space<hbm>>
        tpu.enqueue_indirect_dma source(%dma_start3A_134 : memref<10000x128xf32, #tpu.memory_space<hbm>>) target(%arg9 : memref<80x128xf32, #tpu.memory_space<vmem>>) offsets(%dma_start3A_131 : memref<80xi32, #tpu.memory_space<vmem>>) semaphore(%arg11 : memref<!tpu.dma_semaphore, #tpu.memory_space<semaphore_mem>>)
      } else {
      }
      %dma_wait3A_113 = arith.constant 0 : i32
      %dma_wait3A_114 = tpu.memref_slice %arg8[%add3A_73, %dma_wait3A_113] : memref<125x80xi32, #tpu.memory_space<vmem>> -> memref<1x80xi32, #tpu.memory_space<vmem>>
      %dma_wait3A_115 = tpu.memref_squeeze %dma_wait3A_114 : memref<1x80xi32, #tpu.memory_space<vmem>> -> memref<80xi32, #tpu.memory_space<vmem>>
      %dma_wait3A_116 = arith.constant 0 : i32
      %dma_wait3A_117 = arith.constant 0 : i32
      %dma_wait3A_118 = tpu.memref_slice %arg15[%dma_wait3A_116, %dma_wait3A_117] : memref<10000x128xf32, #tpu.memory_space<vmem_shared>> -> memref<10000x128xf32, #tpu.memory_space<vmem_shared>>
      tpu.wait_indirect_dma semaphore(%arg14 : memref<!tpu.dma_semaphore, #tpu.memory_space<semaphore_mem>>) src(%arg10 : memref<80x128xf32, #tpu.memory_space<vmem>>) dst(%dma_wait3A_118 : memref<10000x128xf32, #tpu.memory_space<vmem_shared>>)
      %add3A_119 = arith.constant 2 : i32
      %add3A_120 = arith.addi %add3A_73, %add3A_119 : i32
      %lt3A_121 = arith.constant 125 : i32
      %lt3A_122 = arith.cmpi slt, %add3A_120, %lt3A_121 : i32
      %convert_element_type3A_123 = arith.extui %lt3A_122 : i1 to i32
      %cond3A_124 = arith.constant 0 : i32
      %cond3A_125 = arith.cmpi ne, %convert_element_type3A_123, %cond3A_124 : i32
      scf.if %cond3A_125 {
        %add3A_126 = arith.constant 2 : i32
        %add3A_127 = arith.addi %add3A_73, %add3A_126 : i32
        %mul3A_128 = arith.constant 80 : i32
        %mul3A_129 = arith.muli %add3A_127, %mul3A_128 : i32
        %multiple_of3A_130 = tpu.assume_multiple %mul3A_129, 8 : i32
        %dma_start3A_131 = tpu.memref_slice %arg7[%multiple_of3A_130] : memref<10000xi32, #tpu.memory_space<vmem>> -> memref<80xi32, #tpu.memory_space<vmem>>
        %dma_start3A_132 = arith.constant 0 : i32
        %dma_start3A_133 = arith.constant 0 : i32
        %dma_start3A_134 = tpu.memref_slice %arg2[%dma_start3A_132, %dma_start3A_133] : memref<10000x128xf32, #tpu.memory_space<hbm>> -> memref<10000x128xf32, #tpu.memory_space<hbm>>
        tpu.enqueue_indirect_dma source(%dma_start3A_134 : memref<10000x128xf32, #tpu.memory_space<hbm>>) target(%arg10 : memref<80x128xf32, #tpu.memory_space<vmem>>) offsets(%dma_start3A_131 : memref<80xi32, #tpu.memory_space<vmem>>) semaphore(%arg12 : memref<!tpu.dma_semaphore, #tpu.memory_space<semaphore_mem>>)
      } else {
      }
    }
    %scan3A_27 = arith.constant 62 : i32
    %multiple_of3A_28 = arith.constant 9920 : i32
    %multiple_of3A_29 = tpu.assume_multiple %multiple_of3A_28, 8 : i32
    %dma_wait3A = tpu.memref_slice %arg7[%multiple_of3A_29] : memref<10000xi32, #tpu.memory_space<vmem>> -> memref<80xi32, #tpu.memory_space<vmem>>
    %dma_wait3A_30 = arith.constant 0 : i32
    %dma_wait3A_31 = arith.constant 0 : i32
    %dma_wait3A_32 = tpu.memref_slice %arg2[%dma_wait3A_30, %dma_wait3A_31] : memref<10000x128xf32, #tpu.memory_space<hbm>> -> memref<10000x128xf32, #tpu.memory_space<hbm>>
    tpu.wait_indirect_dma semaphore(%arg11 : memref<!tpu.dma_semaphore, #tpu.memory_space<semaphore_mem>>) src(%dma_wait3A_32 : memref<10000x128xf32, #tpu.memory_space<hbm>>) dst(%arg9 : memref<80x128xf32, #tpu.memory_space<vmem>>)
    %dma_start3A_33 = arith.constant 124 : i32
    %dma_start3A_34 = arith.constant 0 : i32
    %dma_start3A_35 = tpu.memref_slice %arg8[%dma_start3A_33, %dma_start3A_34] : memref<125x80xi32, #tpu.memory_space<vmem>> -> memref<1x80xi32, #tpu.memory_space<vmem>>
    %dma_start3A_36 = tpu.memref_squeeze %dma_start3A_35 : memref<1x80xi32, #tpu.memory_space<vmem>> -> memref<80xi32, #tpu.memory_space<vmem>>
    %dma_start3A_37 = arith.constant 0 : i32
    %dma_start3A_38 = arith.constant 0 : i32
    %dma_start3A_39 = tpu.memref_slice %arg15[%dma_start3A_37, %dma_start3A_38] : memref<10000x128xf32, #tpu.memory_space<vmem_shared>> -> memref<10000x128xf32, #tpu.memory_space<vmem_shared>>
    tpu.enqueue_indirect_dma source(%arg9 : memref<80x128xf32, #tpu.memory_space<vmem>>) target(%dma_start3A_39 : memref<10000x128xf32, #tpu.memory_space<vmem_shared>>) offsets(%dma_start3A_36 : memref<80xi32, #tpu.memory_space<vmem>>) semaphore(%arg13 : memref<!tpu.dma_semaphore, #tpu.memory_space<semaphore_mem>>) {add = true}
    %dma_wait3A_40 = arith.constant 124 : i32
    %dma_wait3A_41 = arith.constant 0 : i32
    %dma_wait3A_42 = tpu.memref_slice %arg8[%dma_wait3A_40, %dma_wait3A_41] : memref<125x80xi32, #tpu.memory_space<vmem>> -> memref<1x80xi32, #tpu.memory_space<vmem>>
    %dma_wait3A_43 = tpu.memref_squeeze %dma_wait3A_42 : memref<1x80xi32, #tpu.memory_space<vmem>> -> memref<80xi32, #tpu.memory_space<vmem>>
    %dma_wait3A_44 = arith.constant 0 : i32
    %dma_wait3A_45 = arith.constant 0 : i32
    %dma_wait3A_46 = tpu.memref_slice %arg15[%dma_wait3A_44, %dma_wait3A_45] : memref<10000x128xf32, #tpu.memory_space<vmem_shared>> -> memref<10000x128xf32, #tpu.memory_space<vmem_shared>>
    tpu.wait_indirect_dma semaphore(%arg13 : memref<!tpu.dma_semaphore, #tpu.memory_space<semaphore_mem>>) src(%arg9 : memref<80x128xf32, #tpu.memory_space<vmem>>) dst(%dma_wait3A_46 : memref<10000x128xf32, #tpu.memory_space<vmem_shared>>)
    %barrier3A_47 = arith.constant 0 : index
    tpu.barrier barrier_id(%barrier3A_47)
    %mul3A_48 = arith.constant 632 : i32
    %mul3A_49 = arith.muli %arg1, %mul3A_48 : i32
    %multiple_of3A_50 = tpu.assume_multiple %mul3A_49, 8 : i32
    %mul3A_51 = arith.constant 10000 : i32
    %mul3A_52 = arith.muli %arg0, %mul3A_51 : i32
    %mul3A_53 = arith.constant 632 : i32
    %mul3A_54 = arith.muli %arg1, %mul3A_53 : i32
    %add3A_55 = arith.addi %mul3A_52, %mul3A_54 : i32
    %multiple_of3A_56 = tpu.assume_multiple %add3A_55, 8 : i32
    %lt3A_57 = arith.constant 15 : i32
    %lt3A_58 = arith.cmpi slt, %arg1, %lt3A_57 : i32
    %convert_element_type3A_59 = arith.extui %lt3A_58 : i1 to i32
    %cond3A_60 = arith.constant 0 : i32
    %cond3A_61 = arith.cmpi ne, %convert_element_type3A_59, %cond3A_60 : i32
    scf.if %cond3A_61 {
      "tpu.region"() ({
        %run_scoped3A = tpu.sem_alloc : memref<!tpu.dma_semaphore, #tpu.memory_space<semaphore_mem>>
        %dma_start3A_67 = arith.constant 0 : i32
        %dma_start3A_68 = tpu.memref_slice %arg6[%multiple_of3A_56, %dma_start3A_67] : memref<20000x128xf32, #tpu.memory_space<hbm>> -> memref<632x128xf32, #tpu.memory_space<hbm>>
        %dma_start3A_69 = arith.constant 0 : i32
        %dma_start3A_70 = tpu.memref_slice %arg15[%multiple_of3A_50, %dma_start3A_69] : memref<10000x128xf32, #tpu.memory_space<vmem_shared>> -> memref<632x128xf32, #tpu.memory_space<vmem_shared>>
        tpu.enqueue_dma source(%dma_start3A_70 : memref<632x128xf32, #tpu.memory_space<vmem_shared>>) target(%dma_start3A_68 : memref<632x128xf32, #tpu.memory_space<hbm>>) target_semaphore(%run_scoped3A : memref<!tpu.dma_semaphore, #tpu.memory_space<semaphore_mem>>)
        %dma_wait3A_71 = arith.constant 0 : i32
        %dma_wait3A_72 = tpu.memref_slice %arg6[%multiple_of3A_56, %dma_wait3A_71] : memref<20000x128xf32, #tpu.memory_space<hbm>> -> memref<632x128xf32, #tpu.memory_space<hbm>>
        %dma_wait3A_73 = arith.constant 0 : i32
        %dma_wait3A_74 = tpu.memref_slice %arg15[%multiple_of3A_50, %dma_wait3A_73] : memref<10000x128xf32, #tpu.memory_space<vmem_shared>> -> memref<632x128xf32, #tpu.memory_space<vmem_shared>>
        tpu.wait_dma2 semaphore(%run_scoped3A : memref<!tpu.dma_semaphore, #tpu.memory_space<semaphore_mem>>) src(%dma_wait3A_74 : memref<632x128xf32, #tpu.memory_space<vmem_shared>>) dst(%dma_wait3A_72 : memref<632x128xf32, #tpu.memory_space<hbm>>)
        tpu.yield
      }) : () -> ()
    } else {
    }
    %eq3A_62 = arith.constant 15 : i32
    %eq3A_63 = arith.cmpi eq, %arg1, %eq3A_62 : i32
    %convert_element_type3A_64 = arith.extui %eq3A_63 : i1 to i32
    %cond3A_65 = arith.constant 0 : i32
    %cond3A_66 = arith.cmpi ne, %convert_element_type3A_64, %cond3A_65 : i32
    scf.if %cond3A_66 {
      "tpu.region"() ({
        %run_scoped3A = tpu.sem_alloc : memref<!tpu.dma_semaphore, #tpu.memory_space<semaphore_mem>>
        %dma_start3A_67 = arith.constant 0 : i32
        %dma_start3A_68 = tpu.memref_slice %arg6[%multiple_of3A_56, %dma_start3A_67] : memref<20000x128xf32, #tpu.memory_space<hbm>> -> memref<520x128xf32, #tpu.memory_space<hbm>>
        %dma_start3A_69 = arith.constant 0 : i32
        %dma_start3A_70 = tpu.memref_slice %arg15[%multiple_of3A_50, %dma_start3A_69] : memref<10000x128xf32, #tpu.memory_space<vmem_shared>> -> memref<520x128xf32, #tpu.memory_space<vmem_shared>>
        tpu.enqueue_dma source(%dma_start3A_70 : memref<520x128xf32, #tpu.memory_space<vmem_shared>>) target(%dma_start3A_68 : memref<520x128xf32, #tpu.memory_space<hbm>>) target_semaphore(%run_scoped3A : memref<!tpu.dma_semaphore, #tpu.memory_space<semaphore_mem>>)
        %dma_wait3A_71 = arith.constant 0 : i32
        %dma_wait3A_72 = tpu.memref_slice %arg6[%multiple_of3A_56, %dma_wait3A_71] : memref<20000x128xf32, #tpu.memory_space<hbm>> -> memref<520x128xf32, #tpu.memory_space<hbm>>
        %dma_wait3A_73 = arith.constant 0 : i32
        %dma_wait3A_74 = tpu.memref_slice %arg15[%multiple_of3A_50, %dma_wait3A_73] : memref<10000x128xf32, #tpu.memory_space<vmem_shared>> -> memref<520x128xf32, #tpu.memory_space<vmem_shared>>
        tpu.wait_dma2 semaphore(%run_scoped3A : memref<!tpu.dma_semaphore, #tpu.memory_space<semaphore_mem>>) src(%dma_wait3A_74 : memref<520x128xf32, #tpu.memory_space<vmem_shared>>) dst(%dma_wait3A_72 : memref<520x128xf32, #tpu.memory_space<hbm>>)
        tpu.yield
      }) : () -> ()
    } else {
    }
    return
  }
}

#map = affine_map<(d0, d1) -> (0, 0, 0)>
#map1 = affine_map<(d0, d1) -> (0, 0)>
module attributes {stable_mosaic.version = 14 : i64} {
  func.func @body(%arg0: i32, %arg1: i32, %arg2: memref<32x125x80xi32, #tpu.memory_space<hbm>>, %arg3: memref<80x128xf32, #tpu.memory_space<hbm>>, %arg4: memref<632x128xf32, #tpu.memory_space<hbm>>, %arg5: memref<20000x128xf32, #tpu.memory_space<hbm>>, %arg6: memref<125x80xi32, #tpu.memory_space<vmem>>, %arg7: memref<80x128xf32, #tpu.memory_space<vmem>>, %arg8: memref<10000x128xf32, #tpu.memory_space<vmem_shared>>, %arg9: memref<!tpu.dma_semaphore, #tpu.memory_space<semaphore_mem>>, %arg10: memref<!tpu.dma_semaphore, #tpu.memory_space<semaphore_mem>>) attributes {dimension_semantics = [#tpu.dimension_semantics<core_parallel>, #tpu.dimension_semantics<subcore_parallel>], iteration_bounds = array<i64: 2, 16>, scalar_prefetch = 0 : i64, scratch_operands = 5 : i64, tpu.core_type = #tpu.core_type<sc_vector_subcore>, window_params = [{transform_indices = #map}, {transform_indices = #map1}, {transform_indices = #map1}, {transform_indices = #map1}]} {
    %mul3A = arith.constant 16 : i32
    %mul3A_0 = arith.muli %arg0, %mul3A : i32
    %add3A = arith.addi %mul3A_0, %arg1 : i32
    %mul3A_1 = arith.constant 632 : i32
    %mul3A_2 = arith.muli %arg1, %mul3A_1 : i32
    %multiple_of3A = tpu.assume_multiple %mul3A_2, 8 : i32
    %lt3A = arith.constant 15 : i32
    %lt3A_3 = arith.cmpi slt, %arg1, %lt3A : i32
    %convert_element_type3A = arith.extui %lt3A_3 : i1 to i32
    %cond3A = arith.constant 0 : i32
    %cond3A_4 = arith.cmpi ne, %convert_element_type3A, %cond3A : i32
    scf.if %cond3A_4 {
      "tpu.region"() ({
        %run_scoped3A = tpu.sem_alloc : memref<!tpu.dma_semaphore, #tpu.memory_space<semaphore_mem>>
        %dma_start3A_53 = arith.constant 0 : i32
        %dma_start3A_54 = tpu.memref_slice %arg8[%multiple_of3A, %dma_start3A_53] : memref<10000x128xf32, #tpu.memory_space<vmem_shared>> -> memref<632x128xf32, #tpu.memory_space<vmem_shared>>
        tpu.enqueue_dma source(%arg4 : memref<632x128xf32, #tpu.memory_space<hbm>>) target(%dma_start3A_54 : memref<632x128xf32, #tpu.memory_space<vmem_shared>>) target_semaphore(%run_scoped3A : memref<!tpu.dma_semaphore, #tpu.memory_space<semaphore_mem>>)
        %dma_wait3A_55 = arith.constant 0 : i32
        %dma_wait3A_56 = tpu.memref_slice %arg8[%multiple_of3A, %dma_wait3A_55] : memref<10000x128xf32, #tpu.memory_space<vmem_shared>> -> memref<632x128xf32, #tpu.memory_space<vmem_shared>>
        tpu.wait_dma2 semaphore(%run_scoped3A : memref<!tpu.dma_semaphore, #tpu.memory_space<semaphore_mem>>) src(%arg4 : memref<632x128xf32, #tpu.memory_space<hbm>>) dst(%dma_wait3A_56 : memref<632x128xf32, #tpu.memory_space<vmem_shared>>)
        tpu.yield
      }) : () -> ()
    } else {
    }
    %eq3A = arith.constant 15 : i32
    %eq3A_5 = arith.cmpi eq, %arg1, %eq3A : i32
    %convert_element_type3A_6 = arith.extui %eq3A_5 : i1 to i32
    %cond3A_7 = arith.constant 0 : i32
    %cond3A_8 = arith.cmpi ne, %convert_element_type3A_6, %cond3A_7 : i32
    scf.if %cond3A_8 {
      "tpu.region"() ({
        %run_scoped3A = tpu.sem_alloc : memref<!tpu.dma_semaphore, #tpu.memory_space<semaphore_mem>>
        %dma_start3A_53 = arith.constant 0 : i32
        %dma_start3A_54 = tpu.memref_slice %arg8[%multiple_of3A, %dma_start3A_53] : memref<10000x128xf32, #tpu.memory_space<vmem_shared>> -> memref<520x128xf32, #tpu.memory_space<vmem_shared>>
        %dma_start3A_55 = arith.constant 0 : i32
        %dma_start3A_56 = arith.constant 0 : i32
        %dma_start3A_57 = tpu.memref_slice %arg4[%dma_start3A_55, %dma_start3A_56] : memref<632x128xf32, #tpu.memory_space<hbm>> -> memref<520x128xf32, #tpu.memory_space<hbm>>
        tpu.enqueue_dma source(%dma_start3A_57 : memref<520x128xf32, #tpu.memory_space<hbm>>) target(%dma_start3A_54 : memref<520x128xf32, #tpu.memory_space<vmem_shared>>) target_semaphore(%run_scoped3A : memref<!tpu.dma_semaphore, #tpu.memory_space<semaphore_mem>>)
        %dma_wait3A_58 = arith.constant 0 : i32
        %dma_wait3A_59 = tpu.memref_slice %arg8[%multiple_of3A, %dma_wait3A_58] : memref<10000x128xf32, #tpu.memory_space<vmem_shared>> -> memref<520x128xf32, #tpu.memory_space<vmem_shared>>
        %dma_wait3A_60 = arith.constant 0 : i32
        %dma_wait3A_61 = arith.constant 0 : i32
        %dma_wait3A_62 = tpu.memref_slice %arg4[%dma_wait3A_60, %dma_wait3A_61] : memref<632x128xf32, #tpu.memory_space<hbm>> -> memref<520x128xf32, #tpu.memory_space<hbm>>
        tpu.wait_dma2 semaphore(%run_scoped3A : memref<!tpu.dma_semaphore, #tpu.memory_space<semaphore_mem>>) src(%dma_wait3A_62 : memref<520x128xf32, #tpu.memory_space<hbm>>) dst(%dma_wait3A_59 : memref<520x128xf32, #tpu.memory_space<vmem_shared>>)
        tpu.yield
      }) : () -> ()
    } else {
    }
    "tpu.region"() ({
      %run_scoped3A = tpu.sem_alloc : memref<!tpu.dma_semaphore, #tpu.memory_space<semaphore_mem>>
      %dma_start3A_53 = arith.constant 0 : i32
      %dma_start3A_54 = arith.constant 0 : i32
      %dma_start3A_55 = tpu.memref_slice %arg2[%add3A, %dma_start3A_53, %dma_start3A_54] : memref<32x125x80xi32, #tpu.memory_space<hbm>> -> memref<1x125x80xi32, #tpu.memory_space<hbm>>
      %dma_start3A_56 = tpu.memref_squeeze %dma_start3A_55 : memref<1x125x80xi32, #tpu.memory_space<hbm>> -> memref<125x80xi32, #tpu.memory_space<hbm>>
      %dma_start3A_57 = arith.constant 0 : i32
      %dma_start3A_58 = arith.constant 0 : i32
      %dma_start3A_59 = tpu.memref_slice %arg2[%add3A, %dma_start3A_57, %dma_start3A_58] : memref<32x125x80xi32, #tpu.memory_space<hbm>> -> memref<1x125x80xi32, #tpu.memory_space<hbm>>
      %dma_start3A_60 = tpu.memref_squeeze %dma_start3A_59 : memref<1x125x80xi32, #tpu.memory_space<hbm>> -> memref<125x80xi32, #tpu.memory_space<hbm>>
      tpu.enqueue_dma source(%dma_start3A_60 : memref<125x80xi32, #tpu.memory_space<hbm>>) target(%arg6 : memref<125x80xi32, #tpu.memory_space<vmem>>) target_semaphore(%run_scoped3A : memref<!tpu.dma_semaphore, #tpu.memory_space<semaphore_mem>>)
      %dma_wait3A_61 = arith.constant 0 : i32
      %dma_wait3A_62 = arith.constant 0 : i32
      %dma_wait3A_63 = tpu.memref_slice %arg2[%add3A, %dma_wait3A_61, %dma_wait3A_62] : memref<32x125x80xi32, #tpu.memory_space<hbm>> -> memref<1x125x80xi32, #tpu.memory_space<hbm>>
      %dma_wait3A_64 = tpu.memref_squeeze %dma_wait3A_63 : memref<1x125x80xi32, #tpu.memory_space<hbm>> -> memref<125x80xi32, #tpu.memory_space<hbm>>
      %dma_wait3A_65 = arith.constant 0 : i32
      %dma_wait3A_66 = arith.constant 0 : i32
      %dma_wait3A_67 = tpu.memref_slice %arg2[%add3A, %dma_wait3A_65, %dma_wait3A_66] : memref<32x125x80xi32, #tpu.memory_space<hbm>> -> memref<1x125x80xi32, #tpu.memory_space<hbm>>
      %dma_wait3A_68 = tpu.memref_squeeze %dma_wait3A_67 : memref<1x125x80xi32, #tpu.memory_space<hbm>> -> memref<125x80xi32, #tpu.memory_space<hbm>>
      tpu.wait_dma2 semaphore(%run_scoped3A : memref<!tpu.dma_semaphore, #tpu.memory_space<semaphore_mem>>) src(%dma_wait3A_68 : memref<125x80xi32, #tpu.memory_space<hbm>>) dst(%arg6 : memref<125x80xi32, #tpu.memory_space<vmem>>)
      tpu.yield
    }) : () -> ()
    "tpu.region"() ({
      %run_scoped3A = tpu.sem_alloc : memref<!tpu.dma_semaphore, #tpu.memory_space<semaphore_mem>>
      tpu.enqueue_dma source(%arg3 : memref<80x128xf32, #tpu.memory_space<hbm>>) target(%arg7 : memref<80x128xf32, #tpu.memory_space<vmem>>) target_semaphore(%run_scoped3A : memref<!tpu.dma_semaphore, #tpu.memory_space<semaphore_mem>>)
      tpu.wait_dma2 semaphore(%run_scoped3A : memref<!tpu.dma_semaphore, #tpu.memory_space<semaphore_mem>>) src(%arg3 : memref<80x128xf32, #tpu.memory_space<hbm>>) dst(%arg7 : memref<80x128xf32, #tpu.memory_space<vmem>>)
      tpu.yield
    }) : () -> ()
    %barrier3A = arith.constant 0 : index
    tpu.barrier barrier_id(%barrier3A)
    %dma_start3A = arith.constant 0 : i32
    %dma_start3A_9 = arith.constant 0 : i32
    %dma_start3A_10 = tpu.memref_slice %arg6[%dma_start3A, %dma_start3A_9] : memref<125x80xi32, #tpu.memory_space<vmem>> -> memref<1x80xi32, #tpu.memory_space<vmem>>
    %dma_start3A_11 = tpu.memref_squeeze %dma_start3A_10 : memref<1x80xi32, #tpu.memory_space<vmem>> -> memref<80xi32, #tpu.memory_space<vmem>>
    %dma_start3A_12 = arith.constant 0 : i32
    %dma_start3A_13 = arith.constant 0 : i32
    %dma_start3A_14 = tpu.memref_slice %arg8[%dma_start3A_12, %dma_start3A_13] : memref<10000x128xf32, #tpu.memory_space<vmem_shared>> -> memref<10000x128xf32, #tpu.memory_space<vmem_shared>>
    tpu.enqueue_indirect_dma source(%arg7 : memref<80x128xf32, #tpu.memory_space<vmem>>) target(%dma_start3A_14 : memref<10000x128xf32, #tpu.memory_space<vmem_shared>>) offsets(%dma_start3A_11 : memref<80xi32, #tpu.memory_space<vmem>>) semaphore(%arg9 : memref<!tpu.dma_semaphore, #tpu.memory_space<semaphore_mem>>) {add = true}
    %dma_start3A_15 = arith.constant 1 : i32
    %dma_start3A_16 = arith.constant 0 : i32
    %dma_start3A_17 = tpu.memref_slice %arg6[%dma_start3A_15, %dma_start3A_16] : memref<125x80xi32, #tpu.memory_space<vmem>> -> memref<1x80xi32, #tpu.memory_space<vmem>>
    %dma_start3A_18 = tpu.memref_squeeze %dma_start3A_17 : memref<1x80xi32, #tpu.memory_space<vmem>> -> memref<80xi32, #tpu.memory_space<vmem>>
    %dma_start3A_19 = arith.constant 0 : i32
    %dma_start3A_20 = arith.constant 0 : i32
    %dma_start3A_21 = tpu.memref_slice %arg8[%dma_start3A_19, %dma_start3A_20] : memref<10000x128xf32, #tpu.memory_space<vmem_shared>> -> memref<10000x128xf32, #tpu.memory_space<vmem_shared>>
    tpu.enqueue_indirect_dma source(%arg7 : memref<80x128xf32, #tpu.memory_space<vmem>>) target(%dma_start3A_21 : memref<10000x128xf32, #tpu.memory_space<vmem_shared>>) offsets(%dma_start3A_18 : memref<80xi32, #tpu.memory_space<vmem>>) semaphore(%arg10 : memref<!tpu.dma_semaphore, #tpu.memory_space<semaphore_mem>>) {add = true}
    %scan3A = arith.constant 0 : i32
    %scan3A_22 = arith.constant 0 : i32
    %scan3A_23 = arith.constant 62 : i32
    %scan3A_24 = arith.addi %scan3A_22, %scan3A_23 : i32
    %scan3A_25 = arith.constant 1 : i32
    scf.for %scan3A_53 = %scan3A_22 to %scan3A_24 step %scan3A_25  : i32 {
      %mul3A_54 = arith.constant 2 : i32
      %mul3A_55 = arith.muli %mul3A_54, %scan3A_53 : i32
      %mul3A_56 = arith.constant 2 : i32
      %mul3A_57 = arith.muli %mul3A_56, %scan3A_53 : i32
      %add3A_58 = arith.constant 1 : i32
      %add3A_59 = arith.addi %mul3A_57, %add3A_58 : i32
      %dma_wait3A_60 = arith.constant 0 : i32
      %dma_wait3A_61 = tpu.memref_slice %arg6[%mul3A_55, %dma_wait3A_60] : memref<125x80xi32, #tpu.memory_space<vmem>> -> memref<1x80xi32, #tpu.memory_space<vmem>>
      %dma_wait3A_62 = tpu.memref_squeeze %dma_wait3A_61 : memref<1x80xi32, #tpu.memory_space<vmem>> -> memref<80xi32, #tpu.memory_space<vmem>>
      %dma_wait3A_63 = arith.constant 0 : i32
      %dma_wait3A_64 = arith.constant 0 : i32
      %dma_wait3A_65 = tpu.memref_slice %arg8[%dma_wait3A_63, %dma_wait3A_64] : memref<10000x128xf32, #tpu.memory_space<vmem_shared>> -> memref<10000x128xf32, #tpu.memory_space<vmem_shared>>
      tpu.wait_indirect_dma semaphore(%arg9 : memref<!tpu.dma_semaphore, #tpu.memory_space<semaphore_mem>>) src(%arg7 : memref<80x128xf32, #tpu.memory_space<vmem>>) dst(%dma_wait3A_65 : memref<10000x128xf32, #tpu.memory_space<vmem_shared>>)
      %add3A_66 = arith.constant 2 : i32
      %add3A_67 = arith.addi %mul3A_55, %add3A_66 : i32
      %lt3A_68 = arith.constant 125 : i32
      %lt3A_69 = arith.cmpi slt, %add3A_67, %lt3A_68 : i32
      %convert_element_type3A_70 = arith.extui %lt3A_69 : i1 to i32
      %cond3A_71 = arith.constant 0 : i32
      %cond3A_72 = arith.cmpi ne, %convert_element_type3A_70, %cond3A_71 : i32
      scf.if %cond3A_72 {
        %add3A_86 = arith.constant 2 : i32
        %add3A_87 = arith.addi %mul3A_55, %add3A_86 : i32
        %dma_start3A_88 = arith.constant 0 : i32
        %dma_start3A_89 = tpu.memref_slice %arg6[%add3A_87, %dma_start3A_88] : memref<125x80xi32, #tpu.memory_space<vmem>> -> memref<1x80xi32, #tpu.memory_space<vmem>>
        %dma_start3A_90 = tpu.memref_squeeze %dma_start3A_89 : memref<1x80xi32, #tpu.memory_space<vmem>> -> memref<80xi32, #tpu.memory_space<vmem>>
        %dma_start3A_91 = arith.constant 0 : i32
        %dma_start3A_92 = arith.constant 0 : i32
        %dma_start3A_93 = tpu.memref_slice %arg8[%dma_start3A_91, %dma_start3A_92] : memref<10000x128xf32, #tpu.memory_space<vmem_shared>> -> memref<10000x128xf32, #tpu.memory_space<vmem_shared>>
        tpu.enqueue_indirect_dma source(%arg7 : memref<80x128xf32, #tpu.memory_space<vmem>>) target(%dma_start3A_93 : memref<10000x128xf32, #tpu.memory_space<vmem_shared>>) offsets(%dma_start3A_90 : memref<80xi32, #tpu.memory_space<vmem>>) semaphore(%arg9 : memref<!tpu.dma_semaphore, #tpu.memory_space<semaphore_mem>>) {add = true}
      } else {
      }
      %dma_wait3A_73 = arith.constant 0 : i32
      %dma_wait3A_74 = tpu.memref_slice %arg6[%add3A_59, %dma_wait3A_73] : memref<125x80xi32, #tpu.memory_space<vmem>> -> memref<1x80xi32, #tpu.memory_space<vmem>>
      %dma_wait3A_75 = tpu.memref_squeeze %dma_wait3A_74 : memref<1x80xi32, #tpu.memory_space<vmem>> -> memref<80xi32, #tpu.memory_space<vmem>>
      %dma_wait3A_76 = arith.constant 0 : i32
      %dma_wait3A_77 = arith.constant 0 : i32
      %dma_wait3A_78 = tpu.memref_slice %arg8[%dma_wait3A_76, %dma_wait3A_77] : memref<10000x128xf32, #tpu.memory_space<vmem_shared>> -> memref<10000x128xf32, #tpu.memory_space<vmem_shared>>
      tpu.wait_indirect_dma semaphore(%arg10 : memref<!tpu.dma_semaphore, #tpu.memory_space<semaphore_mem>>) src(%arg7 : memref<80x128xf32, #tpu.memory_space<vmem>>) dst(%dma_wait3A_78 : memref<10000x128xf32, #tpu.memory_space<vmem_shared>>)
      %add3A_79 = arith.constant 2 : i32
      %add3A_80 = arith.addi %add3A_59, %add3A_79 : i32
      %lt3A_81 = arith.constant 125 : i32
      %lt3A_82 = arith.cmpi slt, %add3A_80, %lt3A_81 : i32
      %convert_element_type3A_83 = arith.extui %lt3A_82 : i1 to i32
      %cond3A_84 = arith.constant 0 : i32
      %cond3A_85 = arith.cmpi ne, %convert_element_type3A_83, %cond3A_84 : i32
      scf.if %cond3A_85 {
        %add3A_86 = arith.constant 2 : i32
        %add3A_87 = arith.addi %add3A_59, %add3A_86 : i32
        %dma_start3A_88 = arith.constant 0 : i32
        %dma_start3A_89 = tpu.memref_slice %arg6[%add3A_87, %dma_start3A_88] : memref<125x80xi32, #tpu.memory_space<vmem>> -> memref<1x80xi32, #tpu.memory_space<vmem>>
        %dma_start3A_90 = tpu.memref_squeeze %dma_start3A_89 : memref<1x80xi32, #tpu.memory_space<vmem>> -> memref<80xi32, #tpu.memory_space<vmem>>
        %dma_start3A_91 = arith.constant 0 : i32
        %dma_start3A_92 = arith.constant 0 : i32
        %dma_start3A_93 = tpu.memref_slice %arg8[%dma_start3A_91, %dma_start3A_92] : memref<10000x128xf32, #tpu.memory_space<vmem_shared>> -> memref<10000x128xf32, #tpu.memory_space<vmem_shared>>
        tpu.enqueue_indirect_dma source(%arg7 : memref<80x128xf32, #tpu.memory_space<vmem>>) target(%dma_start3A_93 : memref<10000x128xf32, #tpu.memory_space<vmem_shared>>) offsets(%dma_start3A_90 : memref<80xi32, #tpu.memory_space<vmem>>) semaphore(%arg10 : memref<!tpu.dma_semaphore, #tpu.memory_space<semaphore_mem>>) {add = true}
      } else {
      }
    }
    %scan3A_26 = arith.constant 62 : i32
    %dma_wait3A = arith.constant 124 : i32
    %dma_wait3A_27 = arith.constant 0 : i32
    %dma_wait3A_28 = tpu.memref_slice %arg6[%dma_wait3A, %dma_wait3A_27] : memref<125x80xi32, #tpu.memory_space<vmem>> -> memref<1x80xi32, #tpu.memory_space<vmem>>
    %dma_wait3A_29 = tpu.memref_squeeze %dma_wait3A_28 : memref<1x80xi32, #tpu.memory_space<vmem>> -> memref<80xi32, #tpu.memory_space<vmem>>
    %dma_wait3A_30 = arith.constant 0 : i32
    %dma_wait3A_31 = arith.constant 0 : i32
    %dma_wait3A_32 = tpu.memref_slice %arg8[%dma_wait3A_30, %dma_wait3A_31] : memref<10000x128xf32, #tpu.memory_space<vmem_shared>> -> memref<10000x128xf32, #tpu.memory_space<vmem_shared>>
    tpu.wait_indirect_dma semaphore(%arg9 : memref<!tpu.dma_semaphore, #tpu.memory_space<semaphore_mem>>) src(%arg7 : memref<80x128xf32, #tpu.memory_space<vmem>>) dst(%dma_wait3A_32 : memref<10000x128xf32, #tpu.memory_space<vmem_shared>>)
    %barrier3A_33 = arith.constant 0 : index
    tpu.barrier barrier_id(%barrier3A_33)
    %mul3A_34 = arith.constant 632 : i32
    %mul3A_35 = arith.muli %arg1, %mul3A_34 : i32
    %multiple_of3A_36 = tpu.assume_multiple %mul3A_35, 8 : i32
    %mul3A_37 = arith.constant 10000 : i32
    %mul3A_38 = arith.muli %arg0, %mul3A_37 : i32
    %mul3A_39 = arith.constant 632 : i32
    %mul3A_40 = arith.muli %arg1, %mul3A_39 : i32
    %add3A_41 = arith.addi %mul3A_38, %mul3A_40 : i32
    %multiple_of3A_42 = tpu.assume_multiple %add3A_41, 8 : i32
    %lt3A_43 = arith.constant 15 : i32
    %lt3A_44 = arith.cmpi slt, %arg1, %lt3A_43 : i32
    %convert_element_type3A_45 = arith.extui %lt3A_44 : i1 to i32
    %cond3A_46 = arith.constant 0 : i32
    %cond3A_47 = arith.cmpi ne, %convert_element_type3A_45, %cond3A_46 : i32
    scf.if %cond3A_47 {
      "tpu.region"() ({
        %run_scoped3A = tpu.sem_alloc : memref<!tpu.dma_semaphore, #tpu.memory_space<semaphore_mem>>
        %dma_start3A_53 = arith.constant 0 : i32
        %dma_start3A_54 = tpu.memref_slice %arg5[%multiple_of3A_42, %dma_start3A_53] : memref<20000x128xf32, #tpu.memory_space<hbm>> -> memref<632x128xf32, #tpu.memory_space<hbm>>
        %dma_start3A_55 = arith.constant 0 : i32
        %dma_start3A_56 = tpu.memref_slice %arg8[%multiple_of3A_36, %dma_start3A_55] : memref<10000x128xf32, #tpu.memory_space<vmem_shared>> -> memref<632x128xf32, #tpu.memory_space<vmem_shared>>
        tpu.enqueue_dma source(%dma_start3A_56 : memref<632x128xf32, #tpu.memory_space<vmem_shared>>) target(%dma_start3A_54 : memref<632x128xf32, #tpu.memory_space<hbm>>) target_semaphore(%run_scoped3A : memref<!tpu.dma_semaphore, #tpu.memory_space<semaphore_mem>>)
        %dma_wait3A_57 = arith.constant 0 : i32
        %dma_wait3A_58 = tpu.memref_slice %arg5[%multiple_of3A_42, %dma_wait3A_57] : memref<20000x128xf32, #tpu.memory_space<hbm>> -> memref<632x128xf32, #tpu.memory_space<hbm>>
        %dma_wait3A_59 = arith.constant 0 : i32
        %dma_wait3A_60 = tpu.memref_slice %arg8[%multiple_of3A_36, %dma_wait3A_59] : memref<10000x128xf32, #tpu.memory_space<vmem_shared>> -> memref<632x128xf32, #tpu.memory_space<vmem_shared>>
        tpu.wait_dma2 semaphore(%run_scoped3A : memref<!tpu.dma_semaphore, #tpu.memory_space<semaphore_mem>>) src(%dma_wait3A_60 : memref<632x128xf32, #tpu.memory_space<vmem_shared>>) dst(%dma_wait3A_58 : memref<632x128xf32, #tpu.memory_space<hbm>>)
        tpu.yield
      }) : () -> ()
    } else {
    }
    %eq3A_48 = arith.constant 15 : i32
    %eq3A_49 = arith.cmpi eq, %arg1, %eq3A_48 : i32
    %convert_element_type3A_50 = arith.extui %eq3A_49 : i1 to i32
    %cond3A_51 = arith.constant 0 : i32
    %cond3A_52 = arith.cmpi ne, %convert_element_type3A_50, %cond3A_51 : i32
    scf.if %cond3A_52 {
      "tpu.region"() ({
        %run_scoped3A = tpu.sem_alloc : memref<!tpu.dma_semaphore, #tpu.memory_space<semaphore_mem>>
        %dma_start3A_53 = arith.constant 0 : i32
        %dma_start3A_54 = tpu.memref_slice %arg5[%multiple_of3A_42, %dma_start3A_53] : memref<20000x128xf32, #tpu.memory_space<hbm>> -> memref<520x128xf32, #tpu.memory_space<hbm>>
        %dma_start3A_55 = arith.constant 0 : i32
        %dma_start3A_56 = tpu.memref_slice %arg8[%multiple_of3A_36, %dma_start3A_55] : memref<10000x128xf32, #tpu.memory_space<vmem_shared>> -> memref<520x128xf32, #tpu.memory_space<vmem_shared>>
        tpu.enqueue_dma source(%dma_start3A_56 : memref<520x128xf32, #tpu.memory_space<vmem_shared>>) target(%dma_start3A_54 : memref<520x128xf32, #tpu.memory_space<hbm>>) target_semaphore(%run_scoped3A : memref<!tpu.dma_semaphore, #tpu.memory_space<semaphore_mem>>)
        %dma_wait3A_57 = arith.constant 0 : i32
        %dma_wait3A_58 = tpu.memref_slice %arg5[%multiple_of3A_42, %dma_wait3A_57] : memref<20000x128xf32, #tpu.memory_space<hbm>> -> memref<520x128xf32, #tpu.memory_space<hbm>>
        %dma_wait3A_59 = arith.constant 0 : i32
        %dma_wait3A_60 = tpu.memref_slice %arg8[%multiple_of3A_36, %dma_wait3A_59] : memref<10000x128xf32, #tpu.memory_space<vmem_shared>> -> memref<520x128xf32, #tpu.memory_space<vmem_shared>>
        tpu.wait_dma2 semaphore(%run_scoped3A : memref<!tpu.dma_semaphore, #tpu.memory_space<semaphore_mem>>) src(%dma_wait3A_60 : memref<520x128xf32, #tpu.memory_space<vmem_shared>>) dst(%dma_wait3A_58 : memref<520x128xf32, #tpu.memory_space<hbm>>)
        tpu.yield
      }) : () -> ()
    } else {
    }
    return
  }
}

#map = affine_map<(d0, d1) -> (0, 0)>
#map1 = affine_map<(d0, d1) -> (0)>
#map2 = affine_map<(d0, d1) -> (0, 0, 0)>
module attributes {stable_mosaic.version = 14 : i64} {
  func.func @body(%arg0: i32, %arg1: i32, %arg2: memref<10000x128xf32, #tpu.memory_space<hbm>>, %arg3: memref<320000xi32, #tpu.memory_space<hbm>>, %arg4: memref<32x125x80xi32, #tpu.memory_space<hbm>>, %arg5: memref<632x128xf32, #tpu.memory_space<hbm>>, %arg6: memref<20000x128xf32, #tpu.memory_space<hbm>>, %arg7: memref<10000xi32, #tpu.memory_space<vmem>>, %arg8: memref<125x80xi32, #tpu.memory_space<vmem>>, %arg9: memref<80x128xf32, #tpu.memory_space<vmem>>, %arg10: memref<80x128xf32, #tpu.memory_space<vmem>>, %arg11: memref<!tpu.dma_semaphore, #tpu.memory_space<semaphore_mem>>, %arg12: memref<!tpu.dma_semaphore, #tpu.memory_space<semaphore_mem>>, %arg13: memref<!tpu.dma_semaphore, #tpu.memory_space<semaphore_mem>>, %arg14: memref<!tpu.dma_semaphore, #tpu.memory_space<semaphore_mem>>, %arg15: memref<10000x128xf32, #tpu.memory_space<vmem_shared>>) attributes {dimension_semantics = [#tpu.dimension_semantics<core_parallel>, #tpu.dimension_semantics<subcore_parallel>], iteration_bounds = array<i64: 2, 16>, scalar_prefetch = 0 : i64, scratch_operands = 9 : i64, tpu.core_type = #tpu.core_type<sc_vector_subcore>, window_params = [{transform_indices = #map}, {transform_indices = #map1}, {transform_indices = #map2}, {transform_indices = #map}, {transform_indices = #map}]} {
    %mul3A = arith.constant 16 : i32
    %mul3A_0 = arith.muli %arg0, %mul3A : i32
    %add3A = arith.addi %mul3A_0, %arg1 : i32
    %mul3A_1 = arith.constant 632 : i32
    %mul3A_2 = arith.muli %arg1, %mul3A_1 : i32
    %multiple_of3A = tpu.assume_multiple %mul3A_2, 8 : i32
    %lt3A = arith.constant 15 : i32
    %lt3A_3 = arith.cmpi slt, %arg1, %lt3A : i32
    %convert_element_type3A = arith.extui %lt3A_3 : i1 to i32
    %cond3A = arith.constant 0 : i32
    %cond3A_4 = arith.cmpi ne, %convert_element_type3A, %cond3A : i32
    scf.if %cond3A_4 {
      "tpu.region"() ({
        %run_scoped3A = tpu.sem_alloc : memref<!tpu.dma_semaphore, #tpu.memory_space<semaphore_mem>>
        %dma_start3A_67 = arith.constant 0 : i32
        %dma_start3A_68 = tpu.memref_slice %arg15[%multiple_of3A, %dma_start3A_67] : memref<10000x128xf32, #tpu.memory_space<vmem_shared>> -> memref<632x128xf32, #tpu.memory_space<vmem_shared>>
        tpu.enqueue_dma source(%arg5 : memref<632x128xf32, #tpu.memory_space<hbm>>) target(%dma_start3A_68 : memref<632x128xf32, #tpu.memory_space<vmem_shared>>) target_semaphore(%run_scoped3A : memref<!tpu.dma_semaphore, #tpu.memory_space<semaphore_mem>>)
        %dma_wait3A_69 = arith.constant 0 : i32
        %dma_wait3A_70 = tpu.memref_slice %arg15[%multiple_of3A, %dma_wait3A_69] : memref<10000x128xf32, #tpu.memory_space<vmem_shared>> -> memref<632x128xf32, #tpu.memory_space<vmem_shared>>
        tpu.wait_dma2 semaphore(%run_scoped3A : memref<!tpu.dma_semaphore, #tpu.memory_space<semaphore_mem>>) src(%arg5 : memref<632x128xf32, #tpu.memory_space<hbm>>) dst(%dma_wait3A_70 : memref<632x128xf32, #tpu.memory_space<vmem_shared>>)
        tpu.yield
      }) : () -> ()
    } else {
    }
    %eq3A = arith.constant 15 : i32
    %eq3A_5 = arith.cmpi eq, %arg1, %eq3A : i32
    %convert_element_type3A_6 = arith.extui %eq3A_5 : i1 to i32
    %cond3A_7 = arith.constant 0 : i32
    %cond3A_8 = arith.cmpi ne, %convert_element_type3A_6, %cond3A_7 : i32
    scf.if %cond3A_8 {
      "tpu.region"() ({
        %run_scoped3A = tpu.sem_alloc : memref<!tpu.dma_semaphore, #tpu.memory_space<semaphore_mem>>
        %dma_start3A_67 = arith.constant 0 : i32
        %dma_start3A_68 = tpu.memref_slice %arg15[%multiple_of3A, %dma_start3A_67] : memref<10000x128xf32, #tpu.memory_space<vmem_shared>> -> memref<520x128xf32, #tpu.memory_space<vmem_shared>>
        %dma_start3A_69 = arith.constant 0 : i32
        %dma_start3A_70 = arith.constant 0 : i32
        %dma_start3A_71 = tpu.memref_slice %arg5[%dma_start3A_69, %dma_start3A_70] : memref<632x128xf32, #tpu.memory_space<hbm>> -> memref<520x128xf32, #tpu.memory_space<hbm>>
        tpu.enqueue_dma source(%dma_start3A_71 : memref<520x128xf32, #tpu.memory_space<hbm>>) target(%dma_start3A_68 : memref<520x128xf32, #tpu.memory_space<vmem_shared>>) target_semaphore(%run_scoped3A : memref<!tpu.dma_semaphore, #tpu.memory_space<semaphore_mem>>)
        %dma_wait3A_72 = arith.constant 0 : i32
        %dma_wait3A_73 = tpu.memref_slice %arg15[%multiple_of3A, %dma_wait3A_72] : memref<10000x128xf32, #tpu.memory_space<vmem_shared>> -> memref<520x128xf32, #tpu.memory_space<vmem_shared>>
        %dma_wait3A_74 = arith.constant 0 : i32
        %dma_wait3A_75 = arith.constant 0 : i32
        %dma_wait3A_76 = tpu.memref_slice %arg5[%dma_wait3A_74, %dma_wait3A_75] : memref<632x128xf32, #tpu.memory_space<hbm>> -> memref<520x128xf32, #tpu.memory_space<hbm>>
        tpu.wait_dma2 semaphore(%run_scoped3A : memref<!tpu.dma_semaphore, #tpu.memory_space<semaphore_mem>>) src(%dma_wait3A_76 : memref<520x128xf32, #tpu.memory_space<hbm>>) dst(%dma_wait3A_73 : memref<520x128xf32, #tpu.memory_space<vmem_shared>>)
        tpu.yield
      }) : () -> ()
    } else {
    }
    %mul3A_9 = arith.constant 10000 : i32
    %mul3A_10 = arith.muli %add3A, %mul3A_9 : i32
    %multiple_of3A_11 = tpu.assume_multiple %mul3A_10, 8 : i32
    "tpu.region"() ({
      %run_scoped3A = tpu.sem_alloc : memref<!tpu.dma_semaphore, #tpu.memory_space<semaphore_mem>>
      %dma_start3A_67 = tpu.memref_slice %arg3[%multiple_of3A_11] : memref<320000xi32, #tpu.memory_space<hbm>> -> memref<10000xi32, #tpu.memory_space<hbm>>
      %dma_start3A_68 = tpu.memref_slice %arg3[%multiple_of3A_11] : memref<320000xi32, #tpu.memory_space<hbm>> -> memref<10000xi32, #tpu.memory_space<hbm>>
      tpu.enqueue_dma source(%dma_start3A_68 : memref<10000xi32, #tpu.memory_space<hbm>>) target(%arg7 : memref<10000xi32, #tpu.memory_space<vmem>>) target_semaphore(%run_scoped3A : memref<!tpu.dma_semaphore, #tpu.memory_space<semaphore_mem>>)
      %dma_wait3A_69 = tpu.memref_slice %arg3[%multiple_of3A_11] : memref<320000xi32, #tpu.memory_space<hbm>> -> memref<10000xi32, #tpu.memory_space<hbm>>
      %dma_wait3A_70 = tpu.memref_slice %arg3[%multiple_of3A_11] : memref<320000xi32, #tpu.memory_space<hbm>> -> memref<10000xi32, #tpu.memory_space<hbm>>
      tpu.wait_dma2 semaphore(%run_scoped3A : memref<!tpu.dma_semaphore, #tpu.memory_space<semaphore_mem>>) src(%dma_wait3A_70 : memref<10000xi32, #tpu.memory_space<hbm>>) dst(%arg7 : memref<10000xi32, #tpu.memory_space<vmem>>)
      tpu.yield
    }) : () -> ()
    "tpu.region"() ({
      %run_scoped3A = tpu.sem_alloc : memref<!tpu.dma_semaphore, #tpu.memory_space<semaphore_mem>>
      %dma_start3A_67 = arith.constant 0 : i32
      %dma_start3A_68 = arith.constant 0 : i32
      %dma_start3A_69 = tpu.memref_slice %arg4[%add3A, %dma_start3A_67, %dma_start3A_68] : memref<32x125x80xi32, #tpu.memory_space<hbm>> -> memref<1x125x80xi32, #tpu.memory_space<hbm>>
      %dma_start3A_70 = tpu.memref_squeeze %dma_start3A_69 : memref<1x125x80xi32, #tpu.memory_space<hbm>> -> memref<125x80xi32, #tpu.memory_space<hbm>>
      %dma_start3A_71 = arith.constant 0 : i32
      %dma_start3A_72 = arith.constant 0 : i32
      %dma_start3A_73 = tpu.memref_slice %arg4[%add3A, %dma_start3A_71, %dma_start3A_72] : memref<32x125x80xi32, #tpu.memory_space<hbm>> -> memref<1x125x80xi32, #tpu.memory_space<hbm>>
      %dma_start3A_74 = tpu.memref_squeeze %dma_start3A_73 : memref<1x125x80xi32, #tpu.memory_space<hbm>> -> memref<125x80xi32, #tpu.memory_space<hbm>>
      tpu.enqueue_dma source(%dma_start3A_74 : memref<125x80xi32, #tpu.memory_space<hbm>>) target(%arg8 : memref<125x80xi32, #tpu.memory_space<vmem>>) target_semaphore(%run_scoped3A : memref<!tpu.dma_semaphore, #tpu.memory_space<semaphore_mem>>)
      %dma_wait3A_75 = arith.constant 0 : i32
      %dma_wait3A_76 = arith.constant 0 : i32
      %dma_wait3A_77 = tpu.memref_slice %arg4[%add3A, %dma_wait3A_75, %dma_wait3A_76] : memref<32x125x80xi32, #tpu.memory_space<hbm>> -> memref<1x125x80xi32, #tpu.memory_space<hbm>>
      %dma_wait3A_78 = tpu.memref_squeeze %dma_wait3A_77 : memref<1x125x80xi32, #tpu.memory_space<hbm>> -> memref<125x80xi32, #tpu.memory_space<hbm>>
      %dma_wait3A_79 = arith.constant 0 : i32
      %dma_wait3A_80 = arith.constant 0 : i32
      %dma_wait3A_81 = tpu.memref_slice %arg4[%add3A, %dma_wait3A_79, %dma_wait3A_80] : memref<32x125x80xi32, #tpu.memory_space<hbm>> -> memref<1x125x80xi32, #tpu.memory_space<hbm>>
      %dma_wait3A_82 = tpu.memref_squeeze %dma_wait3A_81 : memref<1x125x80xi32, #tpu.memory_space<hbm>> -> memref<125x80xi32, #tpu.memory_space<hbm>>
      tpu.wait_dma2 semaphore(%run_scoped3A : memref<!tpu.dma_semaphore, #tpu.memory_space<semaphore_mem>>) src(%dma_wait3A_82 : memref<125x80xi32, #tpu.memory_space<hbm>>) dst(%arg8 : memref<125x80xi32, #tpu.memory_space<vmem>>)
      tpu.yield
    }) : () -> ()
    %barrier3A = arith.constant 0 : index
    tpu.barrier barrier_id(%barrier3A)
    %multiple_of3A_12 = arith.constant 0 : i32
    %multiple_of3A_13 = tpu.assume_multiple %multiple_of3A_12, 8 : i32
    %dma_start3A = tpu.memref_slice %arg7[%multiple_of3A_13] : memref<10000xi32, #tpu.memory_space<vmem>> -> memref<80xi32, #tpu.memory_space<vmem>>
    %dma_start3A_14 = arith.constant 0 : i32
    %dma_start3A_15 = arith.constant 0 : i32
    %dma_start3A_16 = tpu.memref_slice %arg2[%dma_start3A_14, %dma_start3A_15] : memref<10000x128xf32, #tpu.memory_space<hbm>> -> memref<10000x128xf32, #tpu.memory_space<hbm>>
    tpu.enqueue_indirect_dma source(%dma_start3A_16 : memref<10000x128xf32, #tpu.memory_space<hbm>>) target(%arg9 : memref<80x128xf32, #tpu.memory_space<vmem>>) offsets(%dma_start3A : memref<80xi32, #tpu.memory_space<vmem>>) semaphore(%arg11 : memref<!tpu.dma_semaphore, #tpu.memory_space<semaphore_mem>>)
    %multiple_of3A_17 = arith.constant 80 : i32
    %multiple_of3A_18 = tpu.assume_multiple %multiple_of3A_17, 8 : i32
    %dma_start3A_19 = tpu.memref_slice %arg7[%multiple_of3A_18] : memref<10000xi32, #tpu.memory_space<vmem>> -> memref<80xi32, #tpu.memory_space<vmem>>
    %dma_start3A_20 = arith.constant 0 : i32
    %dma_start3A_21 = arith.constant 0 : i32
    %dma_start3A_22 = tpu.memref_slice %arg2[%dma_start3A_20, %dma_start3A_21] : memref<10000x128xf32, #tpu.memory_space<hbm>> -> memref<10000x128xf32, #tpu.memory_space<hbm>>
    tpu.enqueue_indirect_dma source(%dma_start3A_22 : memref<10000x128xf32, #tpu.memory_space<hbm>>) target(%arg10 : memref<80x128xf32, #tpu.memory_space<vmem>>) offsets(%dma_start3A_19 : memref<80xi32, #tpu.memory_space<vmem>>) semaphore(%arg12 : memref<!tpu.dma_semaphore, #tpu.memory_space<semaphore_mem>>)
    %scan3A = arith.constant 0 : i32
    %scan3A_23 = arith.constant 0 : i32
    %scan3A_24 = arith.constant 62 : i32
    %scan3A_25 = arith.addi %scan3A_23, %scan3A_24 : i32
    %scan3A_26 = arith.constant 1 : i32
    scf.for %scan3A_67 = %scan3A_23 to %scan3A_25 step %scan3A_26  : i32 {
      %mul3A_68 = arith.constant 2 : i32
      %mul3A_69 = arith.muli %mul3A_68, %scan3A_67 : i32
      %mul3A_70 = arith.constant 2 : i32
      %mul3A_71 = arith.muli %mul3A_70, %scan3A_67 : i32
      %add3A_72 = arith.constant 1 : i32
      %add3A_73 = arith.addi %mul3A_71, %add3A_72 : i32
      %mul3A_74 = arith.constant 80 : i32
      %mul3A_75 = arith.muli %mul3A_69, %mul3A_74 : i32
      %multiple_of3A_76 = tpu.assume_multiple %mul3A_75, 8 : i32
      %dma_wait3A_77 = tpu.memref_slice %arg7[%multiple_of3A_76] : memref<10000xi32, #tpu.memory_space<vmem>> -> memref<80xi32, #tpu.memory_space<vmem>>
      %dma_wait3A_78 = arith.constant 0 : i32
      %dma_wait3A_79 = arith.constant 0 : i32
      %dma_wait3A_80 = tpu.memref_slice %arg2[%dma_wait3A_78, %dma_wait3A_79] : memref<10000x128xf32, #tpu.memory_space<hbm>> -> memref<10000x128xf32, #tpu.memory_space<hbm>>
      tpu.wait_indirect_dma semaphore(%arg11 : memref<!tpu.dma_semaphore, #tpu.memory_space<semaphore_mem>>) src(%dma_wait3A_80 : memref<10000x128xf32, #tpu.memory_space<hbm>>) dst(%arg9 : memref<80x128xf32, #tpu.memory_space<vmem>>)
      %dma_start3A_81 = arith.constant 0 : i32
      %dma_start3A_82 = tpu.memref_slice %arg8[%mul3A_69, %dma_start3A_81] : memref<125x80xi32, #tpu.memory_space<vmem>> -> memref<1x80xi32, #tpu.memory_space<vmem>>
      %dma_start3A_83 = tpu.memref_squeeze %dma_start3A_82 : memref<1x80xi32, #tpu.memory_space<vmem>> -> memref<80xi32, #tpu.memory_space<vmem>>
      %dma_start3A_84 = arith.constant 0 : i32
      %dma_start3A_85 = arith.constant 0 : i32
      %dma_start3A_86 = tpu.memref_slice %arg15[%dma_start3A_84, %dma_start3A_85] : memref<10000x128xf32, #tpu.memory_space<vmem_shared>> -> memref<10000x128xf32, #tpu.memory_space<vmem_shared>>
      tpu.enqueue_indirect_dma source(%arg9 : memref<80x128xf32, #tpu.memory_space<vmem>>) target(%dma_start3A_86 : memref<10000x128xf32, #tpu.memory_space<vmem_shared>>) offsets(%dma_start3A_83 : memref<80xi32, #tpu.memory_space<vmem>>) semaphore(%arg13 : memref<!tpu.dma_semaphore, #tpu.memory_space<semaphore_mem>>) {add = true}
      %mul3A_87 = arith.constant 80 : i32
      %mul3A_88 = arith.muli %add3A_73, %mul3A_87 : i32
      %multiple_of3A_89 = tpu.assume_multiple %mul3A_88, 8 : i32
      %dma_wait3A_90 = tpu.memref_slice %arg7[%multiple_of3A_89] : memref<10000xi32, #tpu.memory_space<vmem>> -> memref<80xi32, #tpu.memory_space<vmem>>
      %dma_wait3A_91 = arith.constant 0 : i32
      %dma_wait3A_92 = arith.constant 0 : i32
      %dma_wait3A_93 = tpu.memref_slice %arg2[%dma_wait3A_91, %dma_wait3A_92] : memref<10000x128xf32, #tpu.memory_space<hbm>> -> memref<10000x128xf32, #tpu.memory_space<hbm>>
      tpu.wait_indirect_dma semaphore(%arg12 : memref<!tpu.dma_semaphore, #tpu.memory_space<semaphore_mem>>) src(%dma_wait3A_93 : memref<10000x128xf32, #tpu.memory_space<hbm>>) dst(%arg10 : memref<80x128xf32, #tpu.memory_space<vmem>>)
      %dma_start3A_94 = arith.constant 0 : i32
      %dma_start3A_95 = tpu.memref_slice %arg8[%add3A_73, %dma_start3A_94] : memref<125x80xi32, #tpu.memory_space<vmem>> -> memref<1x80xi32, #tpu.memory_space<vmem>>
      %dma_start3A_96 = tpu.memref_squeeze %dma_start3A_95 : memref<1x80xi32, #tpu.memory_space<vmem>> -> memref<80xi32, #tpu.memory_space<vmem>>
      %dma_start3A_97 = arith.constant 0 : i32
      %dma_start3A_98 = arith.constant 0 : i32
      %dma_start3A_99 = tpu.memref_slice %arg15[%dma_start3A_97, %dma_start3A_98] : memref<10000x128xf32, #tpu.memory_space<vmem_shared>> -> memref<10000x128xf32, #tpu.memory_space<vmem_shared>>
      tpu.enqueue_indirect_dma source(%arg10 : memref<80x128xf32, #tpu.memory_space<vmem>>) target(%dma_start3A_99 : memref<10000x128xf32, #tpu.memory_space<vmem_shared>>) offsets(%dma_start3A_96 : memref<80xi32, #tpu.memory_space<vmem>>) semaphore(%arg14 : memref<!tpu.dma_semaphore, #tpu.memory_space<semaphore_mem>>) {add = true}
      %dma_wait3A_100 = arith.constant 0 : i32
      %dma_wait3A_101 = tpu.memref_slice %arg8[%mul3A_69, %dma_wait3A_100] : memref<125x80xi32, #tpu.memory_space<vmem>> -> memref<1x80xi32, #tpu.memory_space<vmem>>
      %dma_wait3A_102 = tpu.memref_squeeze %dma_wait3A_101 : memref<1x80xi32, #tpu.memory_space<vmem>> -> memref<80xi32, #tpu.memory_space<vmem>>
      %dma_wait3A_103 = arith.constant 0 : i32
      %dma_wait3A_104 = arith.constant 0 : i32
      %dma_wait3A_105 = tpu.memref_slice %arg15[%dma_wait3A_103, %dma_wait3A_104] : memref<10000x128xf32, #tpu.memory_space<vmem_shared>> -> memref<10000x128xf32, #tpu.memory_space<vmem_shared>>
      tpu.wait_indirect_dma semaphore(%arg13 : memref<!tpu.dma_semaphore, #tpu.memory_space<semaphore_mem>>) src(%arg9 : memref<80x128xf32, #tpu.memory_space<vmem>>) dst(%dma_wait3A_105 : memref<10000x128xf32, #tpu.memory_space<vmem_shared>>)
      %add3A_106 = arith.constant 2 : i32
      %add3A_107 = arith.addi %mul3A_69, %add3A_106 : i32
      %lt3A_108 = arith.constant 125 : i32
      %lt3A_109 = arith.cmpi slt, %add3A_107, %lt3A_108 : i32
      %convert_element_type3A_110 = arith.extui %lt3A_109 : i1 to i32
      %cond3A_111 = arith.constant 0 : i32
      %cond3A_112 = arith.cmpi ne, %convert_element_type3A_110, %cond3A_111 : i32
      scf.if %cond3A_112 {
        %add3A_126 = arith.constant 2 : i32
        %add3A_127 = arith.addi %mul3A_69, %add3A_126 : i32
        %mul3A_128 = arith.constant 80 : i32
        %mul3A_129 = arith.muli %add3A_127, %mul3A_128 : i32
        %multiple_of3A_130 = tpu.assume_multiple %mul3A_129, 8 : i32
        %dma_start3A_131 = tpu.memref_slice %arg7[%multiple_of3A_130] : memref<10000xi32, #tpu.memory_space<vmem>> -> memref<80xi32, #tpu.memory_space<vmem>>
        %dma_start3A_132 = arith.constant 0 : i32
        %dma_start3A_133 = arith.constant 0 : i32
        %dma_start3A_134 = tpu.memref_slice %arg2[%dma_start3A_132, %dma_start3A_133] : memref<10000x128xf32, #tpu.memory_space<hbm>> -> memref<10000x128xf32, #tpu.memory_space<hbm>>
        tpu.enqueue_indirect_dma source(%dma_start3A_134 : memref<10000x128xf32, #tpu.memory_space<hbm>>) target(%arg9 : memref<80x128xf32, #tpu.memory_space<vmem>>) offsets(%dma_start3A_131 : memref<80xi32, #tpu.memory_space<vmem>>) semaphore(%arg11 : memref<!tpu.dma_semaphore, #tpu.memory_space<semaphore_mem>>)
      } else {
      }
      %dma_wait3A_113 = arith.constant 0 : i32
      %dma_wait3A_114 = tpu.memref_slice %arg8[%add3A_73, %dma_wait3A_113] : memref<125x80xi32, #tpu.memory_space<vmem>> -> memref<1x80xi32, #tpu.memory_space<vmem>>
      %dma_wait3A_115 = tpu.memref_squeeze %dma_wait3A_114 : memref<1x80xi32, #tpu.memory_space<vmem>> -> memref<80xi32, #tpu.memory_space<vmem>>
      %dma_wait3A_116 = arith.constant 0 : i32
      %dma_wait3A_117 = arith.constant 0 : i32
      %dma_wait3A_118 = tpu.memref_slice %arg15[%dma_wait3A_116, %dma_wait3A_117] : memref<10000x128xf32, #tpu.memory_space<vmem_shared>> -> memref<10000x128xf32, #tpu.memory_space<vmem_shared>>
      tpu.wait_indirect_dma semaphore(%arg14 : memref<!tpu.dma_semaphore, #tpu.memory_space<semaphore_mem>>) src(%arg10 : memref<80x128xf32, #tpu.memory_space<vmem>>) dst(%dma_wait3A_118 : memref<10000x128xf32, #tpu.memory_space<vmem_shared>>)
      %add3A_119 = arith.constant 2 : i32
      %add3A_120 = arith.addi %add3A_73, %add3A_119 : i32
      %lt3A_121 = arith.constant 125 : i32
      %lt3A_122 = arith.cmpi slt, %add3A_120, %lt3A_121 : i32
      %convert_element_type3A_123 = arith.extui %lt3A_122 : i1 to i32
      %cond3A_124 = arith.constant 0 : i32
      %cond3A_125 = arith.cmpi ne, %convert_element_type3A_123, %cond3A_124 : i32
      scf.if %cond3A_125 {
        %add3A_126 = arith.constant 2 : i32
        %add3A_127 = arith.addi %add3A_73, %add3A_126 : i32
        %mul3A_128 = arith.constant 80 : i32
        %mul3A_129 = arith.muli %add3A_127, %mul3A_128 : i32
        %multiple_of3A_130 = tpu.assume_multiple %mul3A_129, 8 : i32
        %dma_start3A_131 = tpu.memref_slice %arg7[%multiple_of3A_130] : memref<10000xi32, #tpu.memory_space<vmem>> -> memref<80xi32, #tpu.memory_space<vmem>>
        %dma_start3A_132 = arith.constant 0 : i32
        %dma_start3A_133 = arith.constant 0 : i32
        %dma_start3A_134 = tpu.memref_slice %arg2[%dma_start3A_132, %dma_start3A_133] : memref<10000x128xf32, #tpu.memory_space<hbm>> -> memref<10000x128xf32, #tpu.memory_space<hbm>>
        tpu.enqueue_indirect_dma source(%dma_start3A_134 : memref<10000x128xf32, #tpu.memory_space<hbm>>) target(%arg10 : memref<80x128xf32, #tpu.memory_space<vmem>>) offsets(%dma_start3A_131 : memref<80xi32, #tpu.memory_space<vmem>>) semaphore(%arg12 : memref<!tpu.dma_semaphore, #tpu.memory_space<semaphore_mem>>)
      } else {
      }
    }
    %scan3A_27 = arith.constant 62 : i32
    %multiple_of3A_28 = arith.constant 9920 : i32
    %multiple_of3A_29 = tpu.assume_multiple %multiple_of3A_28, 8 : i32
    %dma_wait3A = tpu.memref_slice %arg7[%multiple_of3A_29] : memref<10000xi32, #tpu.memory_space<vmem>> -> memref<80xi32, #tpu.memory_space<vmem>>
    %dma_wait3A_30 = arith.constant 0 : i32
    %dma_wait3A_31 = arith.constant 0 : i32
    %dma_wait3A_32 = tpu.memref_slice %arg2[%dma_wait3A_30, %dma_wait3A_31] : memref<10000x128xf32, #tpu.memory_space<hbm>> -> memref<10000x128xf32, #tpu.memory_space<hbm>>
    tpu.wait_indirect_dma semaphore(%arg11 : memref<!tpu.dma_semaphore, #tpu.memory_space<semaphore_mem>>) src(%dma_wait3A_32 : memref<10000x128xf32, #tpu.memory_space<hbm>>) dst(%arg9 : memref<80x128xf32, #tpu.memory_space<vmem>>)
    %dma_start3A_33 = arith.constant 124 : i32
    %dma_start3A_34 = arith.constant 0 : i32
    %dma_start3A_35 = tpu.memref_slice %arg8[%dma_start3A_33, %dma_start3A_34] : memref<125x80xi32, #tpu.memory_space<vmem>> -> memref<1x80xi32, #tpu.memory_space<vmem>>
    %dma_start3A_36 = tpu.memref_squeeze %dma_start3A_35 : memref<1x80xi32, #tpu.memory_space<vmem>> -> memref<80xi32, #tpu.memory_space<vmem>>
    %dma_start3A_37 = arith.constant 0 : i32
    %dma_start3A_38 = arith.constant 0 : i32
    %dma_start3A_39 = tpu.memref_slice %arg15[%dma_start3A_37, %dma_start3A_38] : memref<10000x128xf32, #tpu.memory_space<vmem_shared>> -> memref<10000x128xf32, #tpu.memory_space<vmem_shared>>
    tpu.enqueue_indirect_dma source(%arg9 : memref<80x128xf32, #tpu.memory_space<vmem>>) target(%dma_start3A_39 : memref<10000x128xf32, #tpu.memory_space<vmem_shared>>) offsets(%dma_start3A_36 : memref<80xi32, #tpu.memory_space<vmem>>) semaphore(%arg13 : memref<!tpu.dma_semaphore, #tpu.memory_space<semaphore_mem>>) {add = true}
    %dma_wait3A_40 = arith.constant 124 : i32
    %dma_wait3A_41 = arith.constant 0 : i32
    %dma_wait3A_42 = tpu.memref_slice %arg8[%dma_wait3A_40, %dma_wait3A_41] : memref<125x80xi32, #tpu.memory_space<vmem>> -> memref<1x80xi32, #tpu.memory_space<vmem>>
    %dma_wait3A_43 = tpu.memref_squeeze %dma_wait3A_42 : memref<1x80xi32, #tpu.memory_space<vmem>> -> memref<80xi32, #tpu.memory_space<vmem>>
    %dma_wait3A_44 = arith.constant 0 : i32
    %dma_wait3A_45 = arith.constant 0 : i32
    %dma_wait3A_46 = tpu.memref_slice %arg15[%dma_wait3A_44, %dma_wait3A_45] : memref<10000x128xf32, #tpu.memory_space<vmem_shared>> -> memref<10000x128xf32, #tpu.memory_space<vmem_shared>>
    tpu.wait_indirect_dma semaphore(%arg13 : memref<!tpu.dma_semaphore, #tpu.memory_space<semaphore_mem>>) src(%arg9 : memref<80x128xf32, #tpu.memory_space<vmem>>) dst(%dma_wait3A_46 : memref<10000x128xf32, #tpu.memory_space<vmem_shared>>)
    %barrier3A_47 = arith.constant 0 : index
    tpu.barrier barrier_id(%barrier3A_47)
    %mul3A_48 = arith.constant 632 : i32
    %mul3A_49 = arith.muli %arg1, %mul3A_48 : i32
    %multiple_of3A_50 = tpu.assume_multiple %mul3A_49, 8 : i32
    %mul3A_51 = arith.constant 10000 : i32
    %mul3A_52 = arith.muli %arg0, %mul3A_51 : i32
    %mul3A_53 = arith.constant 632 : i32
    %mul3A_54 = arith.muli %arg1, %mul3A_53 : i32
    %add3A_55 = arith.addi %mul3A_52, %mul3A_54 : i32
    %multiple_of3A_56 = tpu.assume_multiple %add3A_55, 8 : i32
    %lt3A_57 = arith.constant 15 : i32
    %lt3A_58 = arith.cmpi slt, %arg1, %lt3A_57 : i32
    %convert_element_type3A_59 = arith.extui %lt3A_58 : i1 to i32
    %cond3A_60 = arith.constant 0 : i32
    %cond3A_61 = arith.cmpi ne, %convert_element_type3A_59, %cond3A_60 : i32
    scf.if %cond3A_61 {
      "tpu.region"() ({
        %run_scoped3A = tpu.sem_alloc : memref<!tpu.dma_semaphore, #tpu.memory_space<semaphore_mem>>
        %dma_start3A_67 = arith.constant 0 : i32
        %dma_start3A_68 = tpu.memref_slice %arg6[%multiple_of3A_56, %dma_start3A_67] : memref<20000x128xf32, #tpu.memory_space<hbm>> -> memref<632x128xf32, #tpu.memory_space<hbm>>
        %dma_start3A_69 = arith.constant 0 : i32
        %dma_start3A_70 = tpu.memref_slice %arg15[%multiple_of3A_50, %dma_start3A_69] : memref<10000x128xf32, #tpu.memory_space<vmem_shared>> -> memref<632x128xf32, #tpu.memory_space<vmem_shared>>
        tpu.enqueue_dma source(%dma_start3A_70 : memref<632x128xf32, #tpu.memory_space<vmem_shared>>) target(%dma_start3A_68 : memref<632x128xf32, #tpu.memory_space<hbm>>) target_semaphore(%run_scoped3A : memref<!tpu.dma_semaphore, #tpu.memory_space<semaphore_mem>>)
        %dma_wait3A_71 = arith.constant 0 : i32
        %dma_wait3A_72 = tpu.memref_slice %arg6[%multiple_of3A_56, %dma_wait3A_71] : memref<20000x128xf32, #tpu.memory_space<hbm>> -> memref<632x128xf32, #tpu.memory_space<hbm>>
        %dma_wait3A_73 = arith.constant 0 : i32
        %dma_wait3A_74 = tpu.memref_slice %arg15[%multiple_of3A_50, %dma_wait3A_73] : memref<10000x128xf32, #tpu.memory_space<vmem_shared>> -> memref<632x128xf32, #tpu.memory_space<vmem_shared>>
        tpu.wait_dma2 semaphore(%run_scoped3A : memref<!tpu.dma_semaphore, #tpu.memory_space<semaphore_mem>>) src(%dma_wait3A_74 : memref<632x128xf32, #tpu.memory_space<vmem_shared>>) dst(%dma_wait3A_72 : memref<632x128xf32, #tpu.memory_space<hbm>>)
        tpu.yield
      }) : () -> ()
    } else {
    }
    %eq3A_62 = arith.constant 15 : i32
    %eq3A_63 = arith.cmpi eq, %arg1, %eq3A_62 : i32
    %convert_element_type3A_64 = arith.extui %eq3A_63 : i1 to i32
    %cond3A_65 = arith.constant 0 : i32
    %cond3A_66 = arith.cmpi ne, %convert_element_type3A_64, %cond3A_65 : i32
    scf.if %cond3A_66 {
      "tpu.region"() ({
        %run_scoped3A = tpu.sem_alloc : memref<!tpu.dma_semaphore, #tpu.memory_space<semaphore_mem>>
        %dma_start3A_67 = arith.constant 0 : i32
        %dma_start3A_68 = tpu.memref_slice %arg6[%multiple_of3A_56, %dma_start3A_67] : memref<20000x128xf32, #tpu.memory_space<hbm>> -> memref<520x128xf32, #tpu.memory_space<hbm>>
        %dma_start3A_69 = arith.constant 0 : i32
        %dma_start3A_70 = tpu.memref_slice %arg15[%multiple_of3A_50, %dma_start3A_69] : memref<10000x128xf32, #tpu.memory_space<vmem_shared>> -> memref<520x128xf32, #tpu.memory_space<vmem_shared>>
        tpu.enqueue_dma source(%dma_start3A_70 : memref<520x128xf32, #tpu.memory_space<vmem_shared>>) target(%dma_start3A_68 : memref<520x128xf32, #tpu.memory_space<hbm>>) target_semaphore(%run_scoped3A : memref<!tpu.dma_semaphore, #tpu.memory_space<semaphore_mem>>)
        %dma_wait3A_71 = arith.constant 0 : i32
        %dma_wait3A_72 = tpu.memref_slice %arg6[%multiple_of3A_56, %dma_wait3A_71] : memref<20000x128xf32, #tpu.memory_space<hbm>> -> memref<520x128xf32, #tpu.memory_space<hbm>>
        %dma_wait3A_73 = arith.constant 0 : i32
        %dma_wait3A_74 = tpu.memref_slice %arg15[%multiple_of3A_50, %dma_wait3A_73] : memref<10000x128xf32, #tpu.memory_space<vmem_shared>> -> memref<520x128xf32, #tpu.memory_space<vmem_shared>>
        tpu.wait_dma2 semaphore(%run_scoped3A : memref<!tpu.dma_semaphore, #tpu.memory_space<semaphore_mem>>) src(%dma_wait3A_74 : memref<520x128xf32, #tpu.memory_space<vmem_shared>>) dst(%dma_wait3A_72 : memref<520x128xf32, #tpu.memory_space<hbm>>)
        tpu.yield
      }) : () -> ()
    } else {
    }
    return
  }
}

module attributes {stable_mosaic.version = 14 : i64} {
  func.func @_mm1_body(%arg0: i32, %arg1: memref<400x128xf32, #tpu.memory_space<vmem>>, %arg2: memref<128x128xf32, #tpu.memory_space<vmem>>, %arg3: memref<400x128xf32, #tpu.memory_space<vmem>>, %arg4: memref<400x128xf32, #tpu.memory_space<vmem>>, %arg5: memref<400x128xf32, #tpu.memory_space<vmem>>, %arg6: memref<400x1xf32, #tpu.memory_space<vmem>>) attributes {dimension_semantics = [#tpu.dimension_semantics<arbitrary>], iteration_bounds = array<i64: 25>, scalar_prefetch = 0 : i64, scratch_operands = 0 : i64, tpu.core_type = #tpu.core_type<tc>, window_params = [{transform_indices = @transform_0, window_bounds = array<i64: 400, 128>}, {pipeline_mode = #tpu.pipeline_mode<synchronous>, transform_indices = @transform_1, window_bounds = array<i64: 128, 128>}, {transform_indices = @transform_2, window_bounds = array<i64: 400, 128>}, {transform_indices = @transform_3, window_bounds = array<i64: 400, 128>}, {transform_indices = @transform_4, window_bounds = array<i64: 400, 128>}, {transform_indices = @transform_5, window_bounds = array<i64: 400, 1>}]} {
    %get3A = arith.constant 0 : index
    %get3A_0 = arith.constant 0 : index
    %get3A_1 = vector.load %arg3[%get3A, %get3A_0] : memref<400x128xf32, #tpu.memory_space<vmem>>, vector<400x1xf32>
    %get3A_2 = arith.constant 0 : index
    %get3A_3 = arith.constant 0 : index
    %get3A_4 = vector.load %arg4[%get3A_2, %get3A_3] : memref<400x128xf32, #tpu.memory_space<vmem>>, vector<400x1xf32>
    %add3A = arith.addf %get3A_1, %get3A_4 : vector<400x1xf32>
    %add3A_5 = arith.constant 1.000000e+00 : f32
    %add3A_6 = vector.broadcast %add3A_5 : f32 to vector<400x1xf32>
    %add3A_7 = arith.addf %add3A, %add3A_6 : vector<400x1xf32>
    %rsqrt3A = math.rsqrt %add3A_7 : vector<400x1xf32>
    %swap3A = arith.constant 0 : index
    %swap3A_8 = arith.constant 0 : index
    %swap3A_9 = vector.load %arg6[%swap3A, %swap3A_8] : memref<400x1xf32, #tpu.memory_space<vmem>>, vector<400x1xf32>
    tpu.vector_store %arg6[%swap3A, %swap3A_8], %rsqrt3A {strides = array<i32>} : memref<400x1xf32, #tpu.memory_space<vmem>>, vector<400x1xf32>,
    %get3A_10 = arith.constant 0 : index
    %get3A_11 = arith.constant 0 : index
    %get3A_12 = vector.load %arg1[%get3A_10, %get3A_11] : memref<400x128xf32, #tpu.memory_space<vmem>>, vector<400x128xf32>
    %get3A_13 = arith.constant 0 : index
    %get3A_14 = arith.constant 0 : index
    %get3A_15 = vector.load %arg2[%get3A_13, %get3A_14] : memref<128x128xf32, #tpu.memory_space<vmem>>, vector<128x128xf32>
    %dot_general3A = arith.constant dense<0.000000e+00> : vector<400x128xf32>
    %dot_general3A_16 = tpu.matmul %get3A_12, %get3A_15, %dot_general3A {dimension_numbers = #tpu.dot_dimension_numbers<[1], [0], [0], [1], [0, 0, 1, 1], [], []>, precision = #tpu.contract_precision<fp32>, transpose_lhs_hint = false} : vector<400x128xf32>, vector<128x128xf32>, vector<400x128xf32> -> vector<400x128xf32>
    %mul3A = vector.broadcast %rsqrt3A : vector<400x1xf32> to vector<400x128xf32>
    %mul3A_17 = arith.mulf %dot_general3A_16, %mul3A : vector<400x128xf32>
    %swap3A_18 = arith.constant 0 : index
    %swap3A_19 = arith.constant 0 : index
    %swap3A_20 = vector.load %arg5[%swap3A_18, %swap3A_19] : memref<400x128xf32, #tpu.memory_space<vmem>>, vector<400x128xf32>
    tpu.vector_store %arg5[%swap3A_18, %swap3A_19], %mul3A_17 {strides = array<i32>} : memref<400x128xf32, #tpu.memory_space<vmem>>, vector<400x128xf32>,
    return
  }
  func.func @transform_0(%arg0: i32) -> (i32, i32) {
    %c0_i32 = arith.constant 0 : i32
    %c0_i32_0 = arith.constant 0 : i32
    return %arg0, %c0_i32 : i32, i32
  }
  func.func @transform_1(%arg0: i32) -> (i32, i32) {
    %c0_i32 = arith.constant 0 : i32
    %c0_i32_0 = arith.constant 0 : i32
    %c0_i32_1 = arith.constant 0 : i32
    return %c0_i32, %c0_i32_0 : i32, i32
  }
  func.func @transform_2(%arg0: i32) -> (i32, i32) {
    %c0_i32 = arith.constant 0 : i32
    %c0_i32_0 = arith.constant 0 : i32
    return %arg0, %c0_i32 : i32, i32
  }
  func.func @transform_3(%arg0: i32) -> (i32, i32) {
    %add3A = arith.constant 25 : i32
    %add3A_0 = arith.addi %arg0, %add3A : i32
    %c0_i32 = arith.constant 0 : i32
    %c0_i32_1 = arith.constant 0 : i32
    return %add3A_0, %c0_i32 : i32, i32
  }
  func.func @transform_4(%arg0: i32) -> (i32, i32) {
    %c0_i32 = arith.constant 0 : i32
    %c0_i32_0 = arith.constant 0 : i32
    return %arg0, %c0_i32 : i32, i32
  }
  func.func @transform_5(%arg0: i32) -> (i32, i32) {
    %c0_i32 = arith.constant 0 : i32
    %c0_i32_0 = arith.constant 0 : i32
    return %arg0, %c0_i32 : i32, i32
  }
}

module attributes {stable_mosaic.version = 14 : i64} {
  func.func @_combine_body(%arg0: i32, %arg1: memref<400x128xf32, #tpu.memory_space<vmem>>, %arg2: memref<400x128xf32, #tpu.memory_space<vmem>>, %arg3: memref<400x128xf32, #tpu.memory_space<vmem>>, %arg4: memref<400x1xf32, #tpu.memory_space<vmem>>, %arg5: memref<1x128xf32, #tpu.memory_space<vmem>>, %arg6: memref<400x128xf32, #tpu.memory_space<vmem>>, %arg7: memref<8x128xf32, #tpu.memory_space<vmem>>) attributes {dimension_semantics = [#tpu.dimension_semantics<arbitrary>], iteration_bounds = array<i64: 25>, scalar_prefetch = 0 : i64, scratch_operands = 0 : i64, tpu.core_type = #tpu.core_type<tc>, window_params = [{transform_indices = @transform_0, window_bounds = array<i64: 400, 128>}, {transform_indices = @transform_1, window_bounds = array<i64: 400, 128>}, {transform_indices = @transform_2, window_bounds = array<i64: 400, 128>}, {transform_indices = @transform_3, window_bounds = array<i64: 400, 1>}, {pipeline_mode = #tpu.pipeline_mode<synchronous>, transform_indices = @transform_4, window_bounds = array<i64: 1, 128>}, {transform_indices = @transform_5, window_bounds = array<i64: 400, 128>}, {pipeline_mode = #tpu.pipeline_mode<synchronous>, transform_indices = @transform_6, window_bounds = array<i64: 8, 128>}]} {
    %get3A = arith.constant 0 : index
    %get3A_0 = arith.constant 0 : index
    %get3A_1 = vector.load %arg1[%get3A, %get3A_0] : memref<400x128xf32, #tpu.memory_space<vmem>>, vector<400x128xf32>
    %get3A_2 = arith.constant 0 : index
    %get3A_3 = arith.constant 0 : index
    %get3A_4 = vector.load %arg2[%get3A_2, %get3A_3] : memref<400x128xf32, #tpu.memory_space<vmem>>, vector<400x128xf32>
    %add3A = arith.addf %get3A_1, %get3A_4 : vector<400x128xf32>
    %get3A_5 = arith.constant 0 : index
    %get3A_6 = arith.constant 0 : index
    %get3A_7 = vector.load %arg3[%get3A_5, %get3A_6] : memref<400x128xf32, #tpu.memory_space<vmem>>, vector<400x128xf32>
    %add3A_8 = arith.addf %add3A, %get3A_7 : vector<400x128xf32>
    %get3A_9 = arith.constant 0 : index
    %get3A_10 = arith.constant 0 : index
    %get3A_11 = vector.load %arg4[%get3A_9, %get3A_10] : memref<400x1xf32, #tpu.memory_space<vmem>>, vector<400x1xf32>
    %mul3A = vector.broadcast %get3A_11 : vector<400x1xf32> to vector<400x128xf32>
    %mul3A_12 = arith.mulf %add3A_8, %mul3A : vector<400x128xf32>
    %get3A_13 = arith.constant 0 : index
    %get3A_14 = arith.constant 0 : index
    %get3A_15 = vector.load %arg5[%get3A_13, %get3A_14] : memref<1x128xf32, #tpu.memory_space<vmem>>, vector<1x128xf32>
    %add3A_16 = vector.broadcast %get3A_15 : vector<1x128xf32> to vector<400x128xf32>
    %add3A_17 = arith.addf %mul3A_12, %add3A_16 : vector<400x128xf32>
    %swap3A = arith.constant 0 : index
    %swap3A_18 = arith.constant 0 : index
    %swap3A_19 = vector.load %arg6[%swap3A, %swap3A_18] : memref<400x128xf32, #tpu.memory_space<vmem>>, vector<400x128xf32>
    tpu.vector_store %arg6[%swap3A, %swap3A_18], %add3A_17 {strides = array<i32>} : memref<400x128xf32, #tpu.memory_space<vmem>>, vector<400x128xf32>,
    %reduce_sum3A = arith.constant dense<0.000000e+00> : vector<128xf32>
    %reduce_sum3A_20 = vector.multi_reduction <add>, %add3A_17, %reduce_sum3A [0] : vector<400x128xf32> to vector<128xf32>
    %broadcast_in_dim3A = vector.shape_cast %reduce_sum3A_20 : vector<128xf32> to vector<1x128xf32>
    %mul3A_21 = arith.mulf %add3A_17, %add3A_17 : vector<400x128xf32>
    %reduce_sum3A_22 = arith.constant dense<0.000000e+00> : vector<128xf32>
    %reduce_sum3A_23 = vector.multi_reduction <add>, %mul3A_21, %reduce_sum3A_22 [0] : vector<400x128xf32> to vector<128xf32>
    %broadcast_in_dim3A_24 = vector.shape_cast %reduce_sum3A_23 : vector<128xf32> to vector<1x128xf32>
    %iota3A = tpu.iota {dimensions = array<i32: 0>} : vector<8x128xi32>
    %eq3A = arith.constant 0 : i32
    %eq3A_25 = vector.broadcast %eq3A : i32 to vector<8x128xi32>
    %eq3A_26 = arith.cmpi eq, %iota3A, %eq3A_25 : vector<8x128xi32>
    %jit3A = arith.constant 0.000000e+00 : f32
    %broadcast_in_dim3A_27 = vector.shape_cast %broadcast_in_dim3A : vector<1x128xf32> to vector<1x128xf32>
    %broadcast_in_dim3A_28 = vector.broadcast %broadcast_in_dim3A_27 : vector<1x128xf32> to vector<8x128xf32>
    %broadcast_in_dim3A_29 = vector.broadcast %jit3A : f32 to vector<8x128xf32>
    %select_n3A = arith.select %eq3A_26, %broadcast_in_dim3A_28, %broadcast_in_dim3A_29 : vector<8x128xi1>, vector<8x128xf32>
    %eq3A_30 = arith.constant 1 : i32
    %eq3A_31 = vector.broadcast %eq3A_30 : i32 to vector<8x128xi32>
    %eq3A_32 = arith.cmpi eq, %iota3A, %eq3A_31 : vector<8x128xi32>
    %jit3A_33 = arith.constant 0.000000e+00 : f32
    %broadcast_in_dim3A_34 = vector.shape_cast %broadcast_in_dim3A_24 : vector<1x128xf32> to vector<1x128xf32>
    %broadcast_in_dim3A_35 = vector.broadcast %broadcast_in_dim3A_34 : vector<1x128xf32> to vector<8x128xf32>
    %broadcast_in_dim3A_36 = vector.broadcast %jit3A_33 : f32 to vector<8x128xf32>
    %select_n3A_37 = arith.select %eq3A_32, %broadcast_in_dim3A_35, %broadcast_in_dim3A_36 : vector<8x128xi1>, vector<8x128xf32>
    %add3A_38 = arith.addf %select_n3A, %select_n3A_37 : vector<8x128xf32>
    %eq3A_39 = arith.constant 0 : i32
    %eq3A_40 = arith.cmpi eq, %arg0, %eq3A_39 : i32
    %convert_element_type3A = arith.extui %eq3A_40 : i1 to i32
    %cond3A = arith.constant 0 : i32
    %cond3A_41 = arith.cmpi ne, %convert_element_type3A, %cond3A : i32
    scf.if %cond3A_41 {
      %broadcast_in_dim3A_49 = arith.constant 0.000000e+00 : f32
      %broadcast_in_dim3A_50 = vector.broadcast %broadcast_in_dim3A_49 : f32 to vector<8x128xf32>
      %swap3A_51 = arith.constant 0 : index
      %swap3A_52 = arith.constant 0 : index
      %swap3A_53 = vector.load %arg7[%swap3A_51, %swap3A_52] : memref<8x128xf32, #tpu.memory_space<vmem>>, vector<8x128xf32>
      tpu.vector_store %arg7[%swap3A_51, %swap3A_52], %broadcast_in_dim3A_50 {strides = array<i32>} : memref<8x128xf32, #tpu.memory_space<vmem>>, vector<8x128xf32>,
    } else {
    }
    %get3A_42 = arith.constant 0 : index
    %get3A_43 = arith.constant 0 : index
    %get3A_44 = vector.load %arg7[%get3A_42, %get3A_43] : memref<8x128xf32, #tpu.memory_space<vmem>>, vector<8x128xf32>
    %add3A_45 = arith.addf %get3A_44, %add3A_38 : vector<8x128xf32>
    %swap3A_46 = arith.constant 0 : index
    %swap3A_47 = arith.constant 0 : index
    %swap3A_48 = vector.load %arg7[%swap3A_46, %swap3A_47] : memref<8x128xf32, #tpu.memory_space<vmem>>, vector<8x128xf32>
    tpu.vector_store %arg7[%swap3A_46, %swap3A_47], %add3A_45 {strides = array<i32>} : memref<8x128xf32, #tpu.memory_space<vmem>>, vector<8x128xf32>,
    return
  }
  func.func @transform_0(%arg0: i32) -> (i32, i32) {
    %c0_i32 = arith.constant 0 : i32
    %c0_i32_0 = arith.constant 0 : i32
    return %arg0, %c0_i32 : i32, i32
  }
  func.func @transform_1(%arg0: i32) -> (i32, i32) {
    %add3A = arith.constant 25 : i32
    %add3A_0 = arith.addi %arg0, %add3A : i32
    %c0_i32 = arith.constant 0 : i32
    %c0_i32_1 = arith.constant 0 : i32
    return %add3A_0, %c0_i32 : i32, i32
  }
  func.func @transform_2(%arg0: i32) -> (i32, i32) {
    %c0_i32 = arith.constant 0 : i32
    %c0_i32_0 = arith.constant 0 : i32
    return %arg0, %c0_i32 : i32, i32
  }
  func.func @transform_3(%arg0: i32) -> (i32, i32) {
    %c0_i32 = arith.constant 0 : i32
    %c0_i32_0 = arith.constant 0 : i32
    return %arg0, %c0_i32 : i32, i32
  }
  func.func @transform_4(%arg0: i32) -> (i32, i32) {
    %c0_i32 = arith.constant 0 : i32
    %c0_i32_0 = arith.constant 0 : i32
    %c0_i32_1 = arith.constant 0 : i32
    return %c0_i32, %c0_i32_0 : i32, i32
  }
  func.func @transform_5(%arg0: i32) -> (i32, i32) {
    %c0_i32 = arith.constant 0 : i32
    %c0_i32_0 = arith.constant 0 : i32
    return %arg0, %c0_i32 : i32, i32
  }
  func.func @transform_6(%arg0: i32) -> (i32, i32) {
    %c0_i32 = arith.constant 0 : i32
    %c0_i32_0 = arith.constant 0 : i32
    %c0_i32_1 = arith.constant 0 : i32
    return %c0_i32, %c0_i32_0 : i32, i32
  }
}

module attributes {stable_mosaic.version = 14 : i64} {
  func.func @_mm23_body(%arg0: i32, %arg1: memref<400x128xf32, #tpu.memory_space<vmem>>, %arg2: memref<8x128xf32, #tpu.memory_space<vmem>>, %arg3: memref<1x128xf32, #tpu.memory_space<vmem>>, %arg4: memref<1x128xf32, #tpu.memory_space<vmem>>, %arg5: memref<400x1xf32, #tpu.memory_space<vmem>>, %arg6: memref<128x128xf32, #tpu.memory_space<vmem>>, %arg7: memref<400x128xf32, #tpu.memory_space<vmem>>) attributes {dimension_semantics = [#tpu.dimension_semantics<arbitrary>], iteration_bounds = array<i64: 25>, scalar_prefetch = 0 : i64, scratch_operands = 0 : i64, tpu.core_type = #tpu.core_type<tc>, window_params = [{transform_indices = @transform_0, window_bounds = array<i64: 400, 128>}, {pipeline_mode = #tpu.pipeline_mode<synchronous>, transform_indices = @transform_1, window_bounds = array<i64: 8, 128>}, {pipeline_mode = #tpu.pipeline_mode<synchronous>, transform_indices = @transform_2, window_bounds = array<i64: 1, 128>}, {pipeline_mode = #tpu.pipeline_mode<synchronous>, transform_indices = @transform_3, window_bounds = array<i64: 1, 128>}, {transform_indices = @transform_4, window_bounds = array<i64: 400, 1>}, {pipeline_mode = #tpu.pipeline_mode<synchronous>, transform_indices = @transform_5, window_bounds = array<i64: 128, 128>}, {transform_indices = @transform_6, window_bounds = array<i64: 400, 128>}]} {
    %get3A = arith.constant 0 : index
    %get3A_0 = arith.constant 0 : index
    %get3A_1 = vector.load %arg2[%get3A, %get3A_0] : memref<8x128xf32, #tpu.memory_space<vmem>>, vector<8x128xf32>
    %slice3A = vector.extract_strided_slice %get3A_1 {offsets = [0, 0], sizes = [1, 128], strides = [1, 1]} : vector<8x128xf32> to vector<1x128xf32>
    %mul3A = arith.constant 9.99999974E-5 : f32
    %mul3A_2 = vector.broadcast %mul3A : f32 to vector<1x128xf32>
    %mul3A_3 = arith.mulf %slice3A, %mul3A_2 : vector<1x128xf32>
    %slice3A_4 = vector.extract_strided_slice %get3A_1 {offsets = [1, 0], sizes = [1, 128], strides = [1, 1]} : vector<8x128xf32> to vector<1x128xf32>
    %mul3A_5 = arith.constant 9.99999974E-5 : f32
    %mul3A_6 = vector.broadcast %mul3A_5 : f32 to vector<1x128xf32>
    %mul3A_7 = arith.mulf %slice3A_4, %mul3A_6 : vector<1x128xf32>
    %mul3A_8 = arith.mulf %mul3A_3, %mul3A_3 : vector<1x128xf32>
    %sub3A = arith.subf %mul3A_7, %mul3A_8 : vector<1x128xf32>
    %get3A_9 = arith.constant 0 : index
    %get3A_10 = arith.constant 0 : index
    %get3A_11 = vector.load %arg3[%get3A_9, %get3A_10] : memref<1x128xf32, #tpu.memory_space<vmem>>, vector<1x128xf32>
    %add3A = arith.constant 9.99999974E-6 : f32
    %add3A_12 = vector.broadcast %add3A : f32 to vector<1x128xf32>
    %add3A_13 = arith.addf %sub3A, %add3A_12 : vector<1x128xf32>
    %rsqrt3A = math.rsqrt %add3A_13 : vector<1x128xf32>
    %mul3A_14 = arith.mulf %get3A_11, %rsqrt3A : vector<1x128xf32>
    %get3A_15 = arith.constant 0 : index
    %get3A_16 = arith.constant 0 : index
    %get3A_17 = vector.load %arg1[%get3A_15, %get3A_16] : memref<400x128xf32, #tpu.memory_space<vmem>>, vector<400x128xf32>
    %sub3A_18 = vector.broadcast %mul3A_3 : vector<1x128xf32> to vector<400x128xf32>
    %sub3A_19 = arith.subf %get3A_17, %sub3A_18 : vector<400x128xf32>
    %mul3A_20 = vector.broadcast %mul3A_14 : vector<1x128xf32> to vector<400x128xf32>
    %mul3A_21 = arith.mulf %sub3A_19, %mul3A_20 : vector<400x128xf32>
    %get3A_22 = arith.constant 0 : index
    %get3A_23 = arith.constant 0 : index
    %get3A_24 = vector.load %arg4[%get3A_22, %get3A_23] : memref<1x128xf32, #tpu.memory_space<vmem>>, vector<1x128xf32>
    %add3A_25 = vector.broadcast %get3A_24 : vector<1x128xf32> to vector<400x128xf32>
    %add3A_26 = arith.addf %mul3A_21, %add3A_25 : vector<400x128xf32>
    %max3A = arith.constant 0.000000e+00 : f32
    %max3A_27 = vector.broadcast %max3A : f32 to vector<400x128xf32>
    %max3A_28 = arith.maximumf %add3A_26, %max3A_27 : vector<400x128xf32>
    %get3A_29 = arith.constant 0 : index
    %get3A_30 = arith.constant 0 : index
    %get3A_31 = vector.load %arg6[%get3A_29, %get3A_30] : memref<128x128xf32, #tpu.memory_space<vmem>>, vector<128x128xf32>
    %dot_general3A = arith.constant dense<0.000000e+00> : vector<400x128xf32>
    %dot_general3A_32 = tpu.matmul %max3A_28, %get3A_31, %dot_general3A {dimension_numbers = #tpu.dot_dimension_numbers<[1], [0], [0], [1], [0, 0, 1, 1], [], []>, precision = #tpu.contract_precision<fp32>, transpose_lhs_hint = false} : vector<400x128xf32>, vector<128x128xf32>, vector<400x128xf32> -> vector<400x128xf32>
    %get3A_33 = arith.constant 0 : index
    %get3A_34 = arith.constant 0 : index
    %get3A_35 = vector.load %arg5[%get3A_33, %get3A_34] : memref<400x1xf32, #tpu.memory_space<vmem>>, vector<400x1xf32>
    %mul3A_36 = vector.broadcast %get3A_35 : vector<400x1xf32> to vector<400x128xf32>
    %mul3A_37 = arith.mulf %dot_general3A_32, %mul3A_36 : vector<400x128xf32>
    %swap3A = arith.constant 0 : index
    %swap3A_38 = arith.constant 0 : index
    %swap3A_39 = vector.load %arg7[%swap3A, %swap3A_38] : memref<400x128xf32, #tpu.memory_space<vmem>>, vector<400x128xf32>
    tpu.vector_store %arg7[%swap3A, %swap3A_38], %mul3A_37 {strides = array<i32>} : memref<400x128xf32, #tpu.memory_space<vmem>>, vector<400x128xf32>,
    return
  }
  func.func @transform_0(%arg0: i32) -> (i32, i32) {
    %c0_i32 = arith.constant 0 : i32
    %c0_i32_0 = arith.constant 0 : i32
    return %arg0, %c0_i32 : i32, i32
  }
  func.func @transform_1(%arg0: i32) -> (i32, i32) {
    %c0_i32 = arith.constant 0 : i32
    %c0_i32_0 = arith.constant 0 : i32
    %c0_i32_1 = arith.constant 0 : i32
    return %c0_i32, %c0_i32_0 : i32, i32
  }
  func.func @transform_2(%arg0: i32) -> (i32, i32) {
    %c0_i32 = arith.constant 0 : i32
    %c0_i32_0 = arith.constant 0 : i32
    %c0_i32_1 = arith.constant 0 : i32
    return %c0_i32, %c0_i32_0 : i32, i32
  }
  func.func @transform_3(%arg0: i32) -> (i32, i32) {
    %c0_i32 = arith.constant 0 : i32
    %c0_i32_0 = arith.constant 0 : i32
    %c0_i32_1 = arith.constant 0 : i32
    return %c0_i32, %c0_i32_0 : i32, i32
  }
  func.func @transform_4(%arg0: i32) -> (i32, i32) {
    %c0_i32 = arith.constant 0 : i32
    %c0_i32_0 = arith.constant 0 : i32
    return %arg0, %c0_i32 : i32, i32
  }
  func.func @transform_5(%arg0: i32) -> (i32, i32) {
    %c0_i32 = arith.constant 0 : i32
    %c0_i32_0 = arith.constant 0 : i32
    %c0_i32_1 = arith.constant 0 : i32
    return %c0_i32, %c0_i32_0 : i32, i32
  }
  func.func @transform_6(%arg0: i32) -> (i32, i32) {
    %c0_i32 = arith.constant 0 : i32
    %c0_i32_0 = arith.constant 0 : i32
    return %arg0, %c0_i32 : i32, i32
  }
}

module attributes {stable_mosaic.version = 14 : i64} {
  func.func @_pool_body(%arg0: i32, %arg1: memref<400x128xf32, #tpu.memory_space<vmem>>, %arg2: memref<8x128xf32, #tpu.memory_space<vmem>>, %arg3: memref<1x128xf32, #tpu.memory_space<vmem>>, %arg4: memref<1x128xf32, #tpu.memory_space<vmem>>, %arg5: memref<1x400x1xi32, #tpu.memory_space<vmem>>, %arg6: memref<64x128xf32, #tpu.memory_space<vmem>>, %arg7: memref<64x128xf32, #tpu.memory_space<vmem>>, %arg8: memref<64x1xf32, #tpu.memory_space<vmem>>, %arg9: memref<64x128xf32, #tpu.memory_space<vmem>>) attributes {dimension_semantics = [#tpu.dimension_semantics<arbitrary>], iteration_bounds = array<i64: 25>, scalar_prefetch = 0 : i64, scratch_operands = 3 : i64, tpu.core_type = #tpu.core_type<tc>, window_params = [{transform_indices = @transform_0, window_bounds = array<i64: 400, 128>}, {pipeline_mode = #tpu.pipeline_mode<synchronous>, transform_indices = @transform_1, window_bounds = array<i64: 8, 128>}, {pipeline_mode = #tpu.pipeline_mode<synchronous>, transform_indices = @transform_2, window_bounds = array<i64: 1, 128>}, {pipeline_mode = #tpu.pipeline_mode<synchronous>, transform_indices = @transform_3, window_bounds = array<i64: 1, 128>}, {transform_indices = @transform_4, window_bounds = array<i64: 1, 400, 1>}, {pipeline_mode = #tpu.pipeline_mode<synchronous>, transform_indices = @transform_5, window_bounds = array<i64: 64, 128>}]} {
    %get3A = arith.constant 0 : index
    %get3A_0 = arith.constant 0 : index
    %get3A_1 = vector.load %arg2[%get3A, %get3A_0] : memref<8x128xf32, #tpu.memory_space<vmem>>, vector<8x128xf32>
    %slice3A = vector.extract_strided_slice %get3A_1 {offsets = [0, 0], sizes = [1, 128], strides = [1, 1]} : vector<8x128xf32> to vector<1x128xf32>
    %mul3A = arith.constant 9.99999974E-5 : f32
    %mul3A_2 = vector.broadcast %mul3A : f32 to vector<1x128xf32>
    %mul3A_3 = arith.mulf %slice3A, %mul3A_2 : vector<1x128xf32>
    %slice3A_4 = vector.extract_strided_slice %get3A_1 {offsets = [1, 0], sizes = [1, 128], strides = [1, 1]} : vector<8x128xf32> to vector<1x128xf32>
    %mul3A_5 = arith.constant 9.99999974E-5 : f32
    %mul3A_6 = vector.broadcast %mul3A_5 : f32 to vector<1x128xf32>
    %mul3A_7 = arith.mulf %slice3A_4, %mul3A_6 : vector<1x128xf32>
    %mul3A_8 = arith.mulf %mul3A_3, %mul3A_3 : vector<1x128xf32>
    %sub3A = arith.subf %mul3A_7, %mul3A_8 : vector<1x128xf32>
    %get3A_9 = arith.constant 0 : index
    %get3A_10 = arith.constant 0 : index
    %get3A_11 = vector.load %arg3[%get3A_9, %get3A_10] : memref<1x128xf32, #tpu.memory_space<vmem>>, vector<1x128xf32>
    %add3A = arith.constant 9.99999974E-6 : f32
    %add3A_12 = vector.broadcast %add3A : f32 to vector<1x128xf32>
    %add3A_13 = arith.addf %sub3A, %add3A_12 : vector<1x128xf32>
    %rsqrt3A = math.rsqrt %add3A_13 : vector<1x128xf32>
    %mul3A_14 = arith.mulf %get3A_11, %rsqrt3A : vector<1x128xf32>
    %get3A_15 = arith.constant 0 : index
    %get3A_16 = arith.constant 0 : index
    %get3A_17 = vector.load %arg1[%get3A_15, %get3A_16] : memref<400x128xf32, #tpu.memory_space<vmem>>, vector<400x128xf32>
    %sub3A_18 = vector.broadcast %mul3A_3 : vector<1x128xf32> to vector<400x128xf32>
    %sub3A_19 = arith.subf %get3A_17, %sub3A_18 : vector<400x128xf32>
    %mul3A_20 = vector.broadcast %mul3A_14 : vector<1x128xf32> to vector<400x128xf32>
    %mul3A_21 = arith.mulf %sub3A_19, %mul3A_20 : vector<400x128xf32>
    %get3A_22 = arith.constant 0 : index
    %get3A_23 = arith.constant 0 : index
    %get3A_24 = vector.load %arg4[%get3A_22, %get3A_23] : memref<1x128xf32, #tpu.memory_space<vmem>>, vector<1x128xf32>
    %add3A_25 = vector.broadcast %get3A_24 : vector<1x128xf32> to vector<400x128xf32>
    %add3A_26 = arith.addf %mul3A_21, %add3A_25 : vector<400x128xf32>
    %get3A_27 = arith.constant 0 : index
    %get3A_28 = arith.constant 0 : index
    %get3A_29 = arith.constant 0 : index
    %get3A_30 = vector.load %arg5[%get3A_27, %get3A_28, %get3A_29] : memref<1x400x1xi32, #tpu.memory_space<vmem>>, vector<1x400x1xi32>
    %get3A_31 = vector.shape_cast %get3A_30 : vector<1x400x1xi32> to vector<400x1xi32>
    %iota3A = tpu.iota {dimensions = array<i32: 1>} : vector<400x64xi32>
    %eq3A = vector.broadcast %get3A_31 : vector<400x1xi32> to vector<400x64xi32>
    %eq3A_32 = arith.cmpi eq, %eq3A, %iota3A : vector<400x64xi32>
    %convert_element_type3A = arith.extui %eq3A_32 : vector<400x64xi1> to vector<400x64xi32>
    %convert_element_type3A_33 = arith.sitofp %convert_element_type3A : vector<400x64xi32> to vector<400x64xf32>
    %eq3A_34 = arith.constant 0 : i32
    %eq3A_35 = arith.cmpi eq, %arg0, %eq3A_34 : i32
    %convert_element_type3A_36 = arith.extui %eq3A_35 : i1 to i32
    %cond3A = arith.constant 0 : i32
    %cond3A_37 = arith.cmpi ne, %convert_element_type3A_36, %cond3A : i32
    scf.if %cond3A_37 {
      %broadcast_in_dim3A_577 = arith.constant 0.000000e+00 : f32
      %broadcast_in_dim3A_578 = vector.broadcast %broadcast_in_dim3A_577 : f32 to vector<64x128xf32>
      %swap3A_579 = arith.constant 0 : index
      %swap3A_580 = arith.constant 0 : index
      %swap3A_581 = vector.load %arg7[%swap3A_579, %swap3A_580] : memref<64x128xf32, #tpu.memory_space<vmem>>, vector<64x128xf32>
      tpu.vector_store %arg7[%swap3A_579, %swap3A_580], %broadcast_in_dim3A_578 {strides = array<i32>} : memref<64x128xf32, #tpu.memory_space<vmem>>, vector<64x128xf32>,
      %broadcast_in_dim3A_582 = arith.constant 0.000000e+00 : f32
      %broadcast_in_dim3A_583 = vector.broadcast %broadcast_in_dim3A_582 : f32 to vector<64x1xf32>
      %swap3A_584 = arith.constant 0 : index
      %swap3A_585 = arith.constant 0 : index
      %swap3A_586 = vector.load %arg8[%swap3A_584, %swap3A_585] : memref<64x1xf32, #tpu.memory_space<vmem>>, vector<64x1xf32>
      tpu.vector_store %arg8[%swap3A_584, %swap3A_585], %broadcast_in_dim3A_583 {strides = array<i32>} : memref<64x1xf32, #tpu.memory_space<vmem>>, vector<64x1xf32>,
      %broadcast_in_dim3A_587 = arith.constant 0xFF800000 : f32
      %broadcast_in_dim3A_588 = vector.broadcast %broadcast_in_dim3A_587 : f32 to vector<64x128xf32>
      %swap3A_589 = arith.constant 0 : index
      %swap3A_590 = arith.constant 0 : index
      %swap3A_591 = vector.load %arg9[%swap3A_589, %swap3A_590] : memref<64x128xf32, #tpu.memory_space<vmem>>, vector<64x128xf32>
      tpu.vector_store %arg9[%swap3A_589, %swap3A_590], %broadcast_in_dim3A_588 {strides = array<i32>} : memref<64x128xf32, #tpu.memory_space<vmem>>, vector<64x128xf32>,
    } else {
    }
    %get3A_38 = arith.constant 0 : index
    %get3A_39 = arith.constant 0 : index
    %get3A_40 = vector.load %arg7[%get3A_38, %get3A_39] : memref<64x128xf32, #tpu.memory_space<vmem>>, vector<64x128xf32>
    %dot_general3A = arith.constant dense<0.000000e+00> : vector<64x128xf32>
    %dot_general3A_41 = tpu.matmul %convert_element_type3A_33, %add3A_26, %dot_general3A {dimension_numbers = #tpu.dot_dimension_numbers<[0], [0], [1], [1], [0, 1, 1, 1], [], []>, precision = #tpu.contract_precision<fp32>, transpose_lhs_hint = false} : vector<400x64xf32>, vector<400x128xf32>, vector<64x128xf32> -> vector<64x128xf32>
    %add3A_42 = arith.addf %get3A_40, %dot_general3A_41 : vector<64x128xf32>
    %swap3A = arith.constant 0 : index
    %swap3A_43 = arith.constant 0 : index
    %swap3A_44 = vector.load %arg7[%swap3A, %swap3A_43] : memref<64x128xf32, #tpu.memory_space<vmem>>, vector<64x128xf32>
    tpu.vector_store %arg7[%swap3A, %swap3A_43], %add3A_42 {strides = array<i32>} : memref<64x128xf32, #tpu.memory_space<vmem>>, vector<64x128xf32>,
    %get3A_45 = arith.constant 0 : index
    %get3A_46 = arith.constant 0 : index
    %get3A_47 = vector.load %arg8[%get3A_45, %get3A_46] : memref<64x1xf32, #tpu.memory_space<vmem>>, vector<64x1xf32>
    %broadcast_in_dim3A = arith.constant 1.000000e+00 : f32
    %broadcast_in_dim3A_48 = vector.broadcast %broadcast_in_dim3A : f32 to vector<400x1xf32>
    %dot_general3A_49 = arith.constant dense<0.000000e+00> : vector<64x1xf32>
    %dot_general3A_50 = tpu.matmul %convert_element_type3A_33, %broadcast_in_dim3A_48, %dot_general3A_49 {dimension_numbers = #tpu.dot_dimension_numbers<[0], [0], [1], [1], [0, 1, 1, 1], [], []>, precision = #tpu.contract_precision<fp32>, transpose_lhs_hint = false} : vector<400x64xf32>, vector<400x1xf32>, vector<64x1xf32> -> vector<64x1xf32>
    %add3A_51 = arith.addf %get3A_47, %dot_general3A_50 : vector<64x1xf32>
    %swap3A_52 = arith.constant 0 : index
    %swap3A_53 = arith.constant 0 : index
    %swap3A_54 = vector.load %arg8[%swap3A_52, %swap3A_53] : memref<64x1xf32, #tpu.memory_space<vmem>>, vector<64x1xf32>
    tpu.vector_store %arg8[%swap3A_52, %swap3A_53], %add3A_51 {strides = array<i32>} : memref<64x1xf32, #tpu.memory_space<vmem>>, vector<64x1xf32>,
    %reduce_min3A = vector.shape_cast %get3A_31 : vector<400x1xi32> to vector<1x400x1xi32>
    %reduce_min3A_55 = arith.constant dense<2147483647> : vector<1xi32>
    %reduce_min3A_56 = vector.multi_reduction <minsi>, %reduce_min3A, %reduce_min3A_55 [1, 2] : vector<1x400x1xi32> to vector<1xi32>
    %reduce_min3A_57 = vector.shape_cast %reduce_min3A_56 : vector<1xi32> to vector<1x1x1xi32>
    %reduce_min3A_58 = vector.extract %reduce_min3A_57[0, 0, 0] : i32 from vector<1x1x1xi32>
    %reduce_max3A = vector.shape_cast %get3A_31 : vector<400x1xi32> to vector<1x400x1xi32>
    %reduce_max3A_59 = arith.constant dense<-2147483648> : vector<1xi32>
    %reduce_max3A_60 = vector.multi_reduction <maxsi>, %reduce_max3A, %reduce_max3A_59 [1, 2] : vector<1x400x1xi32> to vector<1xi32>
    %reduce_max3A_61 = vector.shape_cast %reduce_max3A_60 : vector<1xi32> to vector<1x1x1xi32>
    %reduce_max3A_62 = vector.extract %reduce_max3A_61[0, 0, 0] : i32 from vector<1x1x1xi32>
    %le3A = arith.constant 0 : i32
    %le3A_63 = arith.cmpi sle, %reduce_min3A_58, %le3A : i32
    %ge3A = arith.constant 0 : i32
    %ge3A_64 = arith.cmpi sge, %reduce_max3A_62, %ge3A : i32
    %and3A = arith.andi %le3A_63, %ge3A_64 : i1
    %convert_element_type3A_65 = arith.extui %and3A : i1 to i32
    %cond3A_66 = arith.constant 0 : i32
    %cond3A_67 = arith.cmpi ne, %convert_element_type3A_65, %cond3A_66 : i32
    scf.if %cond3A_67 {
      %eq3A_577 = arith.constant 0 : i32
      %eq3A_578 = vector.broadcast %eq3A_577 : i32 to vector<400x1xi32>
      %eq3A_579 = arith.cmpi eq, %get3A_31, %eq3A_578 : vector<400x1xi32>
      %jit3A = arith.constant 0xFF800000 : f32
      %broadcast_in_dim3A_580 = vector.shape_cast %eq3A_579 : vector<400x1xi1> to vector<400x1xi1>
      %broadcast_in_dim3A_581 = vector.broadcast %broadcast_in_dim3A_580 : vector<400x1xi1> to vector<400x128xi1>
      %broadcast_in_dim3A_582 = vector.broadcast %jit3A : f32 to vector<400x128xf32>
      %select_n3A = arith.select %broadcast_in_dim3A_581, %add3A_26, %broadcast_in_dim3A_582 : vector<400x128xi1>, vector<400x128xf32>
      %reduce_max3A_583 = arith.constant dense<0xFF800000> : vector<128xf32>
      %reduce_max3A_584 = vector.multi_reduction <maximumf>, %select_n3A, %reduce_max3A_583 [0] : vector<400x128xf32> to vector<128xf32>
      %broadcast_in_dim3A_585 = vector.shape_cast %reduce_max3A_584 : vector<128xf32> to vector<1x128xf32>
      %get3A_586 = arith.constant 0 : index
      %get3A_587 = arith.constant 0 : index
      %get3A_588 = vector.load %arg9[%get3A_586, %get3A_587] : memref<64x128xf32, #tpu.memory_space<vmem>>, vector<1x128xf32>
      %max3A = arith.maximumf %get3A_588, %broadcast_in_dim3A_585 : vector<1x128xf32>
      %swap3A_589 = arith.constant 0 : index
      %swap3A_590 = arith.constant 0 : index
      %swap3A_591 = vector.load %arg9[%swap3A_589, %swap3A_590] : memref<64x128xf32, #tpu.memory_space<vmem>>, vector<1x128xf32>
      tpu.vector_store %arg9[%swap3A_589, %swap3A_590], %max3A {strides = array<i32>} : memref<64x128xf32, #tpu.memory_space<vmem>>, vector<1x128xf32>,
    } else {
    }
    %le3A_68 = arith.constant 1 : i32
    %le3A_69 = arith.cmpi sle, %reduce_min3A_58, %le3A_68 : i32
    %ge3A_70 = arith.constant 1 : i32
    %ge3A_71 = arith.cmpi sge, %reduce_max3A_62, %ge3A_70 : i32
    %and3A_72 = arith.andi %le3A_69, %ge3A_71 : i1
    %convert_element_type3A_73 = arith.extui %and3A_72 : i1 to i32
    %cond3A_74 = arith.constant 0 : i32
    %cond3A_75 = arith.cmpi ne, %convert_element_type3A_73, %cond3A_74 : i32
    scf.if %cond3A_75 {
      %eq3A_577 = arith.constant 1 : i32
      %eq3A_578 = vector.broadcast %eq3A_577 : i32 to vector<400x1xi32>
      %eq3A_579 = arith.cmpi eq, %get3A_31, %eq3A_578 : vector<400x1xi32>
      %jit3A = arith.constant 0xFF800000 : f32
      %broadcast_in_dim3A_580 = vector.shape_cast %eq3A_579 : vector<400x1xi1> to vector<400x1xi1>
      %broadcast_in_dim3A_581 = vector.broadcast %broadcast_in_dim3A_580 : vector<400x1xi1> to vector<400x128xi1>
      %broadcast_in_dim3A_582 = vector.broadcast %jit3A : f32 to vector<400x128xf32>
      %select_n3A = arith.select %broadcast_in_dim3A_581, %add3A_26, %broadcast_in_dim3A_582 : vector<400x128xi1>, vector<400x128xf32>
      %reduce_max3A_583 = arith.constant dense<0xFF800000> : vector<128xf32>
      %reduce_max3A_584 = vector.multi_reduction <maximumf>, %select_n3A, %reduce_max3A_583 [0] : vector<400x128xf32> to vector<128xf32>
      %broadcast_in_dim3A_585 = vector.shape_cast %reduce_max3A_584 : vector<128xf32> to vector<1x128xf32>
      %get3A_586 = arith.constant 1 : index
      %get3A_587 = arith.constant 0 : index
      %get3A_588 = vector.load %arg9[%get3A_586, %get3A_587] : memref<64x128xf32, #tpu.memory_space<vmem>>, vector<1x128xf32>
      %max3A = arith.maximumf %get3A_588, %broadcast_in_dim3A_585 : vector<1x128xf32>
      %swap3A_589 = arith.constant 1 : index
      %swap3A_590 = arith.constant 0 : index
      %swap3A_591 = vector.load %arg9[%swap3A_589, %swap3A_590] : memref<64x128xf32, #tpu.memory_space<vmem>>, vector<1x128xf32>
      tpu.vector_store %arg9[%swap3A_589, %swap3A_590], %max3A {strides = array<i32>} : memref<64x128xf32, #tpu.memory_space<vmem>>, vector<1x128xf32>,
    } else {
    }
    %le3A_76 = arith.constant 2 : i32
    %le3A_77 = arith.cmpi sle, %reduce_min3A_58, %le3A_76 : i32
    %ge3A_78 = arith.constant 2 : i32
    %ge3A_79 = arith.cmpi sge, %reduce_max3A_62, %ge3A_78 : i32
    %and3A_80 = arith.andi %le3A_77, %ge3A_79 : i1
    %convert_element_type3A_81 = arith.extui %and3A_80 : i1 to i32
    %cond3A_82 = arith.constant 0 : i32
    %cond3A_83 = arith.cmpi ne, %convert_element_type3A_81, %cond3A_82 : i32
    scf.if %cond3A_83 {
      %eq3A_577 = arith.constant 2 : i32
      %eq3A_578 = vector.broadcast %eq3A_577 : i32 to vector<400x1xi32>
      %eq3A_579 = arith.cmpi eq, %get3A_31, %eq3A_578 : vector<400x1xi32>
      %jit3A = arith.constant 0xFF800000 : f32
      %broadcast_in_dim3A_580 = vector.shape_cast %eq3A_579 : vector<400x1xi1> to vector<400x1xi1>
      %broadcast_in_dim3A_581 = vector.broadcast %broadcast_in_dim3A_580 : vector<400x1xi1> to vector<400x128xi1>
      %broadcast_in_dim3A_582 = vector.broadcast %jit3A : f32 to vector<400x128xf32>
      %select_n3A = arith.select %broadcast_in_dim3A_581, %add3A_26, %broadcast_in_dim3A_582 : vector<400x128xi1>, vector<400x128xf32>
      %reduce_max3A_583 = arith.constant dense<0xFF800000> : vector<128xf32>
      %reduce_max3A_584 = vector.multi_reduction <maximumf>, %select_n3A, %reduce_max3A_583 [0] : vector<400x128xf32> to vector<128xf32>
      %broadcast_in_dim3A_585 = vector.shape_cast %reduce_max3A_584 : vector<128xf32> to vector<1x128xf32>
      %get3A_586 = arith.constant 2 : index
      %get3A_587 = arith.constant 0 : index
      %get3A_588 = vector.load %arg9[%get3A_586, %get3A_587] : memref<64x128xf32, #tpu.memory_space<vmem>>, vector<1x128xf32>
      %max3A = arith.maximumf %get3A_588, %broadcast_in_dim3A_585 : vector<1x128xf32>
      %swap3A_589 = arith.constant 2 : index
      %swap3A_590 = arith.constant 0 : index
      %swap3A_591 = vector.load %arg9[%swap3A_589, %swap3A_590] : memref<64x128xf32, #tpu.memory_space<vmem>>, vector<1x128xf32>
      tpu.vector_store %arg9[%swap3A_589, %swap3A_590], %max3A {strides = array<i32>} : memref<64x128xf32, #tpu.memory_space<vmem>>, vector<1x128xf32>,
    } else {
    }
    %le3A_84 = arith.constant 3 : i32
    %le3A_85 = arith.cmpi sle, %reduce_min3A_58, %le3A_84 : i32
    %ge3A_86 = arith.constant 3 : i32
    %ge3A_87 = arith.cmpi sge, %reduce_max3A_62, %ge3A_86 : i32
    %and3A_88 = arith.andi %le3A_85, %ge3A_87 : i1
    %convert_element_type3A_89 = arith.extui %and3A_88 : i1 to i32
    %cond3A_90 = arith.constant 0 : i32
    %cond3A_91 = arith.cmpi ne, %convert_element_type3A_89, %cond3A_90 : i32
    scf.if %cond3A_91 {
      %eq3A_577 = arith.constant 3 : i32
      %eq3A_578 = vector.broadcast %eq3A_577 : i32 to vector<400x1xi32>
      %eq3A_579 = arith.cmpi eq, %get3A_31, %eq3A_578 : vector<400x1xi32>
      %jit3A = arith.constant 0xFF800000 : f32
      %broadcast_in_dim3A_580 = vector.shape_cast %eq3A_579 : vector<400x1xi1> to vector<400x1xi1>
      %broadcast_in_dim3A_581 = vector.broadcast %broadcast_in_dim3A_580 : vector<400x1xi1> to vector<400x128xi1>
      %broadcast_in_dim3A_582 = vector.broadcast %jit3A : f32 to vector<400x128xf32>
      %select_n3A = arith.select %broadcast_in_dim3A_581, %add3A_26, %broadcast_in_dim3A_582 : vector<400x128xi1>, vector<400x128xf32>
      %reduce_max3A_583 = arith.constant dense<0xFF800000> : vector<128xf32>
      %reduce_max3A_584 = vector.multi_reduction <maximumf>, %select_n3A, %reduce_max3A_583 [0] : vector<400x128xf32> to vector<128xf32>
      %broadcast_in_dim3A_585 = vector.shape_cast %reduce_max3A_584 : vector<128xf32> to vector<1x128xf32>
      %get3A_586 = arith.constant 3 : index
      %get3A_587 = arith.constant 0 : index
      %get3A_588 = vector.load %arg9[%get3A_586, %get3A_587] : memref<64x128xf32, #tpu.memory_space<vmem>>, vector<1x128xf32>
      %max3A = arith.maximumf %get3A_588, %broadcast_in_dim3A_585 : vector<1x128xf32>
      %swap3A_589 = arith.constant 3 : index
      %swap3A_590 = arith.constant 0 : index
      %swap3A_591 = vector.load %arg9[%swap3A_589, %swap3A_590] : memref<64x128xf32, #tpu.memory_space<vmem>>, vector<1x128xf32>
      tpu.vector_store %arg9[%swap3A_589, %swap3A_590], %max3A {strides = array<i32>} : memref<64x128xf32, #tpu.memory_space<vmem>>, vector<1x128xf32>,
    } else {
    }
    %le3A_92 = arith.constant 4 : i32
    %le3A_93 = arith.cmpi sle, %reduce_min3A_58, %le3A_92 : i32
    %ge3A_94 = arith.constant 4 : i32
    %ge3A_95 = arith.cmpi sge, %reduce_max3A_62, %ge3A_94 : i32
    %and3A_96 = arith.andi %le3A_93, %ge3A_95 : i1
    %convert_element_type3A_97 = arith.extui %and3A_96 : i1 to i32
    %cond3A_98 = arith.constant 0 : i32
    %cond3A_99 = arith.cmpi ne, %convert_element_type3A_97, %cond3A_98 : i32
    scf.if %cond3A_99 {
      %eq3A_577 = arith.constant 4 : i32
      %eq3A_578 = vector.broadcast %eq3A_577 : i32 to vector<400x1xi32>
      %eq3A_579 = arith.cmpi eq, %get3A_31, %eq3A_578 : vector<400x1xi32>
      %jit3A = arith.constant 0xFF800000 : f32
      %broadcast_in_dim3A_580 = vector.shape_cast %eq3A_579 : vector<400x1xi1> to vector<400x1xi1>
      %broadcast_in_dim3A_581 = vector.broadcast %broadcast_in_dim3A_580 : vector<400x1xi1> to vector<400x128xi1>
      %broadcast_in_dim3A_582 = vector.broadcast %jit3A : f32 to vector<400x128xf32>
      %select_n3A = arith.select %broadcast_in_dim3A_581, %add3A_26, %broadcast_in_dim3A_582 : vector<400x128xi1>, vector<400x128xf32>
      %reduce_max3A_583 = arith.constant dense<0xFF800000> : vector<128xf32>
      %reduce_max3A_584 = vector.multi_reduction <maximumf>, %select_n3A, %reduce_max3A_583 [0] : vector<400x128xf32> to vector<128xf32>
      %broadcast_in_dim3A_585 = vector.shape_cast %reduce_max3A_584 : vector<128xf32> to vector<1x128xf32>
      %get3A_586 = arith.constant 4 : index
      %get3A_587 = arith.constant 0 : index
      %get3A_588 = vector.load %arg9[%get3A_586, %get3A_587] : memref<64x128xf32, #tpu.memory_space<vmem>>, vector<1x128xf32>
      %max3A = arith.maximumf %get3A_588, %broadcast_in_dim3A_585 : vector<1x128xf32>
      %swap3A_589 = arith.constant 4 : index
      %swap3A_590 = arith.constant 0 : index
      %swap3A_591 = vector.load %arg9[%swap3A_589, %swap3A_590] : memref<64x128xf32, #tpu.memory_space<vmem>>, vector<1x128xf32>
      tpu.vector_store %arg9[%swap3A_589, %swap3A_590], %max3A {strides = array<i32>} : memref<64x128xf32, #tpu.memory_space<vmem>>, vector<1x128xf32>,
    } else {
    }
    %le3A_100 = arith.constant 5 : i32
    %le3A_101 = arith.cmpi sle, %reduce_min3A_58, %le3A_100 : i32
    %ge3A_102 = arith.constant 5 : i32
    %ge3A_103 = arith.cmpi sge, %reduce_max3A_62, %ge3A_102 : i32
    %and3A_104 = arith.andi %le3A_101, %ge3A_103 : i1
    %convert_element_type3A_105 = arith.extui %and3A_104 : i1 to i32
    %cond3A_106 = arith.constant 0 : i32
    %cond3A_107 = arith.cmpi ne, %convert_element_type3A_105, %cond3A_106 : i32
    scf.if %cond3A_107 {
      %eq3A_577 = arith.constant 5 : i32
      %eq3A_578 = vector.broadcast %eq3A_577 : i32 to vector<400x1xi32>
      %eq3A_579 = arith.cmpi eq, %get3A_31, %eq3A_578 : vector<400x1xi32>
      %jit3A = arith.constant 0xFF800000 : f32
      %broadcast_in_dim3A_580 = vector.shape_cast %eq3A_579 : vector<400x1xi1> to vector<400x1xi1>
      %broadcast_in_dim3A_581 = vector.broadcast %broadcast_in_dim3A_580 : vector<400x1xi1> to vector<400x128xi1>
      %broadcast_in_dim3A_582 = vector.broadcast %jit3A : f32 to vector<400x128xf32>
      %select_n3A = arith.select %broadcast_in_dim3A_581, %add3A_26, %broadcast_in_dim3A_582 : vector<400x128xi1>, vector<400x128xf32>
      %reduce_max3A_583 = arith.constant dense<0xFF800000> : vector<128xf32>
      %reduce_max3A_584 = vector.multi_reduction <maximumf>, %select_n3A, %reduce_max3A_583 [0] : vector<400x128xf32> to vector<128xf32>
      %broadcast_in_dim3A_585 = vector.shape_cast %reduce_max3A_584 : vector<128xf32> to vector<1x128xf32>
      %get3A_586 = arith.constant 5 : index
      %get3A_587 = arith.constant 0 : index
      %get3A_588 = vector.load %arg9[%get3A_586, %get3A_587] : memref<64x128xf32, #tpu.memory_space<vmem>>, vector<1x128xf32>
      %max3A = arith.maximumf %get3A_588, %broadcast_in_dim3A_585 : vector<1x128xf32>
      %swap3A_589 = arith.constant 5 : index
      %swap3A_590 = arith.constant 0 : index
      %swap3A_591 = vector.load %arg9[%swap3A_589, %swap3A_590] : memref<64x128xf32, #tpu.memory_space<vmem>>, vector<1x128xf32>
      tpu.vector_store %arg9[%swap3A_589, %swap3A_590], %max3A {strides = array<i32>} : memref<64x128xf32, #tpu.memory_space<vmem>>, vector<1x128xf32>,
    } else {
    }
    %le3A_108 = arith.constant 6 : i32
    %le3A_109 = arith.cmpi sle, %reduce_min3A_58, %le3A_108 : i32
    %ge3A_110 = arith.constant 6 : i32
    %ge3A_111 = arith.cmpi sge, %reduce_max3A_62, %ge3A_110 : i32
    %and3A_112 = arith.andi %le3A_109, %ge3A_111 : i1
    %convert_element_type3A_113 = arith.extui %and3A_112 : i1 to i32
    %cond3A_114 = arith.constant 0 : i32
    %cond3A_115 = arith.cmpi ne, %convert_element_type3A_113, %cond3A_114 : i32
    scf.if %cond3A_115 {
      %eq3A_577 = arith.constant 6 : i32
      %eq3A_578 = vector.broadcast %eq3A_577 : i32 to vector<400x1xi32>
      %eq3A_579 = arith.cmpi eq, %get3A_31, %eq3A_578 : vector<400x1xi32>
      %jit3A = arith.constant 0xFF800000 : f32
      %broadcast_in_dim3A_580 = vector.shape_cast %eq3A_579 : vector<400x1xi1> to vector<400x1xi1>
      %broadcast_in_dim3A_581 = vector.broadcast %broadcast_in_dim3A_580 : vector<400x1xi1> to vector<400x128xi1>
      %broadcast_in_dim3A_582 = vector.broadcast %jit3A : f32 to vector<400x128xf32>
      %select_n3A = arith.select %broadcast_in_dim3A_581, %add3A_26, %broadcast_in_dim3A_582 : vector<400x128xi1>, vector<400x128xf32>
      %reduce_max3A_583 = arith.constant dense<0xFF800000> : vector<128xf32>
      %reduce_max3A_584 = vector.multi_reduction <maximumf>, %select_n3A, %reduce_max3A_583 [0] : vector<400x128xf32> to vector<128xf32>
      %broadcast_in_dim3A_585 = vector.shape_cast %reduce_max3A_584 : vector<128xf32> to vector<1x128xf32>
      %get3A_586 = arith.constant 6 : index
      %get3A_587 = arith.constant 0 : index
      %get3A_588 = vector.load %arg9[%get3A_586, %get3A_587] : memref<64x128xf32, #tpu.memory_space<vmem>>, vector<1x128xf32>
      %max3A = arith.maximumf %get3A_588, %broadcast_in_dim3A_585 : vector<1x128xf32>
      %swap3A_589 = arith.constant 6 : index
      %swap3A_590 = arith.constant 0 : index
      %swap3A_591 = vector.load %arg9[%swap3A_589, %swap3A_590] : memref<64x128xf32, #tpu.memory_space<vmem>>, vector<1x128xf32>
      tpu.vector_store %arg9[%swap3A_589, %swap3A_590], %max3A {strides = array<i32>} : memref<64x128xf32, #tpu.memory_space<vmem>>, vector<1x128xf32>,
    } else {
    }
    %le3A_116 = arith.constant 7 : i32
    %le3A_117 = arith.cmpi sle, %reduce_min3A_58, %le3A_116 : i32
    %ge3A_118 = arith.constant 7 : i32
    %ge3A_119 = arith.cmpi sge, %reduce_max3A_62, %ge3A_118 : i32
    %and3A_120 = arith.andi %le3A_117, %ge3A_119 : i1
    %convert_element_type3A_121 = arith.extui %and3A_120 : i1 to i32
    %cond3A_122 = arith.constant 0 : i32
    %cond3A_123 = arith.cmpi ne, %convert_element_type3A_121, %cond3A_122 : i32
    scf.if %cond3A_123 {
      %eq3A_577 = arith.constant 7 : i32
      %eq3A_578 = vector.broadcast %eq3A_577 : i32 to vector<400x1xi32>
      %eq3A_579 = arith.cmpi eq, %get3A_31, %eq3A_578 : vector<400x1xi32>
      %jit3A = arith.constant 0xFF800000 : f32
      %broadcast_in_dim3A_580 = vector.shape_cast %eq3A_579 : vector<400x1xi1> to vector<400x1xi1>
      %broadcast_in_dim3A_581 = vector.broadcast %broadcast_in_dim3A_580 : vector<400x1xi1> to vector<400x128xi1>
      %broadcast_in_dim3A_582 = vector.broadcast %jit3A : f32 to vector<400x128xf32>
      %select_n3A = arith.select %broadcast_in_dim3A_581, %add3A_26, %broadcast_in_dim3A_582 : vector<400x128xi1>, vector<400x128xf32>
      %reduce_max3A_583 = arith.constant dense<0xFF800000> : vector<128xf32>
      %reduce_max3A_584 = vector.multi_reduction <maximumf>, %select_n3A, %reduce_max3A_583 [0] : vector<400x128xf32> to vector<128xf32>
      %broadcast_in_dim3A_585 = vector.shape_cast %reduce_max3A_584 : vector<128xf32> to vector<1x128xf32>
      %get3A_586 = arith.constant 7 : index
      %get3A_587 = arith.constant 0 : index
      %get3A_588 = vector.load %arg9[%get3A_586, %get3A_587] : memref<64x128xf32, #tpu.memory_space<vmem>>, vector<1x128xf32>
      %max3A = arith.maximumf %get3A_588, %broadcast_in_dim3A_585 : vector<1x128xf32>
      %swap3A_589 = arith.constant 7 : index
      %swap3A_590 = arith.constant 0 : index
      %swap3A_591 = vector.load %arg9[%swap3A_589, %swap3A_590] : memref<64x128xf32, #tpu.memory_space<vmem>>, vector<1x128xf32>
      tpu.vector_store %arg9[%swap3A_589, %swap3A_590], %max3A {strides = array<i32>} : memref<64x128xf32, #tpu.memory_space<vmem>>, vector<1x128xf32>,
    } else {
    }
    %le3A_124 = arith.constant 8 : i32
    %le3A_125 = arith.cmpi sle, %reduce_min3A_58, %le3A_124 : i32
    %ge3A_126 = arith.constant 8 : i32
    %ge3A_127 = arith.cmpi sge, %reduce_max3A_62, %ge3A_126 : i32
    %and3A_128 = arith.andi %le3A_125, %ge3A_127 : i1
    %convert_element_type3A_129 = arith.extui %and3A_128 : i1 to i32
    %cond3A_130 = arith.constant 0 : i32
    %cond3A_131 = arith.cmpi ne, %convert_element_type3A_129, %cond3A_130 : i32
    scf.if %cond3A_131 {
      %eq3A_577 = arith.constant 8 : i32
      %eq3A_578 = vector.broadcast %eq3A_577 : i32 to vector<400x1xi32>
      %eq3A_579 = arith.cmpi eq, %get3A_31, %eq3A_578 : vector<400x1xi32>
      %jit3A = arith.constant 0xFF800000 : f32
      %broadcast_in_dim3A_580 = vector.shape_cast %eq3A_579 : vector<400x1xi1> to vector<400x1xi1>
      %broadcast_in_dim3A_581 = vector.broadcast %broadcast_in_dim3A_580 : vector<400x1xi1> to vector<400x128xi1>
      %broadcast_in_dim3A_582 = vector.broadcast %jit3A : f32 to vector<400x128xf32>
      %select_n3A = arith.select %broadcast_in_dim3A_581, %add3A_26, %broadcast_in_dim3A_582 : vector<400x128xi1>, vector<400x128xf32>
      %reduce_max3A_583 = arith.constant dense<0xFF800000> : vector<128xf32>
      %reduce_max3A_584 = vector.multi_reduction <maximumf>, %select_n3A, %reduce_max3A_583 [0] : vector<400x128xf32> to vector<128xf32>
      %broadcast_in_dim3A_585 = vector.shape_cast %reduce_max3A_584 : vector<128xf32> to vector<1x128xf32>
      %get3A_586 = arith.constant 8 : index
      %get3A_587 = arith.constant 0 : index
      %get3A_588 = vector.load %arg9[%get3A_586, %get3A_587] : memref<64x128xf32, #tpu.memory_space<vmem>>, vector<1x128xf32>
      %max3A = arith.maximumf %get3A_588, %broadcast_in_dim3A_585 : vector<1x128xf32>
      %swap3A_589 = arith.constant 8 : index
      %swap3A_590 = arith.constant 0 : index
      %swap3A_591 = vector.load %arg9[%swap3A_589, %swap3A_590] : memref<64x128xf32, #tpu.memory_space<vmem>>, vector<1x128xf32>
      tpu.vector_store %arg9[%swap3A_589, %swap3A_590], %max3A {strides = array<i32>} : memref<64x128xf32, #tpu.memory_space<vmem>>, vector<1x128xf32>,
    } else {
    }
    %le3A_132 = arith.constant 9 : i32
    %le3A_133 = arith.cmpi sle, %reduce_min3A_58, %le3A_132 : i32
    %ge3A_134 = arith.constant 9 : i32
    %ge3A_135 = arith.cmpi sge, %reduce_max3A_62, %ge3A_134 : i32
    %and3A_136 = arith.andi %le3A_133, %ge3A_135 : i1
    %convert_element_type3A_137 = arith.extui %and3A_136 : i1 to i32
    %cond3A_138 = arith.constant 0 : i32
    %cond3A_139 = arith.cmpi ne, %convert_element_type3A_137, %cond3A_138 : i32
    scf.if %cond3A_139 {
      %eq3A_577 = arith.constant 9 : i32
      %eq3A_578 = vector.broadcast %eq3A_577 : i32 to vector<400x1xi32>
      %eq3A_579 = arith.cmpi eq, %get3A_31, %eq3A_578 : vector<400x1xi32>
      %jit3A = arith.constant 0xFF800000 : f32
      %broadcast_in_dim3A_580 = vector.shape_cast %eq3A_579 : vector<400x1xi1> to vector<400x1xi1>
      %broadcast_in_dim3A_581 = vector.broadcast %broadcast_in_dim3A_580 : vector<400x1xi1> to vector<400x128xi1>
      %broadcast_in_dim3A_582 = vector.broadcast %jit3A : f32 to vector<400x128xf32>
      %select_n3A = arith.select %broadcast_in_dim3A_581, %add3A_26, %broadcast_in_dim3A_582 : vector<400x128xi1>, vector<400x128xf32>
      %reduce_max3A_583 = arith.constant dense<0xFF800000> : vector<128xf32>
      %reduce_max3A_584 = vector.multi_reduction <maximumf>, %select_n3A, %reduce_max3A_583 [0] : vector<400x128xf32> to vector<128xf32>
      %broadcast_in_dim3A_585 = vector.shape_cast %reduce_max3A_584 : vector<128xf32> to vector<1x128xf32>
      %get3A_586 = arith.constant 9 : index
      %get3A_587 = arith.constant 0 : index
      %get3A_588 = vector.load %arg9[%get3A_586, %get3A_587] : memref<64x128xf32, #tpu.memory_space<vmem>>, vector<1x128xf32>
      %max3A = arith.maximumf %get3A_588, %broadcast_in_dim3A_585 : vector<1x128xf32>
      %swap3A_589 = arith.constant 9 : index
      %swap3A_590 = arith.constant 0 : index
      %swap3A_591 = vector.load %arg9[%swap3A_589, %swap3A_590] : memref<64x128xf32, #tpu.memory_space<vmem>>, vector<1x128xf32>
      tpu.vector_store %arg9[%swap3A_589, %swap3A_590], %max3A {strides = array<i32>} : memref<64x128xf32, #tpu.memory_space<vmem>>, vector<1x128xf32>,
    } else {
    }
    %le3A_140 = arith.constant 10 : i32
    %le3A_141 = arith.cmpi sle, %reduce_min3A_58, %le3A_140 : i32
    %ge3A_142 = arith.constant 10 : i32
    %ge3A_143 = arith.cmpi sge, %reduce_max3A_62, %ge3A_142 : i32
    %and3A_144 = arith.andi %le3A_141, %ge3A_143 : i1
    %convert_element_type3A_145 = arith.extui %and3A_144 : i1 to i32
    %cond3A_146 = arith.constant 0 : i32
    %cond3A_147 = arith.cmpi ne, %convert_element_type3A_145, %cond3A_146 : i32
    scf.if %cond3A_147 {
      %eq3A_577 = arith.constant 10 : i32
      %eq3A_578 = vector.broadcast %eq3A_577 : i32 to vector<400x1xi32>
      %eq3A_579 = arith.cmpi eq, %get3A_31, %eq3A_578 : vector<400x1xi32>
      %jit3A = arith.constant 0xFF800000 : f32
      %broadcast_in_dim3A_580 = vector.shape_cast %eq3A_579 : vector<400x1xi1> to vector<400x1xi1>
      %broadcast_in_dim3A_581 = vector.broadcast %broadcast_in_dim3A_580 : vector<400x1xi1> to vector<400x128xi1>
      %broadcast_in_dim3A_582 = vector.broadcast %jit3A : f32 to vector<400x128xf32>
      %select_n3A = arith.select %broadcast_in_dim3A_581, %add3A_26, %broadcast_in_dim3A_582 : vector<400x128xi1>, vector<400x128xf32>
      %reduce_max3A_583 = arith.constant dense<0xFF800000> : vector<128xf32>
      %reduce_max3A_584 = vector.multi_reduction <maximumf>, %select_n3A, %reduce_max3A_583 [0] : vector<400x128xf32> to vector<128xf32>
      %broadcast_in_dim3A_585 = vector.shape_cast %reduce_max3A_584 : vector<128xf32> to vector<1x128xf32>
      %get3A_586 = arith.constant 10 : index
      %get3A_587 = arith.constant 0 : index
      %get3A_588 = vector.load %arg9[%get3A_586, %get3A_587] : memref<64x128xf32, #tpu.memory_space<vmem>>, vector<1x128xf32>
      %max3A = arith.maximumf %get3A_588, %broadcast_in_dim3A_585 : vector<1x128xf32>
      %swap3A_589 = arith.constant 10 : index
      %swap3A_590 = arith.constant 0 : index
      %swap3A_591 = vector.load %arg9[%swap3A_589, %swap3A_590] : memref<64x128xf32, #tpu.memory_space<vmem>>, vector<1x128xf32>
      tpu.vector_store %arg9[%swap3A_589, %swap3A_590], %max3A {strides = array<i32>} : memref<64x128xf32, #tpu.memory_space<vmem>>, vector<1x128xf32>,
    } else {
    }
    %le3A_148 = arith.constant 11 : i32
    %le3A_149 = arith.cmpi sle, %reduce_min3A_58, %le3A_148 : i32
    %ge3A_150 = arith.constant 11 : i32
    %ge3A_151 = arith.cmpi sge, %reduce_max3A_62, %ge3A_150 : i32
    %and3A_152 = arith.andi %le3A_149, %ge3A_151 : i1
    %convert_element_type3A_153 = arith.extui %and3A_152 : i1 to i32
    %cond3A_154 = arith.constant 0 : i32
    %cond3A_155 = arith.cmpi ne, %convert_element_type3A_153, %cond3A_154 : i32
    scf.if %cond3A_155 {
      %eq3A_577 = arith.constant 11 : i32
      %eq3A_578 = vector.broadcast %eq3A_577 : i32 to vector<400x1xi32>
      %eq3A_579 = arith.cmpi eq, %get3A_31, %eq3A_578 : vector<400x1xi32>
      %jit3A = arith.constant 0xFF800000 : f32
      %broadcast_in_dim3A_580 = vector.shape_cast %eq3A_579 : vector<400x1xi1> to vector<400x1xi1>
      %broadcast_in_dim3A_581 = vector.broadcast %broadcast_in_dim3A_580 : vector<400x1xi1> to vector<400x128xi1>
      %broadcast_in_dim3A_582 = vector.broadcast %jit3A : f32 to vector<400x128xf32>
      %select_n3A = arith.select %broadcast_in_dim3A_581, %add3A_26, %broadcast_in_dim3A_582 : vector<400x128xi1>, vector<400x128xf32>
      %reduce_max3A_583 = arith.constant dense<0xFF800000> : vector<128xf32>
      %reduce_max3A_584 = vector.multi_reduction <maximumf>, %select_n3A, %reduce_max3A_583 [0] : vector<400x128xf32> to vector<128xf32>
      %broadcast_in_dim3A_585 = vector.shape_cast %reduce_max3A_584 : vector<128xf32> to vector<1x128xf32>
      %get3A_586 = arith.constant 11 : index
      %get3A_587 = arith.constant 0 : index
      %get3A_588 = vector.load %arg9[%get3A_586, %get3A_587] : memref<64x128xf32, #tpu.memory_space<vmem>>, vector<1x128xf32>
      %max3A = arith.maximumf %get3A_588, %broadcast_in_dim3A_585 : vector<1x128xf32>
      %swap3A_589 = arith.constant 11 : index
      %swap3A_590 = arith.constant 0 : index
      %swap3A_591 = vector.load %arg9[%swap3A_589, %swap3A_590] : memref<64x128xf32, #tpu.memory_space<vmem>>, vector<1x128xf32>
      tpu.vector_store %arg9[%swap3A_589, %swap3A_590], %max3A {strides = array<i32>} : memref<64x128xf32, #tpu.memory_space<vmem>>, vector<1x128xf32>,
    } else {
    }
    %le3A_156 = arith.constant 12 : i32
    %le3A_157 = arith.cmpi sle, %reduce_min3A_58, %le3A_156 : i32
    %ge3A_158 = arith.constant 12 : i32
    %ge3A_159 = arith.cmpi sge, %reduce_max3A_62, %ge3A_158 : i32
    %and3A_160 = arith.andi %le3A_157, %ge3A_159 : i1
    %convert_element_type3A_161 = arith.extui %and3A_160 : i1 to i32
    %cond3A_162 = arith.constant 0 : i32
    %cond3A_163 = arith.cmpi ne, %convert_element_type3A_161, %cond3A_162 : i32
    scf.if %cond3A_163 {
      %eq3A_577 = arith.constant 12 : i32
      %eq3A_578 = vector.broadcast %eq3A_577 : i32 to vector<400x1xi32>
      %eq3A_579 = arith.cmpi eq, %get3A_31, %eq3A_578 : vector<400x1xi32>
      %jit3A = arith.constant 0xFF800000 : f32
      %broadcast_in_dim3A_580 = vector.shape_cast %eq3A_579 : vector<400x1xi1> to vector<400x1xi1>
      %broadcast_in_dim3A_581 = vector.broadcast %broadcast_in_dim3A_580 : vector<400x1xi1> to vector<400x128xi1>
      %broadcast_in_dim3A_582 = vector.broadcast %jit3A : f32 to vector<400x128xf32>
      %select_n3A = arith.select %broadcast_in_dim3A_581, %add3A_26, %broadcast_in_dim3A_582 : vector<400x128xi1>, vector<400x128xf32>
      %reduce_max3A_583 = arith.constant dense<0xFF800000> : vector<128xf32>
      %reduce_max3A_584 = vector.multi_reduction <maximumf>, %select_n3A, %reduce_max3A_583 [0] : vector<400x128xf32> to vector<128xf32>
      %broadcast_in_dim3A_585 = vector.shape_cast %reduce_max3A_584 : vector<128xf32> to vector<1x128xf32>
      %get3A_586 = arith.constant 12 : index
      %get3A_587 = arith.constant 0 : index
      %get3A_588 = vector.load %arg9[%get3A_586, %get3A_587] : memref<64x128xf32, #tpu.memory_space<vmem>>, vector<1x128xf32>
      %max3A = arith.maximumf %get3A_588, %broadcast_in_dim3A_585 : vector<1x128xf32>
      %swap3A_589 = arith.constant 12 : index
      %swap3A_590 = arith.constant 0 : index
      %swap3A_591 = vector.load %arg9[%swap3A_589, %swap3A_590] : memref<64x128xf32, #tpu.memory_space<vmem>>, vector<1x128xf32>
      tpu.vector_store %arg9[%swap3A_589, %swap3A_590], %max3A {strides = array<i32>} : memref<64x128xf32, #tpu.memory_space<vmem>>, vector<1x128xf32>,
    } else {
    }
    %le3A_164 = arith.constant 13 : i32
    %le3A_165 = arith.cmpi sle, %reduce_min3A_58, %le3A_164 : i32
    %ge3A_166 = arith.constant 13 : i32
    %ge3A_167 = arith.cmpi sge, %reduce_max3A_62, %ge3A_166 : i32
    %and3A_168 = arith.andi %le3A_165, %ge3A_167 : i1
    %convert_element_type3A_169 = arith.extui %and3A_168 : i1 to i32
    %cond3A_170 = arith.constant 0 : i32
    %cond3A_171 = arith.cmpi ne, %convert_element_type3A_169, %cond3A_170 : i32
    scf.if %cond3A_171 {
      %eq3A_577 = arith.constant 13 : i32
      %eq3A_578 = vector.broadcast %eq3A_577 : i32 to vector<400x1xi32>
      %eq3A_579 = arith.cmpi eq, %get3A_31, %eq3A_578 : vector<400x1xi32>
      %jit3A = arith.constant 0xFF800000 : f32
      %broadcast_in_dim3A_580 = vector.shape_cast %eq3A_579 : vector<400x1xi1> to vector<400x1xi1>
      %broadcast_in_dim3A_581 = vector.broadcast %broadcast_in_dim3A_580 : vector<400x1xi1> to vector<400x128xi1>
      %broadcast_in_dim3A_582 = vector.broadcast %jit3A : f32 to vector<400x128xf32>
      %select_n3A = arith.select %broadcast_in_dim3A_581, %add3A_26, %broadcast_in_dim3A_582 : vector<400x128xi1>, vector<400x128xf32>
      %reduce_max3A_583 = arith.constant dense<0xFF800000> : vector<128xf32>
      %reduce_max3A_584 = vector.multi_reduction <maximumf>, %select_n3A, %reduce_max3A_583 [0] : vector<400x128xf32> to vector<128xf32>
      %broadcast_in_dim3A_585 = vector.shape_cast %reduce_max3A_584 : vector<128xf32> to vector<1x128xf32>
      %get3A_586 = arith.constant 13 : index
      %get3A_587 = arith.constant 0 : index
      %get3A_588 = vector.load %arg9[%get3A_586, %get3A_587] : memref<64x128xf32, #tpu.memory_space<vmem>>, vector<1x128xf32>
      %max3A = arith.maximumf %get3A_588, %broadcast_in_dim3A_585 : vector<1x128xf32>
      %swap3A_589 = arith.constant 13 : index
      %swap3A_590 = arith.constant 0 : index
      %swap3A_591 = vector.load %arg9[%swap3A_589, %swap3A_590] : memref<64x128xf32, #tpu.memory_space<vmem>>, vector<1x128xf32>
      tpu.vector_store %arg9[%swap3A_589, %swap3A_590], %max3A {strides = array<i32>} : memref<64x128xf32, #tpu.memory_space<vmem>>, vector<1x128xf32>,
    } else {
    }
    %le3A_172 = arith.constant 14 : i32
    %le3A_173 = arith.cmpi sle, %reduce_min3A_58, %le3A_172 : i32
    %ge3A_174 = arith.constant 14 : i32
    %ge3A_175 = arith.cmpi sge, %reduce_max3A_62, %ge3A_174 : i32
    %and3A_176 = arith.andi %le3A_173, %ge3A_175 : i1
    %convert_element_type3A_177 = arith.extui %and3A_176 : i1 to i32
    %cond3A_178 = arith.constant 0 : i32
    %cond3A_179 = arith.cmpi ne, %convert_element_type3A_177, %cond3A_178 : i32
    scf.if %cond3A_179 {
      %eq3A_577 = arith.constant 14 : i32
      %eq3A_578 = vector.broadcast %eq3A_577 : i32 to vector<400x1xi32>
      %eq3A_579 = arith.cmpi eq, %get3A_31, %eq3A_578 : vector<400x1xi32>
      %jit3A = arith.constant 0xFF800000 : f32
      %broadcast_in_dim3A_580 = vector.shape_cast %eq3A_579 : vector<400x1xi1> to vector<400x1xi1>
      %broadcast_in_dim3A_581 = vector.broadcast %broadcast_in_dim3A_580 : vector<400x1xi1> to vector<400x128xi1>
      %broadcast_in_dim3A_582 = vector.broadcast %jit3A : f32 to vector<400x128xf32>
      %select_n3A = arith.select %broadcast_in_dim3A_581, %add3A_26, %broadcast_in_dim3A_582 : vector<400x128xi1>, vector<400x128xf32>
      %reduce_max3A_583 = arith.constant dense<0xFF800000> : vector<128xf32>
      %reduce_max3A_584 = vector.multi_reduction <maximumf>, %select_n3A, %reduce_max3A_583 [0] : vector<400x128xf32> to vector<128xf32>
      %broadcast_in_dim3A_585 = vector.shape_cast %reduce_max3A_584 : vector<128xf32> to vector<1x128xf32>
      %get3A_586 = arith.constant 14 : index
      %get3A_587 = arith.constant 0 : index
      %get3A_588 = vector.load %arg9[%get3A_586, %get3A_587] : memref<64x128xf32, #tpu.memory_space<vmem>>, vector<1x128xf32>
      %max3A = arith.maximumf %get3A_588, %broadcast_in_dim3A_585 : vector<1x128xf32>
      %swap3A_589 = arith.constant 14 : index
      %swap3A_590 = arith.constant 0 : index
      %swap3A_591 = vector.load %arg9[%swap3A_589, %swap3A_590] : memref<64x128xf32, #tpu.memory_space<vmem>>, vector<1x128xf32>
      tpu.vector_store %arg9[%swap3A_589, %swap3A_590], %max3A {strides = array<i32>} : memref<64x128xf32, #tpu.memory_space<vmem>>, vector<1x128xf32>,
    } else {
    }
    %le3A_180 = arith.constant 15 : i32
    %le3A_181 = arith.cmpi sle, %reduce_min3A_58, %le3A_180 : i32
    %ge3A_182 = arith.constant 15 : i32
    %ge3A_183 = arith.cmpi sge, %reduce_max3A_62, %ge3A_182 : i32
    %and3A_184 = arith.andi %le3A_181, %ge3A_183 : i1
    %convert_element_type3A_185 = arith.extui %and3A_184 : i1 to i32
    %cond3A_186 = arith.constant 0 : i32
    %cond3A_187 = arith.cmpi ne, %convert_element_type3A_185, %cond3A_186 : i32
    scf.if %cond3A_187 {
      %eq3A_577 = arith.constant 15 : i32
      %eq3A_578 = vector.broadcast %eq3A_577 : i32 to vector<400x1xi32>
      %eq3A_579 = arith.cmpi eq, %get3A_31, %eq3A_578 : vector<400x1xi32>
      %jit3A = arith.constant 0xFF800000 : f32
      %broadcast_in_dim3A_580 = vector.shape_cast %eq3A_579 : vector<400x1xi1> to vector<400x1xi1>
      %broadcast_in_dim3A_581 = vector.broadcast %broadcast_in_dim3A_580 : vector<400x1xi1> to vector<400x128xi1>
      %broadcast_in_dim3A_582 = vector.broadcast %jit3A : f32 to vector<400x128xf32>
      %select_n3A = arith.select %broadcast_in_dim3A_581, %add3A_26, %broadcast_in_dim3A_582 : vector<400x128xi1>, vector<400x128xf32>
      %reduce_max3A_583 = arith.constant dense<0xFF800000> : vector<128xf32>
      %reduce_max3A_584 = vector.multi_reduction <maximumf>, %select_n3A, %reduce_max3A_583 [0] : vector<400x128xf32> to vector<128xf32>
      %broadcast_in_dim3A_585 = vector.shape_cast %reduce_max3A_584 : vector<128xf32> to vector<1x128xf32>
      %get3A_586 = arith.constant 15 : index
      %get3A_587 = arith.constant 0 : index
      %get3A_588 = vector.load %arg9[%get3A_586, %get3A_587] : memref<64x128xf32, #tpu.memory_space<vmem>>, vector<1x128xf32>
      %max3A = arith.maximumf %get3A_588, %broadcast_in_dim3A_585 : vector<1x128xf32>
      %swap3A_589 = arith.constant 15 : index
      %swap3A_590 = arith.constant 0 : index
      %swap3A_591 = vector.load %arg9[%swap3A_589, %swap3A_590] : memref<64x128xf32, #tpu.memory_space<vmem>>, vector<1x128xf32>
      tpu.vector_store %arg9[%swap3A_589, %swap3A_590], %max3A {strides = array<i32>} : memref<64x128xf32, #tpu.memory_space<vmem>>, vector<1x128xf32>,
    } else {
    }
    %le3A_188 = arith.constant 16 : i32
    %le3A_189 = arith.cmpi sle, %reduce_min3A_58, %le3A_188 : i32
    %ge3A_190 = arith.constant 16 : i32
    %ge3A_191 = arith.cmpi sge, %reduce_max3A_62, %ge3A_190 : i32
    %and3A_192 = arith.andi %le3A_189, %ge3A_191 : i1
    %convert_element_type3A_193 = arith.extui %and3A_192 : i1 to i32
    %cond3A_194 = arith.constant 0 : i32
    %cond3A_195 = arith.cmpi ne, %convert_element_type3A_193, %cond3A_194 : i32
    scf.if %cond3A_195 {
      %eq3A_577 = arith.constant 16 : i32
      %eq3A_578 = vector.broadcast %eq3A_577 : i32 to vector<400x1xi32>
      %eq3A_579 = arith.cmpi eq, %get3A_31, %eq3A_578 : vector<400x1xi32>
      %jit3A = arith.constant 0xFF800000 : f32
      %broadcast_in_dim3A_580 = vector.shape_cast %eq3A_579 : vector<400x1xi1> to vector<400x1xi1>
      %broadcast_in_dim3A_581 = vector.broadcast %broadcast_in_dim3A_580 : vector<400x1xi1> to vector<400x128xi1>
      %broadcast_in_dim3A_582 = vector.broadcast %jit3A : f32 to vector<400x128xf32>
      %select_n3A = arith.select %broadcast_in_dim3A_581, %add3A_26, %broadcast_in_dim3A_582 : vector<400x128xi1>, vector<400x128xf32>
      %reduce_max3A_583 = arith.constant dense<0xFF800000> : vector<128xf32>
      %reduce_max3A_584 = vector.multi_reduction <maximumf>, %select_n3A, %reduce_max3A_583 [0] : vector<400x128xf32> to vector<128xf32>
      %broadcast_in_dim3A_585 = vector.shape_cast %reduce_max3A_584 : vector<128xf32> to vector<1x128xf32>
      %get3A_586 = arith.constant 16 : index
      %get3A_587 = arith.constant 0 : index
      %get3A_588 = vector.load %arg9[%get3A_586, %get3A_587] : memref<64x128xf32, #tpu.memory_space<vmem>>, vector<1x128xf32>
      %max3A = arith.maximumf %get3A_588, %broadcast_in_dim3A_585 : vector<1x128xf32>
      %swap3A_589 = arith.constant 16 : index
      %swap3A_590 = arith.constant 0 : index
      %swap3A_591 = vector.load %arg9[%swap3A_589, %swap3A_590] : memref<64x128xf32, #tpu.memory_space<vmem>>, vector<1x128xf32>
      tpu.vector_store %arg9[%swap3A_589, %swap3A_590], %max3A {strides = array<i32>} : memref<64x128xf32, #tpu.memory_space<vmem>>, vector<1x128xf32>,
    } else {
    }
    %le3A_196 = arith.constant 17 : i32
    %le3A_197 = arith.cmpi sle, %reduce_min3A_58, %le3A_196 : i32
    %ge3A_198 = arith.constant 17 : i32
    %ge3A_199 = arith.cmpi sge, %reduce_max3A_62, %ge3A_198 : i32
    %and3A_200 = arith.andi %le3A_197, %ge3A_199 : i1
    %convert_element_type3A_201 = arith.extui %and3A_200 : i1 to i32
    %cond3A_202 = arith.constant 0 : i32
    %cond3A_203 = arith.cmpi ne, %convert_element_type3A_201, %cond3A_202 : i32
    scf.if %cond3A_203 {
      %eq3A_577 = arith.constant 17 : i32
      %eq3A_578 = vector.broadcast %eq3A_577 : i32 to vector<400x1xi32>
      %eq3A_579 = arith.cmpi eq, %get3A_31, %eq3A_578 : vector<400x1xi32>
      %jit3A = arith.constant 0xFF800000 : f32
      %broadcast_in_dim3A_580 = vector.shape_cast %eq3A_579 : vector<400x1xi1> to vector<400x1xi1>
      %broadcast_in_dim3A_581 = vector.broadcast %broadcast_in_dim3A_580 : vector<400x1xi1> to vector<400x128xi1>
      %broadcast_in_dim3A_582 = vector.broadcast %jit3A : f32 to vector<400x128xf32>
      %select_n3A = arith.select %broadcast_in_dim3A_581, %add3A_26, %broadcast_in_dim3A_582 : vector<400x128xi1>, vector<400x128xf32>
      %reduce_max3A_583 = arith.constant dense<0xFF800000> : vector<128xf32>
      %reduce_max3A_584 = vector.multi_reduction <maximumf>, %select_n3A, %reduce_max3A_583 [0] : vector<400x128xf32> to vector<128xf32>
      %broadcast_in_dim3A_585 = vector.shape_cast %reduce_max3A_584 : vector<128xf32> to vector<1x128xf32>
      %get3A_586 = arith.constant 17 : index
      %get3A_587 = arith.constant 0 : index
      %get3A_588 = vector.load %arg9[%get3A_586, %get3A_587] : memref<64x128xf32, #tpu.memory_space<vmem>>, vector<1x128xf32>
      %max3A = arith.maximumf %get3A_588, %broadcast_in_dim3A_585 : vector<1x128xf32>
      %swap3A_589 = arith.constant 17 : index
      %swap3A_590 = arith.constant 0 : index
      %swap3A_591 = vector.load %arg9[%swap3A_589, %swap3A_590] : memref<64x128xf32, #tpu.memory_space<vmem>>, vector<1x128xf32>
      tpu.vector_store %arg9[%swap3A_589, %swap3A_590], %max3A {strides = array<i32>} : memref<64x128xf32, #tpu.memory_space<vmem>>, vector<1x128xf32>,
    } else {
    }
    %le3A_204 = arith.constant 18 : i32
    %le3A_205 = arith.cmpi sle, %reduce_min3A_58, %le3A_204 : i32
    %ge3A_206 = arith.constant 18 : i32
    %ge3A_207 = arith.cmpi sge, %reduce_max3A_62, %ge3A_206 : i32
    %and3A_208 = arith.andi %le3A_205, %ge3A_207 : i1
    %convert_element_type3A_209 = arith.extui %and3A_208 : i1 to i32
    %cond3A_210 = arith.constant 0 : i32
    %cond3A_211 = arith.cmpi ne, %convert_element_type3A_209, %cond3A_210 : i32
    scf.if %cond3A_211 {
      %eq3A_577 = arith.constant 18 : i32
      %eq3A_578 = vector.broadcast %eq3A_577 : i32 to vector<400x1xi32>
      %eq3A_579 = arith.cmpi eq, %get3A_31, %eq3A_578 : vector<400x1xi32>
      %jit3A = arith.constant 0xFF800000 : f32
      %broadcast_in_dim3A_580 = vector.shape_cast %eq3A_579 : vector<400x1xi1> to vector<400x1xi1>
      %broadcast_in_dim3A_581 = vector.broadcast %broadcast_in_dim3A_580 : vector<400x1xi1> to vector<400x128xi1>
      %broadcast_in_dim3A_582 = vector.broadcast %jit3A : f32 to vector<400x128xf32>
      %select_n3A = arith.select %broadcast_in_dim3A_581, %add3A_26, %broadcast_in_dim3A_582 : vector<400x128xi1>, vector<400x128xf32>
      %reduce_max3A_583 = arith.constant dense<0xFF800000> : vector<128xf32>
      %reduce_max3A_584 = vector.multi_reduction <maximumf>, %select_n3A, %reduce_max3A_583 [0] : vector<400x128xf32> to vector<128xf32>
      %broadcast_in_dim3A_585 = vector.shape_cast %reduce_max3A_584 : vector<128xf32> to vector<1x128xf32>
      %get3A_586 = arith.constant 18 : index
      %get3A_587 = arith.constant 0 : index
      %get3A_588 = vector.load %arg9[%get3A_586, %get3A_587] : memref<64x128xf32, #tpu.memory_space<vmem>>, vector<1x128xf32>
      %max3A = arith.maximumf %get3A_588, %broadcast_in_dim3A_585 : vector<1x128xf32>
      %swap3A_589 = arith.constant 18 : index
      %swap3A_590 = arith.constant 0 : index
      %swap3A_591 = vector.load %arg9[%swap3A_589, %swap3A_590] : memref<64x128xf32, #tpu.memory_space<vmem>>, vector<1x128xf32>
      tpu.vector_store %arg9[%swap3A_589, %swap3A_590], %max3A {strides = array<i32>} : memref<64x128xf32, #tpu.memory_space<vmem>>, vector<1x128xf32>,
    } else {
    }
    %le3A_212 = arith.constant 19 : i32
    %le3A_213 = arith.cmpi sle, %reduce_min3A_58, %le3A_212 : i32
    %ge3A_214 = arith.constant 19 : i32
    %ge3A_215 = arith.cmpi sge, %reduce_max3A_62, %ge3A_214 : i32
    %and3A_216 = arith.andi %le3A_213, %ge3A_215 : i1
    %convert_element_type3A_217 = arith.extui %and3A_216 : i1 to i32
    %cond3A_218 = arith.constant 0 : i32
    %cond3A_219 = arith.cmpi ne, %convert_element_type3A_217, %cond3A_218 : i32
    scf.if %cond3A_219 {
      %eq3A_577 = arith.constant 19 : i32
      %eq3A_578 = vector.broadcast %eq3A_577 : i32 to vector<400x1xi32>
      %eq3A_579 = arith.cmpi eq, %get3A_31, %eq3A_578 : vector<400x1xi32>
      %jit3A = arith.constant 0xFF800000 : f32
      %broadcast_in_dim3A_580 = vector.shape_cast %eq3A_579 : vector<400x1xi1> to vector<400x1xi1>
      %broadcast_in_dim3A_581 = vector.broadcast %broadcast_in_dim3A_580 : vector<400x1xi1> to vector<400x128xi1>
      %broadcast_in_dim3A_582 = vector.broadcast %jit3A : f32 to vector<400x128xf32>
      %select_n3A = arith.select %broadcast_in_dim3A_581, %add3A_26, %broadcast_in_dim3A_582 : vector<400x128xi1>, vector<400x128xf32>
      %reduce_max3A_583 = arith.constant dense<0xFF800000> : vector<128xf32>
      %reduce_max3A_584 = vector.multi_reduction <maximumf>, %select_n3A, %reduce_max3A_583 [0] : vector<400x128xf32> to vector<128xf32>
      %broadcast_in_dim3A_585 = vector.shape_cast %reduce_max3A_584 : vector<128xf32> to vector<1x128xf32>
      %get3A_586 = arith.constant 19 : index
      %get3A_587 = arith.constant 0 : index
      %get3A_588 = vector.load %arg9[%get3A_586, %get3A_587] : memref<64x128xf32, #tpu.memory_space<vmem>>, vector<1x128xf32>
      %max3A = arith.maximumf %get3A_588, %broadcast_in_dim3A_585 : vector<1x128xf32>
      %swap3A_589 = arith.constant 19 : index
      %swap3A_590 = arith.constant 0 : index
      %swap3A_591 = vector.load %arg9[%swap3A_589, %swap3A_590] : memref<64x128xf32, #tpu.memory_space<vmem>>, vector<1x128xf32>
      tpu.vector_store %arg9[%swap3A_589, %swap3A_590], %max3A {strides = array<i32>} : memref<64x128xf32, #tpu.memory_space<vmem>>, vector<1x128xf32>,
    } else {
    }
    %le3A_220 = arith.constant 20 : i32
    %le3A_221 = arith.cmpi sle, %reduce_min3A_58, %le3A_220 : i32
    %ge3A_222 = arith.constant 20 : i32
    %ge3A_223 = arith.cmpi sge, %reduce_max3A_62, %ge3A_222 : i32
    %and3A_224 = arith.andi %le3A_221, %ge3A_223 : i1
    %convert_element_type3A_225 = arith.extui %and3A_224 : i1 to i32
    %cond3A_226 = arith.constant 0 : i32
    %cond3A_227 = arith.cmpi ne, %convert_element_type3A_225, %cond3A_226 : i32
    scf.if %cond3A_227 {
      %eq3A_577 = arith.constant 20 : i32
      %eq3A_578 = vector.broadcast %eq3A_577 : i32 to vector<400x1xi32>
      %eq3A_579 = arith.cmpi eq, %get3A_31, %eq3A_578 : vector<400x1xi32>
      %jit3A = arith.constant 0xFF800000 : f32
      %broadcast_in_dim3A_580 = vector.shape_cast %eq3A_579 : vector<400x1xi1> to vector<400x1xi1>
      %broadcast_in_dim3A_581 = vector.broadcast %broadcast_in_dim3A_580 : vector<400x1xi1> to vector<400x128xi1>
      %broadcast_in_dim3A_582 = vector.broadcast %jit3A : f32 to vector<400x128xf32>
      %select_n3A = arith.select %broadcast_in_dim3A_581, %add3A_26, %broadcast_in_dim3A_582 : vector<400x128xi1>, vector<400x128xf32>
      %reduce_max3A_583 = arith.constant dense<0xFF800000> : vector<128xf32>
      %reduce_max3A_584 = vector.multi_reduction <maximumf>, %select_n3A, %reduce_max3A_583 [0] : vector<400x128xf32> to vector<128xf32>
      %broadcast_in_dim3A_585 = vector.shape_cast %reduce_max3A_584 : vector<128xf32> to vector<1x128xf32>
      %get3A_586 = arith.constant 20 : index
      %get3A_587 = arith.constant 0 : index
      %get3A_588 = vector.load %arg9[%get3A_586, %get3A_587] : memref<64x128xf32, #tpu.memory_space<vmem>>, vector<1x128xf32>
      %max3A = arith.maximumf %get3A_588, %broadcast_in_dim3A_585 : vector<1x128xf32>
      %swap3A_589 = arith.constant 20 : index
      %swap3A_590 = arith.constant 0 : index
      %swap3A_591 = vector.load %arg9[%swap3A_589, %swap3A_590] : memref<64x128xf32, #tpu.memory_space<vmem>>, vector<1x128xf32>
      tpu.vector_store %arg9[%swap3A_589, %swap3A_590], %max3A {strides = array<i32>} : memref<64x128xf32, #tpu.memory_space<vmem>>, vector<1x128xf32>,
    } else {
    }
    %le3A_228 = arith.constant 21 : i32
    %le3A_229 = arith.cmpi sle, %reduce_min3A_58, %le3A_228 : i32
    %ge3A_230 = arith.constant 21 : i32
    %ge3A_231 = arith.cmpi sge, %reduce_max3A_62, %ge3A_230 : i32
    %and3A_232 = arith.andi %le3A_229, %ge3A_231 : i1
    %convert_element_type3A_233 = arith.extui %and3A_232 : i1 to i32
    %cond3A_234 = arith.constant 0 : i32
    %cond3A_235 = arith.cmpi ne, %convert_element_type3A_233, %cond3A_234 : i32
    scf.if %cond3A_235 {
      %eq3A_577 = arith.constant 21 : i32
      %eq3A_578 = vector.broadcast %eq3A_577 : i32 to vector<400x1xi32>
      %eq3A_579 = arith.cmpi eq, %get3A_31, %eq3A_578 : vector<400x1xi32>
      %jit3A = arith.constant 0xFF800000 : f32
      %broadcast_in_dim3A_580 = vector.shape_cast %eq3A_579 : vector<400x1xi1> to vector<400x1xi1>
      %broadcast_in_dim3A_581 = vector.broadcast %broadcast_in_dim3A_580 : vector<400x1xi1> to vector<400x128xi1>
      %broadcast_in_dim3A_582 = vector.broadcast %jit3A : f32 to vector<400x128xf32>
      %select_n3A = arith.select %broadcast_in_dim3A_581, %add3A_26, %broadcast_in_dim3A_582 : vector<400x128xi1>, vector<400x128xf32>
      %reduce_max3A_583 = arith.constant dense<0xFF800000> : vector<128xf32>
      %reduce_max3A_584 = vector.multi_reduction <maximumf>, %select_n3A, %reduce_max3A_583 [0] : vector<400x128xf32> to vector<128xf32>
      %broadcast_in_dim3A_585 = vector.shape_cast %reduce_max3A_584 : vector<128xf32> to vector<1x128xf32>
      %get3A_586 = arith.constant 21 : index
      %get3A_587 = arith.constant 0 : index
      %get3A_588 = vector.load %arg9[%get3A_586, %get3A_587] : memref<64x128xf32, #tpu.memory_space<vmem>>, vector<1x128xf32>
      %max3A = arith.maximumf %get3A_588, %broadcast_in_dim3A_585 : vector<1x128xf32>
      %swap3A_589 = arith.constant 21 : index
      %swap3A_590 = arith.constant 0 : index
      %swap3A_591 = vector.load %arg9[%swap3A_589, %swap3A_590] : memref<64x128xf32, #tpu.memory_space<vmem>>, vector<1x128xf32>
      tpu.vector_store %arg9[%swap3A_589, %swap3A_590], %max3A {strides = array<i32>} : memref<64x128xf32, #tpu.memory_space<vmem>>, vector<1x128xf32>,
    } else {
    }
    %le3A_236 = arith.constant 22 : i32
    %le3A_237 = arith.cmpi sle, %reduce_min3A_58, %le3A_236 : i32
    %ge3A_238 = arith.constant 22 : i32
    %ge3A_239 = arith.cmpi sge, %reduce_max3A_62, %ge3A_238 : i32
    %and3A_240 = arith.andi %le3A_237, %ge3A_239 : i1
    %convert_element_type3A_241 = arith.extui %and3A_240 : i1 to i32
    %cond3A_242 = arith.constant 0 : i32
    %cond3A_243 = arith.cmpi ne, %convert_element_type3A_241, %cond3A_242 : i32
    scf.if %cond3A_243 {
      %eq3A_577 = arith.constant 22 : i32
      %eq3A_578 = vector.broadcast %eq3A_577 : i32 to vector<400x1xi32>
      %eq3A_579 = arith.cmpi eq, %get3A_31, %eq3A_578 : vector<400x1xi32>
      %jit3A = arith.constant 0xFF800000 : f32
      %broadcast_in_dim3A_580 = vector.shape_cast %eq3A_579 : vector<400x1xi1> to vector<400x1xi1>
      %broadcast_in_dim3A_581 = vector.broadcast %broadcast_in_dim3A_580 : vector<400x1xi1> to vector<400x128xi1>
      %broadcast_in_dim3A_582 = vector.broadcast %jit3A : f32 to vector<400x128xf32>
      %select_n3A = arith.select %broadcast_in_dim3A_581, %add3A_26, %broadcast_in_dim3A_582 : vector<400x128xi1>, vector<400x128xf32>
      %reduce_max3A_583 = arith.constant dense<0xFF800000> : vector<128xf32>
      %reduce_max3A_584 = vector.multi_reduction <maximumf>, %select_n3A, %reduce_max3A_583 [0] : vector<400x128xf32> to vector<128xf32>
      %broadcast_in_dim3A_585 = vector.shape_cast %reduce_max3A_584 : vector<128xf32> to vector<1x128xf32>
      %get3A_586 = arith.constant 22 : index
      %get3A_587 = arith.constant 0 : index
      %get3A_588 = vector.load %arg9[%get3A_586, %get3A_587] : memref<64x128xf32, #tpu.memory_space<vmem>>, vector<1x128xf32>
      %max3A = arith.maximumf %get3A_588, %broadcast_in_dim3A_585 : vector<1x128xf32>
      %swap3A_589 = arith.constant 22 : index
      %swap3A_590 = arith.constant 0 : index
      %swap3A_591 = vector.load %arg9[%swap3A_589, %swap3A_590] : memref<64x128xf32, #tpu.memory_space<vmem>>, vector<1x128xf32>
      tpu.vector_store %arg9[%swap3A_589, %swap3A_590], %max3A {strides = array<i32>} : memref<64x128xf32, #tpu.memory_space<vmem>>, vector<1x128xf32>,
    } else {
    }
    %le3A_244 = arith.constant 23 : i32
    %le3A_245 = arith.cmpi sle, %reduce_min3A_58, %le3A_244 : i32
    %ge3A_246 = arith.constant 23 : i32
    %ge3A_247 = arith.cmpi sge, %reduce_max3A_62, %ge3A_246 : i32
    %and3A_248 = arith.andi %le3A_245, %ge3A_247 : i1
    %convert_element_type3A_249 = arith.extui %and3A_248 : i1 to i32
    %cond3A_250 = arith.constant 0 : i32
    %cond3A_251 = arith.cmpi ne, %convert_element_type3A_249, %cond3A_250 : i32
    scf.if %cond3A_251 {
      %eq3A_577 = arith.constant 23 : i32
      %eq3A_578 = vector.broadcast %eq3A_577 : i32 to vector<400x1xi32>
      %eq3A_579 = arith.cmpi eq, %get3A_31, %eq3A_578 : vector<400x1xi32>
      %jit3A = arith.constant 0xFF800000 : f32
      %broadcast_in_dim3A_580 = vector.shape_cast %eq3A_579 : vector<400x1xi1> to vector<400x1xi1>
      %broadcast_in_dim3A_581 = vector.broadcast %broadcast_in_dim3A_580 : vector<400x1xi1> to vector<400x128xi1>
      %broadcast_in_dim3A_582 = vector.broadcast %jit3A : f32 to vector<400x128xf32>
      %select_n3A = arith.select %broadcast_in_dim3A_581, %add3A_26, %broadcast_in_dim3A_582 : vector<400x128xi1>, vector<400x128xf32>
      %reduce_max3A_583 = arith.constant dense<0xFF800000> : vector<128xf32>
      %reduce_max3A_584 = vector.multi_reduction <maximumf>, %select_n3A, %reduce_max3A_583 [0] : vector<400x128xf32> to vector<128xf32>
      %broadcast_in_dim3A_585 = vector.shape_cast %reduce_max3A_584 : vector<128xf32> to vector<1x128xf32>
      %get3A_586 = arith.constant 23 : index
      %get3A_587 = arith.constant 0 : index
      %get3A_588 = vector.load %arg9[%get3A_586, %get3A_587] : memref<64x128xf32, #tpu.memory_space<vmem>>, vector<1x128xf32>
      %max3A = arith.maximumf %get3A_588, %broadcast_in_dim3A_585 : vector<1x128xf32>
      %swap3A_589 = arith.constant 23 : index
      %swap3A_590 = arith.constant 0 : index
      %swap3A_591 = vector.load %arg9[%swap3A_589, %swap3A_590] : memref<64x128xf32, #tpu.memory_space<vmem>>, vector<1x128xf32>
      tpu.vector_store %arg9[%swap3A_589, %swap3A_590], %max3A {strides = array<i32>} : memref<64x128xf32, #tpu.memory_space<vmem>>, vector<1x128xf32>,
    } else {
    }
    %le3A_252 = arith.constant 24 : i32
    %le3A_253 = arith.cmpi sle, %reduce_min3A_58, %le3A_252 : i32
    %ge3A_254 = arith.constant 24 : i32
    %ge3A_255 = arith.cmpi sge, %reduce_max3A_62, %ge3A_254 : i32
    %and3A_256 = arith.andi %le3A_253, %ge3A_255 : i1
    %convert_element_type3A_257 = arith.extui %and3A_256 : i1 to i32
    %cond3A_258 = arith.constant 0 : i32
    %cond3A_259 = arith.cmpi ne, %convert_element_type3A_257, %cond3A_258 : i32
    scf.if %cond3A_259 {
      %eq3A_577 = arith.constant 24 : i32
      %eq3A_578 = vector.broadcast %eq3A_577 : i32 to vector<400x1xi32>
      %eq3A_579 = arith.cmpi eq, %get3A_31, %eq3A_578 : vector<400x1xi32>
      %jit3A = arith.constant 0xFF800000 : f32
      %broadcast_in_dim3A_580 = vector.shape_cast %eq3A_579 : vector<400x1xi1> to vector<400x1xi1>
      %broadcast_in_dim3A_581 = vector.broadcast %broadcast_in_dim3A_580 : vector<400x1xi1> to vector<400x128xi1>
      %broadcast_in_dim3A_582 = vector.broadcast %jit3A : f32 to vector<400x128xf32>
      %select_n3A = arith.select %broadcast_in_dim3A_581, %add3A_26, %broadcast_in_dim3A_582 : vector<400x128xi1>, vector<400x128xf32>
      %reduce_max3A_583 = arith.constant dense<0xFF800000> : vector<128xf32>
      %reduce_max3A_584 = vector.multi_reduction <maximumf>, %select_n3A, %reduce_max3A_583 [0] : vector<400x128xf32> to vector<128xf32>
      %broadcast_in_dim3A_585 = vector.shape_cast %reduce_max3A_584 : vector<128xf32> to vector<1x128xf32>
      %get3A_586 = arith.constant 24 : index
      %get3A_587 = arith.constant 0 : index
      %get3A_588 = vector.load %arg9[%get3A_586, %get3A_587] : memref<64x128xf32, #tpu.memory_space<vmem>>, vector<1x128xf32>
      %max3A = arith.maximumf %get3A_588, %broadcast_in_dim3A_585 : vector<1x128xf32>
      %swap3A_589 = arith.constant 24 : index
      %swap3A_590 = arith.constant 0 : index
      %swap3A_591 = vector.load %arg9[%swap3A_589, %swap3A_590] : memref<64x128xf32, #tpu.memory_space<vmem>>, vector<1x128xf32>
      tpu.vector_store %arg9[%swap3A_589, %swap3A_590], %max3A {strides = array<i32>} : memref<64x128xf32, #tpu.memory_space<vmem>>, vector<1x128xf32>,
    } else {
    }
    %le3A_260 = arith.constant 25 : i32
    %le3A_261 = arith.cmpi sle, %reduce_min3A_58, %le3A_260 : i32
    %ge3A_262 = arith.constant 25 : i32
    %ge3A_263 = arith.cmpi sge, %reduce_max3A_62, %ge3A_262 : i32
    %and3A_264 = arith.andi %le3A_261, %ge3A_263 : i1
    %convert_element_type3A_265 = arith.extui %and3A_264 : i1 to i32
    %cond3A_266 = arith.constant 0 : i32
    %cond3A_267 = arith.cmpi ne, %convert_element_type3A_265, %cond3A_266 : i32
    scf.if %cond3A_267 {
      %eq3A_577 = arith.constant 25 : i32
      %eq3A_578 = vector.broadcast %eq3A_577 : i32 to vector<400x1xi32>
      %eq3A_579 = arith.cmpi eq, %get3A_31, %eq3A_578 : vector<400x1xi32>
      %jit3A = arith.constant 0xFF800000 : f32
      %broadcast_in_dim3A_580 = vector.shape_cast %eq3A_579 : vector<400x1xi1> to vector<400x1xi1>
      %broadcast_in_dim3A_581 = vector.broadcast %broadcast_in_dim3A_580 : vector<400x1xi1> to vector<400x128xi1>
      %broadcast_in_dim3A_582 = vector.broadcast %jit3A : f32 to vector<400x128xf32>
      %select_n3A = arith.select %broadcast_in_dim3A_581, %add3A_26, %broadcast_in_dim3A_582 : vector<400x128xi1>, vector<400x128xf32>
      %reduce_max3A_583 = arith.constant dense<0xFF800000> : vector<128xf32>
      %reduce_max3A_584 = vector.multi_reduction <maximumf>, %select_n3A, %reduce_max3A_583 [0] : vector<400x128xf32> to vector<128xf32>
      %broadcast_in_dim3A_585 = vector.shape_cast %reduce_max3A_584 : vector<128xf32> to vector<1x128xf32>
      %get3A_586 = arith.constant 25 : index
      %get3A_587 = arith.constant 0 : index
      %get3A_588 = vector.load %arg9[%get3A_586, %get3A_587] : memref<64x128xf32, #tpu.memory_space<vmem>>, vector<1x128xf32>
      %max3A = arith.maximumf %get3A_588, %broadcast_in_dim3A_585 : vector<1x128xf32>
      %swap3A_589 = arith.constant 25 : index
      %swap3A_590 = arith.constant 0 : index
      %swap3A_591 = vector.load %arg9[%swap3A_589, %swap3A_590] : memref<64x128xf32, #tpu.memory_space<vmem>>, vector<1x128xf32>
      tpu.vector_store %arg9[%swap3A_589, %swap3A_590], %max3A {strides = array<i32>} : memref<64x128xf32, #tpu.memory_space<vmem>>, vector<1x128xf32>,
    } else {
    }
    %le3A_268 = arith.constant 26 : i32
    %le3A_269 = arith.cmpi sle, %reduce_min3A_58, %le3A_268 : i32
    %ge3A_270 = arith.constant 26 : i32
    %ge3A_271 = arith.cmpi sge, %reduce_max3A_62, %ge3A_270 : i32
    %and3A_272 = arith.andi %le3A_269, %ge3A_271 : i1
    %convert_element_type3A_273 = arith.extui %and3A_272 : i1 to i32
    %cond3A_274 = arith.constant 0 : i32
    %cond3A_275 = arith.cmpi ne, %convert_element_type3A_273, %cond3A_274 : i32
    scf.if %cond3A_275 {
      %eq3A_577 = arith.constant 26 : i32
      %eq3A_578 = vector.broadcast %eq3A_577 : i32 to vector<400x1xi32>
      %eq3A_579 = arith.cmpi eq, %get3A_31, %eq3A_578 : vector<400x1xi32>
      %jit3A = arith.constant 0xFF800000 : f32
      %broadcast_in_dim3A_580 = vector.shape_cast %eq3A_579 : vector<400x1xi1> to vector<400x1xi1>
      %broadcast_in_dim3A_581 = vector.broadcast %broadcast_in_dim3A_580 : vector<400x1xi1> to vector<400x128xi1>
      %broadcast_in_dim3A_582 = vector.broadcast %jit3A : f32 to vector<400x128xf32>
      %select_n3A = arith.select %broadcast_in_dim3A_581, %add3A_26, %broadcast_in_dim3A_582 : vector<400x128xi1>, vector<400x128xf32>
      %reduce_max3A_583 = arith.constant dense<0xFF800000> : vector<128xf32>
      %reduce_max3A_584 = vector.multi_reduction <maximumf>, %select_n3A, %reduce_max3A_583 [0] : vector<400x128xf32> to vector<128xf32>
      %broadcast_in_dim3A_585 = vector.shape_cast %reduce_max3A_584 : vector<128xf32> to vector<1x128xf32>
      %get3A_586 = arith.constant 26 : index
      %get3A_587 = arith.constant 0 : index
      %get3A_588 = vector.load %arg9[%get3A_586, %get3A_587] : memref<64x128xf32, #tpu.memory_space<vmem>>, vector<1x128xf32>
      %max3A = arith.maximumf %get3A_588, %broadcast_in_dim3A_585 : vector<1x128xf32>
      %swap3A_589 = arith.constant 26 : index
      %swap3A_590 = arith.constant 0 : index
      %swap3A_591 = vector.load %arg9[%swap3A_589, %swap3A_590] : memref<64x128xf32, #tpu.memory_space<vmem>>, vector<1x128xf32>
      tpu.vector_store %arg9[%swap3A_589, %swap3A_590], %max3A {strides = array<i32>} : memref<64x128xf32, #tpu.memory_space<vmem>>, vector<1x128xf32>,
    } else {
    }
    %le3A_276 = arith.constant 27 : i32
    %le3A_277 = arith.cmpi sle, %reduce_min3A_58, %le3A_276 : i32
    %ge3A_278 = arith.constant 27 : i32
    %ge3A_279 = arith.cmpi sge, %reduce_max3A_62, %ge3A_278 : i32
    %and3A_280 = arith.andi %le3A_277, %ge3A_279 : i1
    %convert_element_type3A_281 = arith.extui %and3A_280 : i1 to i32
    %cond3A_282 = arith.constant 0 : i32
    %cond3A_283 = arith.cmpi ne, %convert_element_type3A_281, %cond3A_282 : i32
    scf.if %cond3A_283 {
      %eq3A_577 = arith.constant 27 : i32
      %eq3A_578 = vector.broadcast %eq3A_577 : i32 to vector<400x1xi32>
      %eq3A_579 = arith.cmpi eq, %get3A_31, %eq3A_578 : vector<400x1xi32>
      %jit3A = arith.constant 0xFF800000 : f32
      %broadcast_in_dim3A_580 = vector.shape_cast %eq3A_579 : vector<400x1xi1> to vector<400x1xi1>
      %broadcast_in_dim3A_581 = vector.broadcast %broadcast_in_dim3A_580 : vector<400x1xi1> to vector<400x128xi1>
      %broadcast_in_dim3A_582 = vector.broadcast %jit3A : f32 to vector<400x128xf32>
      %select_n3A = arith.select %broadcast_in_dim3A_581, %add3A_26, %broadcast_in_dim3A_582 : vector<400x128xi1>, vector<400x128xf32>
      %reduce_max3A_583 = arith.constant dense<0xFF800000> : vector<128xf32>
      %reduce_max3A_584 = vector.multi_reduction <maximumf>, %select_n3A, %reduce_max3A_583 [0] : vector<400x128xf32> to vector<128xf32>
      %broadcast_in_dim3A_585 = vector.shape_cast %reduce_max3A_584 : vector<128xf32> to vector<1x128xf32>
      %get3A_586 = arith.constant 27 : index
      %get3A_587 = arith.constant 0 : index
      %get3A_588 = vector.load %arg9[%get3A_586, %get3A_587] : memref<64x128xf32, #tpu.memory_space<vmem>>, vector<1x128xf32>
      %max3A = arith.maximumf %get3A_588, %broadcast_in_dim3A_585 : vector<1x128xf32>
      %swap3A_589 = arith.constant 27 : index
      %swap3A_590 = arith.constant 0 : index
      %swap3A_591 = vector.load %arg9[%swap3A_589, %swap3A_590] : memref<64x128xf32, #tpu.memory_space<vmem>>, vector<1x128xf32>
      tpu.vector_store %arg9[%swap3A_589, %swap3A_590], %max3A {strides = array<i32>} : memref<64x128xf32, #tpu.memory_space<vmem>>, vector<1x128xf32>,
    } else {
    }
    %le3A_284 = arith.constant 28 : i32
    %le3A_285 = arith.cmpi sle, %reduce_min3A_58, %le3A_284 : i32
    %ge3A_286 = arith.constant 28 : i32
    %ge3A_287 = arith.cmpi sge, %reduce_max3A_62, %ge3A_286 : i32
    %and3A_288 = arith.andi %le3A_285, %ge3A_287 : i1
    %convert_element_type3A_289 = arith.extui %and3A_288 : i1 to i32
    %cond3A_290 = arith.constant 0 : i32
    %cond3A_291 = arith.cmpi ne, %convert_element_type3A_289, %cond3A_290 : i32
    scf.if %cond3A_291 {
      %eq3A_577 = arith.constant 28 : i32
      %eq3A_578 = vector.broadcast %eq3A_577 : i32 to vector<400x1xi32>
      %eq3A_579 = arith.cmpi eq, %get3A_31, %eq3A_578 : vector<400x1xi32>
      %jit3A = arith.constant 0xFF800000 : f32
      %broadcast_in_dim3A_580 = vector.shape_cast %eq3A_579 : vector<400x1xi1> to vector<400x1xi1>
      %broadcast_in_dim3A_581 = vector.broadcast %broadcast_in_dim3A_580 : vector<400x1xi1> to vector<400x128xi1>
      %broadcast_in_dim3A_582 = vector.broadcast %jit3A : f32 to vector<400x128xf32>
      %select_n3A = arith.select %broadcast_in_dim3A_581, %add3A_26, %broadcast_in_dim3A_582 : vector<400x128xi1>, vector<400x128xf32>
      %reduce_max3A_583 = arith.constant dense<0xFF800000> : vector<128xf32>
      %reduce_max3A_584 = vector.multi_reduction <maximumf>, %select_n3A, %reduce_max3A_583 [0] : vector<400x128xf32> to vector<128xf32>
      %broadcast_in_dim3A_585 = vector.shape_cast %reduce_max3A_584 : vector<128xf32> to vector<1x128xf32>
      %get3A_586 = arith.constant 28 : index
      %get3A_587 = arith.constant 0 : index
      %get3A_588 = vector.load %arg9[%get3A_586, %get3A_587] : memref<64x128xf32, #tpu.memory_space<vmem>>, vector<1x128xf32>
      %max3A = arith.maximumf %get3A_588, %broadcast_in_dim3A_585 : vector<1x128xf32>
      %swap3A_589 = arith.constant 28 : index
      %swap3A_590 = arith.constant 0 : index
      %swap3A_591 = vector.load %arg9[%swap3A_589, %swap3A_590] : memref<64x128xf32, #tpu.memory_space<vmem>>, vector<1x128xf32>
      tpu.vector_store %arg9[%swap3A_589, %swap3A_590], %max3A {strides = array<i32>} : memref<64x128xf32, #tpu.memory_space<vmem>>, vector<1x128xf32>,
    } else {
    }
    %le3A_292 = arith.constant 29 : i32
    %le3A_293 = arith.cmpi sle, %reduce_min3A_58, %le3A_292 : i32
    %ge3A_294 = arith.constant 29 : i32
    %ge3A_295 = arith.cmpi sge, %reduce_max3A_62, %ge3A_294 : i32
    %and3A_296 = arith.andi %le3A_293, %ge3A_295 : i1
    %convert_element_type3A_297 = arith.extui %and3A_296 : i1 to i32
    %cond3A_298 = arith.constant 0 : i32
    %cond3A_299 = arith.cmpi ne, %convert_element_type3A_297, %cond3A_298 : i32
    scf.if %cond3A_299 {
      %eq3A_577 = arith.constant 29 : i32
      %eq3A_578 = vector.broadcast %eq3A_577 : i32 to vector<400x1xi32>
      %eq3A_579 = arith.cmpi eq, %get3A_31, %eq3A_578 : vector<400x1xi32>
      %jit3A = arith.constant 0xFF800000 : f32
      %broadcast_in_dim3A_580 = vector.shape_cast %eq3A_579 : vector<400x1xi1> to vector<400x1xi1>
      %broadcast_in_dim3A_581 = vector.broadcast %broadcast_in_dim3A_580 : vector<400x1xi1> to vector<400x128xi1>
      %broadcast_in_dim3A_582 = vector.broadcast %jit3A : f32 to vector<400x128xf32>
      %select_n3A = arith.select %broadcast_in_dim3A_581, %add3A_26, %broadcast_in_dim3A_582 : vector<400x128xi1>, vector<400x128xf32>
      %reduce_max3A_583 = arith.constant dense<0xFF800000> : vector<128xf32>
      %reduce_max3A_584 = vector.multi_reduction <maximumf>, %select_n3A, %reduce_max3A_583 [0] : vector<400x128xf32> to vector<128xf32>
      %broadcast_in_dim3A_585 = vector.shape_cast %reduce_max3A_584 : vector<128xf32> to vector<1x128xf32>
      %get3A_586 = arith.constant 29 : index
      %get3A_587 = arith.constant 0 : index
      %get3A_588 = vector.load %arg9[%get3A_586, %get3A_587] : memref<64x128xf32, #tpu.memory_space<vmem>>, vector<1x128xf32>
      %max3A = arith.maximumf %get3A_588, %broadcast_in_dim3A_585 : vector<1x128xf32>
      %swap3A_589 = arith.constant 29 : index
      %swap3A_590 = arith.constant 0 : index
      %swap3A_591 = vector.load %arg9[%swap3A_589, %swap3A_590] : memref<64x128xf32, #tpu.memory_space<vmem>>, vector<1x128xf32>
      tpu.vector_store %arg9[%swap3A_589, %swap3A_590], %max3A {strides = array<i32>} : memref<64x128xf32, #tpu.memory_space<vmem>>, vector<1x128xf32>,
    } else {
    }
    %le3A_300 = arith.constant 30 : i32
    %le3A_301 = arith.cmpi sle, %reduce_min3A_58, %le3A_300 : i32
    %ge3A_302 = arith.constant 30 : i32
    %ge3A_303 = arith.cmpi sge, %reduce_max3A_62, %ge3A_302 : i32
    %and3A_304 = arith.andi %le3A_301, %ge3A_303 : i1
    %convert_element_type3A_305 = arith.extui %and3A_304 : i1 to i32
    %cond3A_306 = arith.constant 0 : i32
    %cond3A_307 = arith.cmpi ne, %convert_element_type3A_305, %cond3A_306 : i32
    scf.if %cond3A_307 {
      %eq3A_577 = arith.constant 30 : i32
      %eq3A_578 = vector.broadcast %eq3A_577 : i32 to vector<400x1xi32>
      %eq3A_579 = arith.cmpi eq, %get3A_31, %eq3A_578 : vector<400x1xi32>
      %jit3A = arith.constant 0xFF800000 : f32
      %broadcast_in_dim3A_580 = vector.shape_cast %eq3A_579 : vector<400x1xi1> to vector<400x1xi1>
      %broadcast_in_dim3A_581 = vector.broadcast %broadcast_in_dim3A_580 : vector<400x1xi1> to vector<400x128xi1>
      %broadcast_in_dim3A_582 = vector.broadcast %jit3A : f32 to vector<400x128xf32>
      %select_n3A = arith.select %broadcast_in_dim3A_581, %add3A_26, %broadcast_in_dim3A_582 : vector<400x128xi1>, vector<400x128xf32>
      %reduce_max3A_583 = arith.constant dense<0xFF800000> : vector<128xf32>
      %reduce_max3A_584 = vector.multi_reduction <maximumf>, %select_n3A, %reduce_max3A_583 [0] : vector<400x128xf32> to vector<128xf32>
      %broadcast_in_dim3A_585 = vector.shape_cast %reduce_max3A_584 : vector<128xf32> to vector<1x128xf32>
      %get3A_586 = arith.constant 30 : index
      %get3A_587 = arith.constant 0 : index
      %get3A_588 = vector.load %arg9[%get3A_586, %get3A_587] : memref<64x128xf32, #tpu.memory_space<vmem>>, vector<1x128xf32>
      %max3A = arith.maximumf %get3A_588, %broadcast_in_dim3A_585 : vector<1x128xf32>
      %swap3A_589 = arith.constant 30 : index
      %swap3A_590 = arith.constant 0 : index
      %swap3A_591 = vector.load %arg9[%swap3A_589, %swap3A_590] : memref<64x128xf32, #tpu.memory_space<vmem>>, vector<1x128xf32>
      tpu.vector_store %arg9[%swap3A_589, %swap3A_590], %max3A {strides = array<i32>} : memref<64x128xf32, #tpu.memory_space<vmem>>, vector<1x128xf32>,
    } else {
    }
    %le3A_308 = arith.constant 31 : i32
    %le3A_309 = arith.cmpi sle, %reduce_min3A_58, %le3A_308 : i32
    %ge3A_310 = arith.constant 31 : i32
    %ge3A_311 = arith.cmpi sge, %reduce_max3A_62, %ge3A_310 : i32
    %and3A_312 = arith.andi %le3A_309, %ge3A_311 : i1
    %convert_element_type3A_313 = arith.extui %and3A_312 : i1 to i32
    %cond3A_314 = arith.constant 0 : i32
    %cond3A_315 = arith.cmpi ne, %convert_element_type3A_313, %cond3A_314 : i32
    scf.if %cond3A_315 {
      %eq3A_577 = arith.constant 31 : i32
      %eq3A_578 = vector.broadcast %eq3A_577 : i32 to vector<400x1xi32>
      %eq3A_579 = arith.cmpi eq, %get3A_31, %eq3A_578 : vector<400x1xi32>
      %jit3A = arith.constant 0xFF800000 : f32
      %broadcast_in_dim3A_580 = vector.shape_cast %eq3A_579 : vector<400x1xi1> to vector<400x1xi1>
      %broadcast_in_dim3A_581 = vector.broadcast %broadcast_in_dim3A_580 : vector<400x1xi1> to vector<400x128xi1>
      %broadcast_in_dim3A_582 = vector.broadcast %jit3A : f32 to vector<400x128xf32>
      %select_n3A = arith.select %broadcast_in_dim3A_581, %add3A_26, %broadcast_in_dim3A_582 : vector<400x128xi1>, vector<400x128xf32>
      %reduce_max3A_583 = arith.constant dense<0xFF800000> : vector<128xf32>
      %reduce_max3A_584 = vector.multi_reduction <maximumf>, %select_n3A, %reduce_max3A_583 [0] : vector<400x128xf32> to vector<128xf32>
      %broadcast_in_dim3A_585 = vector.shape_cast %reduce_max3A_584 : vector<128xf32> to vector<1x128xf32>
      %get3A_586 = arith.constant 31 : index
      %get3A_587 = arith.constant 0 : index
      %get3A_588 = vector.load %arg9[%get3A_586, %get3A_587] : memref<64x128xf32, #tpu.memory_space<vmem>>, vector<1x128xf32>
      %max3A = arith.maximumf %get3A_588, %broadcast_in_dim3A_585 : vector<1x128xf32>
      %swap3A_589 = arith.constant 31 : index
      %swap3A_590 = arith.constant 0 : index
      %swap3A_591 = vector.load %arg9[%swap3A_589, %swap3A_590] : memref<64x128xf32, #tpu.memory_space<vmem>>, vector<1x128xf32>
      tpu.vector_store %arg9[%swap3A_589, %swap3A_590], %max3A {strides = array<i32>} : memref<64x128xf32, #tpu.memory_space<vmem>>, vector<1x128xf32>,
    } else {
    }
    %le3A_316 = arith.constant 32 : i32
    %le3A_317 = arith.cmpi sle, %reduce_min3A_58, %le3A_316 : i32
    %ge3A_318 = arith.constant 32 : i32
    %ge3A_319 = arith.cmpi sge, %reduce_max3A_62, %ge3A_318 : i32
    %and3A_320 = arith.andi %le3A_317, %ge3A_319 : i1
    %convert_element_type3A_321 = arith.extui %and3A_320 : i1 to i32
    %cond3A_322 = arith.constant 0 : i32
    %cond3A_323 = arith.cmpi ne, %convert_element_type3A_321, %cond3A_322 : i32
    scf.if %cond3A_323 {
      %eq3A_577 = arith.constant 32 : i32
      %eq3A_578 = vector.broadcast %eq3A_577 : i32 to vector<400x1xi32>
      %eq3A_579 = arith.cmpi eq, %get3A_31, %eq3A_578 : vector<400x1xi32>
      %jit3A = arith.constant 0xFF800000 : f32
      %broadcast_in_dim3A_580 = vector.shape_cast %eq3A_579 : vector<400x1xi1> to vector<400x1xi1>
      %broadcast_in_dim3A_581 = vector.broadcast %broadcast_in_dim3A_580 : vector<400x1xi1> to vector<400x128xi1>
      %broadcast_in_dim3A_582 = vector.broadcast %jit3A : f32 to vector<400x128xf32>
      %select_n3A = arith.select %broadcast_in_dim3A_581, %add3A_26, %broadcast_in_dim3A_582 : vector<400x128xi1>, vector<400x128xf32>
      %reduce_max3A_583 = arith.constant dense<0xFF800000> : vector<128xf32>
      %reduce_max3A_584 = vector.multi_reduction <maximumf>, %select_n3A, %reduce_max3A_583 [0] : vector<400x128xf32> to vector<128xf32>
      %broadcast_in_dim3A_585 = vector.shape_cast %reduce_max3A_584 : vector<128xf32> to vector<1x128xf32>
      %get3A_586 = arith.constant 32 : index
      %get3A_587 = arith.constant 0 : index
      %get3A_588 = vector.load %arg9[%get3A_586, %get3A_587] : memref<64x128xf32, #tpu.memory_space<vmem>>, vector<1x128xf32>
      %max3A = arith.maximumf %get3A_588, %broadcast_in_dim3A_585 : vector<1x128xf32>
      %swap3A_589 = arith.constant 32 : index
      %swap3A_590 = arith.constant 0 : index
      %swap3A_591 = vector.load %arg9[%swap3A_589, %swap3A_590] : memref<64x128xf32, #tpu.memory_space<vmem>>, vector<1x128xf32>
      tpu.vector_store %arg9[%swap3A_589, %swap3A_590], %max3A {strides = array<i32>} : memref<64x128xf32, #tpu.memory_space<vmem>>, vector<1x128xf32>,
    } else {
    }
    %le3A_324 = arith.constant 33 : i32
    %le3A_325 = arith.cmpi sle, %reduce_min3A_58, %le3A_324 : i32
    %ge3A_326 = arith.constant 33 : i32
    %ge3A_327 = arith.cmpi sge, %reduce_max3A_62, %ge3A_326 : i32
    %and3A_328 = arith.andi %le3A_325, %ge3A_327 : i1
    %convert_element_type3A_329 = arith.extui %and3A_328 : i1 to i32
    %cond3A_330 = arith.constant 0 : i32
    %cond3A_331 = arith.cmpi ne, %convert_element_type3A_329, %cond3A_330 : i32
    scf.if %cond3A_331 {
      %eq3A_577 = arith.constant 33 : i32
      %eq3A_578 = vector.broadcast %eq3A_577 : i32 to vector<400x1xi32>
      %eq3A_579 = arith.cmpi eq, %get3A_31, %eq3A_578 : vector<400x1xi32>
      %jit3A = arith.constant 0xFF800000 : f32
      %broadcast_in_dim3A_580 = vector.shape_cast %eq3A_579 : vector<400x1xi1> to vector<400x1xi1>
      %broadcast_in_dim3A_581 = vector.broadcast %broadcast_in_dim3A_580 : vector<400x1xi1> to vector<400x128xi1>
      %broadcast_in_dim3A_582 = vector.broadcast %jit3A : f32 to vector<400x128xf32>
      %select_n3A = arith.select %broadcast_in_dim3A_581, %add3A_26, %broadcast_in_dim3A_582 : vector<400x128xi1>, vector<400x128xf32>
      %reduce_max3A_583 = arith.constant dense<0xFF800000> : vector<128xf32>
      %reduce_max3A_584 = vector.multi_reduction <maximumf>, %select_n3A, %reduce_max3A_583 [0] : vector<400x128xf32> to vector<128xf32>
      %broadcast_in_dim3A_585 = vector.shape_cast %reduce_max3A_584 : vector<128xf32> to vector<1x128xf32>
      %get3A_586 = arith.constant 33 : index
      %get3A_587 = arith.constant 0 : index
      %get3A_588 = vector.load %arg9[%get3A_586, %get3A_587] : memref<64x128xf32, #tpu.memory_space<vmem>>, vector<1x128xf32>
      %max3A = arith.maximumf %get3A_588, %broadcast_in_dim3A_585 : vector<1x128xf32>
      %swap3A_589 = arith.constant 33 : index
      %swap3A_590 = arith.constant 0 : index
      %swap3A_591 = vector.load %arg9[%swap3A_589, %swap3A_590] : memref<64x128xf32, #tpu.memory_space<vmem>>, vector<1x128xf32>
      tpu.vector_store %arg9[%swap3A_589, %swap3A_590], %max3A {strides = array<i32>} : memref<64x128xf32, #tpu.memory_space<vmem>>, vector<1x128xf32>,
    } else {
    }
    %le3A_332 = arith.constant 34 : i32
    %le3A_333 = arith.cmpi sle, %reduce_min3A_58, %le3A_332 : i32
    %ge3A_334 = arith.constant 34 : i32
    %ge3A_335 = arith.cmpi sge, %reduce_max3A_62, %ge3A_334 : i32
    %and3A_336 = arith.andi %le3A_333, %ge3A_335 : i1
    %convert_element_type3A_337 = arith.extui %and3A_336 : i1 to i32
    %cond3A_338 = arith.constant 0 : i32
    %cond3A_339 = arith.cmpi ne, %convert_element_type3A_337, %cond3A_338 : i32
    scf.if %cond3A_339 {
      %eq3A_577 = arith.constant 34 : i32
      %eq3A_578 = vector.broadcast %eq3A_577 : i32 to vector<400x1xi32>
      %eq3A_579 = arith.cmpi eq, %get3A_31, %eq3A_578 : vector<400x1xi32>
      %jit3A = arith.constant 0xFF800000 : f32
      %broadcast_in_dim3A_580 = vector.shape_cast %eq3A_579 : vector<400x1xi1> to vector<400x1xi1>
      %broadcast_in_dim3A_581 = vector.broadcast %broadcast_in_dim3A_580 : vector<400x1xi1> to vector<400x128xi1>
      %broadcast_in_dim3A_582 = vector.broadcast %jit3A : f32 to vector<400x128xf32>
      %select_n3A = arith.select %broadcast_in_dim3A_581, %add3A_26, %broadcast_in_dim3A_582 : vector<400x128xi1>, vector<400x128xf32>
      %reduce_max3A_583 = arith.constant dense<0xFF800000> : vector<128xf32>
      %reduce_max3A_584 = vector.multi_reduction <maximumf>, %select_n3A, %reduce_max3A_583 [0] : vector<400x128xf32> to vector<128xf32>
      %broadcast_in_dim3A_585 = vector.shape_cast %reduce_max3A_584 : vector<128xf32> to vector<1x128xf32>
      %get3A_586 = arith.constant 34 : index
      %get3A_587 = arith.constant 0 : index
      %get3A_588 = vector.load %arg9[%get3A_586, %get3A_587] : memref<64x128xf32, #tpu.memory_space<vmem>>, vector<1x128xf32>
      %max3A = arith.maximumf %get3A_588, %broadcast_in_dim3A_585 : vector<1x128xf32>
      %swap3A_589 = arith.constant 34 : index
      %swap3A_590 = arith.constant 0 : index
      %swap3A_591 = vector.load %arg9[%swap3A_589, %swap3A_590] : memref<64x128xf32, #tpu.memory_space<vmem>>, vector<1x128xf32>
      tpu.vector_store %arg9[%swap3A_589, %swap3A_590], %max3A {strides = array<i32>} : memref<64x128xf32, #tpu.memory_space<vmem>>, vector<1x128xf32>,
    } else {
    }
    %le3A_340 = arith.constant 35 : i32
    %le3A_341 = arith.cmpi sle, %reduce_min3A_58, %le3A_340 : i32
    %ge3A_342 = arith.constant 35 : i32
    %ge3A_343 = arith.cmpi sge, %reduce_max3A_62, %ge3A_342 : i32
    %and3A_344 = arith.andi %le3A_341, %ge3A_343 : i1
    %convert_element_type3A_345 = arith.extui %and3A_344 : i1 to i32
    %cond3A_346 = arith.constant 0 : i32
    %cond3A_347 = arith.cmpi ne, %convert_element_type3A_345, %cond3A_346 : i32
    scf.if %cond3A_347 {
      %eq3A_577 = arith.constant 35 : i32
      %eq3A_578 = vector.broadcast %eq3A_577 : i32 to vector<400x1xi32>
      %eq3A_579 = arith.cmpi eq, %get3A_31, %eq3A_578 : vector<400x1xi32>
      %jit3A = arith.constant 0xFF800000 : f32
      %broadcast_in_dim3A_580 = vector.shape_cast %eq3A_579 : vector<400x1xi1> to vector<400x1xi1>
      %broadcast_in_dim3A_581 = vector.broadcast %broadcast_in_dim3A_580 : vector<400x1xi1> to vector<400x128xi1>
      %broadcast_in_dim3A_582 = vector.broadcast %jit3A : f32 to vector<400x128xf32>
      %select_n3A = arith.select %broadcast_in_dim3A_581, %add3A_26, %broadcast_in_dim3A_582 : vector<400x128xi1>, vector<400x128xf32>
      %reduce_max3A_583 = arith.constant dense<0xFF800000> : vector<128xf32>
      %reduce_max3A_584 = vector.multi_reduction <maximumf>, %select_n3A, %reduce_max3A_583 [0] : vector<400x128xf32> to vector<128xf32>
      %broadcast_in_dim3A_585 = vector.shape_cast %reduce_max3A_584 : vector<128xf32> to vector<1x128xf32>
      %get3A_586 = arith.constant 35 : index
      %get3A_587 = arith.constant 0 : index
      %get3A_588 = vector.load %arg9[%get3A_586, %get3A_587] : memref<64x128xf32, #tpu.memory_space<vmem>>, vector<1x128xf32>
      %max3A = arith.maximumf %get3A_588, %broadcast_in_dim3A_585 : vector<1x128xf32>
      %swap3A_589 = arith.constant 35 : index
      %swap3A_590 = arith.constant 0 : index
      %swap3A_591 = vector.load %arg9[%swap3A_589, %swap3A_590] : memref<64x128xf32, #tpu.memory_space<vmem>>, vector<1x128xf32>
      tpu.vector_store %arg9[%swap3A_589, %swap3A_590], %max3A {strides = array<i32>} : memref<64x128xf32, #tpu.memory_space<vmem>>, vector<1x128xf32>,
    } else {
    }
    %le3A_348 = arith.constant 36 : i32
    %le3A_349 = arith.cmpi sle, %reduce_min3A_58, %le3A_348 : i32
    %ge3A_350 = arith.constant 36 : i32
    %ge3A_351 = arith.cmpi sge, %reduce_max3A_62, %ge3A_350 : i32
    %and3A_352 = arith.andi %le3A_349, %ge3A_351 : i1
    %convert_element_type3A_353 = arith.extui %and3A_352 : i1 to i32
    %cond3A_354 = arith.constant 0 : i32
    %cond3A_355 = arith.cmpi ne, %convert_element_type3A_353, %cond3A_354 : i32
    scf.if %cond3A_355 {
      %eq3A_577 = arith.constant 36 : i32
      %eq3A_578 = vector.broadcast %eq3A_577 : i32 to vector<400x1xi32>
      %eq3A_579 = arith.cmpi eq, %get3A_31, %eq3A_578 : vector<400x1xi32>
      %jit3A = arith.constant 0xFF800000 : f32
      %broadcast_in_dim3A_580 = vector.shape_cast %eq3A_579 : vector<400x1xi1> to vector<400x1xi1>
      %broadcast_in_dim3A_581 = vector.broadcast %broadcast_in_dim3A_580 : vector<400x1xi1> to vector<400x128xi1>
      %broadcast_in_dim3A_582 = vector.broadcast %jit3A : f32 to vector<400x128xf32>
      %select_n3A = arith.select %broadcast_in_dim3A_581, %add3A_26, %broadcast_in_dim3A_582 : vector<400x128xi1>, vector<400x128xf32>
      %reduce_max3A_583 = arith.constant dense<0xFF800000> : vector<128xf32>
      %reduce_max3A_584 = vector.multi_reduction <maximumf>, %select_n3A, %reduce_max3A_583 [0] : vector<400x128xf32> to vector<128xf32>
      %broadcast_in_dim3A_585 = vector.shape_cast %reduce_max3A_584 : vector<128xf32> to vector<1x128xf32>
      %get3A_586 = arith.constant 36 : index
      %get3A_587 = arith.constant 0 : index
      %get3A_588 = vector.load %arg9[%get3A_586, %get3A_587] : memref<64x128xf32, #tpu.memory_space<vmem>>, vector<1x128xf32>
      %max3A = arith.maximumf %get3A_588, %broadcast_in_dim3A_585 : vector<1x128xf32>
      %swap3A_589 = arith.constant 36 : index
      %swap3A_590 = arith.constant 0 : index
      %swap3A_591 = vector.load %arg9[%swap3A_589, %swap3A_590] : memref<64x128xf32, #tpu.memory_space<vmem>>, vector<1x128xf32>
      tpu.vector_store %arg9[%swap3A_589, %swap3A_590], %max3A {strides = array<i32>} : memref<64x128xf32, #tpu.memory_space<vmem>>, vector<1x128xf32>,
    } else {
    }
    %le3A_356 = arith.constant 37 : i32
    %le3A_357 = arith.cmpi sle, %reduce_min3A_58, %le3A_356 : i32
    %ge3A_358 = arith.constant 37 : i32
    %ge3A_359 = arith.cmpi sge, %reduce_max3A_62, %ge3A_358 : i32
    %and3A_360 = arith.andi %le3A_357, %ge3A_359 : i1
    %convert_element_type3A_361 = arith.extui %and3A_360 : i1 to i32
    %cond3A_362 = arith.constant 0 : i32
    %cond3A_363 = arith.cmpi ne, %convert_element_type3A_361, %cond3A_362 : i32
    scf.if %cond3A_363 {
      %eq3A_577 = arith.constant 37 : i32
      %eq3A_578 = vector.broadcast %eq3A_577 : i32 to vector<400x1xi32>
      %eq3A_579 = arith.cmpi eq, %get3A_31, %eq3A_578 : vector<400x1xi32>
      %jit3A = arith.constant 0xFF800000 : f32
      %broadcast_in_dim3A_580 = vector.shape_cast %eq3A_579 : vector<400x1xi1> to vector<400x1xi1>
      %broadcast_in_dim3A_581 = vector.broadcast %broadcast_in_dim3A_580 : vector<400x1xi1> to vector<400x128xi1>
      %broadcast_in_dim3A_582 = vector.broadcast %jit3A : f32 to vector<400x128xf32>
      %select_n3A = arith.select %broadcast_in_dim3A_581, %add3A_26, %broadcast_in_dim3A_582 : vector<400x128xi1>, vector<400x128xf32>
      %reduce_max3A_583 = arith.constant dense<0xFF800000> : vector<128xf32>
      %reduce_max3A_584 = vector.multi_reduction <maximumf>, %select_n3A, %reduce_max3A_583 [0] : vector<400x128xf32> to vector<128xf32>
      %broadcast_in_dim3A_585 = vector.shape_cast %reduce_max3A_584 : vector<128xf32> to vector<1x128xf32>
      %get3A_586 = arith.constant 37 : index
      %get3A_587 = arith.constant 0 : index
      %get3A_588 = vector.load %arg9[%get3A_586, %get3A_587] : memref<64x128xf32, #tpu.memory_space<vmem>>, vector<1x128xf32>
      %max3A = arith.maximumf %get3A_588, %broadcast_in_dim3A_585 : vector<1x128xf32>
      %swap3A_589 = arith.constant 37 : index
      %swap3A_590 = arith.constant 0 : index
      %swap3A_591 = vector.load %arg9[%swap3A_589, %swap3A_590] : memref<64x128xf32, #tpu.memory_space<vmem>>, vector<1x128xf32>
      tpu.vector_store %arg9[%swap3A_589, %swap3A_590], %max3A {strides = array<i32>} : memref<64x128xf32, #tpu.memory_space<vmem>>, vector<1x128xf32>,
    } else {
    }
    %le3A_364 = arith.constant 38 : i32
    %le3A_365 = arith.cmpi sle, %reduce_min3A_58, %le3A_364 : i32
    %ge3A_366 = arith.constant 38 : i32
    %ge3A_367 = arith.cmpi sge, %reduce_max3A_62, %ge3A_366 : i32
    %and3A_368 = arith.andi %le3A_365, %ge3A_367 : i1
    %convert_element_type3A_369 = arith.extui %and3A_368 : i1 to i32
    %cond3A_370 = arith.constant 0 : i32
    %cond3A_371 = arith.cmpi ne, %convert_element_type3A_369, %cond3A_370 : i32
    scf.if %cond3A_371 {
      %eq3A_577 = arith.constant 38 : i32
      %eq3A_578 = vector.broadcast %eq3A_577 : i32 to vector<400x1xi32>
      %eq3A_579 = arith.cmpi eq, %get3A_31, %eq3A_578 : vector<400x1xi32>
      %jit3A = arith.constant 0xFF800000 : f32
      %broadcast_in_dim3A_580 = vector.shape_cast %eq3A_579 : vector<400x1xi1> to vector<400x1xi1>
      %broadcast_in_dim3A_581 = vector.broadcast %broadcast_in_dim3A_580 : vector<400x1xi1> to vector<400x128xi1>
      %broadcast_in_dim3A_582 = vector.broadcast %jit3A : f32 to vector<400x128xf32>
      %select_n3A = arith.select %broadcast_in_dim3A_581, %add3A_26, %broadcast_in_dim3A_582 : vector<400x128xi1>, vector<400x128xf32>
      %reduce_max3A_583 = arith.constant dense<0xFF800000> : vector<128xf32>
      %reduce_max3A_584 = vector.multi_reduction <maximumf>, %select_n3A, %reduce_max3A_583 [0] : vector<400x128xf32> to vector<128xf32>
      %broadcast_in_dim3A_585 = vector.shape_cast %reduce_max3A_584 : vector<128xf32> to vector<1x128xf32>
      %get3A_586 = arith.constant 38 : index
      %get3A_587 = arith.constant 0 : index
      %get3A_588 = vector.load %arg9[%get3A_586, %get3A_587] : memref<64x128xf32, #tpu.memory_space<vmem>>, vector<1x128xf32>
      %max3A = arith.maximumf %get3A_588, %broadcast_in_dim3A_585 : vector<1x128xf32>
      %swap3A_589 = arith.constant 38 : index
      %swap3A_590 = arith.constant 0 : index
      %swap3A_591 = vector.load %arg9[%swap3A_589, %swap3A_590] : memref<64x128xf32, #tpu.memory_space<vmem>>, vector<1x128xf32>
      tpu.vector_store %arg9[%swap3A_589, %swap3A_590], %max3A {strides = array<i32>} : memref<64x128xf32, #tpu.memory_space<vmem>>, vector<1x128xf32>,
    } else {
    }
    %le3A_372 = arith.constant 39 : i32
    %le3A_373 = arith.cmpi sle, %reduce_min3A_58, %le3A_372 : i32
    %ge3A_374 = arith.constant 39 : i32
    %ge3A_375 = arith.cmpi sge, %reduce_max3A_62, %ge3A_374 : i32
    %and3A_376 = arith.andi %le3A_373, %ge3A_375 : i1
    %convert_element_type3A_377 = arith.extui %and3A_376 : i1 to i32
    %cond3A_378 = arith.constant 0 : i32
    %cond3A_379 = arith.cmpi ne, %convert_element_type3A_377, %cond3A_378 : i32
    scf.if %cond3A_379 {
      %eq3A_577 = arith.constant 39 : i32
      %eq3A_578 = vector.broadcast %eq3A_577 : i32 to vector<400x1xi32>
      %eq3A_579 = arith.cmpi eq, %get3A_31, %eq3A_578 : vector<400x1xi32>
      %jit3A = arith.constant 0xFF800000 : f32
      %broadcast_in_dim3A_580 = vector.shape_cast %eq3A_579 : vector<400x1xi1> to vector<400x1xi1>
      %broadcast_in_dim3A_581 = vector.broadcast %broadcast_in_dim3A_580 : vector<400x1xi1> to vector<400x128xi1>
      %broadcast_in_dim3A_582 = vector.broadcast %jit3A : f32 to vector<400x128xf32>
      %select_n3A = arith.select %broadcast_in_dim3A_581, %add3A_26, %broadcast_in_dim3A_582 : vector<400x128xi1>, vector<400x128xf32>
      %reduce_max3A_583 = arith.constant dense<0xFF800000> : vector<128xf32>
      %reduce_max3A_584 = vector.multi_reduction <maximumf>, %select_n3A, %reduce_max3A_583 [0] : vector<400x128xf32> to vector<128xf32>
      %broadcast_in_dim3A_585 = vector.shape_cast %reduce_max3A_584 : vector<128xf32> to vector<1x128xf32>
      %get3A_586 = arith.constant 39 : index
      %get3A_587 = arith.constant 0 : index
      %get3A_588 = vector.load %arg9[%get3A_586, %get3A_587] : memref<64x128xf32, #tpu.memory_space<vmem>>, vector<1x128xf32>
      %max3A = arith.maximumf %get3A_588, %broadcast_in_dim3A_585 : vector<1x128xf32>
      %swap3A_589 = arith.constant 39 : index
      %swap3A_590 = arith.constant 0 : index
      %swap3A_591 = vector.load %arg9[%swap3A_589, %swap3A_590] : memref<64x128xf32, #tpu.memory_space<vmem>>, vector<1x128xf32>
      tpu.vector_store %arg9[%swap3A_589, %swap3A_590], %max3A {strides = array<i32>} : memref<64x128xf32, #tpu.memory_space<vmem>>, vector<1x128xf32>,
    } else {
    }
    %le3A_380 = arith.constant 40 : i32
    %le3A_381 = arith.cmpi sle, %reduce_min3A_58, %le3A_380 : i32
    %ge3A_382 = arith.constant 40 : i32
    %ge3A_383 = arith.cmpi sge, %reduce_max3A_62, %ge3A_382 : i32
    %and3A_384 = arith.andi %le3A_381, %ge3A_383 : i1
    %convert_element_type3A_385 = arith.extui %and3A_384 : i1 to i32
    %cond3A_386 = arith.constant 0 : i32
    %cond3A_387 = arith.cmpi ne, %convert_element_type3A_385, %cond3A_386 : i32
    scf.if %cond3A_387 {
      %eq3A_577 = arith.constant 40 : i32
      %eq3A_578 = vector.broadcast %eq3A_577 : i32 to vector<400x1xi32>
      %eq3A_579 = arith.cmpi eq, %get3A_31, %eq3A_578 : vector<400x1xi32>
      %jit3A = arith.constant 0xFF800000 : f32
      %broadcast_in_dim3A_580 = vector.shape_cast %eq3A_579 : vector<400x1xi1> to vector<400x1xi1>
      %broadcast_in_dim3A_581 = vector.broadcast %broadcast_in_dim3A_580 : vector<400x1xi1> to vector<400x128xi1>
      %broadcast_in_dim3A_582 = vector.broadcast %jit3A : f32 to vector<400x128xf32>
      %select_n3A = arith.select %broadcast_in_dim3A_581, %add3A_26, %broadcast_in_dim3A_582 : vector<400x128xi1>, vector<400x128xf32>
      %reduce_max3A_583 = arith.constant dense<0xFF800000> : vector<128xf32>
      %reduce_max3A_584 = vector.multi_reduction <maximumf>, %select_n3A, %reduce_max3A_583 [0] : vector<400x128xf32> to vector<128xf32>
      %broadcast_in_dim3A_585 = vector.shape_cast %reduce_max3A_584 : vector<128xf32> to vector<1x128xf32>
      %get3A_586 = arith.constant 40 : index
      %get3A_587 = arith.constant 0 : index
      %get3A_588 = vector.load %arg9[%get3A_586, %get3A_587] : memref<64x128xf32, #tpu.memory_space<vmem>>, vector<1x128xf32>
      %max3A = arith.maximumf %get3A_588, %broadcast_in_dim3A_585 : vector<1x128xf32>
      %swap3A_589 = arith.constant 40 : index
      %swap3A_590 = arith.constant 0 : index
      %swap3A_591 = vector.load %arg9[%swap3A_589, %swap3A_590] : memref<64x128xf32, #tpu.memory_space<vmem>>, vector<1x128xf32>
      tpu.vector_store %arg9[%swap3A_589, %swap3A_590], %max3A {strides = array<i32>} : memref<64x128xf32, #tpu.memory_space<vmem>>, vector<1x128xf32>,
    } else {
    }
    %le3A_388 = arith.constant 41 : i32
    %le3A_389 = arith.cmpi sle, %reduce_min3A_58, %le3A_388 : i32
    %ge3A_390 = arith.constant 41 : i32
    %ge3A_391 = arith.cmpi sge, %reduce_max3A_62, %ge3A_390 : i32
    %and3A_392 = arith.andi %le3A_389, %ge3A_391 : i1
    %convert_element_type3A_393 = arith.extui %and3A_392 : i1 to i32
    %cond3A_394 = arith.constant 0 : i32
    %cond3A_395 = arith.cmpi ne, %convert_element_type3A_393, %cond3A_394 : i32
    scf.if %cond3A_395 {
      %eq3A_577 = arith.constant 41 : i32
      %eq3A_578 = vector.broadcast %eq3A_577 : i32 to vector<400x1xi32>
      %eq3A_579 = arith.cmpi eq, %get3A_31, %eq3A_578 : vector<400x1xi32>
      %jit3A = arith.constant 0xFF800000 : f32
      %broadcast_in_dim3A_580 = vector.shape_cast %eq3A_579 : vector<400x1xi1> to vector<400x1xi1>
      %broadcast_in_dim3A_581 = vector.broadcast %broadcast_in_dim3A_580 : vector<400x1xi1> to vector<400x128xi1>
      %broadcast_in_dim3A_582 = vector.broadcast %jit3A : f32 to vector<400x128xf32>
      %select_n3A = arith.select %broadcast_in_dim3A_581, %add3A_26, %broadcast_in_dim3A_582 : vector<400x128xi1>, vector<400x128xf32>
      %reduce_max3A_583 = arith.constant dense<0xFF800000> : vector<128xf32>
      %reduce_max3A_584 = vector.multi_reduction <maximumf>, %select_n3A, %reduce_max3A_583 [0] : vector<400x128xf32> to vector<128xf32>
      %broadcast_in_dim3A_585 = vector.shape_cast %reduce_max3A_584 : vector<128xf32> to vector<1x128xf32>
      %get3A_586 = arith.constant 41 : index
      %get3A_587 = arith.constant 0 : index
      %get3A_588 = vector.load %arg9[%get3A_586, %get3A_587] : memref<64x128xf32, #tpu.memory_space<vmem>>, vector<1x128xf32>
      %max3A = arith.maximumf %get3A_588, %broadcast_in_dim3A_585 : vector<1x128xf32>
      %swap3A_589 = arith.constant 41 : index
      %swap3A_590 = arith.constant 0 : index
      %swap3A_591 = vector.load %arg9[%swap3A_589, %swap3A_590] : memref<64x128xf32, #tpu.memory_space<vmem>>, vector<1x128xf32>
      tpu.vector_store %arg9[%swap3A_589, %swap3A_590], %max3A {strides = array<i32>} : memref<64x128xf32, #tpu.memory_space<vmem>>, vector<1x128xf32>,
    } else {
    }
    %le3A_396 = arith.constant 42 : i32
    %le3A_397 = arith.cmpi sle, %reduce_min3A_58, %le3A_396 : i32
    %ge3A_398 = arith.constant 42 : i32
    %ge3A_399 = arith.cmpi sge, %reduce_max3A_62, %ge3A_398 : i32
    %and3A_400 = arith.andi %le3A_397, %ge3A_399 : i1
    %convert_element_type3A_401 = arith.extui %and3A_400 : i1 to i32
    %cond3A_402 = arith.constant 0 : i32
    %cond3A_403 = arith.cmpi ne, %convert_element_type3A_401, %cond3A_402 : i32
    scf.if %cond3A_403 {
      %eq3A_577 = arith.constant 42 : i32
      %eq3A_578 = vector.broadcast %eq3A_577 : i32 to vector<400x1xi32>
      %eq3A_579 = arith.cmpi eq, %get3A_31, %eq3A_578 : vector<400x1xi32>
      %jit3A = arith.constant 0xFF800000 : f32
      %broadcast_in_dim3A_580 = vector.shape_cast %eq3A_579 : vector<400x1xi1> to vector<400x1xi1>
      %broadcast_in_dim3A_581 = vector.broadcast %broadcast_in_dim3A_580 : vector<400x1xi1> to vector<400x128xi1>
      %broadcast_in_dim3A_582 = vector.broadcast %jit3A : f32 to vector<400x128xf32>
      %select_n3A = arith.select %broadcast_in_dim3A_581, %add3A_26, %broadcast_in_dim3A_582 : vector<400x128xi1>, vector<400x128xf32>
      %reduce_max3A_583 = arith.constant dense<0xFF800000> : vector<128xf32>
      %reduce_max3A_584 = vector.multi_reduction <maximumf>, %select_n3A, %reduce_max3A_583 [0] : vector<400x128xf32> to vector<128xf32>
      %broadcast_in_dim3A_585 = vector.shape_cast %reduce_max3A_584 : vector<128xf32> to vector<1x128xf32>
      %get3A_586 = arith.constant 42 : index
      %get3A_587 = arith.constant 0 : index
      %get3A_588 = vector.load %arg9[%get3A_586, %get3A_587] : memref<64x128xf32, #tpu.memory_space<vmem>>, vector<1x128xf32>
      %max3A = arith.maximumf %get3A_588, %broadcast_in_dim3A_585 : vector<1x128xf32>
      %swap3A_589 = arith.constant 42 : index
      %swap3A_590 = arith.constant 0 : index
      %swap3A_591 = vector.load %arg9[%swap3A_589, %swap3A_590] : memref<64x128xf32, #tpu.memory_space<vmem>>, vector<1x128xf32>
      tpu.vector_store %arg9[%swap3A_589, %swap3A_590], %max3A {strides = array<i32>} : memref<64x128xf32, #tpu.memory_space<vmem>>, vector<1x128xf32>,
    } else {
    }
    %le3A_404 = arith.constant 43 : i32
    %le3A_405 = arith.cmpi sle, %reduce_min3A_58, %le3A_404 : i32
    %ge3A_406 = arith.constant 43 : i32
    %ge3A_407 = arith.cmpi sge, %reduce_max3A_62, %ge3A_406 : i32
    %and3A_408 = arith.andi %le3A_405, %ge3A_407 : i1
    %convert_element_type3A_409 = arith.extui %and3A_408 : i1 to i32
    %cond3A_410 = arith.constant 0 : i32
    %cond3A_411 = arith.cmpi ne, %convert_element_type3A_409, %cond3A_410 : i32
    scf.if %cond3A_411 {
      %eq3A_577 = arith.constant 43 : i32
      %eq3A_578 = vector.broadcast %eq3A_577 : i32 to vector<400x1xi32>
      %eq3A_579 = arith.cmpi eq, %get3A_31, %eq3A_578 : vector<400x1xi32>
      %jit3A = arith.constant 0xFF800000 : f32
      %broadcast_in_dim3A_580 = vector.shape_cast %eq3A_579 : vector<400x1xi1> to vector<400x1xi1>
      %broadcast_in_dim3A_581 = vector.broadcast %broadcast_in_dim3A_580 : vector<400x1xi1> to vector<400x128xi1>
      %broadcast_in_dim3A_582 = vector.broadcast %jit3A : f32 to vector<400x128xf32>
      %select_n3A = arith.select %broadcast_in_dim3A_581, %add3A_26, %broadcast_in_dim3A_582 : vector<400x128xi1>, vector<400x128xf32>
      %reduce_max3A_583 = arith.constant dense<0xFF800000> : vector<128xf32>
      %reduce_max3A_584 = vector.multi_reduction <maximumf>, %select_n3A, %reduce_max3A_583 [0] : vector<400x128xf32> to vector<128xf32>
      %broadcast_in_dim3A_585 = vector.shape_cast %reduce_max3A_584 : vector<128xf32> to vector<1x128xf32>
      %get3A_586 = arith.constant 43 : index
      %get3A_587 = arith.constant 0 : index
      %get3A_588 = vector.load %arg9[%get3A_586, %get3A_587] : memref<64x128xf32, #tpu.memory_space<vmem>>, vector<1x128xf32>
      %max3A = arith.maximumf %get3A_588, %broadcast_in_dim3A_585 : vector<1x128xf32>
      %swap3A_589 = arith.constant 43 : index
      %swap3A_590 = arith.constant 0 : index
      %swap3A_591 = vector.load %arg9[%swap3A_589, %swap3A_590] : memref<64x128xf32, #tpu.memory_space<vmem>>, vector<1x128xf32>
      tpu.vector_store %arg9[%swap3A_589, %swap3A_590], %max3A {strides = array<i32>} : memref<64x128xf32, #tpu.memory_space<vmem>>, vector<1x128xf32>,
    } else {
    }
    %le3A_412 = arith.constant 44 : i32
    %le3A_413 = arith.cmpi sle, %reduce_min3A_58, %le3A_412 : i32
    %ge3A_414 = arith.constant 44 : i32
    %ge3A_415 = arith.cmpi sge, %reduce_max3A_62, %ge3A_414 : i32
    %and3A_416 = arith.andi %le3A_413, %ge3A_415 : i1
    %convert_element_type3A_417 = arith.extui %and3A_416 : i1 to i32
    %cond3A_418 = arith.constant 0 : i32
    %cond3A_419 = arith.cmpi ne, %convert_element_type3A_417, %cond3A_418 : i32
    scf.if %cond3A_419 {
      %eq3A_577 = arith.constant 44 : i32
      %eq3A_578 = vector.broadcast %eq3A_577 : i32 to vector<400x1xi32>
      %eq3A_579 = arith.cmpi eq, %get3A_31, %eq3A_578 : vector<400x1xi32>
      %jit3A = arith.constant 0xFF800000 : f32
      %broadcast_in_dim3A_580 = vector.shape_cast %eq3A_579 : vector<400x1xi1> to vector<400x1xi1>
      %broadcast_in_dim3A_581 = vector.broadcast %broadcast_in_dim3A_580 : vector<400x1xi1> to vector<400x128xi1>
      %broadcast_in_dim3A_582 = vector.broadcast %jit3A : f32 to vector<400x128xf32>
      %select_n3A = arith.select %broadcast_in_dim3A_581, %add3A_26, %broadcast_in_dim3A_582 : vector<400x128xi1>, vector<400x128xf32>
      %reduce_max3A_583 = arith.constant dense<0xFF800000> : vector<128xf32>
      %reduce_max3A_584 = vector.multi_reduction <maximumf>, %select_n3A, %reduce_max3A_583 [0] : vector<400x128xf32> to vector<128xf32>
      %broadcast_in_dim3A_585 = vector.shape_cast %reduce_max3A_584 : vector<128xf32> to vector<1x128xf32>
      %get3A_586 = arith.constant 44 : index
      %get3A_587 = arith.constant 0 : index
      %get3A_588 = vector.load %arg9[%get3A_586, %get3A_587] : memref<64x128xf32, #tpu.memory_space<vmem>>, vector<1x128xf32>
      %max3A = arith.maximumf %get3A_588, %broadcast_in_dim3A_585 : vector<1x128xf32>
      %swap3A_589 = arith.constant 44 : index
      %swap3A_590 = arith.constant 0 : index
      %swap3A_591 = vector.load %arg9[%swap3A_589, %swap3A_590] : memref<64x128xf32, #tpu.memory_space<vmem>>, vector<1x128xf32>
      tpu.vector_store %arg9[%swap3A_589, %swap3A_590], %max3A {strides = array<i32>} : memref<64x128xf32, #tpu.memory_space<vmem>>, vector<1x128xf32>,
    } else {
    }
    %le3A_420 = arith.constant 45 : i32
    %le3A_421 = arith.cmpi sle, %reduce_min3A_58, %le3A_420 : i32
    %ge3A_422 = arith.constant 45 : i32
    %ge3A_423 = arith.cmpi sge, %reduce_max3A_62, %ge3A_422 : i32
    %and3A_424 = arith.andi %le3A_421, %ge3A_423 : i1
    %convert_element_type3A_425 = arith.extui %and3A_424 : i1 to i32
    %cond3A_426 = arith.constant 0 : i32
    %cond3A_427 = arith.cmpi ne, %convert_element_type3A_425, %cond3A_426 : i32
    scf.if %cond3A_427 {
      %eq3A_577 = arith.constant 45 : i32
      %eq3A_578 = vector.broadcast %eq3A_577 : i32 to vector<400x1xi32>
      %eq3A_579 = arith.cmpi eq, %get3A_31, %eq3A_578 : vector<400x1xi32>
      %jit3A = arith.constant 0xFF800000 : f32
      %broadcast_in_dim3A_580 = vector.shape_cast %eq3A_579 : vector<400x1xi1> to vector<400x1xi1>
      %broadcast_in_dim3A_581 = vector.broadcast %broadcast_in_dim3A_580 : vector<400x1xi1> to vector<400x128xi1>
      %broadcast_in_dim3A_582 = vector.broadcast %jit3A : f32 to vector<400x128xf32>
      %select_n3A = arith.select %broadcast_in_dim3A_581, %add3A_26, %broadcast_in_dim3A_582 : vector<400x128xi1>, vector<400x128xf32>
      %reduce_max3A_583 = arith.constant dense<0xFF800000> : vector<128xf32>
      %reduce_max3A_584 = vector.multi_reduction <maximumf>, %select_n3A, %reduce_max3A_583 [0] : vector<400x128xf32> to vector<128xf32>
      %broadcast_in_dim3A_585 = vector.shape_cast %reduce_max3A_584 : vector<128xf32> to vector<1x128xf32>
      %get3A_586 = arith.constant 45 : index
      %get3A_587 = arith.constant 0 : index
      %get3A_588 = vector.load %arg9[%get3A_586, %get3A_587] : memref<64x128xf32, #tpu.memory_space<vmem>>, vector<1x128xf32>
      %max3A = arith.maximumf %get3A_588, %broadcast_in_dim3A_585 : vector<1x128xf32>
      %swap3A_589 = arith.constant 45 : index
      %swap3A_590 = arith.constant 0 : index
      %swap3A_591 = vector.load %arg9[%swap3A_589, %swap3A_590] : memref<64x128xf32, #tpu.memory_space<vmem>>, vector<1x128xf32>
      tpu.vector_store %arg9[%swap3A_589, %swap3A_590], %max3A {strides = array<i32>} : memref<64x128xf32, #tpu.memory_space<vmem>>, vector<1x128xf32>,
    } else {
    }
    %le3A_428 = arith.constant 46 : i32
    %le3A_429 = arith.cmpi sle, %reduce_min3A_58, %le3A_428 : i32
    %ge3A_430 = arith.constant 46 : i32
    %ge3A_431 = arith.cmpi sge, %reduce_max3A_62, %ge3A_430 : i32
    %and3A_432 = arith.andi %le3A_429, %ge3A_431 : i1
    %convert_element_type3A_433 = arith.extui %and3A_432 : i1 to i32
    %cond3A_434 = arith.constant 0 : i32
    %cond3A_435 = arith.cmpi ne, %convert_element_type3A_433, %cond3A_434 : i32
    scf.if %cond3A_435 {
      %eq3A_577 = arith.constant 46 : i32
      %eq3A_578 = vector.broadcast %eq3A_577 : i32 to vector<400x1xi32>
      %eq3A_579 = arith.cmpi eq, %get3A_31, %eq3A_578 : vector<400x1xi32>
      %jit3A = arith.constant 0xFF800000 : f32
      %broadcast_in_dim3A_580 = vector.shape_cast %eq3A_579 : vector<400x1xi1> to vector<400x1xi1>
      %broadcast_in_dim3A_581 = vector.broadcast %broadcast_in_dim3A_580 : vector<400x1xi1> to vector<400x128xi1>
      %broadcast_in_dim3A_582 = vector.broadcast %jit3A : f32 to vector<400x128xf32>
      %select_n3A = arith.select %broadcast_in_dim3A_581, %add3A_26, %broadcast_in_dim3A_582 : vector<400x128xi1>, vector<400x128xf32>
      %reduce_max3A_583 = arith.constant dense<0xFF800000> : vector<128xf32>
      %reduce_max3A_584 = vector.multi_reduction <maximumf>, %select_n3A, %reduce_max3A_583 [0] : vector<400x128xf32> to vector<128xf32>
      %broadcast_in_dim3A_585 = vector.shape_cast %reduce_max3A_584 : vector<128xf32> to vector<1x128xf32>
      %get3A_586 = arith.constant 46 : index
      %get3A_587 = arith.constant 0 : index
      %get3A_588 = vector.load %arg9[%get3A_586, %get3A_587] : memref<64x128xf32, #tpu.memory_space<vmem>>, vector<1x128xf32>
      %max3A = arith.maximumf %get3A_588, %broadcast_in_dim3A_585 : vector<1x128xf32>
      %swap3A_589 = arith.constant 46 : index
      %swap3A_590 = arith.constant 0 : index
      %swap3A_591 = vector.load %arg9[%swap3A_589, %swap3A_590] : memref<64x128xf32, #tpu.memory_space<vmem>>, vector<1x128xf32>
      tpu.vector_store %arg9[%swap3A_589, %swap3A_590], %max3A {strides = array<i32>} : memref<64x128xf32, #tpu.memory_space<vmem>>, vector<1x128xf32>,
    } else {
    }
    %le3A_436 = arith.constant 47 : i32
    %le3A_437 = arith.cmpi sle, %reduce_min3A_58, %le3A_436 : i32
    %ge3A_438 = arith.constant 47 : i32
    %ge3A_439 = arith.cmpi sge, %reduce_max3A_62, %ge3A_438 : i32
    %and3A_440 = arith.andi %le3A_437, %ge3A_439 : i1
    %convert_element_type3A_441 = arith.extui %and3A_440 : i1 to i32
    %cond3A_442 = arith.constant 0 : i32
    %cond3A_443 = arith.cmpi ne, %convert_element_type3A_441, %cond3A_442 : i32
    scf.if %cond3A_443 {
      %eq3A_577 = arith.constant 47 : i32
      %eq3A_578 = vector.broadcast %eq3A_577 : i32 to vector<400x1xi32>
      %eq3A_579 = arith.cmpi eq, %get3A_31, %eq3A_578 : vector<400x1xi32>
      %jit3A = arith.constant 0xFF800000 : f32
      %broadcast_in_dim3A_580 = vector.shape_cast %eq3A_579 : vector<400x1xi1> to vector<400x1xi1>
      %broadcast_in_dim3A_581 = vector.broadcast %broadcast_in_dim3A_580 : vector<400x1xi1> to vector<400x128xi1>
      %broadcast_in_dim3A_582 = vector.broadcast %jit3A : f32 to vector<400x128xf32>
      %select_n3A = arith.select %broadcast_in_dim3A_581, %add3A_26, %broadcast_in_dim3A_582 : vector<400x128xi1>, vector<400x128xf32>
      %reduce_max3A_583 = arith.constant dense<0xFF800000> : vector<128xf32>
      %reduce_max3A_584 = vector.multi_reduction <maximumf>, %select_n3A, %reduce_max3A_583 [0] : vector<400x128xf32> to vector<128xf32>
      %broadcast_in_dim3A_585 = vector.shape_cast %reduce_max3A_584 : vector<128xf32> to vector<1x128xf32>
      %get3A_586 = arith.constant 47 : index
      %get3A_587 = arith.constant 0 : index
      %get3A_588 = vector.load %arg9[%get3A_586, %get3A_587] : memref<64x128xf32, #tpu.memory_space<vmem>>, vector<1x128xf32>
      %max3A = arith.maximumf %get3A_588, %broadcast_in_dim3A_585 : vector<1x128xf32>
      %swap3A_589 = arith.constant 47 : index
      %swap3A_590 = arith.constant 0 : index
      %swap3A_591 = vector.load %arg9[%swap3A_589, %swap3A_590] : memref<64x128xf32, #tpu.memory_space<vmem>>, vector<1x128xf32>
      tpu.vector_store %arg9[%swap3A_589, %swap3A_590], %max3A {strides = array<i32>} : memref<64x128xf32, #tpu.memory_space<vmem>>, vector<1x128xf32>,
    } else {
    }
    %le3A_444 = arith.constant 48 : i32
    %le3A_445 = arith.cmpi sle, %reduce_min3A_58, %le3A_444 : i32
    %ge3A_446 = arith.constant 48 : i32
    %ge3A_447 = arith.cmpi sge, %reduce_max3A_62, %ge3A_446 : i32
    %and3A_448 = arith.andi %le3A_445, %ge3A_447 : i1
    %convert_element_type3A_449 = arith.extui %and3A_448 : i1 to i32
    %cond3A_450 = arith.constant 0 : i32
    %cond3A_451 = arith.cmpi ne, %convert_element_type3A_449, %cond3A_450 : i32
    scf.if %cond3A_451 {
      %eq3A_577 = arith.constant 48 : i32
      %eq3A_578 = vector.broadcast %eq3A_577 : i32 to vector<400x1xi32>
      %eq3A_579 = arith.cmpi eq, %get3A_31, %eq3A_578 : vector<400x1xi32>
      %jit3A = arith.constant 0xFF800000 : f32
      %broadcast_in_dim3A_580 = vector.shape_cast %eq3A_579 : vector<400x1xi1> to vector<400x1xi1>
      %broadcast_in_dim3A_581 = vector.broadcast %broadcast_in_dim3A_580 : vector<400x1xi1> to vector<400x128xi1>
      %broadcast_in_dim3A_582 = vector.broadcast %jit3A : f32 to vector<400x128xf32>
      %select_n3A = arith.select %broadcast_in_dim3A_581, %add3A_26, %broadcast_in_dim3A_582 : vector<400x128xi1>, vector<400x128xf32>
      %reduce_max3A_583 = arith.constant dense<0xFF800000> : vector<128xf32>
      %reduce_max3A_584 = vector.multi_reduction <maximumf>, %select_n3A, %reduce_max3A_583 [0] : vector<400x128xf32> to vector<128xf32>
      %broadcast_in_dim3A_585 = vector.shape_cast %reduce_max3A_584 : vector<128xf32> to vector<1x128xf32>
      %get3A_586 = arith.constant 48 : index
      %get3A_587 = arith.constant 0 : index
      %get3A_588 = vector.load %arg9[%get3A_586, %get3A_587] : memref<64x128xf32, #tpu.memory_space<vmem>>, vector<1x128xf32>
      %max3A = arith.maximumf %get3A_588, %broadcast_in_dim3A_585 : vector<1x128xf32>
      %swap3A_589 = arith.constant 48 : index
      %swap3A_590 = arith.constant 0 : index
      %swap3A_591 = vector.load %arg9[%swap3A_589, %swap3A_590] : memref<64x128xf32, #tpu.memory_space<vmem>>, vector<1x128xf32>
      tpu.vector_store %arg9[%swap3A_589, %swap3A_590], %max3A {strides = array<i32>} : memref<64x128xf32, #tpu.memory_space<vmem>>, vector<1x128xf32>,
    } else {
    }
    %le3A_452 = arith.constant 49 : i32
    %le3A_453 = arith.cmpi sle, %reduce_min3A_58, %le3A_452 : i32
    %ge3A_454 = arith.constant 49 : i32
    %ge3A_455 = arith.cmpi sge, %reduce_max3A_62, %ge3A_454 : i32
    %and3A_456 = arith.andi %le3A_453, %ge3A_455 : i1
    %convert_element_type3A_457 = arith.extui %and3A_456 : i1 to i32
    %cond3A_458 = arith.constant 0 : i32
    %cond3A_459 = arith.cmpi ne, %convert_element_type3A_457, %cond3A_458 : i32
    scf.if %cond3A_459 {
      %eq3A_577 = arith.constant 49 : i32
      %eq3A_578 = vector.broadcast %eq3A_577 : i32 to vector<400x1xi32>
      %eq3A_579 = arith.cmpi eq, %get3A_31, %eq3A_578 : vector<400x1xi32>
      %jit3A = arith.constant 0xFF800000 : f32
      %broadcast_in_dim3A_580 = vector.shape_cast %eq3A_579 : vector<400x1xi1> to vector<400x1xi1>
      %broadcast_in_dim3A_581 = vector.broadcast %broadcast_in_dim3A_580 : vector<400x1xi1> to vector<400x128xi1>
      %broadcast_in_dim3A_582 = vector.broadcast %jit3A : f32 to vector<400x128xf32>
      %select_n3A = arith.select %broadcast_in_dim3A_581, %add3A_26, %broadcast_in_dim3A_582 : vector<400x128xi1>, vector<400x128xf32>
      %reduce_max3A_583 = arith.constant dense<0xFF800000> : vector<128xf32>
      %reduce_max3A_584 = vector.multi_reduction <maximumf>, %select_n3A, %reduce_max3A_583 [0] : vector<400x128xf32> to vector<128xf32>
      %broadcast_in_dim3A_585 = vector.shape_cast %reduce_max3A_584 : vector<128xf32> to vector<1x128xf32>
      %get3A_586 = arith.constant 49 : index
      %get3A_587 = arith.constant 0 : index
      %get3A_588 = vector.load %arg9[%get3A_586, %get3A_587] : memref<64x128xf32, #tpu.memory_space<vmem>>, vector<1x128xf32>
      %max3A = arith.maximumf %get3A_588, %broadcast_in_dim3A_585 : vector<1x128xf32>
      %swap3A_589 = arith.constant 49 : index
      %swap3A_590 = arith.constant 0 : index
      %swap3A_591 = vector.load %arg9[%swap3A_589, %swap3A_590] : memref<64x128xf32, #tpu.memory_space<vmem>>, vector<1x128xf32>
      tpu.vector_store %arg9[%swap3A_589, %swap3A_590], %max3A {strides = array<i32>} : memref<64x128xf32, #tpu.memory_space<vmem>>, vector<1x128xf32>,
    } else {
    }
    %le3A_460 = arith.constant 50 : i32
    %le3A_461 = arith.cmpi sle, %reduce_min3A_58, %le3A_460 : i32
    %ge3A_462 = arith.constant 50 : i32
    %ge3A_463 = arith.cmpi sge, %reduce_max3A_62, %ge3A_462 : i32
    %and3A_464 = arith.andi %le3A_461, %ge3A_463 : i1
    %convert_element_type3A_465 = arith.extui %and3A_464 : i1 to i32
    %cond3A_466 = arith.constant 0 : i32
    %cond3A_467 = arith.cmpi ne, %convert_element_type3A_465, %cond3A_466 : i32
    scf.if %cond3A_467 {
      %eq3A_577 = arith.constant 50 : i32
      %eq3A_578 = vector.broadcast %eq3A_577 : i32 to vector<400x1xi32>
      %eq3A_579 = arith.cmpi eq, %get3A_31, %eq3A_578 : vector<400x1xi32>
      %jit3A = arith.constant 0xFF800000 : f32
      %broadcast_in_dim3A_580 = vector.shape_cast %eq3A_579 : vector<400x1xi1> to vector<400x1xi1>
      %broadcast_in_dim3A_581 = vector.broadcast %broadcast_in_dim3A_580 : vector<400x1xi1> to vector<400x128xi1>
      %broadcast_in_dim3A_582 = vector.broadcast %jit3A : f32 to vector<400x128xf32>
      %select_n3A = arith.select %broadcast_in_dim3A_581, %add3A_26, %broadcast_in_dim3A_582 : vector<400x128xi1>, vector<400x128xf32>
      %reduce_max3A_583 = arith.constant dense<0xFF800000> : vector<128xf32>
      %reduce_max3A_584 = vector.multi_reduction <maximumf>, %select_n3A, %reduce_max3A_583 [0] : vector<400x128xf32> to vector<128xf32>
      %broadcast_in_dim3A_585 = vector.shape_cast %reduce_max3A_584 : vector<128xf32> to vector<1x128xf32>
      %get3A_586 = arith.constant 50 : index
      %get3A_587 = arith.constant 0 : index
      %get3A_588 = vector.load %arg9[%get3A_586, %get3A_587] : memref<64x128xf32, #tpu.memory_space<vmem>>, vector<1x128xf32>
      %max3A = arith.maximumf %get3A_588, %broadcast_in_dim3A_585 : vector<1x128xf32>
      %swap3A_589 = arith.constant 50 : index
      %swap3A_590 = arith.constant 0 : index
      %swap3A_591 = vector.load %arg9[%swap3A_589, %swap3A_590] : memref<64x128xf32, #tpu.memory_space<vmem>>, vector<1x128xf32>
      tpu.vector_store %arg9[%swap3A_589, %swap3A_590], %max3A {strides = array<i32>} : memref<64x128xf32, #tpu.memory_space<vmem>>, vector<1x128xf32>,
    } else {
    }
    %le3A_468 = arith.constant 51 : i32
    %le3A_469 = arith.cmpi sle, %reduce_min3A_58, %le3A_468 : i32
    %ge3A_470 = arith.constant 51 : i32
    %ge3A_471 = arith.cmpi sge, %reduce_max3A_62, %ge3A_470 : i32
    %and3A_472 = arith.andi %le3A_469, %ge3A_471 : i1
    %convert_element_type3A_473 = arith.extui %and3A_472 : i1 to i32
    %cond3A_474 = arith.constant 0 : i32
    %cond3A_475 = arith.cmpi ne, %convert_element_type3A_473, %cond3A_474 : i32
    scf.if %cond3A_475 {
      %eq3A_577 = arith.constant 51 : i32
      %eq3A_578 = vector.broadcast %eq3A_577 : i32 to vector<400x1xi32>
      %eq3A_579 = arith.cmpi eq, %get3A_31, %eq3A_578 : vector<400x1xi32>
      %jit3A = arith.constant 0xFF800000 : f32
      %broadcast_in_dim3A_580 = vector.shape_cast %eq3A_579 : vector<400x1xi1> to vector<400x1xi1>
      %broadcast_in_dim3A_581 = vector.broadcast %broadcast_in_dim3A_580 : vector<400x1xi1> to vector<400x128xi1>
      %broadcast_in_dim3A_582 = vector.broadcast %jit3A : f32 to vector<400x128xf32>
      %select_n3A = arith.select %broadcast_in_dim3A_581, %add3A_26, %broadcast_in_dim3A_582 : vector<400x128xi1>, vector<400x128xf32>
      %reduce_max3A_583 = arith.constant dense<0xFF800000> : vector<128xf32>
      %reduce_max3A_584 = vector.multi_reduction <maximumf>, %select_n3A, %reduce_max3A_583 [0] : vector<400x128xf32> to vector<128xf32>
      %broadcast_in_dim3A_585 = vector.shape_cast %reduce_max3A_584 : vector<128xf32> to vector<1x128xf32>
      %get3A_586 = arith.constant 51 : index
      %get3A_587 = arith.constant 0 : index
      %get3A_588 = vector.load %arg9[%get3A_586, %get3A_587] : memref<64x128xf32, #tpu.memory_space<vmem>>, vector<1x128xf32>
      %max3A = arith.maximumf %get3A_588, %broadcast_in_dim3A_585 : vector<1x128xf32>
      %swap3A_589 = arith.constant 51 : index
      %swap3A_590 = arith.constant 0 : index
      %swap3A_591 = vector.load %arg9[%swap3A_589, %swap3A_590] : memref<64x128xf32, #tpu.memory_space<vmem>>, vector<1x128xf32>
      tpu.vector_store %arg9[%swap3A_589, %swap3A_590], %max3A {strides = array<i32>} : memref<64x128xf32, #tpu.memory_space<vmem>>, vector<1x128xf32>,
    } else {
    }
    %le3A_476 = arith.constant 52 : i32
    %le3A_477 = arith.cmpi sle, %reduce_min3A_58, %le3A_476 : i32
    %ge3A_478 = arith.constant 52 : i32
    %ge3A_479 = arith.cmpi sge, %reduce_max3A_62, %ge3A_478 : i32
    %and3A_480 = arith.andi %le3A_477, %ge3A_479 : i1
    %convert_element_type3A_481 = arith.extui %and3A_480 : i1 to i32
    %cond3A_482 = arith.constant 0 : i32
    %cond3A_483 = arith.cmpi ne, %convert_element_type3A_481, %cond3A_482 : i32
    scf.if %cond3A_483 {
      %eq3A_577 = arith.constant 52 : i32
      %eq3A_578 = vector.broadcast %eq3A_577 : i32 to vector<400x1xi32>
      %eq3A_579 = arith.cmpi eq, %get3A_31, %eq3A_578 : vector<400x1xi32>
      %jit3A = arith.constant 0xFF800000 : f32
      %broadcast_in_dim3A_580 = vector.shape_cast %eq3A_579 : vector<400x1xi1> to vector<400x1xi1>
      %broadcast_in_dim3A_581 = vector.broadcast %broadcast_in_dim3A_580 : vector<400x1xi1> to vector<400x128xi1>
      %broadcast_in_dim3A_582 = vector.broadcast %jit3A : f32 to vector<400x128xf32>
      %select_n3A = arith.select %broadcast_in_dim3A_581, %add3A_26, %broadcast_in_dim3A_582 : vector<400x128xi1>, vector<400x128xf32>
      %reduce_max3A_583 = arith.constant dense<0xFF800000> : vector<128xf32>
      %reduce_max3A_584 = vector.multi_reduction <maximumf>, %select_n3A, %reduce_max3A_583 [0] : vector<400x128xf32> to vector<128xf32>
      %broadcast_in_dim3A_585 = vector.shape_cast %reduce_max3A_584 : vector<128xf32> to vector<1x128xf32>
      %get3A_586 = arith.constant 52 : index
      %get3A_587 = arith.constant 0 : index
      %get3A_588 = vector.load %arg9[%get3A_586, %get3A_587] : memref<64x128xf32, #tpu.memory_space<vmem>>, vector<1x128xf32>
      %max3A = arith.maximumf %get3A_588, %broadcast_in_dim3A_585 : vector<1x128xf32>
      %swap3A_589 = arith.constant 52 : index
      %swap3A_590 = arith.constant 0 : index
      %swap3A_591 = vector.load %arg9[%swap3A_589, %swap3A_590] : memref<64x128xf32, #tpu.memory_space<vmem>>, vector<1x128xf32>
      tpu.vector_store %arg9[%swap3A_589, %swap3A_590], %max3A {strides = array<i32>} : memref<64x128xf32, #tpu.memory_space<vmem>>, vector<1x128xf32>,
    } else {
    }
    %le3A_484 = arith.constant 53 : i32
    %le3A_485 = arith.cmpi sle, %reduce_min3A_58, %le3A_484 : i32
    %ge3A_486 = arith.constant 53 : i32
    %ge3A_487 = arith.cmpi sge, %reduce_max3A_62, %ge3A_486 : i32
    %and3A_488 = arith.andi %le3A_485, %ge3A_487 : i1
    %convert_element_type3A_489 = arith.extui %and3A_488 : i1 to i32
    %cond3A_490 = arith.constant 0 : i32
    %cond3A_491 = arith.cmpi ne, %convert_element_type3A_489, %cond3A_490 : i32
    scf.if %cond3A_491 {
      %eq3A_577 = arith.constant 53 : i32
      %eq3A_578 = vector.broadcast %eq3A_577 : i32 to vector<400x1xi32>
      %eq3A_579 = arith.cmpi eq, %get3A_31, %eq3A_578 : vector<400x1xi32>
      %jit3A = arith.constant 0xFF800000 : f32
      %broadcast_in_dim3A_580 = vector.shape_cast %eq3A_579 : vector<400x1xi1> to vector<400x1xi1>
      %broadcast_in_dim3A_581 = vector.broadcast %broadcast_in_dim3A_580 : vector<400x1xi1> to vector<400x128xi1>
      %broadcast_in_dim3A_582 = vector.broadcast %jit3A : f32 to vector<400x128xf32>
      %select_n3A = arith.select %broadcast_in_dim3A_581, %add3A_26, %broadcast_in_dim3A_582 : vector<400x128xi1>, vector<400x128xf32>
      %reduce_max3A_583 = arith.constant dense<0xFF800000> : vector<128xf32>
      %reduce_max3A_584 = vector.multi_reduction <maximumf>, %select_n3A, %reduce_max3A_583 [0] : vector<400x128xf32> to vector<128xf32>
      %broadcast_in_dim3A_585 = vector.shape_cast %reduce_max3A_584 : vector<128xf32> to vector<1x128xf32>
      %get3A_586 = arith.constant 53 : index
      %get3A_587 = arith.constant 0 : index
      %get3A_588 = vector.load %arg9[%get3A_586, %get3A_587] : memref<64x128xf32, #tpu.memory_space<vmem>>, vector<1x128xf32>
      %max3A = arith.maximumf %get3A_588, %broadcast_in_dim3A_585 : vector<1x128xf32>
      %swap3A_589 = arith.constant 53 : index
      %swap3A_590 = arith.constant 0 : index
      %swap3A_591 = vector.load %arg9[%swap3A_589, %swap3A_590] : memref<64x128xf32, #tpu.memory_space<vmem>>, vector<1x128xf32>
      tpu.vector_store %arg9[%swap3A_589, %swap3A_590], %max3A {strides = array<i32>} : memref<64x128xf32, #tpu.memory_space<vmem>>, vector<1x128xf32>,
    } else {
    }
    %le3A_492 = arith.constant 54 : i32
    %le3A_493 = arith.cmpi sle, %reduce_min3A_58, %le3A_492 : i32
    %ge3A_494 = arith.constant 54 : i32
    %ge3A_495 = arith.cmpi sge, %reduce_max3A_62, %ge3A_494 : i32
    %and3A_496 = arith.andi %le3A_493, %ge3A_495 : i1
    %convert_element_type3A_497 = arith.extui %and3A_496 : i1 to i32
    %cond3A_498 = arith.constant 0 : i32
    %cond3A_499 = arith.cmpi ne, %convert_element_type3A_497, %cond3A_498 : i32
    scf.if %cond3A_499 {
      %eq3A_577 = arith.constant 54 : i32
      %eq3A_578 = vector.broadcast %eq3A_577 : i32 to vector<400x1xi32>
      %eq3A_579 = arith.cmpi eq, %get3A_31, %eq3A_578 : vector<400x1xi32>
      %jit3A = arith.constant 0xFF800000 : f32
      %broadcast_in_dim3A_580 = vector.shape_cast %eq3A_579 : vector<400x1xi1> to vector<400x1xi1>
      %broadcast_in_dim3A_581 = vector.broadcast %broadcast_in_dim3A_580 : vector<400x1xi1> to vector<400x128xi1>
      %broadcast_in_dim3A_582 = vector.broadcast %jit3A : f32 to vector<400x128xf32>
      %select_n3A = arith.select %broadcast_in_dim3A_581, %add3A_26, %broadcast_in_dim3A_582 : vector<400x128xi1>, vector<400x128xf32>
      %reduce_max3A_583 = arith.constant dense<0xFF800000> : vector<128xf32>
      %reduce_max3A_584 = vector.multi_reduction <maximumf>, %select_n3A, %reduce_max3A_583 [0] : vector<400x128xf32> to vector<128xf32>
      %broadcast_in_dim3A_585 = vector.shape_cast %reduce_max3A_584 : vector<128xf32> to vector<1x128xf32>
      %get3A_586 = arith.constant 54 : index
      %get3A_587 = arith.constant 0 : index
      %get3A_588 = vector.load %arg9[%get3A_586, %get3A_587] : memref<64x128xf32, #tpu.memory_space<vmem>>, vector<1x128xf32>
      %max3A = arith.maximumf %get3A_588, %broadcast_in_dim3A_585 : vector<1x128xf32>
      %swap3A_589 = arith.constant 54 : index
      %swap3A_590 = arith.constant 0 : index
      %swap3A_591 = vector.load %arg9[%swap3A_589, %swap3A_590] : memref<64x128xf32, #tpu.memory_space<vmem>>, vector<1x128xf32>
      tpu.vector_store %arg9[%swap3A_589, %swap3A_590], %max3A {strides = array<i32>} : memref<64x128xf32, #tpu.memory_space<vmem>>, vector<1x128xf32>,
    } else {
    }
    %le3A_500 = arith.constant 55 : i32
    %le3A_501 = arith.cmpi sle, %reduce_min3A_58, %le3A_500 : i32
    %ge3A_502 = arith.constant 55 : i32
    %ge3A_503 = arith.cmpi sge, %reduce_max3A_62, %ge3A_502 : i32
    %and3A_504 = arith.andi %le3A_501, %ge3A_503 : i1
    %convert_element_type3A_505 = arith.extui %and3A_504 : i1 to i32
    %cond3A_506 = arith.constant 0 : i32
    %cond3A_507 = arith.cmpi ne, %convert_element_type3A_505, %cond3A_506 : i32
    scf.if %cond3A_507 {
      %eq3A_577 = arith.constant 55 : i32
      %eq3A_578 = vector.broadcast %eq3A_577 : i32 to vector<400x1xi32>
      %eq3A_579 = arith.cmpi eq, %get3A_31, %eq3A_578 : vector<400x1xi32>
      %jit3A = arith.constant 0xFF800000 : f32
      %broadcast_in_dim3A_580 = vector.shape_cast %eq3A_579 : vector<400x1xi1> to vector<400x1xi1>
      %broadcast_in_dim3A_581 = vector.broadcast %broadcast_in_dim3A_580 : vector<400x1xi1> to vector<400x128xi1>
      %broadcast_in_dim3A_582 = vector.broadcast %jit3A : f32 to vector<400x128xf32>
      %select_n3A = arith.select %broadcast_in_dim3A_581, %add3A_26, %broadcast_in_dim3A_582 : vector<400x128xi1>, vector<400x128xf32>
      %reduce_max3A_583 = arith.constant dense<0xFF800000> : vector<128xf32>
      %reduce_max3A_584 = vector.multi_reduction <maximumf>, %select_n3A, %reduce_max3A_583 [0] : vector<400x128xf32> to vector<128xf32>
      %broadcast_in_dim3A_585 = vector.shape_cast %reduce_max3A_584 : vector<128xf32> to vector<1x128xf32>
      %get3A_586 = arith.constant 55 : index
      %get3A_587 = arith.constant 0 : index
      %get3A_588 = vector.load %arg9[%get3A_586, %get3A_587] : memref<64x128xf32, #tpu.memory_space<vmem>>, vector<1x128xf32>
      %max3A = arith.maximumf %get3A_588, %broadcast_in_dim3A_585 : vector<1x128xf32>
      %swap3A_589 = arith.constant 55 : index
      %swap3A_590 = arith.constant 0 : index
      %swap3A_591 = vector.load %arg9[%swap3A_589, %swap3A_590] : memref<64x128xf32, #tpu.memory_space<vmem>>, vector<1x128xf32>
      tpu.vector_store %arg9[%swap3A_589, %swap3A_590], %max3A {strides = array<i32>} : memref<64x128xf32, #tpu.memory_space<vmem>>, vector<1x128xf32>,
    } else {
    }
    %le3A_508 = arith.constant 56 : i32
    %le3A_509 = arith.cmpi sle, %reduce_min3A_58, %le3A_508 : i32
    %ge3A_510 = arith.constant 56 : i32
    %ge3A_511 = arith.cmpi sge, %reduce_max3A_62, %ge3A_510 : i32
    %and3A_512 = arith.andi %le3A_509, %ge3A_511 : i1
    %convert_element_type3A_513 = arith.extui %and3A_512 : i1 to i32
    %cond3A_514 = arith.constant 0 : i32
    %cond3A_515 = arith.cmpi ne, %convert_element_type3A_513, %cond3A_514 : i32
    scf.if %cond3A_515 {
      %eq3A_577 = arith.constant 56 : i32
      %eq3A_578 = vector.broadcast %eq3A_577 : i32 to vector<400x1xi32>
      %eq3A_579 = arith.cmpi eq, %get3A_31, %eq3A_578 : vector<400x1xi32>
      %jit3A = arith.constant 0xFF800000 : f32
      %broadcast_in_dim3A_580 = vector.shape_cast %eq3A_579 : vector<400x1xi1> to vector<400x1xi1>
      %broadcast_in_dim3A_581 = vector.broadcast %broadcast_in_dim3A_580 : vector<400x1xi1> to vector<400x128xi1>
      %broadcast_in_dim3A_582 = vector.broadcast %jit3A : f32 to vector<400x128xf32>
      %select_n3A = arith.select %broadcast_in_dim3A_581, %add3A_26, %broadcast_in_dim3A_582 : vector<400x128xi1>, vector<400x128xf32>
      %reduce_max3A_583 = arith.constant dense<0xFF800000> : vector<128xf32>
      %reduce_max3A_584 = vector.multi_reduction <maximumf>, %select_n3A, %reduce_max3A_583 [0] : vector<400x128xf32> to vector<128xf32>
      %broadcast_in_dim3A_585 = vector.shape_cast %reduce_max3A_584 : vector<128xf32> to vector<1x128xf32>
      %get3A_586 = arith.constant 56 : index
      %get3A_587 = arith.constant 0 : index
      %get3A_588 = vector.load %arg9[%get3A_586, %get3A_587] : memref<64x128xf32, #tpu.memory_space<vmem>>, vector<1x128xf32>
      %max3A = arith.maximumf %get3A_588, %broadcast_in_dim3A_585 : vector<1x128xf32>
      %swap3A_589 = arith.constant 56 : index
      %swap3A_590 = arith.constant 0 : index
      %swap3A_591 = vector.load %arg9[%swap3A_589, %swap3A_590] : memref<64x128xf32, #tpu.memory_space<vmem>>, vector<1x128xf32>
      tpu.vector_store %arg9[%swap3A_589, %swap3A_590], %max3A {strides = array<i32>} : memref<64x128xf32, #tpu.memory_space<vmem>>, vector<1x128xf32>,
    } else {
    }
    %le3A_516 = arith.constant 57 : i32
    %le3A_517 = arith.cmpi sle, %reduce_min3A_58, %le3A_516 : i32
    %ge3A_518 = arith.constant 57 : i32
    %ge3A_519 = arith.cmpi sge, %reduce_max3A_62, %ge3A_518 : i32
    %and3A_520 = arith.andi %le3A_517, %ge3A_519 : i1
    %convert_element_type3A_521 = arith.extui %and3A_520 : i1 to i32
    %cond3A_522 = arith.constant 0 : i32
    %cond3A_523 = arith.cmpi ne, %convert_element_type3A_521, %cond3A_522 : i32
    scf.if %cond3A_523 {
      %eq3A_577 = arith.constant 57 : i32
      %eq3A_578 = vector.broadcast %eq3A_577 : i32 to vector<400x1xi32>
      %eq3A_579 = arith.cmpi eq, %get3A_31, %eq3A_578 : vector<400x1xi32>
      %jit3A = arith.constant 0xFF800000 : f32
      %broadcast_in_dim3A_580 = vector.shape_cast %eq3A_579 : vector<400x1xi1> to vector<400x1xi1>
      %broadcast_in_dim3A_581 = vector.broadcast %broadcast_in_dim3A_580 : vector<400x1xi1> to vector<400x128xi1>
      %broadcast_in_dim3A_582 = vector.broadcast %jit3A : f32 to vector<400x128xf32>
      %select_n3A = arith.select %broadcast_in_dim3A_581, %add3A_26, %broadcast_in_dim3A_582 : vector<400x128xi1>, vector<400x128xf32>
      %reduce_max3A_583 = arith.constant dense<0xFF800000> : vector<128xf32>
      %reduce_max3A_584 = vector.multi_reduction <maximumf>, %select_n3A, %reduce_max3A_583 [0] : vector<400x128xf32> to vector<128xf32>
      %broadcast_in_dim3A_585 = vector.shape_cast %reduce_max3A_584 : vector<128xf32> to vector<1x128xf32>
      %get3A_586 = arith.constant 57 : index
      %get3A_587 = arith.constant 0 : index
      %get3A_588 = vector.load %arg9[%get3A_586, %get3A_587] : memref<64x128xf32, #tpu.memory_space<vmem>>, vector<1x128xf32>
      %max3A = arith.maximumf %get3A_588, %broadcast_in_dim3A_585 : vector<1x128xf32>
      %swap3A_589 = arith.constant 57 : index
      %swap3A_590 = arith.constant 0 : index
      %swap3A_591 = vector.load %arg9[%swap3A_589, %swap3A_590] : memref<64x128xf32, #tpu.memory_space<vmem>>, vector<1x128xf32>
      tpu.vector_store %arg9[%swap3A_589, %swap3A_590], %max3A {strides = array<i32>} : memref<64x128xf32, #tpu.memory_space<vmem>>, vector<1x128xf32>,
    } else {
    }
    %le3A_524 = arith.constant 58 : i32
    %le3A_525 = arith.cmpi sle, %reduce_min3A_58, %le3A_524 : i32
    %ge3A_526 = arith.constant 58 : i32
    %ge3A_527 = arith.cmpi sge, %reduce_max3A_62, %ge3A_526 : i32
    %and3A_528 = arith.andi %le3A_525, %ge3A_527 : i1
    %convert_element_type3A_529 = arith.extui %and3A_528 : i1 to i32
    %cond3A_530 = arith.constant 0 : i32
    %cond3A_531 = arith.cmpi ne, %convert_element_type3A_529, %cond3A_530 : i32
    scf.if %cond3A_531 {
      %eq3A_577 = arith.constant 58 : i32
      %eq3A_578 = vector.broadcast %eq3A_577 : i32 to vector<400x1xi32>
      %eq3A_579 = arith.cmpi eq, %get3A_31, %eq3A_578 : vector<400x1xi32>
      %jit3A = arith.constant 0xFF800000 : f32
      %broadcast_in_dim3A_580 = vector.shape_cast %eq3A_579 : vector<400x1xi1> to vector<400x1xi1>
      %broadcast_in_dim3A_581 = vector.broadcast %broadcast_in_dim3A_580 : vector<400x1xi1> to vector<400x128xi1>
      %broadcast_in_dim3A_582 = vector.broadcast %jit3A : f32 to vector<400x128xf32>
      %select_n3A = arith.select %broadcast_in_dim3A_581, %add3A_26, %broadcast_in_dim3A_582 : vector<400x128xi1>, vector<400x128xf32>
      %reduce_max3A_583 = arith.constant dense<0xFF800000> : vector<128xf32>
      %reduce_max3A_584 = vector.multi_reduction <maximumf>, %select_n3A, %reduce_max3A_583 [0] : vector<400x128xf32> to vector<128xf32>
      %broadcast_in_dim3A_585 = vector.shape_cast %reduce_max3A_584 : vector<128xf32> to vector<1x128xf32>
      %get3A_586 = arith.constant 58 : index
      %get3A_587 = arith.constant 0 : index
      %get3A_588 = vector.load %arg9[%get3A_586, %get3A_587] : memref<64x128xf32, #tpu.memory_space<vmem>>, vector<1x128xf32>
      %max3A = arith.maximumf %get3A_588, %broadcast_in_dim3A_585 : vector<1x128xf32>
      %swap3A_589 = arith.constant 58 : index
      %swap3A_590 = arith.constant 0 : index
      %swap3A_591 = vector.load %arg9[%swap3A_589, %swap3A_590] : memref<64x128xf32, #tpu.memory_space<vmem>>, vector<1x128xf32>
      tpu.vector_store %arg9[%swap3A_589, %swap3A_590], %max3A {strides = array<i32>} : memref<64x128xf32, #tpu.memory_space<vmem>>, vector<1x128xf32>,
    } else {
    }
    %le3A_532 = arith.constant 59 : i32
    %le3A_533 = arith.cmpi sle, %reduce_min3A_58, %le3A_532 : i32
    %ge3A_534 = arith.constant 59 : i32
    %ge3A_535 = arith.cmpi sge, %reduce_max3A_62, %ge3A_534 : i32
    %and3A_536 = arith.andi %le3A_533, %ge3A_535 : i1
    %convert_element_type3A_537 = arith.extui %and3A_536 : i1 to i32
    %cond3A_538 = arith.constant 0 : i32
    %cond3A_539 = arith.cmpi ne, %convert_element_type3A_537, %cond3A_538 : i32
    scf.if %cond3A_539 {
      %eq3A_577 = arith.constant 59 : i32
      %eq3A_578 = vector.broadcast %eq3A_577 : i32 to vector<400x1xi32>
      %eq3A_579 = arith.cmpi eq, %get3A_31, %eq3A_578 : vector<400x1xi32>
      %jit3A = arith.constant 0xFF800000 : f32
      %broadcast_in_dim3A_580 = vector.shape_cast %eq3A_579 : vector<400x1xi1> to vector<400x1xi1>
      %broadcast_in_dim3A_581 = vector.broadcast %broadcast_in_dim3A_580 : vector<400x1xi1> to vector<400x128xi1>
      %broadcast_in_dim3A_582 = vector.broadcast %jit3A : f32 to vector<400x128xf32>
      %select_n3A = arith.select %broadcast_in_dim3A_581, %add3A_26, %broadcast_in_dim3A_582 : vector<400x128xi1>, vector<400x128xf32>
      %reduce_max3A_583 = arith.constant dense<0xFF800000> : vector<128xf32>
      %reduce_max3A_584 = vector.multi_reduction <maximumf>, %select_n3A, %reduce_max3A_583 [0] : vector<400x128xf32> to vector<128xf32>
      %broadcast_in_dim3A_585 = vector.shape_cast %reduce_max3A_584 : vector<128xf32> to vector<1x128xf32>
      %get3A_586 = arith.constant 59 : index
      %get3A_587 = arith.constant 0 : index
      %get3A_588 = vector.load %arg9[%get3A_586, %get3A_587] : memref<64x128xf32, #tpu.memory_space<vmem>>, vector<1x128xf32>
      %max3A = arith.maximumf %get3A_588, %broadcast_in_dim3A_585 : vector<1x128xf32>
      %swap3A_589 = arith.constant 59 : index
      %swap3A_590 = arith.constant 0 : index
      %swap3A_591 = vector.load %arg9[%swap3A_589, %swap3A_590] : memref<64x128xf32, #tpu.memory_space<vmem>>, vector<1x128xf32>
      tpu.vector_store %arg9[%swap3A_589, %swap3A_590], %max3A {strides = array<i32>} : memref<64x128xf32, #tpu.memory_space<vmem>>, vector<1x128xf32>,
    } else {
    }
    %le3A_540 = arith.constant 60 : i32
    %le3A_541 = arith.cmpi sle, %reduce_min3A_58, %le3A_540 : i32
    %ge3A_542 = arith.constant 60 : i32
    %ge3A_543 = arith.cmpi sge, %reduce_max3A_62, %ge3A_542 : i32
    %and3A_544 = arith.andi %le3A_541, %ge3A_543 : i1
    %convert_element_type3A_545 = arith.extui %and3A_544 : i1 to i32
    %cond3A_546 = arith.constant 0 : i32
    %cond3A_547 = arith.cmpi ne, %convert_element_type3A_545, %cond3A_546 : i32
    scf.if %cond3A_547 {
      %eq3A_577 = arith.constant 60 : i32
      %eq3A_578 = vector.broadcast %eq3A_577 : i32 to vector<400x1xi32>
      %eq3A_579 = arith.cmpi eq, %get3A_31, %eq3A_578 : vector<400x1xi32>
      %jit3A = arith.constant 0xFF800000 : f32
      %broadcast_in_dim3A_580 = vector.shape_cast %eq3A_579 : vector<400x1xi1> to vector<400x1xi1>
      %broadcast_in_dim3A_581 = vector.broadcast %broadcast_in_dim3A_580 : vector<400x1xi1> to vector<400x128xi1>
      %broadcast_in_dim3A_582 = vector.broadcast %jit3A : f32 to vector<400x128xf32>
      %select_n3A = arith.select %broadcast_in_dim3A_581, %add3A_26, %broadcast_in_dim3A_582 : vector<400x128xi1>, vector<400x128xf32>
      %reduce_max3A_583 = arith.constant dense<0xFF800000> : vector<128xf32>
      %reduce_max3A_584 = vector.multi_reduction <maximumf>, %select_n3A, %reduce_max3A_583 [0] : vector<400x128xf32> to vector<128xf32>
      %broadcast_in_dim3A_585 = vector.shape_cast %reduce_max3A_584 : vector<128xf32> to vector<1x128xf32>
      %get3A_586 = arith.constant 60 : index
      %get3A_587 = arith.constant 0 : index
      %get3A_588 = vector.load %arg9[%get3A_586, %get3A_587] : memref<64x128xf32, #tpu.memory_space<vmem>>, vector<1x128xf32>
      %max3A = arith.maximumf %get3A_588, %broadcast_in_dim3A_585 : vector<1x128xf32>
      %swap3A_589 = arith.constant 60 : index
      %swap3A_590 = arith.constant 0 : index
      %swap3A_591 = vector.load %arg9[%swap3A_589, %swap3A_590] : memref<64x128xf32, #tpu.memory_space<vmem>>, vector<1x128xf32>
      tpu.vector_store %arg9[%swap3A_589, %swap3A_590], %max3A {strides = array<i32>} : memref<64x128xf32, #tpu.memory_space<vmem>>, vector<1x128xf32>,
    } else {
    }
    %le3A_548 = arith.constant 61 : i32
    %le3A_549 = arith.cmpi sle, %reduce_min3A_58, %le3A_548 : i32
    %ge3A_550 = arith.constant 61 : i32
    %ge3A_551 = arith.cmpi sge, %reduce_max3A_62, %ge3A_550 : i32
    %and3A_552 = arith.andi %le3A_549, %ge3A_551 : i1
    %convert_element_type3A_553 = arith.extui %and3A_552 : i1 to i32
    %cond3A_554 = arith.constant 0 : i32
    %cond3A_555 = arith.cmpi ne, %convert_element_type3A_553, %cond3A_554 : i32
    scf.if %cond3A_555 {
      %eq3A_577 = arith.constant 61 : i32
      %eq3A_578 = vector.broadcast %eq3A_577 : i32 to vector<400x1xi32>
      %eq3A_579 = arith.cmpi eq, %get3A_31, %eq3A_578 : vector<400x1xi32>
      %jit3A = arith.constant 0xFF800000 : f32
      %broadcast_in_dim3A_580 = vector.shape_cast %eq3A_579 : vector<400x1xi1> to vector<400x1xi1>
      %broadcast_in_dim3A_581 = vector.broadcast %broadcast_in_dim3A_580 : vector<400x1xi1> to vector<400x128xi1>
      %broadcast_in_dim3A_582 = vector.broadcast %jit3A : f32 to vector<400x128xf32>
      %select_n3A = arith.select %broadcast_in_dim3A_581, %add3A_26, %broadcast_in_dim3A_582 : vector<400x128xi1>, vector<400x128xf32>
      %reduce_max3A_583 = arith.constant dense<0xFF800000> : vector<128xf32>
      %reduce_max3A_584 = vector.multi_reduction <maximumf>, %select_n3A, %reduce_max3A_583 [0] : vector<400x128xf32> to vector<128xf32>
      %broadcast_in_dim3A_585 = vector.shape_cast %reduce_max3A_584 : vector<128xf32> to vector<1x128xf32>
      %get3A_586 = arith.constant 61 : index
      %get3A_587 = arith.constant 0 : index
      %get3A_588 = vector.load %arg9[%get3A_586, %get3A_587] : memref<64x128xf32, #tpu.memory_space<vmem>>, vector<1x128xf32>
      %max3A = arith.maximumf %get3A_588, %broadcast_in_dim3A_585 : vector<1x128xf32>
      %swap3A_589 = arith.constant 61 : index
      %swap3A_590 = arith.constant 0 : index
      %swap3A_591 = vector.load %arg9[%swap3A_589, %swap3A_590] : memref<64x128xf32, #tpu.memory_space<vmem>>, vector<1x128xf32>
      tpu.vector_store %arg9[%swap3A_589, %swap3A_590], %max3A {strides = array<i32>} : memref<64x128xf32, #tpu.memory_space<vmem>>, vector<1x128xf32>,
    } else {
    }
    %le3A_556 = arith.constant 62 : i32
    %le3A_557 = arith.cmpi sle, %reduce_min3A_58, %le3A_556 : i32
    %ge3A_558 = arith.constant 62 : i32
    %ge3A_559 = arith.cmpi sge, %reduce_max3A_62, %ge3A_558 : i32
    %and3A_560 = arith.andi %le3A_557, %ge3A_559 : i1
    %convert_element_type3A_561 = arith.extui %and3A_560 : i1 to i32
    %cond3A_562 = arith.constant 0 : i32
    %cond3A_563 = arith.cmpi ne, %convert_element_type3A_561, %cond3A_562 : i32
    scf.if %cond3A_563 {
      %eq3A_577 = arith.constant 62 : i32
      %eq3A_578 = vector.broadcast %eq3A_577 : i32 to vector<400x1xi32>
      %eq3A_579 = arith.cmpi eq, %get3A_31, %eq3A_578 : vector<400x1xi32>
      %jit3A = arith.constant 0xFF800000 : f32
      %broadcast_in_dim3A_580 = vector.shape_cast %eq3A_579 : vector<400x1xi1> to vector<400x1xi1>
      %broadcast_in_dim3A_581 = vector.broadcast %broadcast_in_dim3A_580 : vector<400x1xi1> to vector<400x128xi1>
      %broadcast_in_dim3A_582 = vector.broadcast %jit3A : f32 to vector<400x128xf32>
      %select_n3A = arith.select %broadcast_in_dim3A_581, %add3A_26, %broadcast_in_dim3A_582 : vector<400x128xi1>, vector<400x128xf32>
      %reduce_max3A_583 = arith.constant dense<0xFF800000> : vector<128xf32>
      %reduce_max3A_584 = vector.multi_reduction <maximumf>, %select_n3A, %reduce_max3A_583 [0] : vector<400x128xf32> to vector<128xf32>
      %broadcast_in_dim3A_585 = vector.shape_cast %reduce_max3A_584 : vector<128xf32> to vector<1x128xf32>
      %get3A_586 = arith.constant 62 : index
      %get3A_587 = arith.constant 0 : index
      %get3A_588 = vector.load %arg9[%get3A_586, %get3A_587] : memref<64x128xf32, #tpu.memory_space<vmem>>, vector<1x128xf32>
      %max3A = arith.maximumf %get3A_588, %broadcast_in_dim3A_585 : vector<1x128xf32>
      %swap3A_589 = arith.constant 62 : index
      %swap3A_590 = arith.constant 0 : index
      %swap3A_591 = vector.load %arg9[%swap3A_589, %swap3A_590] : memref<64x128xf32, #tpu.memory_space<vmem>>, vector<1x128xf32>
      tpu.vector_store %arg9[%swap3A_589, %swap3A_590], %max3A {strides = array<i32>} : memref<64x128xf32, #tpu.memory_space<vmem>>, vector<1x128xf32>,
    } else {
    }
    %le3A_564 = arith.constant 63 : i32
    %le3A_565 = arith.cmpi sle, %reduce_min3A_58, %le3A_564 : i32
    %ge3A_566 = arith.constant 63 : i32
    %ge3A_567 = arith.cmpi sge, %reduce_max3A_62, %ge3A_566 : i32
    %and3A_568 = arith.andi %le3A_565, %ge3A_567 : i1
    %convert_element_type3A_569 = arith.extui %and3A_568 : i1 to i32
    %cond3A_570 = arith.constant 0 : i32
    %cond3A_571 = arith.cmpi ne, %convert_element_type3A_569, %cond3A_570 : i32
    scf.if %cond3A_571 {
      %eq3A_577 = arith.constant 63 : i32
      %eq3A_578 = vector.broadcast %eq3A_577 : i32 to vector<400x1xi32>
      %eq3A_579 = arith.cmpi eq, %get3A_31, %eq3A_578 : vector<400x1xi32>
      %jit3A = arith.constant 0xFF800000 : f32
      %broadcast_in_dim3A_580 = vector.shape_cast %eq3A_579 : vector<400x1xi1> to vector<400x1xi1>
      %broadcast_in_dim3A_581 = vector.broadcast %broadcast_in_dim3A_580 : vector<400x1xi1> to vector<400x128xi1>
      %broadcast_in_dim3A_582 = vector.broadcast %jit3A : f32 to vector<400x128xf32>
      %select_n3A = arith.select %broadcast_in_dim3A_581, %add3A_26, %broadcast_in_dim3A_582 : vector<400x128xi1>, vector<400x128xf32>
      %reduce_max3A_583 = arith.constant dense<0xFF800000> : vector<128xf32>
      %reduce_max3A_584 = vector.multi_reduction <maximumf>, %select_n3A, %reduce_max3A_583 [0] : vector<400x128xf32> to vector<128xf32>
      %broadcast_in_dim3A_585 = vector.shape_cast %reduce_max3A_584 : vector<128xf32> to vector<1x128xf32>
      %get3A_586 = arith.constant 63 : index
      %get3A_587 = arith.constant 0 : index
      %get3A_588 = vector.load %arg9[%get3A_586, %get3A_587] : memref<64x128xf32, #tpu.memory_space<vmem>>, vector<1x128xf32>
      %max3A = arith.maximumf %get3A_588, %broadcast_in_dim3A_585 : vector<1x128xf32>
      %swap3A_589 = arith.constant 63 : index
      %swap3A_590 = arith.constant 0 : index
      %swap3A_591 = vector.load %arg9[%swap3A_589, %swap3A_590] : memref<64x128xf32, #tpu.memory_space<vmem>>, vector<1x128xf32>
      tpu.vector_store %arg9[%swap3A_589, %swap3A_590], %max3A {strides = array<i32>} : memref<64x128xf32, #tpu.memory_space<vmem>>, vector<1x128xf32>,
    } else {
    }
    %eq3A_572 = arith.constant 24 : i32
    %eq3A_573 = arith.cmpi eq, %arg0, %eq3A_572 : i32
    %convert_element_type3A_574 = arith.extui %eq3A_573 : i1 to i32
    %cond3A_575 = arith.constant 0 : i32
    %cond3A_576 = arith.cmpi ne, %convert_element_type3A_574, %cond3A_575 : i32
    scf.if %cond3A_576 {
      %get3A_577 = arith.constant 0 : index
      %get3A_578 = arith.constant 0 : index
      %get3A_579 = vector.load %arg9[%get3A_577, %get3A_578] : memref<64x128xf32, #tpu.memory_space<vmem>>, vector<64x128xf32>
      %is_finite3A = tpu.weird %get3A_579 : vector<64x128xf32> -> vector<64x128xi1>
      %is_finite3A_580 = arith.constant dense<true> : vector<64x128xi1>
      %is_finite3A_581 = arith.xori %is_finite3A, %is_finite3A_580 : vector<64x128xi1>
      %jit3A = arith.constant 0.000000e+00 : f32
      %broadcast_in_dim3A_582 = vector.broadcast %jit3A : f32 to vector<64x128xf32>
      %select_n3A = arith.select %is_finite3A_581, %get3A_579, %broadcast_in_dim3A_582 : vector<64x128xi1>, vector<64x128xf32>
      %get3A_583 = arith.constant 0 : index
      %get3A_584 = arith.constant 0 : index
      %get3A_585 = vector.load %arg7[%get3A_583, %get3A_584] : memref<64x128xf32, #tpu.memory_space<vmem>>, vector<64x128xf32>
      %get3A_586 = arith.constant 0 : index
      %get3A_587 = arith.constant 0 : index
      %get3A_588 = vector.load %arg8[%get3A_586, %get3A_587] : memref<64x1xf32, #tpu.memory_space<vmem>>, vector<64x1xf32>
      %max3A = arith.constant 1.000000e+00 : f32
      %max3A_589 = vector.broadcast %max3A : f32 to vector<64x1xf32>
      %max3A_590 = arith.maximumf %get3A_588, %max3A_589 : vector<64x1xf32>
      %div3A = vector.broadcast %max3A_590 : vector<64x1xf32> to vector<64x128xf32>
      %div3A_591 = arith.divf %get3A_585, %div3A : vector<64x128xf32>
      %add3A_592 = arith.addf %div3A_591, %select_n3A : vector<64x128xf32>
      %swap3A_593 = arith.constant 0 : index
      %swap3A_594 = arith.constant 0 : index
      %swap3A_595 = vector.load %arg6[%swap3A_593, %swap3A_594] : memref<64x128xf32, #tpu.memory_space<vmem>>, vector<64x128xf32>
      tpu.vector_store %arg6[%swap3A_593, %swap3A_594], %add3A_592 {strides = array<i32>} : memref<64x128xf32, #tpu.memory_space<vmem>>, vector<64x128xf32>,
    } else {
    }
    return
  }
  func.func @transform_0(%arg0: i32) -> (i32, i32) {
    %c0_i32 = arith.constant 0 : i32
    %c0_i32_0 = arith.constant 0 : i32
    return %arg0, %c0_i32 : i32, i32
  }
  func.func @transform_1(%arg0: i32) -> (i32, i32) {
    %c0_i32 = arith.constant 0 : i32
    %c0_i32_0 = arith.constant 0 : i32
    %c0_i32_1 = arith.constant 0 : i32
    return %c0_i32, %c0_i32_0 : i32, i32
  }
  func.func @transform_2(%arg0: i32) -> (i32, i32) {
    %c0_i32 = arith.constant 0 : i32
    %c0_i32_0 = arith.constant 0 : i32
    %c0_i32_1 = arith.constant 0 : i32
    return %c0_i32, %c0_i32_0 : i32, i32
  }
  func.func @transform_3(%arg0: i32) -> (i32, i32) {
    %c0_i32 = arith.constant 0 : i32
    %c0_i32_0 = arith.constant 0 : i32
    %c0_i32_1 = arith.constant 0 : i32
    return %c0_i32, %c0_i32_0 : i32, i32
  }
  func.func @transform_4(%arg0: i32) -> (i32, i32, i32) {
    %c0_i32 = arith.constant 0 : i32
    %c0_i32_0 = arith.constant 0 : i32
    %c0_i32_1 = arith.constant 0 : i32
    return %arg0, %c0_i32, %c0_i32_0 : i32, i32, i32
  }
  func.func @transform_5(%arg0: i32) -> (i32, i32) {
    %c0_i32 = arith.constant 0 : i32
    %c0_i32_0 = arith.constant 0 : i32
    %c0_i32_1 = arith.constant 0 : i32
    return %c0_i32, %c0_i32_0 : i32, i32
  }
}

</mosaic_0001>

<sc_bundles>
// kernel: kernel.13.cloned.1.call-start
scs
__scs_entry_jumppad:
0x0: {  	(pc) =	sbr.rel $0x88, $3  }
0x1: {  	(tag) =	ssettag $0x0;
	lr =	simm.s32 $0x1  }
0x2: {  	[smem:$0x3F92] =	sst lr;
	_ =	strace $0xD0000000  }
0x3: {  	_ = 	snop  }
0x4: {  	_ = 	snop  }
0x5: {  	_ = 	snop  }
0x6: {  	_ = 	snop  }
0x7: {  	_ = 	snop  }
__scs_overlays_trampoline_lowered:
0x8: {  	[smem:$0x3FA1] =	sst s0  }
0x9: {  	[smem:$0x3FA2] =	sst s1  }
0xa: {  	[smem:$0x3FA3] =	sst s2  }
0xb: {  	[smem:$0x3FA4] =	sst s3  }
0xc: {  	[smem:$0x3FA5] =	sst s4  }
0xd: {  	[smem:$0x3FA6] =	sst s5  }
0xe: {  	[smem:$0x3FA7] =	sst s6  }
0xf: {  	[smem:$0x3FA8] =	sst s7  }
0x10: {  	[smem:$0x3FA9] =	sst s8  }
0x11: {  	[smem:$0x3FAA] =	sst s9;
	s0 =	simm.s32 @!p0 $0x0  }
0x12: {  	s1 =	sld [smem:$0x3F90];
	s0 =	simm.s32 @p0 $0x1  }
0x13: {  	[smem:$0x3FAB] =	sst s0;
	s0 =	simm.s32 @!p1 $0x0  }
0x14: {  	s2 =	sld [smem:$0x3F8F];
	s0 =	simm.s32 @p1 $0x1  }
0x15: {  	[smem:$0x3FAC] =	sst s0;
	s0 =	simm.s32 @!p2 $0x0  }
0x16: {  	s3 =	sld [smem:$0x3FDB];
	s0 =	simm.s32 @p2 $0x1  }
0x17: {  	s4 =	simm.s32 $0x1BF5;
	[smem:$0x3FAE] =	sst s0  }
0x18: {  	s0 =	sld [smem:$0x3F91];
	_ =	swait.ge [sflag:s4], $0x0  }
0x19: {  	s7 =	sld [smem:$0x3F92]  }
0x1a: {  	s8 =	sadd.s32 $0xFFFFE003, lr  }
0x1b: {  	s9 =	sadd.s32 $0xFFFFFEF7, lr;
	s5 =	simm.s32 $0xFFFFFFFF;
	p2 =	slt.u32 s8, $0xFFFFF086  }
0x1c: {  	p1 =	slt.u32 s9, $0xF7A;
	s5 =	simm.s32 @!p2 $0x0  }
0x1d: {  	s5 =	simm.s32 @p1 $0x1;
	p0 =	seq.s32 s7, s2  }
0x1e: {  	s7 =	smul.u32 @!p0 $0xF7A, s2;
	p2 =	seq.s32 @!p0 s5, $0x0  }
0x1f: {  	s9 =	smul.u32 $0xF7A, s1;
	s8 =	simm.s32 @!p0 $0x1BF5;
	p2 =	por !p2, p0  }
0x20: {  	[sflag:s8] =	ssyncset.s32 @!p0 $0xFFFFF086;
	s6 =	sadd.s32 @!p0 s3, s7;
	s7 =	simm.s32 @!p0 $0x108  }
0x21: {  	s3 =	sadd.s32 s3, s9;
	s6 =	sadd.s32 @!p0 $0x88, s6;
	s7 =	simm.s32 @p2 $0x1082  }
0x22: {  	[simem:s7], [sflag:s8] =	dma.local @!p0 [hbm:s6], $0xF7A  }
0x23: {  	s9 =	sor.u32 $0xD0000000, s2;
	s6 =	simm.s32 $0x108;
	_ =	swait.ge @!p0 [sflag:s8], $0x0  }
0x24: {  	s3 =	sadd.s32 $0x88, s3;
	s6 =	simm.s32 @!p1 $0x1082;
	[sflag:s4] =	ssyncset.s32 $0xFFFFF086  }
0x25: {  	[simem:s6], [sflag:s4] =	dma.local [hbm:s3], $0xF7A  }
0x26: {  	[smem:$0x3F92] =	sst s1;
	(tag) =	ssettag s2;
	_ =	strace s9  }
0x27: {  	s1 =	sld [smem:$0x3FA2]  }
0x28: {  	s2 =	sld [smem:$0x3FA3]  }
0x29: {  	s4 =	sld [smem:$0x3FA5]  }
0x2a: {  	p0 =	seq.s32 s5, $0x0;
	s5 =	sld [smem:$0x3FA6]  }
0x2b: {  	s6 =	sld [smem:$0x3FA7]  }
0x2c: {  	s7 =	sld [smem:$0x3FA8]  }
0x2d: {  	s3 =	simm.s32 $0x108;
	s8 =	sld [smem:$0x3FA9]  }
0x2e: {  	s3 =	simm.s32 @!p0 $0x1082;
	s9 =	sld [smem:$0x3FAA]  }
0x2f: {  	lr =	sadd.s32 s0, s3;
	s0 =	sld [smem:$0x3FA1]  }
0x30: {  	s3 =	sld [smem:$0x3FA4]  }
0x31: {  	[smem:$0x3FAD] =	sst s10  }
0x32: {  	s10 =	sld [smem:$0x3FAB];
	_ =	sdelay $0x3  }
0x33: {  	p0 =	seq.s32 s10, $0x1;
	s10 =	sld [smem:$0x3FAD];
	_ =	sdelay $0x3  }
0x34: {  	[smem:$0x3FAD] =	sst s10  }
0x35: {  	s10 =	sld [smem:$0x3FAC];
	_ =	sdelay $0x3  }
0x36: {  	p1 =	seq.s32 s10, $0x1;
	s10 =	sld [smem:$0x3FAD];
	_ =	sdelay $0x3  }
0x37: {  	[smem:$0x3FAD] =	sst s10  }
0x38: {  	s10 =	sld [smem:$0x3FAE]  }
0x39: {  	_ = 	snop;
	(pc) =	sbr.ind lr, $3  }
0x3a: {  	_ = 	snop  }
0x3b: {  	_ = 	snop  }
0x3c: {  	p2 =	seq.s32 s10, $0x1;
	s10 =	sld [smem:$0x3FAD]  }
0x3d: {  	_ =	shalt  }
0x3e: {  	_ =	shalt  }
0x3f: {  	_ =	shalt  }
0x40: {  	_ =	shalt  }
0x41: {  	_ =	shalt  }
0x42: {  	_ =	shalt  }
0x43: {  	_ =	shalt  }
0x44: {  	_ =	shalt  }
0x45: {  	_ =	shalt  }
0x46: {  	_ =	shalt  }
0x47: {  	_ =	shalt  }
0x48: {  	_ =	shalt  }
0x49: {  	_ =	shalt  }
0x4a: {  	_ =	shalt  }
0x4b: {  	_ =	shalt  }
0x4c: {  	_ =	shalt  }
0x4d: {  	_ =	shalt  }
0x4e: {  	_ =	shalt  }
0x4f: {  	_ =	shalt  }
0x50: {  	_ =	shalt  }
0x51: {  	_ =	shalt  }
0x52: {  	_ =	shalt  }
0x53: {  	_ =	shalt  }
0x54: {  	_ =	shalt  }
0x55: {  	_ =	shalt  }
0x56: {  	_ =	shalt  }
0x57: {  	_ =	shalt  }
0x58: {  	_ =	shalt  }
0x59: {  	_ =	shalt  }
0x5a: {  	_ =	shalt  }
0x5b: {  	_ =	shalt  }
0x5c: {  	_ =	shalt  }
0x5d: {  	_ =	shalt  }
0x5e: {  	_ =	shalt  }
0x5f: {  	_ =	shalt  }
0x60: {  	_ =	shalt  }
0x61: {  	_ =	shalt  }
0x62: {  	_ =	shalt  }
0x63: {  	_ =	shalt  }
0x64: {  	_ =	shalt  }
0x65: {  	_ =	shalt  }
0x66: {  	_ =	shalt  }
0x67: {  	_ =	shalt  }
0x68: {  	_ =	shalt  }
0x69: {  	_ =	shalt  }
0x6a: {  	_ =	shalt  }
0x6b: {  	_ =	shalt  }
0x6c: {  	_ =	shalt  }
0x6d: {  	_ =	shalt  }
0x6e: {  	_ =	shalt  }
0x6f: {  	_ =	shalt  }
0x70: {  	_ =	shalt  }
0x71: {  	_ =	shalt  }
0x72: {  	_ =	shalt  }
0x73: {  	_ =	shalt  }
0x74: {  	_ =	shalt  }
0x75: {  	_ =	shalt  }
0x76: {  	_ =	shalt  }
0x77: {  	_ =	shalt  }
0x78: {  	_ =	shalt  }
0x79: {  	_ =	shalt  }
0x7a: {  	_ =	shalt  }
0x7b: {  	_ =	shalt  }
0x7c: {  	_ =	shalt  }
0x7d: {  	_ =	shalt  }
0x7e: {  	_ =	shalt  }
0x7f: {  	_ =	shalt  }
0x80: {  	_ =	shalt  }
0x81: {  	_ =	shalt  }
0x82: {  	_ =	shalt  }
0x83: {  	_ =	shalt  }
0x84: {  	_ =	shalt  }
0x85: {  	_ =	shalt  }
0x86: {  	_ =	shalt  }
0x87: {  	_ =	shalt  }
.Lfunc_end0:
.L_simem_size_0:
called_computation_lowered:
.L_overlay_start_0:
0x88: {  	s2 =	sld [smem:$0x3FD9]  }
0x89: {  	s3 =	sld [smem:$0x3FFE];
	_ =	sdelay $0x1  }
0x8a: {  	s1 =	srdreg.scid  }
0x8b: {  	s0 =	sand.u32 $0x1, s1  }
0x8c: {  	s16 =	sshll.u32 s0, $0xA;
	s2 =	sadd.s32 s3, s2  }
0x8d: {  	s2 =	sadd.s32 s2, s16  }
0x8e: {  	[smem:$0x3FB9] =	sst s2  }
0x8f: {  	_ = 	snop  }
0x90: {  	(tm) =	ssettm $0x1  }
0x91: {  	s17 =	sld [smem:$0x3FFB];
	_ =	sdelay $0x3  }
0x92: {  	_ =	strace s17  }
0x93: {  	s2 =	sld [smem:$0x3FFC];
	_ =	sdelay $0x3  }
0x94: {  	_ =	strace s2  }
0x95: {  	s2 =	sld [smem:$0x3FFD];
	_ =	sdelay $0x3  }
0x96: {  	_ =	strace s2  }
0x97: {  	_ =	strace $0x8FFFFFFF  }
0x98: {  	s18 =	sld [smem:$0x3FDB];
	_ =	sdelay $0x1  }
0x99: {  	s19 =	simm.s32 $_scs_section_size  }
0x9a: {  	s4 =	simm.s32 $_size__tile_overlayer_lowered;
	s5 =	simm.s32 $_tile_overlayer_lowered  }
0x9b: {  	s22 =	simm.s32 $0x1BFF;
	s21 =	sshll.u32 s5, $0x1;
	s2 =	sadd.s32 s19, s18  }
0x9c: {  	s6 =	simm.s32 $0x0;
	s20 =	sshll.u32 s4, $0x1;
	s4 =	sadd.s32 s21, s2  }
0x9d: {  	[timem:s6], [sflag:s22] =	dma.local [hbm:s4], s20  }
0x9e: {  	_ =	swait.ge [sflag:s22], s20  }
0x9f: {  	s3 =	ssub.s32 $0x0, s20;
	[sflag:s22] =	ssyncset.done $0x0  }
0xa0: {  	[sflag:s22] =	ssyncadd.s32 s3;
	_ =	sdelay $0x1  }
0xa1: {  	s23 =	simm.s32 $0x1B8B  }
0xa2: {  	_ =	swait.ge [sflag:s23], $0x1  }
0xa3: {  	[sflag:s23] =	ssyncset.done $0x0  }
0xa4: {  	s25 =	simm.s32 $0x1B8E;
	s24 =	sld [smem:$0x3FFE];
	[sflag:s23] =	ssyncadd.s32 $0xFFFFFFFF  }
0xa5: {  	s26 =	simm.s32 $execute0_lowered;
	[smem:$0x3FD2] =	sst s25  }
0xa6: {  	s4 =	sshll.u32 s26, $0x1;
	_ =	strace $0x80000046;
	[dreg:$0x1] =	wrdreg $0xFFFFFFFF  }
0xa7: {  	s28 =	simm.s32 $_size_execute0_lowered;
	s2 =	sadd.s32 s2, s4;
	[dreg:$0x0] =	wrdreg $0x0  }
0xa8: {  	s4 =	sshll.u32 s28, $0x1;
	[dreg:$0x2] =	wrdreg s2  }
0xa9: {  	[dreg:$0x3] =	wrdreg s4  }
0xaa: {  	[dreg:$0x4] =	wrdreg $0xC0  }
0xab: {  	_ =	task [dreg:s6], $0x5FFFF  }
0xac: {  	[dreg:$0x1] =	wrdreg $0xFFFFFFFF  }
0xad: {  	[dreg:$0x0] =	wrdreg $0x60  }
0xae: {  	[dreg:$0x2] =	wrdreg s24  }
0xaf: {  	[dreg:$0x3] =	wrdreg $0x68000  }
0xb0: {  	[dreg:$0x4] =	wrdreg $0x9  }
0xb1: {  	_ =	task.clear_ibuf [dreg:s6], $0x5FFFF;
	_ =	strace $0x90000046  }
0xb2: {  	s29 =	simm.s32 $0x9;
	_ =	strace $0x80000048  }
0xb3: {  	_ =	swait.ge [sflag:s29], $0x1  }
0xb4: {  	[sflag:s29] =	ssyncadd.s32 $0xFFFFFFFF  }
0xb5: {  	_ =	strace $0x90000048  }
0xb6: {  	_ =	sfence  }
0xb7: {  	s30 =	sld [smem:$0x0];
	_ =	sdelay $0x2  }
0xb8: {  	s31 =	sshll.u32 s1, $0xD;
	s1 =	sshrl.u32 s1, $0x2  }
0xb9: {  	s3 =	sand.u32 $0x4000, s31;
	s1 =	sadd.s32 s1, s30  }
0xba: {  	s0 =	sor.u32 s3, s0;
	s1 =	sshll.u32 s1, $0x11  }
0xbb: {  	s0 =	sor.u32 s1, s0  }
0xbc: {  	s0 =	sadd.s32 $0x8F2B, s0  }
0xbd: {  	[sflag:s0] =	ssyncadd.remote.s32 $0x1  }
0xbe: {  	_ =	sfence.sel $0xFFFF  }
0xbf: {  	[dreg:$0x0] =	wrdreg $0xFFFFFFFF;
	(pc) =	sbr.abs _section_cstart, $3  }
0xc0: {  	[dreg:$0x1] =	wrdreg $0xFFFFFFFF  }
0xc1: {  	_ =	task.clear_ibuf [dreg:s6], $0x2FFFF;
	_ =	strace $0x9FFFFFFF  }
0xc2: {  	(tm) =	ssettm $0x7FFFFFFF  }
0xc3: {  	_ =	shalt  }
tec
execute0_lowered:
.L_overlay_start_1:
0x0: {  	(tag) =	ssettag $0x1  }
0x1: {  	s6 =	rddreg [dreg:$0x0]  }
0x2: {  	s2 =	rddreg [dreg:$0x1]  }
0x3: {  	s0 =	rddreg [dreg:$0x2];
	s1 =	stileid.u32  }
0x4: {  	s4 =	srdreg.scid;
	s3 =	simm.s32 $0x0;
	s14 =	simm.s32 $0x50  }
0x5: {  	s15 =	simm.s32 $0x80;
	s16 =	simm.s32 $0x1;
	s17 =	simm.s32 $0x2  }
0x6: {  	s18 =	simm.s32 $0x3E00;
	s19 =	simm.s32 $0x0;
	s7 =	sand.u32 $0x1, s4  }
0x7: {  	s5 =	smul.u32 $0x278, s1;
	[smem:$0x7FF] =	sst s3;
	s29 =	sshll.u32 s1, $0xB  }
0x8: {  	s4 =	sadd.s32 $0x20400, s6;
	s10 =	smul.u32 $0x4F000, s1;
	p0 =	seq.s32 s1, $0xF  }
0x9: {  	s8 =	smul.u32 $0x2710, s7;
	_ =	strace $0x80000047;
	s9 =	sadd.s32 s29, s6  }
0xa: {  	s11 =	ssub.s32 $0x2, s7;
	s31 =	sshll.u32 s7, $0xF;
	s13 =	sshll.u32 @!p0 s1, $0x6  }
0xb: {  	s30 =	sshrl.u32 s11, $0x1;
	s10 =	sshrl.u32 s10, $0x2;
	s8 =	sadd.s32 s5, s8  }
0xc: {  	s5 =	sadd.s32 $0x1DC00, s6;
	s11 =	ssub.s32 s11, s30;
	s8 =	sshll.u32 s8, $0x4  }
0xd: {  	s12 =	sadd.s32 s10, s2;
	s10 =	sadd.s32 $0x128400, s2;
	s8 =	sadd.s32 s8, s6  }
0xe: {  	s6 =	sadd.s32 s31, s9;
	s9 =	sshrl.u32 @p0 s10, $0x3;
	s10 =	sor.u32 @!p0 $0x1C03, s13  }
0xf: {  	s13 =	simm.s32 $0x4000;
	s6 =	sadd.s32 $0xDC00, s6;
	s7 =	sadd.s32 $0x20A00, s8  }
0x10: {  	s8 =	smax.u32 s11, $0x1;
	s11 =	sshrl.u32 @!p0 s12, $0x3;
	s12 =	simm.s32 $0x3  }
.LBB2_1:
0x11: {  	s20 =	simm.s32 @p0 $0x1FC3  }
0x12: {  	[spmem:s9], [sflag:s20] =	dma.local @p0 [hbm:s5], $0x2080  }
0x13: {  	s20 =	simm.s32 @p0 $0x3  }
0x14: {  	_ =	swait.ge @p0 [sflag:s20], $0x2080  }
0x15: {  	[sflag:s20] =	ssyncset.done @p0 $0x0  }
0x16: {  	[sflag:s20] =	ssyncadd.s32 @p0 $0xFFFFDF80;
	s20 =	simm.s32 @!p0 $0x3  }
0x17: {  	[spmem:s11], [sflag:s10] =	dma.local @!p0 [hbm:s5], $0x2780  }
0x18: {  	_ =	swait.ge @!p0 [sflag:s20], $0x2780  }
0x19: {  	[sflag:s20] =	ssyncset.done @!p0 $0x0  }
0x1a: {  	[sflag:s20] =	ssyncadd.s32 @!p0 $0xFFFFD880  }
0x1b: {  	[tilespmem:s3], [sflag:$0x3] =	stream.linear.gather [hbm4b:s6+s3], $0x3E80, $0x38;
	[tilespmem:$0x1A080] =	vst v63  }
0x1c: {  	_ =	swait.ge [sflag:s12], $0x3E80  }
0x1d: {  	[sflag:s12] =	ssyncset.done $0x0  }
0x1e: {  	[sflag:s12] =	ssyncadd.s32 $0xFFFFC180  }
0x1f: {  	[tilespmem:s13], [sflag:$0x3] =	stream.linear.gather [hbm4b:s4+s3], $0x2800, $0x38;
	[tilespmem:$0x1A080] =	vst v63  }
0x20: {  	_ =	swait.ge [sflag:s12], $0x2800  }
0x21: {  	[sflag:s12] =	ssyncset.done $0x0  }
0x22: {  	[sflag:s12] =	ssyncadd.s32 $0xFFFFD800  }
0x23: {  	[bflag:$0x0] =	sbarrier.arrive $0xFFFF  }
0x24: {  	[spmem:s2] =	stream.indirect.scatter.add.f32 [tilespmem:s13], [sflag:$0x1], $0x80, s3, s14, $0xb8;
	[tilespmem:$0x1A080] =	vst v63  }
0x25: {  	_ = 	snop  }
0x26: {  	[spmem:s2] =	stream.indirect.scatter.add.f32 [tilespmem:s13], [sflag:$0x2], $0x80, s15, s14, $0xb8;
	[tilespmem:$0x1A080] =	vst v63  }
0x27: {  	_ =	swait.ge [sflag:s16], $0x2800  }
0x28: {  	[sflag:s16] =	ssyncset.done $0x0  }
0x29: {  	s31 =	simm.s32 $0x100;
	[sflag:s16] =	ssyncadd.s32 $0xFFFFD800  }
0x2a: {  	[spmem:s2] =	stream.indirect.scatter.add.f32 [tilespmem:s13], [sflag:$0x1], $0x80, s31, s14, $0xb8;
	[tilespmem:$0x1A080] =	vst v63  }
0x2b: {  	_ =	swait.ge [sflag:s17], $0x2800  }
0x2c: {  	[sflag:s17] =	ssyncset.done $0x0  }
0x2d: {  	s21 =	simm.s32 $0x180;
	s20 =	simm.s32 $0xFFFF1000;
	[sflag:s17] =	ssyncadd.s32 $0xFFFFD800  }
.LBB2_2:
0x2e: {  	[spmem:s2] =	stream.indirect.scatter.add.f32 [tilespmem:s13], [sflag:$0x2], $0x80, s21, s14, $0xb8;
	[tilespmem:$0x1A080] =	vst v63  }
0x2f: {  	s21 =	smov.u32 s20  }
0x30: {  	p1 =	sne.s32 s20, $0xFFFFFC00;
	s20 =	sadd.s32 $0x400, s20;
	_ =	swait.ge [sflag:s16], $0x2800  }
0x31: {  	s21 =	sshra.s32 s21, $0x2;
	[sflag:s16] =	ssyncset.done $0x0  }
.Ltmp0:
0x32: {  	s22 =	sadd.s32 $0x3E00, s21;
	[sflag:s16] =	ssyncadd.s32 $0xFFFFD800;
	(pc) =	sbr.rel @p1 .LBB2_2-.Ltmp0, $4  }
0x33: {  	[spmem:s2] =	stream.indirect.scatter.add.f32 [tilespmem:s13], [sflag:$0x1], $0x80, s22, s14, $0xb8;
	[tilespmem:$0x1A080] =	vst v63  }
0x34: {  	_ =	swait.ge [sflag:s17], $0x2800  }
0x35: {  	[sflag:s17] =	ssyncset.done $0x0  }
0x36: {  	s21 =	sadd.s32 $0x3E80, s21;
	[sflag:s17] =	ssyncadd.s32 $0xFFFFD800  }
0x37: {  	[spmem:s2] =	stream.indirect.scatter.add.f32 [tilespmem:s13], [sflag:$0x2], $0x80, s21, s14, $0xb8;
	[tilespmem:$0x1A080] =	vst v63  }
0x38: {  	_ =	swait.ge [sflag:s16], $0x2800  }
0x39: {  	[sflag:s16] =	ssyncset.done $0x0  }
0x3a: {  	[sflag:s16] =	ssyncadd.s32 $0xFFFFD800  }
0x3b: {  	[spmem:s2] =	stream.indirect.scatter.add.f32 [tilespmem:s13], [sflag:$0x1], $0x80, s18, s14, $0xb8;
	[tilespmem:$0x1A080] =	vst v63  }
0x3c: {  	_ =	swait.ge [sflag:s17], $0x2800  }
0x3d: {  	[sflag:s17] =	ssyncset.done $0x0  }
0x3e: {  	[sflag:s17] =	ssyncadd.s32 $0xFFFFD800  }
0x3f: {  	_ =	swait.ge [sflag:s16], $0x2800  }
0x40: {  	[sflag:s16] =	ssyncset.done $0x0  }
0x41: {  	[sflag:s16] =	ssyncadd.s32 $0xFFFFD800  }
0x42: {  	s20 =	simm.s32 @p0 $0x1FC3;
	[bflag:$0x0] =	sbarrier.arrive $0xFFFF  }
0x43: {  	[hbm:s7], [sflag:s20] =	dma.local @p0 [spmem:s9], $0x2080  }
0x44: {  	s20 =	simm.s32 @p0 $0x3  }
0x45: {  	s19 =	sadd.s32 $0x1, s19;
	_ =	swait.ge @p0 [sflag:s20], $0x2080  }
0x46: {  	p1 =	sne.s32 s19, s8;
	[sflag:s20] =	ssyncset.done @p0 $0x0  }
.Ltmp1:
0x47: {  	[sflag:s20] =	ssyncadd.s32 @p0 $0xFFFFDF80;
	s20 =	simm.s32 @!p0 $0x3;
	(pc) =	sbr.rel @p1 .LBB2_1-.Ltmp1, $4  }
0x48: {  	[hbm:s7], [sflag:s10] =	dma.local @!p0 [spmem:s11], $0x2780  }
0x49: {  	_ =	swait.ge @!p0 [sflag:s20], $0x2780  }
0x4a: {  	[sflag:s20] =	ssyncset.done @!p0 $0x0  }
0x4b: {  	[sflag:s20] =	ssyncadd.s32 @!p0 $0xFFFFD880  }
0x4c: {  	_ =	sfence.sel $0x180000  }
0x4d: {  	[bflag:$0x0] =	sbarrier.arrive $0xFFFF  }
0x4e: {  	p0 =	sne.s32 s1, $0x0;
	_ =	strace $0x90000047  }
0x4f: {  	s0 =	sadd.s32 @!p0 $0x100000, s0;
	[bflag:$0x2] =	sbarrier.arrive $0xFFFF  }
0x50: {  	[sflag:s0] =	ssyncadd.tile.s32 @!p0 $0x1;
	_ =	shalt  }
.Lfunc_end2:
_tile_overlayer_lowered:
.L_overlay_start_2:
0x51: {  	(tag) =	ssettag $0x2  }
0x52: {  	s0 =	rddreg [dreg:$0x0];
	s2 =	stileid.u32  }
0x53: {  	s1 =	rddreg [dreg:$0x1];
	p0 =	sne.s32 s2, $0x0  }
0x54: {  	s3 =	rddreg [dreg:$0x2];
	[bflag:$0x3] =	sbarrier.arrive $0xFFFF;
	s2 =	simm.s32 @!p0 $0x1C03  }
0x55: {  	[timem:s3], [sflag:s2] =	dma.local @!p0 [hbm:s0], s1  }
0x56: {  	s0 =	simm.s32 @!p0 $0x3  }
0x57: {  	_ =	swait.ge @!p0 [sflag:s0], s1  }
0x58: {  	s1 =	ssub.s32 @!p0 $0x0, s1;
	[sflag:s0] =	ssyncset.done @!p0 $0x0  }
0x59: {  	[sflag:s0] =	ssyncadd.s32 @!p0 s1  }
0x5a: {  	[bflag:$0x3] =	sbarrier.arrive $0xFFFF  }
0x5b: {  	_ =	shalt  }

// kernel: kernel.16.cloned.1.call-start
scs
__scs_entry_jumppad:
0x0: {  	(pc) =	sbr.rel $0x88, $3  }
0x1: {  	(tag) =	ssettag $0x0;
	lr =	simm.s32 $0x1  }
0x2: {  	[smem:$0x3F92] =	sst lr;
	_ =	strace $0xD0000000  }
0x3: {  	_ = 	snop  }
0x4: {  	_ = 	snop  }
0x5: {  	_ = 	snop  }
0x6: {  	_ = 	snop  }
0x7: {  	_ = 	snop  }
__scs_overlays_trampoline_lowered:
0x8: {  	[smem:$0x3FA1] =	sst s0  }
0x9: {  	[smem:$0x3FA2] =	sst s1  }
0xa: {  	[smem:$0x3FA3] =	sst s2  }
0xb: {  	[smem:$0x3FA4] =	sst s3  }
0xc: {  	[smem:$0x3FA5] =	sst s4  }
0xd: {  	[smem:$0x3FA6] =	sst s5  }
0xe: {  	[smem:$0x3FA7] =	sst s6  }
0xf: {  	[smem:$0x3FA8] =	sst s7  }
0x10: {  	[smem:$0x3FA9] =	sst s8  }
0x11: {  	[smem:$0x3FAA] =	sst s9;
	s0 =	simm.s32 @!p0 $0x0  }
0x12: {  	s1 =	sld [smem:$0x3F90];
	s0 =	simm.s32 @p0 $0x1  }
0x13: {  	[smem:$0x3FAB] =	sst s0;
	s0 =	simm.s32 @!p1 $0x0  }
0x14: {  	s2 =	sld [smem:$0x3F8F];
	s0 =	simm.s32 @p1 $0x1  }
0x15: {  	[smem:$0x3FAC] =	sst s0;
	s0 =	simm.s32 @!p2 $0x0  }
0x16: {  	s3 =	sld [smem:$0x3FDB];
	s0 =	simm.s32 @p2 $0x1  }
0x17: {  	s4 =	simm.s32 $0x1BF5;
	[smem:$0x3FAE] =	sst s0  }
0x18: {  	s0 =	sld [smem:$0x3F91];
	_ =	swait.ge [sflag:s4], $0x0  }
0x19: {  	s7 =	sld [smem:$0x3F92]  }
0x1a: {  	s8 =	sadd.s32 $0xFFFFE003, lr  }
0x1b: {  	s9 =	sadd.s32 $0xFFFFFEF7, lr;
	s5 =	simm.s32 $0xFFFFFFFF;
	p2 =	slt.u32 s8, $0xFFFFF086  }
0x1c: {  	p1 =	slt.u32 s9, $0xF7A;
	s5 =	simm.s32 @!p2 $0x0  }
0x1d: {  	s5 =	simm.s32 @p1 $0x1;
	p0 =	seq.s32 s7, s2  }
0x1e: {  	s7 =	smul.u32 @!p0 $0xF7A, s2;
	p2 =	seq.s32 @!p0 s5, $0x0  }
0x1f: {  	s9 =	smul.u32 $0xF7A, s1;
	s8 =	simm.s32 @!p0 $0x1BF5;
	p2 =	por !p2, p0  }
0x20: {  	[sflag:s8] =	ssyncset.s32 @!p0 $0xFFFFF086;
	s6 =	sadd.s32 @!p0 s3, s7;
	s7 =	simm.s32 @!p0 $0x108  }
0x21: {  	s3 =	sadd.s32 s3, s9;
	s6 =	sadd.s32 @!p0 $0x88, s6;
	s7 =	simm.s32 @p2 $0x1082  }
0x22: {  	[simem:s7], [sflag:s8] =	dma.local @!p0 [hbm:s6], $0xF7A  }
0x23: {  	s9 =	sor.u32 $0xD0000000, s2;
	s6 =	simm.s32 $0x108;
	_ =	swait.ge @!p0 [sflag:s8], $0x0  }
0x24: {  	s3 =	sadd.s32 $0x88, s3;
	s6 =	simm.s32 @!p1 $0x1082;
	[sflag:s4] =	ssyncset.s32 $0xFFFFF086  }
0x25: {  	[simem:s6], [sflag:s4] =	dma.local [hbm:s3], $0xF7A  }
0x26: {  	[smem:$0x3F92] =	sst s1;
	(tag) =	ssettag s2;
	_ =	strace s9  }
0x27: {  	s1 =	sld [smem:$0x3FA2]  }
0x28: {  	s2 =	sld [smem:$0x3FA3]  }
0x29: {  	s4 =	sld [smem:$0x3FA5]  }
0x2a: {  	p0 =	seq.s32 s5, $0x0;
	s5 =	sld [smem:$0x3FA6]  }
0x2b: {  	s6 =	sld [smem:$0x3FA7]  }
0x2c: {  	s7 =	sld [smem:$0x3FA8]  }
0x2d: {  	s3 =	simm.s32 $0x108;
	s8 =	sld [smem:$0x3FA9]  }
0x2e: {  	s3 =	simm.s32 @!p0 $0x1082;
	s9 =	sld [smem:$0x3FAA]  }
0x2f: {  	lr =	sadd.s32 s0, s3;
	s0 =	sld [smem:$0x3FA1]  }
0x30: {  	s3 =	sld [smem:$0x3FA4]  }
0x31: {  	[smem:$0x3FAD] =	sst s10  }
0x32: {  	s10 =	sld [smem:$0x3FAB];
	_ =	sdelay $0x3  }
0x33: {  	p0 =	seq.s32 s10, $0x1;
	s10 =	sld [smem:$0x3FAD];
	_ =	sdelay $0x3  }
0x34: {  	[smem:$0x3FAD] =	sst s10  }
0x35: {  	s10 =	sld [smem:$0x3FAC];
	_ =	sdelay $0x3  }
0x36: {  	p1 =	seq.s32 s10, $0x1;
	s10 =	sld [smem:$0x3FAD];
	_ =	sdelay $0x3  }
0x37: {  	[smem:$0x3FAD] =	sst s10  }
0x38: {  	s10 =	sld [smem:$0x3FAE]  }
0x39: {  	_ = 	snop;
	(pc) =	sbr.ind lr, $3  }
0x3a: {  	_ = 	snop  }
0x3b: {  	_ = 	snop  }
0x3c: {  	p2 =	seq.s32 s10, $0x1;
	s10 =	sld [smem:$0x3FAD]  }
0x3d: {  	_ =	shalt  }
0x3e: {  	_ =	shalt  }
0x3f: {  	_ =	shalt  }
0x40: {  	_ =	shalt  }
0x41: {  	_ =	shalt  }
0x42: {  	_ =	shalt  }
0x43: {  	_ =	shalt  }
0x44: {  	_ =	shalt  }
0x45: {  	_ =	shalt  }
0x46: {  	_ =	shalt  }
0x47: {  	_ =	shalt  }
0x48: {  	_ =	shalt  }
0x49: {  	_ =	shalt  }
0x4a: {  	_ =	shalt  }
0x4b: {  	_ =	shalt  }
0x4c: {  	_ =	shalt  }
0x4d: {  	_ =	shalt  }
0x4e: {  	_ =	shalt  }
0x4f: {  	_ =	shalt  }
0x50: {  	_ =	shalt  }
0x51: {  	_ =	shalt  }
0x52: {  	_ =	shalt  }
0x53: {  	_ =	shalt  }
0x54: {  	_ =	shalt  }
0x55: {  	_ =	shalt  }
0x56: {  	_ =	shalt  }
0x57: {  	_ =	shalt  }
0x58: {  	_ =	shalt  }
0x59: {  	_ =	shalt  }
0x5a: {  	_ =	shalt  }
0x5b: {  	_ =	shalt  }
0x5c: {  	_ =	shalt  }
0x5d: {  	_ =	shalt  }
0x5e: {  	_ =	shalt  }
0x5f: {  	_ =	shalt  }
0x60: {  	_ =	shalt  }
0x61: {  	_ =	shalt  }
0x62: {  	_ =	shalt  }
0x63: {  	_ =	shalt  }
0x64: {  	_ =	shalt  }
0x65: {  	_ =	shalt  }
0x66: {  	_ =	shalt  }
0x67: {  	_ =	shalt  }
0x68: {  	_ =	shalt  }
0x69: {  	_ =	shalt  }
0x6a: {  	_ =	shalt  }
0x6b: {  	_ =	shalt  }
0x6c: {  	_ =	shalt  }
0x6d: {  	_ =	shalt  }
0x6e: {  	_ =	shalt  }
0x6f: {  	_ =	shalt  }
0x70: {  	_ =	shalt  }
0x71: {  	_ =	shalt  }
0x72: {  	_ =	shalt  }
0x73: {  	_ =	shalt  }
0x74: {  	_ =	shalt  }
0x75: {  	_ =	shalt  }
0x76: {  	_ =	shalt  }
0x77: {  	_ =	shalt  }
0x78: {  	_ =	shalt  }
0x79: {  	_ =	shalt  }
0x7a: {  	_ =	shalt  }
0x7b: {  	_ =	shalt  }
0x7c: {  	_ =	shalt  }
0x7d: {  	_ =	shalt  }
0x7e: {  	_ =	shalt  }
0x7f: {  	_ =	shalt  }
0x80: {  	_ =	shalt  }
0x81: {  	_ =	shalt  }
0x82: {  	_ =	shalt  }
0x83: {  	_ =	shalt  }
0x84: {  	_ =	shalt  }
0x85: {  	_ =	shalt  }
0x86: {  	_ =	shalt  }
0x87: {  	_ =	shalt  }
.Lfunc_end0:
.L_simem_size_0:
called_computation.1_lowered:
.L_overlay_start_0:
0x88: {  	s2 =	sld [smem:$0x3FD9]  }
0x89: {  	s3 =	sld [smem:$0x3FFE];
	_ =	sdelay $0x1  }
0x8a: {  	s1 =	srdreg.scid  }
0x8b: {  	s0 =	sand.u32 $0x1, s1  }
0x8c: {  	s16 =	sshll.u32 s0, $0xA;
	s2 =	sadd.s32 s3, s2  }
0x8d: {  	s2 =	sadd.s32 s2, s16  }
0x8e: {  	[smem:$0x3FB9] =	sst s2  }
0x8f: {  	_ = 	snop  }
0x90: {  	(tm) =	ssettm $0x1  }
0x91: {  	s17 =	sld [smem:$0x3FFB];
	_ =	sdelay $0x3  }
0x92: {  	_ =	strace s17  }
0x93: {  	s2 =	sld [smem:$0x3FFC];
	_ =	sdelay $0x3  }
0x94: {  	_ =	strace s2  }
0x95: {  	s2 =	sld [smem:$0x3FFD];
	_ =	sdelay $0x3  }
0x96: {  	_ =	strace s2  }
0x97: {  	_ =	strace $0x8FFFFFFF  }
0x98: {  	s18 =	sld [smem:$0x3FDB];
	_ =	sdelay $0x1  }
0x99: {  	s19 =	simm.s32 $_scs_section_size  }
0x9a: {  	s4 =	simm.s32 $_size__tile_overlayer_lowered;
	s5 =	simm.s32 $_tile_overlayer_lowered  }
0x9b: {  	s22 =	simm.s32 $0x1BFF;
	s21 =	sshll.u32 s5, $0x1;
	s2 =	sadd.s32 s19, s18  }
0x9c: {  	s6 =	simm.s32 $0x0;
	s20 =	sshll.u32 s4, $0x1;
	s4 =	sadd.s32 s21, s2  }
0x9d: {  	[timem:s6], [sflag:s22] =	dma.local [hbm:s4], s20  }
0x9e: {  	_ =	swait.ge [sflag:s22], s20  }
0x9f: {  	s3 =	ssub.s32 $0x0, s20;
	[sflag:s22] =	ssyncset.done $0x0  }
0xa0: {  	[sflag:s22] =	ssyncadd.s32 s3;
	_ =	sdelay $0x1  }
0xa1: {  	s23 =	simm.s32 $0x1B8B  }
0xa2: {  	_ =	swait.ge [sflag:s23], $0x1  }
0xa3: {  	[sflag:s23] =	ssyncset.done $0x0  }
0xa4: {  	s25 =	simm.s32 $0x1B8E;
	s24 =	sld [smem:$0x3FFE];
	[sflag:s23] =	ssyncadd.s32 $0xFFFFFFFF  }
0xa5: {  	s26 =	simm.s32 $execute0_lowered;
	[smem:$0x3FD2] =	sst s25  }
0xa6: {  	s4 =	sshll.u32 s26, $0x1;
	_ =	strace $0x80000049;
	[dreg:$0x1] =	wrdreg $0xFFFFFFFF  }
0xa7: {  	s28 =	simm.s32 $_size_execute0_lowered;
	s2 =	sadd.s32 s2, s4;
	[dreg:$0x0] =	wrdreg $0x0  }
0xa8: {  	s4 =	sshll.u32 s28, $0x1;
	[dreg:$0x2] =	wrdreg s2  }
0xa9: {  	[dreg:$0x3] =	wrdreg s4  }
0xaa: {  	[dreg:$0x4] =	wrdreg $0xC0  }
0xab: {  	_ =	task [dreg:s6], $0x5FFFF  }
0xac: {  	[dreg:$0x1] =	wrdreg $0xFFFFFFFF  }
0xad: {  	[dreg:$0x0] =	wrdreg $0x60  }
0xae: {  	[dreg:$0x2] =	wrdreg s24  }
0xaf: {  	[dreg:$0x3] =	wrdreg $0xB7800  }
0xb0: {  	[dreg:$0x4] =	wrdreg $0x9  }
0xb1: {  	_ =	task.clear_ibuf [dreg:s6], $0x5FFFF;
	_ =	strace $0x90000049  }
0xb2: {  	s29 =	simm.s32 $0x9;
	_ =	strace $0x8000004B  }
0xb3: {  	_ =	swait.ge [sflag:s29], $0x1  }
0xb4: {  	[sflag:s29] =	ssyncadd.s32 $0xFFFFFFFF  }
0xb5: {  	_ =	strace $0x9000004B  }
0xb6: {  	_ =	sfence  }
0xb7: {  	s30 =	sld [smem:$0x0];
	_ =	sdelay $0x2  }
0xb8: {  	s31 =	sshll.u32 s1, $0xD;
	s1 =	sshrl.u32 s1, $0x2  }
0xb9: {  	s3 =	sand.u32 $0x4000, s31;
	s1 =	sadd.s32 s1, s30  }
0xba: {  	s0 =	sor.u32 s3, s0;
	s1 =	sshll.u32 s1, $0x11  }
0xbb: {  	s0 =	sor.u32 s1, s0  }
0xbc: {  	s0 =	sadd.s32 $0x8F2B, s0  }
0xbd: {  	[sflag:s0] =	ssyncadd.remote.s32 $0x1  }
0xbe: {  	_ =	sfence.sel $0xFFFF  }
0xbf: {  	[dreg:$0x0] =	wrdreg $0xFFFFFFFF;
	(pc) =	sbr.abs _section_cstart, $3  }
0xc0: {  	[dreg:$0x1] =	wrdreg $0xFFFFFFFF  }
0xc1: {  	_ =	task.clear_ibuf [dreg:s6], $0x2FFFF;
	_ =	strace $0x9FFFFFFF  }
0xc2: {  	(tm) =	ssettm $0x7FFFFFFF  }
0xc3: {  	_ =	shalt  }
tec
execute0_lowered:
.L_overlay_start_1:
0x0: {  	(tag) =	ssettag $0x1  }
0x1: {  	s6 =	rddreg [dreg:$0x0]  }
0x2: {  	s0 =	srdreg.scid;
	s2 =	rddreg [dreg:$0x1]  }
0x3: {  	s1 =	stileid.u32;
	s3 =	simm.s32 $0x0;
	s14 =	simm.s32 $0x2780  }
0x4: {  	s15 =	simm.s32 $0x50;
	s16 =	simm.s32 $0x6780;
	s17 =	simm.s32 $0x8F80  }
0x5: {  	s18 =	simm.s32 $0x1;
	s19 =	simm.s32 $0x2;
	s20 =	simm.s32 $0x3  }
0x6: {  	s21 =	simm.s32 $0x4;
	s22 =	simm.s32 $0x6480;
	s23 =	simm.s32 $0x6500  }
0x7: {  	s24 =	simm.s32 $0x26C0;
	s25 =	simm.s32 $0x6580;
	s26 =	simm.s32 $0x0  }
0x8: {  	s7 =	sand.u32 $0x1, s0;
	[smem:$0x7FF] =	sst s3;
	s9 =	smul.u32 $0x278, s1  }
0x9: {  	s12 =	smul.u32 $0x4F000, s1;
	s13 =	sadd.s32 $0x128400, s2;
	p0 =	seq.s32 s1, $0xF  }
0xa: {  	s4 =	sshll.u32 s7, $0x4;
	_ =	strace $0x8000004A;
	s10 =	smul.u32 $0x2710, s7  }
0xb: {  	s7 =	ssub.s32 $0x2, s7;
	s5 =	sor.u32 s1, s4;
	s4 =	sadd.s32 $0x20400, s6  }
0xc: {  	s31 =	sshrl.u32 s7, $0x1;
	s12 =	sshrl.u32 s12, $0x2;
	s8 =	smul.u32 $0x4E2, s5  }
0xd: {  	s5 =	sshll.u32 s5, $0xB;
	s9 =	sadd.s32 s9, s10;
	s10 =	ssub.s32 s7, s31  }
0xe: {  	s12 =	sadd.s32 s12, s2;
	s11 =	sadd.s32 s5, s6;
	s5 =	sadd.s32 $0x1DC00, s6  }
0xf: {  	s9 =	sshll.u32 s9, $0x4;
	s12 =	sshrl.u32 @!p0 s12, $0x3;
	s8 =	sadd.s32 s8, s6  }
0x10: {  	s9 =	sadd.s32 s9, s6;
	s7 =	sadd.s32 $0xDC00, s11;
	s11 =	sshll.u32 @!p0 s1, $0x6  }
0x11: {  	s6 =	sadd.s32 $0x3E00, s8;
	s8 =	sadd.s32 $0x47600, s9;
	s9 =	smax.u32 s10, $0x1  }
0x12: {  	s10 =	sshrl.u32 @p0 s13, $0x3;
	s11 =	sor.u32 @!p0 $0x1C05, s11;
	s13 =	simm.s32 $0x5  }
.LBB2_1:
0x13: {  	s28 =	simm.s32 @p0 $0x1FC5  }
0x14: {  	[spmem:s10], [sflag:s28] =	dma.local @p0 [hbm:s5], $0x2080  }
0x15: {  	s28 =	simm.s32 @p0 $0x5  }
0x16: {  	_ =	swait.ge @p0 [sflag:s28], $0x2080  }
0x17: {  	[sflag:s28] =	ssyncset.done @p0 $0x0  }
0x18: {  	[sflag:s28] =	ssyncadd.s32 @p0 $0xFFFFDF80;
	s28 =	simm.s32 @!p0 $0x5  }
0x19: {  	[spmem:s12], [sflag:s11] =	dma.local @!p0 [hbm:s5], $0x2780  }
0x1a: {  	_ =	swait.ge @!p0 [sflag:s28], $0x2780  }
0x1b: {  	[sflag:s28] =	ssyncset.done @!p0 $0x0  }
0x1c: {  	[sflag:s28] =	ssyncadd.s32 @!p0 $0xFFFFD880  }
0x1d: {  	[tilespmem:s3], [sflag:$0x5] =	stream.linear.gather [hbm4b:s6+s3], $0x2710, $0x38;
	[tilespmem:$0x1F000] =	vst v63  }
0x1e: {  	_ =	swait.ge [sflag:s13], $0x2710  }
0x1f: {  	[sflag:s13] =	ssyncset.done $0x0  }
0x20: {  	[sflag:s13] =	ssyncadd.s32 $0xFFFFD8F0  }
0x21: {  	[tilespmem:s14], [sflag:$0x5] =	stream.linear.gather [hbm4b:s7+s3], $0x3E80, $0x38;
	[tilespmem:$0x1F000] =	vst v63  }
0x22: {  	_ =	swait.ge [sflag:s13], $0x3E80  }
0x23: {  	[sflag:s13] =	ssyncset.done $0x0  }
0x24: {  	[sflag:s13] =	ssyncadd.s32 $0xFFFFC180  }
0x25: {  	[bflag:$0x0] =	sbarrier.arrive $0xFFFF  }
0x26: {  	[tilespmem:s16], [sflag:$0x1] =	stream.indirect.gather [hbm4b:s4+s15], $0x80, s3, s15, $0xb8;
	[tilespmem:$0x1F000] =	vst v63  }
0x27: {  	_ = 	snop  }
0x28: {  	[tilespmem:s17], [sflag:$0x2] =	stream.indirect.gather [hbm4b:s4+s15], $0x80, s15, s15, $0xb8;
	[tilespmem:$0x1F000] =	vst v63  }
0x29: {  	_ =	swait.ge [sflag:s18], $0x2800  }
0x2a: {  	[sflag:s18] =	ssyncset.done $0x0  }
0x2b: {  	s28 =	simm.s32 $0x2780;
	[sflag:s18] =	ssyncadd.s32 $0xFFFFD800  }
0x2c: {  	[spmem:s2] =	stream.indirect.scatter.add.f32 [tilespmem:s16], [sflag:$0x3], $0x80, s28, s15, $0xb8;
	[tilespmem:$0x1F000] =	vst v63  }
0x2d: {  	_ =	swait.ge [sflag:s19], $0x2800  }
0x2e: {  	[sflag:s19] =	ssyncset.done $0x0  }
0x2f: {  	s28 =	simm.s32 $0x2800;
	[sflag:s19] =	ssyncadd.s32 $0xFFFFD800  }
0x30: {  	[spmem:s2] =	stream.indirect.scatter.add.f32 [tilespmem:s17], [sflag:$0x4], $0x80, s28, s15, $0xb8;
	[tilespmem:$0x1F000] =	vst v63  }
0x31: {  	_ =	swait.ge [sflag:s20], $0x2800  }
0x32: {  	[sflag:s20] =	ssyncset.done $0x0  }
0x33: {  	s28 =	simm.s32 $0xA0;
	[sflag:s20] =	ssyncadd.s32 $0xFFFFD800  }
0x34: {  	[tilespmem:s16], [sflag:$0x1] =	stream.indirect.gather [hbm4b:s4+s15], $0x80, s28, s15, $0xb8;
	[tilespmem:$0x1F000] =	vst v63  }
0x35: {  	_ =	swait.ge [sflag:s21], $0x2800  }
0x36: {  	s29 =	simm.s32 $0x400;
	[sflag:s21] =	ssyncset.done $0x0  }
0x37: {  	s30 =	simm.s32 $0x190;
	s28 =	simm.s32 $0xF0;
	[sflag:s21] =	ssyncadd.s32 $0xFFFFD800  }
.LBB2_2:
0x38: {  	[tilespmem:s17], [sflag:$0x2] =	stream.indirect.gather [hbm4b:s4+s15], $0x80, s28, s15, $0xb8;
	[tilespmem:$0x1F000] =	vst v63  }
0x39: {  	s31 =	smov.u32 s29;
	s28 =	smov.u32 s30  }
0x3a: {  	p1 =	sne.s32 s29, $0xF000;
	s29 =	sadd.s32 $0x400, s29;
	_ =	swait.ge [sflag:s18], $0x2800  }
0x3b: {  	s31 =	sshra.s32 s31, $0x2;
	[sflag:s18] =	ssyncset.done $0x0  }
0x3c: {  	s0 =	sadd.s32 $0x2780, s31;
	[sflag:s18] =	ssyncadd.s32 $0xFFFFD800  }
0x3d: {  	[spmem:s2] =	stream.indirect.scatter.add.f32 [tilespmem:s16], [sflag:$0x3], $0x80, s0, s15, $0xb8;
	[tilespmem:$0x1F000] =	vst v63  }
0x3e: {  	_ =	swait.ge [sflag:s19], $0x2800  }
0x3f: {  	[sflag:s19] =	ssyncset.done $0x0  }
0x40: {  	s0 =	sadd.s32 $0x2800, s31;
	[sflag:s19] =	ssyncadd.s32 $0xFFFFD800  }
0x41: {  	[spmem:s2] =	stream.indirect.scatter.add.f32 [tilespmem:s17], [sflag:$0x4], $0x80, s0, s15, $0xb8;
	[tilespmem:$0x1F000] =	vst v63  }
0x42: {  	_ =	swait.ge [sflag:s20], $0x2800  }
0x43: {  	[sflag:s20] =	ssyncset.done $0x0  }
.Ltmp0:
0x44: {  	s0 =	sadd.s32 $0xFFFFFFB0, s30;
	[sflag:s20] =	ssyncadd.s32 $0xFFFFD800;
	(pc) =	sbr.rel @p1 .LBB2_2-.Ltmp0, $4  }
0x45: {  	[tilespmem:s16], [sflag:$0x1] =	stream.indirect.gather [hbm4b:s4+s15], $0x80, s0, s15, $0xb8;
	[tilespmem:$0x1F000] =	vst v63  }
0x46: {  	_ =	swait.ge [sflag:s21], $0x2800  }
0x47: {  	[sflag:s21] =	ssyncset.done $0x0  }
0x48: {  	s30 =	sadd.s32 $0xA0, s30;
	[sflag:s21] =	ssyncadd.s32 $0xFFFFD800  }
0x49: {  	[tilespmem:s17], [sflag:$0x2] =	stream.indirect.gather [hbm4b:s4+s15], $0x80, s28, s15, $0xb8;
	[tilespmem:$0x1F000] =	vst v63  }
0x4a: {  	_ =	swait.ge [sflag:s18], $0x2800  }
0x4b: {  	[sflag:s18] =	ssyncset.done $0x0  }
0x4c: {  	[sflag:s18] =	ssyncadd.s32 $0xFFFFD800  }
0x4d: {  	[spmem:s2] =	stream.indirect.scatter.add.f32 [tilespmem:s16], [sflag:$0x3], $0x80, s22, s15, $0xb8;
	[tilespmem:$0x1F000] =	vst v63  }
0x4e: {  	_ =	swait.ge [sflag:s19], $0x2800  }
0x4f: {  	[sflag:s19] =	ssyncset.done $0x0  }
0x50: {  	[sflag:s19] =	ssyncadd.s32 $0xFFFFD800  }
0x51: {  	[spmem:s2] =	stream.indirect.scatter.add.f32 [tilespmem:s17], [sflag:$0x4], $0x80, s23, s15, $0xb8;
	[tilespmem:$0x1F000] =	vst v63  }
0x52: {  	_ =	swait.ge [sflag:s20], $0x2800  }
0x53: {  	[sflag:s20] =	ssyncset.done $0x0  }
0x54: {  	[sflag:s20] =	ssyncadd.s32 $0xFFFFD800  }
0x55: {  	[tilespmem:s16], [sflag:$0x1] =	stream.indirect.gather [hbm4b:s4+s15], $0x80, s24, s15, $0xb8;
	[tilespmem:$0x1F000] =	vst v63  }
0x56: {  	_ =	swait.ge [sflag:s21], $0x2800  }
0x57: {  	[sflag:s21] =	ssyncset.done $0x0  }
0x58: {  	[sflag:s21] =	ssyncadd.s32 $0xFFFFD800  }
0x59: {  	_ =	swait.ge [sflag:s18], $0x2800  }
0x5a: {  	[sflag:s18] =	ssyncset.done $0x0  }
0x5b: {  	[sflag:s18] =	ssyncadd.s32 $0xFFFFD800  }
0x5c: {  	[spmem:s2] =	stream.indirect.scatter.add.f32 [tilespmem:s16], [sflag:$0x3], $0x80, s25, s15, $0xb8;
	[tilespmem:$0x1F000] =	vst v63  }
0x5d: {  	_ =	swait.ge [sflag:s20], $0x2800  }
0x5e: {  	[sflag:s20] =	ssyncset.done $0x0  }
0x5f: {  	[sflag:s20] =	ssyncadd.s32 $0xFFFFD800  }
0x60: {  	s0 =	simm.s32 @p0 $0x1FC5;
	[bflag:$0x0] =	sbarrier.arrive $0xFFFF  }
0x61: {  	[hbm:s8], [sflag:s0] =	dma.local @p0 [spmem:s10], $0x2080  }
0x62: {  	s0 =	simm.s32 @p0 $0x5  }
0x63: {  	s26 =	sadd.s32 $0x1, s26;
	_ =	swait.ge @p0 [sflag:s0], $0x2080  }
0x64: {  	p1 =	sne.s32 s26, s9;
	[sflag:s0] =	ssyncset.done @p0 $0x0  }
.Ltmp1:
0x65: {  	[sflag:s0] =	ssyncadd.s32 @p0 $0xFFFFDF80;
	s0 =	simm.s32 @!p0 $0x5;
	(pc) =	sbr.rel @p1 .LBB2_1-.Ltmp1, $4  }
0x66: {  	[hbm:s8], [sflag:s11] =	dma.local @!p0 [spmem:s12], $0x2780  }
0x67: {  	_ =	swait.ge @!p0 [sflag:s0], $0x2780  }
0x68: {  	[sflag:s0] =	ssyncset.done @!p0 $0x0  }
0x69: {  	[sflag:s0] =	ssyncadd.s32 @!p0 $0xFFFFD880  }
0x6a: {  	_ =	sfence.sel $0x180000  }
0x6b: {  	[bflag:$0x0] =	sbarrier.arrive $0xFFFF  }
0x6c: {  	_ =	strace $0x9000004A  }
0x6d: {  	[bflag:$0x2] =	sbarrier.arrive $0xFFFF  }
0x6e: {  	p0 =	sne.s32 s1, $0x0;
	s0 =	rddreg [dreg:$0x2]  }
0x6f: {  	s0 =	sadd.s32 @!p0 $0x100000, s0  }
0x70: {  	[sflag:s0] =	ssyncadd.tile.s32 @!p0 $0x1;
	_ =	shalt  }
.Lfunc_end2:
_tile_overlayer_lowered:
.L_overlay_start_2:
0x71: {  	(tag) =	ssettag $0x2  }
0x72: {  	s0 =	rddreg [dreg:$0x0];
	s2 =	stileid.u32  }
0x73: {  	s1 =	rddreg [dreg:$0x1];
	p0 =	sne.s32 s2, $0x0  }
0x74: {  	s3 =	rddreg [dreg:$0x2];
	[bflag:$0x3] =	sbarrier.arrive $0xFFFF;
	s2 =	simm.s32 @!p0 $0x1C05  }
0x75: {  	[timem:s3], [sflag:s2] =	dma.local @!p0 [hbm:s0], s1  }
0x76: {  	s0 =	simm.s32 @!p0 $0x5  }
0x77: {  	_ =	swait.ge @!p0 [sflag:s0], s1  }
0x78: {  	s1 =	ssub.s32 @!p0 $0x0, s1;
	[sflag:s0] =	ssyncset.done @!p0 $0x0  }
0x79: {  	[sflag:s0] =	ssyncadd.s32 @!p0 s1  }
0x7a: {  	[bflag:$0x3] =	sbarrier.arrive $0xFFFF  }
0x7b: {  	_ =	shalt  }

// kernel: kernel.19.cloned.1.call-start
scs
__scs_entry_jumppad:
0x0: {  	(pc) =	sbr.rel $0x88, $3  }
0x1: {  	(tag) =	ssettag $0x0;
	lr =	simm.s32 $0x1  }
0x2: {  	[smem:$0x3F92] =	sst lr;
	_ =	strace $0xD0000000  }
0x3: {  	_ = 	snop  }
0x4: {  	_ = 	snop  }
0x5: {  	_ = 	snop  }
0x6: {  	_ = 	snop  }
0x7: {  	_ = 	snop  }
__scs_overlays_trampoline_lowered:
0x8: {  	[smem:$0x3FA1] =	sst s0  }
0x9: {  	[smem:$0x3FA2] =	sst s1  }
0xa: {  	[smem:$0x3FA3] =	sst s2  }
0xb: {  	[smem:$0x3FA4] =	sst s3  }
0xc: {  	[smem:$0x3FA5] =	sst s4  }
0xd: {  	[smem:$0x3FA6] =	sst s5  }
0xe: {  	[smem:$0x3FA7] =	sst s6  }
0xf: {  	[smem:$0x3FA8] =	sst s7  }
0x10: {  	[smem:$0x3FA9] =	sst s8  }
0x11: {  	[smem:$0x3FAA] =	sst s9;
	s0 =	simm.s32 @!p0 $0x0  }
0x12: {  	s1 =	sld [smem:$0x3F90];
	s0 =	simm.s32 @p0 $0x1  }
0x13: {  	[smem:$0x3FAB] =	sst s0;
	s0 =	simm.s32 @!p1 $0x0  }
0x14: {  	s2 =	sld [smem:$0x3F8F];
	s0 =	simm.s32 @p1 $0x1  }
0x15: {  	[smem:$0x3FAC] =	sst s0;
	s0 =	simm.s32 @!p2 $0x0  }
0x16: {  	s3 =	sld [smem:$0x3FDB];
	s0 =	simm.s32 @p2 $0x1  }
0x17: {  	s4 =	simm.s32 $0x1BF5;
	[smem:$0x3FAE] =	sst s0  }
0x18: {  	s0 =	sld [smem:$0x3F91];
	_ =	swait.ge [sflag:s4], $0x0  }
0x19: {  	s7 =	sld [smem:$0x3F92]  }
0x1a: {  	s8 =	sadd.s32 $0xFFFFE003, lr  }
0x1b: {  	s9 =	sadd.s32 $0xFFFFFEF7, lr;
	s5 =	simm.s32 $0xFFFFFFFF;
	p2 =	slt.u32 s8, $0xFFFFF086  }
0x1c: {  	p1 =	slt.u32 s9, $0xF7A;
	s5 =	simm.s32 @!p2 $0x0  }
0x1d: {  	s5 =	simm.s32 @p1 $0x1;
	p0 =	seq.s32 s7, s2  }
0x1e: {  	s7 =	smul.u32 @!p0 $0xF7A, s2;
	p2 =	seq.s32 @!p0 s5, $0x0  }
0x1f: {  	s9 =	smul.u32 $0xF7A, s1;
	s8 =	simm.s32 @!p0 $0x1BF5;
	p2 =	por !p2, p0  }
0x20: {  	[sflag:s8] =	ssyncset.s32 @!p0 $0xFFFFF086;
	s6 =	sadd.s32 @!p0 s3, s7;
	s7 =	simm.s32 @!p0 $0x108  }
0x21: {  	s3 =	sadd.s32 s3, s9;
	s6 =	sadd.s32 @!p0 $0x88, s6;
	s7 =	simm.s32 @p2 $0x1082  }
0x22: {  	[simem:s7], [sflag:s8] =	dma.local @!p0 [hbm:s6], $0xF7A  }
0x23: {  	s9 =	sor.u32 $0xD0000000, s2;
	s6 =	simm.s32 $0x108;
	_ =	swait.ge @!p0 [sflag:s8], $0x0  }
0x24: {  	s3 =	sadd.s32 $0x88, s3;
	s6 =	simm.s32 @!p1 $0x1082;
	[sflag:s4] =	ssyncset.s32 $0xFFFFF086  }
0x25: {  	[simem:s6], [sflag:s4] =	dma.local [hbm:s3], $0xF7A  }
0x26: {  	[smem:$0x3F92] =	sst s1;
	(tag) =	ssettag s2;
	_ =	strace s9  }
0x27: {  	s1 =	sld [smem:$0x3FA2]  }
0x28: {  	s2 =	sld [smem:$0x3FA3]  }
0x29: {  	s4 =	sld [smem:$0x3FA5]  }
0x2a: {  	p0 =	seq.s32 s5, $0x0;
	s5 =	sld [smem:$0x3FA6]  }
0x2b: {  	s6 =	sld [smem:$0x3FA7]  }
0x2c: {  	s7 =	sld [smem:$0x3FA8]  }
0x2d: {  	s3 =	simm.s32 $0x108;
	s8 =	sld [smem:$0x3FA9]  }
0x2e: {  	s3 =	simm.s32 @!p0 $0x1082;
	s9 =	sld [smem:$0x3FAA]  }
0x2f: {  	lr =	sadd.s32 s0, s3;
	s0 =	sld [smem:$0x3FA1]  }
0x30: {  	s3 =	sld [smem:$0x3FA4]  }
0x31: {  	[smem:$0x3FAD] =	sst s10  }
0x32: {  	s10 =	sld [smem:$0x3FAB];
	_ =	sdelay $0x3  }
0x33: {  	p0 =	seq.s32 s10, $0x1;
	s10 =	sld [smem:$0x3FAD];
	_ =	sdelay $0x3  }
0x34: {  	[smem:$0x3FAD] =	sst s10  }
0x35: {  	s10 =	sld [smem:$0x3FAC];
	_ =	sdelay $0x3  }
0x36: {  	p1 =	seq.s32 s10, $0x1;
	s10 =	sld [smem:$0x3FAD];
	_ =	sdelay $0x3  }
0x37: {  	[smem:$0x3FAD] =	sst s10  }
0x38: {  	s10 =	sld [smem:$0x3FAE]  }
0x39: {  	_ = 	snop;
	(pc) =	sbr.ind lr, $3  }
0x3a: {  	_ = 	snop  }
0x3b: {  	_ = 	snop  }
0x3c: {  	p2 =	seq.s32 s10, $0x1;
	s10 =	sld [smem:$0x3FAD]  }
0x3d: {  	_ =	shalt  }
0x3e: {  	_ =	shalt  }
0x3f: {  	_ =	shalt  }
0x40: {  	_ =	shalt  }
0x41: {  	_ =	shalt  }
0x42: {  	_ =	shalt  }
0x43: {  	_ =	shalt  }
0x44: {  	_ =	shalt  }
0x45: {  	_ =	shalt  }
0x46: {  	_ =	shalt  }
0x47: {  	_ =	shalt  }
0x48: {  	_ =	shalt  }
0x49: {  	_ =	shalt  }
0x4a: {  	_ =	shalt  }
0x4b: {  	_ =	shalt  }
0x4c: {  	_ =	shalt  }
0x4d: {  	_ =	shalt  }
0x4e: {  	_ =	shalt  }
0x4f: {  	_ =	shalt  }
0x50: {  	_ =	shalt  }
0x51: {  	_ =	shalt  }
0x52: {  	_ =	shalt  }
0x53: {  	_ =	shalt  }
0x54: {  	_ =	shalt  }
0x55: {  	_ =	shalt  }
0x56: {  	_ =	shalt  }
0x57: {  	_ =	shalt  }
0x58: {  	_ =	shalt  }
0x59: {  	_ =	shalt  }
0x5a: {  	_ =	shalt  }
0x5b: {  	_ =	shalt  }
0x5c: {  	_ =	shalt  }
0x5d: {  	_ =	shalt  }
0x5e: {  	_ =	shalt  }
0x5f: {  	_ =	shalt  }
0x60: {  	_ =	shalt  }
0x61: {  	_ =	shalt  }
0x62: {  	_ =	shalt  }
0x63: {  	_ =	shalt  }
0x64: {  	_ =	shalt  }
0x65: {  	_ =	shalt  }
0x66: {  	_ =	shalt  }
0x67: {  	_ =	shalt  }
0x68: {  	_ =	shalt  }
0x69: {  	_ =	shalt  }
0x6a: {  	_ =	shalt  }
0x6b: {  	_ =	shalt  }
0x6c: {  	_ =	shalt  }
0x6d: {  	_ =	shalt  }
0x6e: {  	_ =	shalt  }
0x6f: {  	_ =	shalt  }
0x70: {  	_ =	shalt  }
0x71: {  	_ =	shalt  }
0x72: {  	_ =	shalt  }
0x73: {  	_ =	shalt  }
0x74: {  	_ =	shalt  }
0x75: {  	_ =	shalt  }
0x76: {  	_ =	shalt  }
0x77: {  	_ =	shalt  }
0x78: {  	_ =	shalt  }
0x79: {  	_ =	shalt  }
0x7a: {  	_ =	shalt  }
0x7b: {  	_ =	shalt  }
0x7c: {  	_ =	shalt  }
0x7d: {  	_ =	shalt  }
0x7e: {  	_ =	shalt  }
0x7f: {  	_ =	shalt  }
0x80: {  	_ =	shalt  }
0x81: {  	_ =	shalt  }
0x82: {  	_ =	shalt  }
0x83: {  	_ =	shalt  }
0x84: {  	_ =	shalt  }
0x85: {  	_ =	shalt  }
0x86: {  	_ =	shalt  }
0x87: {  	_ =	shalt  }
.Lfunc_end0:
.L_simem_size_0:
called_computation.2_lowered:
.L_overlay_start_0:
0x88: {  	s2 =	sld [smem:$0x3FD9]  }
0x89: {  	s3 =	sld [smem:$0x3FFE];
	_ =	sdelay $0x1  }
0x8a: {  	s1 =	srdreg.scid  }
0x8b: {  	s0 =	sand.u32 $0x1, s1  }
0x8c: {  	s16 =	sshll.u32 s0, $0xA;
	s2 =	sadd.s32 s3, s2  }
0x8d: {  	s2 =	sadd.s32 s2, s16  }
0x8e: {  	[smem:$0x3FB9] =	sst s2  }
0x8f: {  	_ = 	snop  }
0x90: {  	(tm) =	ssettm $0x1  }
0x91: {  	s17 =	sld [smem:$0x3FFB];
	_ =	sdelay $0x3  }
0x92: {  	_ =	strace s17  }
0x93: {  	s2 =	sld [smem:$0x3FFC];
	_ =	sdelay $0x3  }
0x94: {  	_ =	strace s2  }
0x95: {  	s2 =	sld [smem:$0x3FFD];
	_ =	sdelay $0x3  }
0x96: {  	_ =	strace s2  }
0x97: {  	_ =	strace $0x8FFFFFFF  }
0x98: {  	s18 =	sld [smem:$0x3FDB];
	_ =	sdelay $0x1  }
0x99: {  	s19 =	simm.s32 $_scs_section_size  }
0x9a: {  	s4 =	simm.s32 $_size__tile_overlayer_lowered;
	s5 =	simm.s32 $_tile_overlayer_lowered  }
0x9b: {  	s22 =	simm.s32 $0x1BFF;
	s21 =	sshll.u32 s5, $0x1;
	s2 =	sadd.s32 s19, s18  }
0x9c: {  	s6 =	simm.s32 $0x0;
	s20 =	sshll.u32 s4, $0x1;
	s4 =	sadd.s32 s21, s2  }
0x9d: {  	[timem:s6], [sflag:s22] =	dma.local [hbm:s4], s20  }
0x9e: {  	_ =	swait.ge [sflag:s22], s20  }
0x9f: {  	s3 =	ssub.s32 $0x0, s20;
	[sflag:s22] =	ssyncset.done $0x0  }
0xa0: {  	[sflag:s22] =	ssyncadd.s32 s3;
	_ =	sdelay $0x1  }
0xa1: {  	s23 =	simm.s32 $0x1B8B  }
0xa2: {  	_ =	swait.ge [sflag:s23], $0x1  }
0xa3: {  	[sflag:s23] =	ssyncset.done $0x0  }
0xa4: {  	s25 =	simm.s32 $0x1B8E;
	s24 =	sld [smem:$0x3FFE];
	[sflag:s23] =	ssyncadd.s32 $0xFFFFFFFF  }
0xa5: {  	s26 =	simm.s32 $execute0_lowered;
	[smem:$0x3FD2] =	sst s25  }
0xa6: {  	s4 =	sshll.u32 s26, $0x1;
	_ =	strace $0x8000004C;
	[dreg:$0x1] =	wrdreg $0xFFFFFFFF  }
0xa7: {  	s28 =	simm.s32 $_size_execute0_lowered;
	s2 =	sadd.s32 s2, s4;
	[dreg:$0x0] =	wrdreg $0x0  }
0xa8: {  	s4 =	sshll.u32 s28, $0x1;
	[dreg:$0x2] =	wrdreg s2  }
0xa9: {  	[dreg:$0x3] =	wrdreg s4  }
0xaa: {  	[dreg:$0x4] =	wrdreg $0xC0  }
0xab: {  	_ =	task [dreg:s6], $0x5FFFF  }
0xac: {  	[dreg:$0x1] =	wrdreg $0xFFFFFFFF  }
0xad: {  	[dreg:$0x0] =	wrdreg $0x60  }
0xae: {  	[dreg:$0x2] =	wrdreg s24  }
0xaf: {  	[dreg:$0x3] =	wrdreg $0xB7800  }
0xb0: {  	[dreg:$0x4] =	wrdreg $0x9  }
0xb1: {  	_ =	task.clear_ibuf [dreg:s6], $0x5FFFF;
	_ =	strace $0x9000004C  }
0xb2: {  	s29 =	simm.s32 $0x9;
	_ =	strace $0x8000004E  }
0xb3: {  	_ =	swait.ge [sflag:s29], $0x1  }
0xb4: {  	[sflag:s29] =	ssyncadd.s32 $0xFFFFFFFF  }
0xb5: {  	_ =	strace $0x9000004E  }
0xb6: {  	_ =	sfence  }
0xb7: {  	s30 =	sld [smem:$0x0];
	_ =	sdelay $0x2  }
0xb8: {  	s31 =	sshll.u32 s1, $0xD;
	s1 =	sshrl.u32 s1, $0x2  }
0xb9: {  	s3 =	sand.u32 $0x4000, s31;
	s1 =	sadd.s32 s1, s30  }
0xba: {  	s0 =	sor.u32 s3, s0;
	s1 =	sshll.u32 s1, $0x11  }
0xbb: {  	s0 =	sor.u32 s1, s0  }
0xbc: {  	s0 =	sadd.s32 $0x8F2B, s0  }
0xbd: {  	[sflag:s0] =	ssyncadd.remote.s32 $0x1  }
0xbe: {  	_ =	sfence.sel $0xFFFF  }
0xbf: {  	[dreg:$0x0] =	wrdreg $0xFFFFFFFF;
	(pc) =	sbr.abs _section_cstart, $3  }
0xc0: {  	[dreg:$0x1] =	wrdreg $0xFFFFFFFF  }
0xc1: {  	_ =	task.clear_ibuf [dreg:s6], $0x2FFFF;
	_ =	strace $0x9FFFFFFF  }
0xc2: {  	(tm) =	ssettm $0x7FFFFFFF  }
0xc3: {  	_ =	shalt  }
tec
execute0_lowered:
.L_overlay_start_1:
0x0: {  	(tag) =	ssettag $0x1  }
0x1: {  	s6 =	rddreg [dreg:$0x0]  }
0x2: {  	s0 =	srdreg.scid;
	s2 =	rddreg [dreg:$0x1]  }
0x3: {  	s1 =	stileid.u32;
	s3 =	simm.s32 $0x0;
	s14 =	simm.s32 $0x2780  }
0x4: {  	s15 =	simm.s32 $0x50;
	s16 =	simm.s32 $0x6780;
	s17 =	simm.s32 $0x8F80  }
0x5: {  	s18 =	simm.s32 $0x1;
	s19 =	simm.s32 $0x2;
	s20 =	simm.s32 $0x3  }
0x6: {  	s21 =	simm.s32 $0x4;
	s22 =	simm.s32 $0x6480;
	s23 =	simm.s32 $0x6500  }
0x7: {  	s24 =	simm.s32 $0x26C0;
	s25 =	simm.s32 $0x6580;
	s26 =	simm.s32 $0x0  }
0x8: {  	s7 =	sand.u32 $0x1, s0;
	[smem:$0x7FF] =	sst s3;
	s9 =	smul.u32 $0x278, s1  }
0x9: {  	s12 =	smul.u32 $0x4F000, s1;
	s13 =	sadd.s32 $0x128400, s2;
	p0 =	seq.s32 s1, $0xF  }
0xa: {  	s4 =	sshll.u32 s7, $0x4;
	_ =	strace $0x8000004D;
	s10 =	smul.u32 $0x2710, s7  }
0xb: {  	s7 =	ssub.s32 $0x2, s7;
	s5 =	sor.u32 s1, s4;
	s4 =	sadd.s32 $0x20400, s6  }
0xc: {  	s31 =	sshrl.u32 s7, $0x1;
	s12 =	sshrl.u32 s12, $0x2;
	s8 =	smul.u32 $0x4E2, s5  }
0xd: {  	s5 =	sshll.u32 s5, $0xB;
	s9 =	sadd.s32 s9, s10;
	s10 =	ssub.s32 s7, s31  }
0xe: {  	s12 =	sadd.s32 s12, s2;
	s11 =	sadd.s32 s5, s6;
	s5 =	sadd.s32 $0x1DC00, s6  }
0xf: {  	s9 =	sshll.u32 s9, $0x4;
	s12 =	sshrl.u32 @!p0 s12, $0x3;
	s8 =	sadd.s32 s8, s6  }
0x10: {  	s9 =	sadd.s32 s9, s6;
	s7 =	sadd.s32 $0xDC00, s11;
	s11 =	sshll.u32 @!p0 s1, $0x6  }
0x11: {  	s6 =	sadd.s32 $0x3E00, s8;
	s8 =	sadd.s32 $0x47600, s9;
	s9 =	smax.u32 s10, $0x1  }
0x12: {  	s10 =	sshrl.u32 @p0 s13, $0x3;
	s11 =	sor.u32 @!p0 $0x1C05, s11;
	s13 =	simm.s32 $0x5  }
.LBB2_1:
0x13: {  	s28 =	simm.s32 @p0 $0x1FC5  }
0x14: {  	[spmem:s10], [sflag:s28] =	dma.local @p0 [hbm:s5], $0x2080  }
0x15: {  	s28 =	simm.s32 @p0 $0x5  }
0x16: {  	_ =	swait.ge @p0 [sflag:s28], $0x2080  }
0x17: {  	[sflag:s28] =	ssyncset.done @p0 $0x0  }
0x18: {  	[sflag:s28] =	ssyncadd.s32 @p0 $0xFFFFDF80;
	s28 =	simm.s32 @!p0 $0x5  }
0x19: {  	[spmem:s12], [sflag:s11] =	dma.local @!p0 [hbm:s5], $0x2780  }
0x1a: {  	_ =	swait.ge @!p0 [sflag:s28], $0x2780  }
0x1b: {  	[sflag:s28] =	ssyncset.done @!p0 $0x0  }
0x1c: {  	[sflag:s28] =	ssyncadd.s32 @!p0 $0xFFFFD880  }
0x1d: {  	[tilespmem:s3], [sflag:$0x5] =	stream.linear.gather [hbm4b:s6+s3], $0x2710, $0x38;
	[tilespmem:$0x1F000] =	vst v63  }
0x1e: {  	_ =	swait.ge [sflag:s13], $0x2710  }
0x1f: {  	[sflag:s13] =	ssyncset.done $0x0  }
0x20: {  	[sflag:s13] =	ssyncadd.s32 $0xFFFFD8F0  }
0x21: {  	[tilespmem:s14], [sflag:$0x5] =	stream.linear.gather [hbm4b:s7+s3], $0x3E80, $0x38;
	[tilespmem:$0x1F000] =	vst v63  }
0x22: {  	_ =	swait.ge [sflag:s13], $0x3E80  }
0x23: {  	[sflag:s13] =	ssyncset.done $0x0  }
0x24: {  	[sflag:s13] =	ssyncadd.s32 $0xFFFFC180  }
0x25: {  	[bflag:$0x0] =	sbarrier.arrive $0xFFFF  }
0x26: {  	[tilespmem:s16], [sflag:$0x1] =	stream.indirect.gather [hbm4b:s4+s15], $0x80, s3, s15, $0xb8;
	[tilespmem:$0x1F000] =	vst v63  }
0x27: {  	_ = 	snop  }
0x28: {  	[tilespmem:s17], [sflag:$0x2] =	stream.indirect.gather [hbm4b:s4+s15], $0x80, s15, s15, $0xb8;
	[tilespmem:$0x1F000] =	vst v63  }
0x29: {  	_ =	swait.ge [sflag:s18], $0x2800  }
0x2a: {  	[sflag:s18] =	ssyncset.done $0x0  }
0x2b: {  	s28 =	simm.s32 $0x2780;
	[sflag:s18] =	ssyncadd.s32 $0xFFFFD800  }
0x2c: {  	[spmem:s2] =	stream.indirect.scatter.add.f32 [tilespmem:s16], [sflag:$0x3], $0x80, s28, s15, $0xb8;
	[tilespmem:$0x1F000] =	vst v63  }
0x2d: {  	_ =	swait.ge [sflag:s19], $0x2800  }
0x2e: {  	[sflag:s19] =	ssyncset.done $0x0  }
0x2f: {  	s28 =	simm.s32 $0x2800;
	[sflag:s19] =	ssyncadd.s32 $0xFFFFD800  }
0x30: {  	[spmem:s2] =	stream.indirect.scatter.add.f32 [tilespmem:s17], [sflag:$0x4], $0x80, s28, s15, $0xb8;
	[tilespmem:$0x1F000] =	vst v63  }
0x31: {  	_ =	swait.ge [sflag:s20], $0x2800  }
0x32: {  	[sflag:s20] =	ssyncset.done $0x0  }
0x33: {  	s28 =	simm.s32 $0xA0;
	[sflag:s20] =	ssyncadd.s32 $0xFFFFD800  }
0x34: {  	[tilespmem:s16], [sflag:$0x1] =	stream.indirect.gather [hbm4b:s4+s15], $0x80, s28, s15, $0xb8;
	[tilespmem:$0x1F000] =	vst v63  }
0x35: {  	_ =	swait.ge [sflag:s21], $0x2800  }
0x36: {  	s29 =	simm.s32 $0x400;
	[sflag:s21] =	ssyncset.done $0x0  }
0x37: {  	s30 =	simm.s32 $0x190;
	s28 =	simm.s32 $0xF0;
	[sflag:s21] =	ssyncadd.s32 $0xFFFFD800  }
.LBB2_2:
0x38: {  	[tilespmem:s17], [sflag:$0x2] =	stream.indirect.gather [hbm4b:s4+s15], $0x80, s28, s15, $0xb8;
	[tilespmem:$0x1F000] =	vst v63  }
0x39: {  	s31 =	smov.u32 s29;
	s28 =	smov.u32 s30  }
0x3a: {  	p1 =	sne.s32 s29, $0xF000;
	s29 =	sadd.s32 $0x400, s29;
	_ =	swait.ge [sflag:s18], $0x2800  }
0x3b: {  	s31 =	sshra.s32 s31, $0x2;
	[sflag:s18] =	ssyncset.done $0x0  }
0x3c: {  	s0 =	sadd.s32 $0x2780, s31;
	[sflag:s18] =	ssyncadd.s32 $0xFFFFD800  }
0x3d: {  	[spmem:s2] =	stream.indirect.scatter.add.f32 [tilespmem:s16], [sflag:$0x3], $0x80, s0, s15, $0xb8;
	[tilespmem:$0x1F000] =	vst v63  }
0x3e: {  	_ =	swait.ge [sflag:s19], $0x2800  }
0x3f: {  	[sflag:s19] =	ssyncset.done $0x0  }
0x40: {  	s0 =	sadd.s32 $0x2800, s31;
	[sflag:s19] =	ssyncadd.s32 $0xFFFFD800  }
0x41: {  	[spmem:s2] =	stream.indirect.scatter.add.f32 [tilespmem:s17], [sflag:$0x4], $0x80, s0, s15, $0xb8;
	[tilespmem:$0x1F000] =	vst v63  }
0x42: {  	_ =	swait.ge [sflag:s20], $0x2800  }
0x43: {  	[sflag:s20] =	ssyncset.done $0x0  }
.Ltmp0:
0x44: {  	s0 =	sadd.s32 $0xFFFFFFB0, s30;
	[sflag:s20] =	ssyncadd.s32 $0xFFFFD800;
	(pc) =	sbr.rel @p1 .LBB2_2-.Ltmp0, $4  }
0x45: {  	[tilespmem:s16], [sflag:$0x1] =	stream.indirect.gather [hbm4b:s4+s15], $0x80, s0, s15, $0xb8;
	[tilespmem:$0x1F000] =	vst v63  }
0x46: {  	_ =	swait.ge [sflag:s21], $0x2800  }
0x47: {  	[sflag:s21] =	ssyncset.done $0x0  }
0x48: {  	s30 =	sadd.s32 $0xA0, s30;
	[sflag:s21] =	ssyncadd.s32 $0xFFFFD800  }
0x49: {  	[tilespmem:s17], [sflag:$0x2] =	stream.indirect.gather [hbm4b:s4+s15], $0x80, s28, s15, $0xb8;
	[tilespmem:$0x1F000] =	vst v63  }
0x4a: {  	_ =	swait.ge [sflag:s18], $0x2800  }
0x4b: {  	[sflag:s18] =	ssyncset.done $0x0  }
0x4c: {  	[sflag:s18] =	ssyncadd.s32 $0xFFFFD800  }
0x4d: {  	[spmem:s2] =	stream.indirect.scatter.add.f32 [tilespmem:s16], [sflag:$0x3], $0x80, s22, s15, $0xb8;
	[tilespmem:$0x1F000] =	vst v63  }
0x4e: {  	_ =	swait.ge [sflag:s19], $0x2800  }
0x4f: {  	[sflag:s19] =	ssyncset.done $0x0  }
0x50: {  	[sflag:s19] =	ssyncadd.s32 $0xFFFFD800  }
0x51: {  	[spmem:s2] =	stream.indirect.scatter.add.f32 [tilespmem:s17], [sflag:$0x4], $0x80, s23, s15, $0xb8;
	[tilespmem:$0x1F000] =	vst v63  }
0x52: {  	_ =	swait.ge [sflag:s20], $0x2800  }
0x53: {  	[sflag:s20] =	ssyncset.done $0x0  }
0x54: {  	[sflag:s20] =	ssyncadd.s32 $0xFFFFD800  }
0x55: {  	[tilespmem:s16], [sflag:$0x1] =	stream.indirect.gather [hbm4b:s4+s15], $0x80, s24, s15, $0xb8;
	[tilespmem:$0x1F000] =	vst v63  }
0x56: {  	_ =	swait.ge [sflag:s21], $0x2800  }
0x57: {  	[sflag:s21] =	ssyncset.done $0x0  }
0x58: {  	[sflag:s21] =	ssyncadd.s32 $0xFFFFD800  }
0x59: {  	_ =	swait.ge [sflag:s18], $0x2800  }
0x5a: {  	[sflag:s18] =	ssyncset.done $0x0  }
0x5b: {  	[sflag:s18] =	ssyncadd.s32 $0xFFFFD800  }
0x5c: {  	[spmem:s2] =	stream.indirect.scatter.add.f32 [tilespmem:s16], [sflag:$0x3], $0x80, s25, s15, $0xb8;
	[tilespmem:$0x1F000] =	vst v63  }
0x5d: {  	_ =	swait.ge [sflag:s20], $0x2800  }
0x5e: {  	[sflag:s20] =	ssyncset.done $0x0  }
0x5f: {  	[sflag:s20] =	ssyncadd.s32 $0xFFFFD800  }
0x60: {  	s0 =	simm.s32 @p0 $0x1FC5;
	[bflag:$0x0] =	sbarrier.arrive $0xFFFF  }
0x61: {  	[hbm:s8], [sflag:s0] =	dma.local @p0 [spmem:s10], $0x2080  }
0x62: {  	s0 =	simm.s32 @p0 $0x5  }
0x63: {  	s26 =	sadd.s32 $0x1, s26;
	_ =	swait.ge @p0 [sflag:s0], $0x2080  }
0x64: {  	p1 =	sne.s32 s26, s9;
	[sflag:s0] =	ssyncset.done @p0 $0x0  }
.Ltmp1:
0x65: {  	[sflag:s0] =	ssyncadd.s32 @p0 $0xFFFFDF80;
	s0 =	simm.s32 @!p0 $0x5;
	(pc) =	sbr.rel @p1 .LBB2_1-.Ltmp1, $4  }
0x66: {  	[hbm:s8], [sflag:s11] =	dma.local @!p0 [spmem:s12], $0x2780  }
0x67: {  	_ =	swait.ge @!p0 [sflag:s0], $0x2780  }
0x68: {  	[sflag:s0] =	ssyncset.done @!p0 $0x0  }
0x69: {  	[sflag:s0] =	ssyncadd.s32 @!p0 $0xFFFFD880  }
0x6a: {  	_ =	sfence.sel $0x180000  }
0x6b: {  	[bflag:$0x0] =	sbarrier.arrive $0xFFFF  }
0x6c: {  	_ =	strace $0x9000004D  }
0x6d: {  	[bflag:$0x2] =	sbarrier.arrive $0xFFFF  }
0x6e: {  	p0 =	sne.s32 s1, $0x0;
	s0 =	rddreg [dreg:$0x2]  }
0x6f: {  	s0 =	sadd.s32 @!p0 $0x100000, s0  }
0x70: {  	[sflag:s0] =	ssyncadd.tile.s32 @!p0 $0x1;
	_ =	shalt  }
.Lfunc_end2:
_tile_overlayer_lowered:
.L_overlay_start_2:
0x71: {  	(tag) =	ssettag $0x2  }
0x72: {  	s0 =	rddreg [dreg:$0x0];
	s2 =	stileid.u32  }
0x73: {  	s1 =	rddreg [dreg:$0x1];
	p0 =	sne.s32 s2, $0x0  }
0x74: {  	s3 =	rddreg [dreg:$0x2];
	[bflag:$0x3] =	sbarrier.arrive $0xFFFF;
	s2 =	simm.s32 @!p0 $0x1C05  }
0x75: {  	[timem:s3], [sflag:s2] =	dma.local @!p0 [hbm:s0], s1  }
0x76: {  	s0 =	simm.s32 @!p0 $0x5  }
0x77: {  	_ =	swait.ge @!p0 [sflag:s0], s1  }
0x78: {  	s1 =	ssub.s32 @!p0 $0x0, s1;
	[sflag:s0] =	ssyncset.done @!p0 $0x0  }
0x79: {  	[sflag:s0] =	ssyncadd.s32 @!p0 s1  }
0x7a: {  	[bflag:$0x3] =	sbarrier.arrive $0xFFFF  }
0x7b: {  	_ =	shalt  }

// kernel: kernel.22.cloned.1.call-start
scs
__scs_entry_jumppad:
0x0: {  	(pc) =	sbr.rel $0x88, $3  }
0x1: {  	(tag) =	ssettag $0x0;
	lr =	simm.s32 $0x1  }
0x2: {  	[smem:$0x3F92] =	sst lr;
	_ =	strace $0xD0000000  }
0x3: {  	_ = 	snop  }
0x4: {  	_ = 	snop  }
0x5: {  	_ = 	snop  }
0x6: {  	_ = 	snop  }
0x7: {  	_ = 	snop  }
__scs_overlays_trampoline_lowered:
0x8: {  	[smem:$0x3FA1] =	sst s0  }
0x9: {  	[smem:$0x3FA2] =	sst s1  }
0xa: {  	[smem:$0x3FA3] =	sst s2  }
0xb: {  	[smem:$0x3FA4] =	sst s3  }
0xc: {  	[smem:$0x3FA5] =	sst s4  }
0xd: {  	[smem:$0x3FA6] =	sst s5  }
0xe: {  	[smem:$0x3FA7] =	sst s6  }
0xf: {  	[smem:$0x3FA8] =	sst s7  }
0x10: {  	[smem:$0x3FA9] =	sst s8  }
0x11: {  	[smem:$0x3FAA] =	sst s9;
	s0 =	simm.s32 @!p0 $0x0  }
0x12: {  	s1 =	sld [smem:$0x3F90];
	s0 =	simm.s32 @p0 $0x1  }
0x13: {  	[smem:$0x3FAB] =	sst s0;
	s0 =	simm.s32 @!p1 $0x0  }
0x14: {  	s2 =	sld [smem:$0x3F8F];
	s0 =	simm.s32 @p1 $0x1  }
0x15: {  	[smem:$0x3FAC] =	sst s0;
	s0 =	simm.s32 @!p2 $0x0  }
0x16: {  	s3 =	sld [smem:$0x3FDB];
	s0 =	simm.s32 @p2 $0x1  }
0x17: {  	s4 =	simm.s32 $0x1BF5;
	[smem:$0x3FAE] =	sst s0  }
0x18: {  	s0 =	sld [smem:$0x3F91];
	_ =	swait.ge [sflag:s4], $0x0  }
0x19: {  	s7 =	sld [smem:$0x3F92]  }
0x1a: {  	s8 =	sadd.s32 $0xFFFFE003, lr  }
0x1b: {  	s9 =	sadd.s32 $0xFFFFFEF7, lr;
	s5 =	simm.s32 $0xFFFFFFFF;
	p2 =	slt.u32 s8, $0xFFFFF086  }
0x1c: {  	p1 =	slt.u32 s9, $0xF7A;
	s5 =	simm.s32 @!p2 $0x0  }
0x1d: {  	s5 =	simm.s32 @p1 $0x1;
	p0 =	seq.s32 s7, s2  }
0x1e: {  	s7 =	smul.u32 @!p0 $0xF7A, s2;
	p2 =	seq.s32 @!p0 s5, $0x0  }
0x1f: {  	s9 =	smul.u32 $0xF7A, s1;
	s8 =	simm.s32 @!p0 $0x1BF5;
	p2 =	por !p2, p0  }
0x20: {  	[sflag:s8] =	ssyncset.s32 @!p0 $0xFFFFF086;
	s6 =	sadd.s32 @!p0 s3, s7;
	s7 =	simm.s32 @!p0 $0x108  }
0x21: {  	s3 =	sadd.s32 s3, s9;
	s6 =	sadd.s32 @!p0 $0x88, s6;
	s7 =	simm.s32 @p2 $0x1082  }
0x22: {  	[simem:s7], [sflag:s8] =	dma.local @!p0 [hbm:s6], $0xF7A  }
0x23: {  	s9 =	sor.u32 $0xD0000000, s2;
	s6 =	simm.s32 $0x108;
	_ =	swait.ge @!p0 [sflag:s8], $0x0  }
0x24: {  	s3 =	sadd.s32 $0x88, s3;
	s6 =	simm.s32 @!p1 $0x1082;
	[sflag:s4] =	ssyncset.s32 $0xFFFFF086  }
0x25: {  	[simem:s6], [sflag:s4] =	dma.local [hbm:s3], $0xF7A  }
0x26: {  	[smem:$0x3F92] =	sst s1;
	(tag) =	ssettag s2;
	_ =	strace s9  }
0x27: {  	s1 =	sld [smem:$0x3FA2]  }
0x28: {  	s2 =	sld [smem:$0x3FA3]  }
0x29: {  	s4 =	sld [smem:$0x3FA5]  }
0x2a: {  	p0 =	seq.s32 s5, $0x0;
	s5 =	sld [smem:$0x3FA6]  }
0x2b: {  	s6 =	sld [smem:$0x3FA7]  }
0x2c: {  	s7 =	sld [smem:$0x3FA8]  }
0x2d: {  	s3 =	simm.s32 $0x108;
	s8 =	sld [smem:$0x3FA9]  }
0x2e: {  	s3 =	simm.s32 @!p0 $0x1082;
	s9 =	sld [smem:$0x3FAA]  }
0x2f: {  	lr =	sadd.s32 s0, s3;
	s0 =	sld [smem:$0x3FA1]  }
0x30: {  	s3 =	sld [smem:$0x3FA4]  }
0x31: {  	[smem:$0x3FAD] =	sst s10  }
0x32: {  	s10 =	sld [smem:$0x3FAB];
	_ =	sdelay $0x3  }
0x33: {  	p0 =	seq.s32 s10, $0x1;
	s10 =	sld [smem:$0x3FAD];
	_ =	sdelay $0x3  }
0x34: {  	[smem:$0x3FAD] =	sst s10  }
0x35: {  	s10 =	sld [smem:$0x3FAC];
	_ =	sdelay $0x3  }
0x36: {  	p1 =	seq.s32 s10, $0x1;
	s10 =	sld [smem:$0x3FAD];
	_ =	sdelay $0x3  }
0x37: {  	[smem:$0x3FAD] =	sst s10  }
0x38: {  	s10 =	sld [smem:$0x3FAE]  }
0x39: {  	_ = 	snop;
	(pc) =	sbr.ind lr, $3  }
0x3a: {  	_ = 	snop  }
0x3b: {  	_ = 	snop  }
0x3c: {  	p2 =	seq.s32 s10, $0x1;
	s10 =	sld [smem:$0x3FAD]  }
0x3d: {  	_ =	shalt  }
0x3e: {  	_ =	shalt  }
0x3f: {  	_ =	shalt  }
0x40: {  	_ =	shalt  }
0x41: {  	_ =	shalt  }
0x42: {  	_ =	shalt  }
0x43: {  	_ =	shalt  }
0x44: {  	_ =	shalt  }
0x45: {  	_ =	shalt  }
0x46: {  	_ =	shalt  }
0x47: {  	_ =	shalt  }
0x48: {  	_ =	shalt  }
0x49: {  	_ =	shalt  }
0x4a: {  	_ =	shalt  }
0x4b: {  	_ =	shalt  }
0x4c: {  	_ =	shalt  }
0x4d: {  	_ =	shalt  }
0x4e: {  	_ =	shalt  }
0x4f: {  	_ =	shalt  }
0x50: {  	_ =	shalt  }
0x51: {  	_ =	shalt  }
0x52: {  	_ =	shalt  }
0x53: {  	_ =	shalt  }
0x54: {  	_ =	shalt  }
0x55: {  	_ =	shalt  }
0x56: {  	_ =	shalt  }
0x57: {  	_ =	shalt  }
0x58: {  	_ =	shalt  }
0x59: {  	_ =	shalt  }
0x5a: {  	_ =	shalt  }
0x5b: {  	_ =	shalt  }
0x5c: {  	_ =	shalt  }
0x5d: {  	_ =	shalt  }
0x5e: {  	_ =	shalt  }
0x5f: {  	_ =	shalt  }
0x60: {  	_ =	shalt  }
0x61: {  	_ =	shalt  }
0x62: {  	_ =	shalt  }
0x63: {  	_ =	shalt  }
0x64: {  	_ =	shalt  }
0x65: {  	_ =	shalt  }
0x66: {  	_ =	shalt  }
0x67: {  	_ =	shalt  }
0x68: {  	_ =	shalt  }
0x69: {  	_ =	shalt  }
0x6a: {  	_ =	shalt  }
0x6b: {  	_ =	shalt  }
0x6c: {  	_ =	shalt  }
0x6d: {  	_ =	shalt  }
0x6e: {  	_ =	shalt  }
0x6f: {  	_ =	shalt  }
0x70: {  	_ =	shalt  }
0x71: {  	_ =	shalt  }
0x72: {  	_ =	shalt  }
0x73: {  	_ =	shalt  }
0x74: {  	_ =	shalt  }
0x75: {  	_ =	shalt  }
0x76: {  	_ =	shalt  }
0x77: {  	_ =	shalt  }
0x78: {  	_ =	shalt  }
0x79: {  	_ =	shalt  }
0x7a: {  	_ =	shalt  }
0x7b: {  	_ =	shalt  }
0x7c: {  	_ =	shalt  }
0x7d: {  	_ =	shalt  }
0x7e: {  	_ =	shalt  }
0x7f: {  	_ =	shalt  }
0x80: {  	_ =	shalt  }
0x81: {  	_ =	shalt  }
0x82: {  	_ =	shalt  }
0x83: {  	_ =	shalt  }
0x84: {  	_ =	shalt  }
0x85: {  	_ =	shalt  }
0x86: {  	_ =	shalt  }
0x87: {  	_ =	shalt  }
.Lfunc_end0:
.L_simem_size_0:
called_computation.3_lowered:
.L_overlay_start_0:
0x88: {  	s2 =	sld [smem:$0x3FD9]  }
0x89: {  	s3 =	sld [smem:$0x3FFE];
	_ =	sdelay $0x1  }
0x8a: {  	s1 =	srdreg.scid  }
0x8b: {  	s0 =	sand.u32 $0x1, s1  }
0x8c: {  	s16 =	sshll.u32 s0, $0xA;
	s2 =	sadd.s32 s3, s2  }
0x8d: {  	s2 =	sadd.s32 s2, s16  }
0x8e: {  	[smem:$0x3FB9] =	sst s2  }
0x8f: {  	_ = 	snop  }
0x90: {  	(tm) =	ssettm $0x1  }
0x91: {  	s17 =	sld [smem:$0x3FFB];
	_ =	sdelay $0x3  }
0x92: {  	_ =	strace s17  }
0x93: {  	s2 =	sld [smem:$0x3FFC];
	_ =	sdelay $0x3  }
0x94: {  	_ =	strace s2  }
0x95: {  	s2 =	sld [smem:$0x3FFD];
	_ =	sdelay $0x3  }
0x96: {  	_ =	strace s2  }
0x97: {  	_ =	strace $0x8FFFFFFF  }
0x98: {  	s18 =	sld [smem:$0x3FDB];
	_ =	sdelay $0x1  }
0x99: {  	s19 =	simm.s32 $_scs_section_size  }
0x9a: {  	s4 =	simm.s32 $_size__tile_overlayer_lowered;
	s5 =	simm.s32 $_tile_overlayer_lowered  }
0x9b: {  	s22 =	simm.s32 $0x1BFF;
	s21 =	sshll.u32 s5, $0x1;
	s2 =	sadd.s32 s19, s18  }
0x9c: {  	s6 =	simm.s32 $0x0;
	s20 =	sshll.u32 s4, $0x1;
	s4 =	sadd.s32 s21, s2  }
0x9d: {  	[timem:s6], [sflag:s22] =	dma.local [hbm:s4], s20  }
0x9e: {  	_ =	swait.ge [sflag:s22], s20  }
0x9f: {  	s3 =	ssub.s32 $0x0, s20;
	[sflag:s22] =	ssyncset.done $0x0  }
0xa0: {  	[sflag:s22] =	ssyncadd.s32 s3;
	_ =	sdelay $0x1  }
0xa1: {  	s23 =	simm.s32 $0x1B8B  }
0xa2: {  	_ =	swait.ge [sflag:s23], $0x1  }
0xa3: {  	[sflag:s23] =	ssyncset.done $0x0  }
0xa4: {  	s25 =	simm.s32 $0x1B8E;
	s24 =	sld [smem:$0x3FFE];
	[sflag:s23] =	ssyncadd.s32 $0xFFFFFFFF  }
0xa5: {  	s26 =	simm.s32 $execute0_lowered;
	[smem:$0x3FD2] =	sst s25  }
0xa6: {  	s4 =	sshll.u32 s26, $0x1;
	_ =	strace $0x8000004F;
	[dreg:$0x1] =	wrdreg $0xFFFFFFFF  }
0xa7: {  	s28 =	simm.s32 $_size_execute0_lowered;
	s2 =	sadd.s32 s2, s4;
	[dreg:$0x0] =	wrdreg $0x0  }
0xa8: {  	s4 =	sshll.u32 s28, $0x1;
	[dreg:$0x2] =	wrdreg s2  }
0xa9: {  	[dreg:$0x3] =	wrdreg s4  }
0xaa: {  	[dreg:$0x4] =	wrdreg $0xC0  }
0xab: {  	_ =	task [dreg:s6], $0x5FFFF  }
0xac: {  	[dreg:$0x1] =	wrdreg $0xFFFFFFFF  }
0xad: {  	[dreg:$0x0] =	wrdreg $0x60  }
0xae: {  	[dreg:$0x2] =	wrdreg s24  }
0xaf: {  	[dreg:$0x3] =	wrdreg $0xB7800  }
0xb0: {  	[dreg:$0x4] =	wrdreg $0x9  }
0xb1: {  	_ =	task.clear_ibuf [dreg:s6], $0x5FFFF;
	_ =	strace $0x9000004F  }
0xb2: {  	s29 =	simm.s32 $0x9;
	_ =	strace $0x80000051  }
0xb3: {  	_ =	swait.ge [sflag:s29], $0x1  }
0xb4: {  	[sflag:s29] =	ssyncadd.s32 $0xFFFFFFFF  }
0xb5: {  	_ =	strace $0x90000051  }
0xb6: {  	_ =	sfence  }
0xb7: {  	s30 =	sld [smem:$0x0];
	_ =	sdelay $0x2  }
0xb8: {  	s31 =	sshll.u32 s1, $0xD;
	s1 =	sshrl.u32 s1, $0x2  }
0xb9: {  	s3 =	sand.u32 $0x4000, s31;
	s1 =	sadd.s32 s1, s30  }
0xba: {  	s0 =	sor.u32 s3, s0;
	s1 =	sshll.u32 s1, $0x11  }
0xbb: {  	s0 =	sor.u32 s1, s0  }
0xbc: {  	s0 =	sadd.s32 $0x8F2B, s0  }
0xbd: {  	[sflag:s0] =	ssyncadd.remote.s32 $0x1  }
0xbe: {  	_ =	sfence.sel $0xFFFF  }
0xbf: {  	[dreg:$0x0] =	wrdreg $0xFFFFFFFF;
	(pc) =	sbr.abs _section_cstart, $3  }
0xc0: {  	[dreg:$0x1] =	wrdreg $0xFFFFFFFF  }
0xc1: {  	_ =	task.clear_ibuf [dreg:s6], $0x2FFFF;
	_ =	strace $0x9FFFFFFF  }
0xc2: {  	(tm) =	ssettm $0x7FFFFFFF  }
0xc3: {  	_ =	shalt  }
tec
execute0_lowered:
.L_overlay_start_1:
0x0: {  	(tag) =	ssettag $0x1  }
0x1: {  	s6 =	rddreg [dreg:$0x0]  }
0x2: {  	s0 =	srdreg.scid;
	s2 =	rddreg [dreg:$0x1]  }
0x3: {  	s1 =	stileid.u32;
	s3 =	simm.s32 $0x0;
	s14 =	simm.s32 $0x2780  }
0x4: {  	s15 =	simm.s32 $0x50;
	s16 =	simm.s32 $0x6780;
	s17 =	simm.s32 $0x8F80  }
0x5: {  	s18 =	simm.s32 $0x1;
	s19 =	simm.s32 $0x2;
	s20 =	simm.s32 $0x3  }
0x6: {  	s21 =	simm.s32 $0x4;
	s22 =	simm.s32 $0x6480;
	s23 =	simm.s32 $0x6500  }
0x7: {  	s24 =	simm.s32 $0x26C0;
	s25 =	simm.s32 $0x6580;
	s26 =	simm.s32 $0x0  }
0x8: {  	s7 =	sand.u32 $0x1, s0;
	[smem:$0x7FF] =	sst s3;
	s9 =	smul.u32 $0x278, s1  }
0x9: {  	s12 =	smul.u32 $0x4F000, s1;
	s13 =	sadd.s32 $0x128400, s2;
	p0 =	seq.s32 s1, $0xF  }
0xa: {  	s4 =	sshll.u32 s7, $0x4;
	_ =	strace $0x80000050;
	s10 =	smul.u32 $0x2710, s7  }
0xb: {  	s7 =	ssub.s32 $0x2, s7;
	s5 =	sor.u32 s1, s4;
	s4 =	sadd.s32 $0x20400, s6  }
0xc: {  	s31 =	sshrl.u32 s7, $0x1;
	s12 =	sshrl.u32 s12, $0x2;
	s8 =	smul.u32 $0x4E2, s5  }
0xd: {  	s5 =	sshll.u32 s5, $0xB;
	s9 =	sadd.s32 s9, s10;
	s10 =	ssub.s32 s7, s31  }
0xe: {  	s12 =	sadd.s32 s12, s2;
	s11 =	sadd.s32 s5, s6;
	s5 =	sadd.s32 $0x1DC00, s6  }
0xf: {  	s9 =	sshll.u32 s9, $0x4;
	s12 =	sshrl.u32 @!p0 s12, $0x3;
	s8 =	sadd.s32 s8, s6  }
0x10: {  	s9 =	sadd.s32 s9, s6;
	s7 =	sadd.s32 $0xDC00, s11;
	s11 =	sshll.u32 @!p0 s1, $0x6  }
0x11: {  	s6 =	sadd.s32 $0x3E00, s8;
	s8 =	sadd.s32 $0x47600, s9;
	s9 =	smax.u32 s10, $0x1  }
0x12: {  	s10 =	sshrl.u32 @p0 s13, $0x3;
	s11 =	sor.u32 @!p0 $0x1C05, s11;
	s13 =	simm.s32 $0x5  }
.LBB2_1:
0x13: {  	s28 =	simm.s32 @p0 $0x1FC5  }
0x14: {  	[spmem:s10], [sflag:s28] =	dma.local @p0 [hbm:s5], $0x2080  }
0x15: {  	s28 =	simm.s32 @p0 $0x5  }
0x16: {  	_ =	swait.ge @p0 [sflag:s28], $0x2080  }
0x17: {  	[sflag:s28] =	ssyncset.done @p0 $0x0  }
0x18: {  	[sflag:s28] =	ssyncadd.s32 @p0 $0xFFFFDF80;
	s28 =	simm.s32 @!p0 $0x5  }
0x19: {  	[spmem:s12], [sflag:s11] =	dma.local @!p0 [hbm:s5], $0x2780  }
0x1a: {  	_ =	swait.ge @!p0 [sflag:s28], $0x2780  }
0x1b: {  	[sflag:s28] =	ssyncset.done @!p0 $0x0  }
0x1c: {  	[sflag:s28] =	ssyncadd.s32 @!p0 $0xFFFFD880  }
0x1d: {  	[tilespmem:s3], [sflag:$0x5] =	stream.linear.gather [hbm4b:s6+s3], $0x2710, $0x38;
	[tilespmem:$0x1F000] =	vst v63  }
0x1e: {  	_ =	swait.ge [sflag:s13], $0x2710  }
0x1f: {  	[sflag:s13] =	ssyncset.done $0x0  }
0x20: {  	[sflag:s13] =	ssyncadd.s32 $0xFFFFD8F0  }
0x21: {  	[tilespmem:s14], [sflag:$0x5] =	stream.linear.gather [hbm4b:s7+s3], $0x3E80, $0x38;
	[tilespmem:$0x1F000] =	vst v63  }
0x22: {  	_ =	swait.ge [sflag:s13], $0x3E80  }
0x23: {  	[sflag:s13] =	ssyncset.done $0x0  }
0x24: {  	[sflag:s13] =	ssyncadd.s32 $0xFFFFC180  }
0x25: {  	[bflag:$0x0] =	sbarrier.arrive $0xFFFF  }
0x26: {  	[tilespmem:s16], [sflag:$0x1] =	stream.indirect.gather [hbm4b:s4+s15], $0x80, s3, s15, $0xb8;
	[tilespmem:$0x1F000] =	vst v63  }
0x27: {  	_ = 	snop  }
0x28: {  	[tilespmem:s17], [sflag:$0x2] =	stream.indirect.gather [hbm4b:s4+s15], $0x80, s15, s15, $0xb8;
	[tilespmem:$0x1F000] =	vst v63  }
0x29: {  	_ =	swait.ge [sflag:s18], $0x2800  }
0x2a: {  	[sflag:s18] =	ssyncset.done $0x0  }
0x2b: {  	s28 =	simm.s32 $0x2780;
	[sflag:s18] =	ssyncadd.s32 $0xFFFFD800  }
0x2c: {  	[spmem:s2] =	stream.indirect.scatter.add.f32 [tilespmem:s16], [sflag:$0x3], $0x80, s28, s15, $0xb8;
	[tilespmem:$0x1F000] =	vst v63  }
0x2d: {  	_ =	swait.ge [sflag:s19], $0x2800  }
0x2e: {  	[sflag:s19] =	ssyncset.done $0x0  }
0x2f: {  	s28 =	simm.s32 $0x2800;
	[sflag:s19] =	ssyncadd.s32 $0xFFFFD800  }
0x30: {  	[spmem:s2] =	stream.indirect.scatter.add.f32 [tilespmem:s17], [sflag:$0x4], $0x80, s28, s15, $0xb8;
	[tilespmem:$0x1F000] =	vst v63  }
0x31: {  	_ =	swait.ge [sflag:s20], $0x2800  }
0x32: {  	[sflag:s20] =	ssyncset.done $0x0  }
0x33: {  	s28 =	simm.s32 $0xA0;
	[sflag:s20] =	ssyncadd.s32 $0xFFFFD800  }
0x34: {  	[tilespmem:s16], [sflag:$0x1] =	stream.indirect.gather [hbm4b:s4+s15], $0x80, s28, s15, $0xb8;
	[tilespmem:$0x1F000] =	vst v63  }
0x35: {  	_ =	swait.ge [sflag:s21], $0x2800  }
0x36: {  	s29 =	simm.s32 $0x400;
	[sflag:s21] =	ssyncset.done $0x0  }
0x37: {  	s30 =	simm.s32 $0x190;
	s28 =	simm.s32 $0xF0;
	[sflag:s21] =	ssyncadd.s32 $0xFFFFD800  }
.LBB2_2:
0x38: {  	[tilespmem:s17], [sflag:$0x2] =	stream.indirect.gather [hbm4b:s4+s15], $0x80, s28, s15, $0xb8;
	[tilespmem:$0x1F000] =	vst v63  }
0x39: {  	s31 =	smov.u32 s29;
	s28 =	smov.u32 s30  }
0x3a: {  	p1 =	sne.s32 s29, $0xF000;
	s29 =	sadd.s32 $0x400, s29;
	_ =	swait.ge [sflag:s18], $0x2800  }
0x3b: {  	s31 =	sshra.s32 s31, $0x2;
	[sflag:s18] =	ssyncset.done $0x0  }
0x3c: {  	s0 =	sadd.s32 $0x2780, s31;
	[sflag:s18] =	ssyncadd.s32 $0xFFFFD800  }
0x3d: {  	[spmem:s2] =	stream.indirect.scatter.add.f32 [tilespmem:s16], [sflag:$0x3], $0x80, s0, s15, $0xb8;
	[tilespmem:$0x1F000] =	vst v63  }
0x3e: {  	_ =	swait.ge [sflag:s19], $0x2800  }
0x3f: {  	[sflag:s19] =	ssyncset.done $0x0  }
0x40: {  	s0 =	sadd.s32 $0x2800, s31;
	[sflag:s19] =	ssyncadd.s32 $0xFFFFD800  }
0x41: {  	[spmem:s2] =	stream.indirect.scatter.add.f32 [tilespmem:s17], [sflag:$0x4], $0x80, s0, s15, $0xb8;
	[tilespmem:$0x1F000] =	vst v63  }
0x42: {  	_ =	swait.ge [sflag:s20], $0x2800  }
0x43: {  	[sflag:s20] =	ssyncset.done $0x0  }
.Ltmp0:
0x44: {  	s0 =	sadd.s32 $0xFFFFFFB0, s30;
	[sflag:s20] =	ssyncadd.s32 $0xFFFFD800;
	(pc) =	sbr.rel @p1 .LBB2_2-.Ltmp0, $4  }
0x45: {  	[tilespmem:s16], [sflag:$0x1] =	stream.indirect.gather [hbm4b:s4+s15], $0x80, s0, s15, $0xb8;
	[tilespmem:$0x1F000] =	vst v63  }
0x46: {  	_ =	swait.ge [sflag:s21], $0x2800  }
0x47: {  	[sflag:s21] =	ssyncset.done $0x0  }
0x48: {  	s30 =	sadd.s32 $0xA0, s30;
	[sflag:s21] =	ssyncadd.s32 $0xFFFFD800  }
0x49: {  	[tilespmem:s17], [sflag:$0x2] =	stream.indirect.gather [hbm4b:s4+s15], $0x80, s28, s15, $0xb8;
	[tilespmem:$0x1F000] =	vst v63  }
0x4a: {  	_ =	swait.ge [sflag:s18], $0x2800  }
0x4b: {  	[sflag:s18] =	ssyncset.done $0x0  }
0x4c: {  	[sflag:s18] =	ssyncadd.s32 $0xFFFFD800  }
0x4d: {  	[spmem:s2] =	stream.indirect.scatter.add.f32 [tilespmem:s16], [sflag:$0x3], $0x80, s22, s15, $0xb8;
	[tilespmem:$0x1F000] =	vst v63  }
0x4e: {  	_ =	swait.ge [sflag:s19], $0x2800  }
0x4f: {  	[sflag:s19] =	ssyncset.done $0x0  }
0x50: {  	[sflag:s19] =	ssyncadd.s32 $0xFFFFD800  }
0x51: {  	[spmem:s2] =	stream.indirect.scatter.add.f32 [tilespmem:s17], [sflag:$0x4], $0x80, s23, s15, $0xb8;
	[tilespmem:$0x1F000] =	vst v63  }
0x52: {  	_ =	swait.ge [sflag:s20], $0x2800  }
0x53: {  	[sflag:s20] =	ssyncset.done $0x0  }
0x54: {  	[sflag:s20] =	ssyncadd.s32 $0xFFFFD800  }
0x55: {  	[tilespmem:s16], [sflag:$0x1] =	stream.indirect.gather [hbm4b:s4+s15], $0x80, s24, s15, $0xb8;
	[tilespmem:$0x1F000] =	vst v63  }
0x56: {  	_ =	swait.ge [sflag:s21], $0x2800  }
0x57: {  	[sflag:s21] =	ssyncset.done $0x0  }
0x58: {  	[sflag:s21] =	ssyncadd.s32 $0xFFFFD800  }
0x59: {  	_ =	swait.ge [sflag:s18], $0x2800  }
0x5a: {  	[sflag:s18] =	ssyncset.done $0x0  }
0x5b: {  	[sflag:s18] =	ssyncadd.s32 $0xFFFFD800  }
0x5c: {  	[spmem:s2] =	stream.indirect.scatter.add.f32 [tilespmem:s16], [sflag:$0x3], $0x80, s25, s15, $0xb8;
	[tilespmem:$0x1F000] =	vst v63  }
0x5d: {  	_ =	swait.ge [sflag:s20], $0x2800  }
0x5e: {  	[sflag:s20] =	ssyncset.done $0x0  }
0x5f: {  	[sflag:s20] =	ssyncadd.s32 $0xFFFFD800  }
0x60: {  	s0 =	simm.s32 @p0 $0x1FC5;
	[bflag:$0x0] =	sbarrier.arrive $0xFFFF  }
0x61: {  	[hbm:s8], [sflag:s0] =	dma.local @p0 [spmem:s10], $0x2080  }
0x62: {  	s0 =	simm.s32 @p0 $0x5  }
0x63: {  	s26 =	sadd.s32 $0x1, s26;
	_ =	swait.ge @p0 [sflag:s0], $0x2080  }
0x64: {  	p1 =	sne.s32 s26, s9;
	[sflag:s0] =	ssyncset.done @p0 $0x0  }
.Ltmp1:
0x65: {  	[sflag:s0] =	ssyncadd.s32 @p0 $0xFFFFDF80;
	s0 =	simm.s32 @!p0 $0x5;
	(pc) =	sbr.rel @p1 .LBB2_1-.Ltmp1, $4  }
0x66: {  	[hbm:s8], [sflag:s11] =	dma.local @!p0 [spmem:s12], $0x2780  }
0x67: {  	_ =	swait.ge @!p0 [sflag:s0], $0x2780  }
0x68: {  	[sflag:s0] =	ssyncset.done @!p0 $0x0  }
0x69: {  	[sflag:s0] =	ssyncadd.s32 @!p0 $0xFFFFD880  }
0x6a: {  	_ =	sfence.sel $0x180000  }
0x6b: {  	[bflag:$0x0] =	sbarrier.arrive $0xFFFF  }
0x6c: {  	_ =	strace $0x90000050  }
0x6d: {  	[bflag:$0x2] =	sbarrier.arrive $0xFFFF  }
0x6e: {  	p0 =	sne.s32 s1, $0x0;
	s0 =	rddreg [dreg:$0x2]  }
0x6f: {  	s0 =	sadd.s32 @!p0 $0x100000, s0  }
0x70: {  	[sflag:s0] =	ssyncadd.tile.s32 @!p0 $0x1;
	_ =	shalt  }
.Lfunc_end2:
_tile_overlayer_lowered:
.L_overlay_start_2:
0x71: {  	(tag) =	ssettag $0x2  }
0x72: {  	s0 =	rddreg [dreg:$0x0];
	s2 =	stileid.u32  }
0x73: {  	s1 =	rddreg [dreg:$0x1];
	p0 =	sne.s32 s2, $0x0  }
0x74: {  	s3 =	rddreg [dreg:$0x2];
	[bflag:$0x3] =	sbarrier.arrive $0xFFFF;
	s2 =	simm.s32 @!p0 $0x1C05  }
0x75: {  	[timem:s3], [sflag:s2] =	dma.local @!p0 [hbm:s0], s1  }
0x76: {  	s0 =	simm.s32 @!p0 $0x5  }
0x77: {  	_ =	swait.ge @!p0 [sflag:s0], s1  }
0x78: {  	s1 =	ssub.s32 @!p0 $0x0, s1;
	[sflag:s0] =	ssyncset.done @!p0 $0x0  }
0x79: {  	[sflag:s0] =	ssyncadd.s32 @!p0 s1  }
0x7a: {  	[bflag:$0x3] =	sbarrier.arrive $0xFFFF  }
0x7b: {  	_ =	shalt  }

</sc_bundles>
